<compile_context>
chip_gen: v7x
topology: tpu7x:2x2x1
jax: 0.10.2.dev20260603
libtpu: 0.0.44.dev20260713+nightly
codegen_flags: <defaults>
</compile_context>

<pallas_src>
import functools

import jax
import jax.numpy as jnp
from jax import lax
from jax.experimental import pallas as pl
from jax.experimental.pallas import tpu as pltpu
from jax.experimental.pallas import tpu_sc as plsc

B, M, S, V, D, C = 1024, 50, 20, 100000, 64, 1000
HOPS = 3
NC, NS = 2, 16
NW = NC * NS

G_PERM = tuple(32 * ((p // 16) // 2) + 2 * (p % 16) + ((p // 16) % 2)
               for p in range(D))
FULL_PERM = tuple(G_PERM[p % D] + D * (p // D) for p in range(2 * D))

ST_RPW, ST_OB, ST_G = 1600, 100, 4
QC_OB, QC_G = 32, 4
MP = 56
ST_OBP = (ST_OB // M) * MP


def _sc_segsum(qA, qW, st, stm, qu, qum, cd, cdm, inv_vec):
  mesh = plsc.VectorSubcoreMesh(core_axis_name="c", subcore_axis_name="s")

  @functools.partial(
      pl.kernel,
      mesh=mesh,
      out_type=(
          jax.ShapeDtypeStruct((B * MP, 2 * D), jnp.float32),
          jax.ShapeDtypeStruct((B, 2 * D), jnp.float32),
          jax.ShapeDtypeStruct((C, 2 * D), jnp.float32),
      ),
      scratch_types=[
          pltpu.VMEM((2, 2 * ST_OB * S), jnp.int32),
          pltpu.VMEM((ST_G * S, D), jnp.int16),
          pltpu.VMEM((ST_G * S, D), jnp.int16),
          pltpu.VMEM((ST_G * S, D), jnp.int16),
          pltpu.VMEM((ST_G * S, D), jnp.int16),
          pltpu.VMEM((ST_G * S, D), jnp.int16),
          pltpu.VMEM((ST_OBP, 2 * D), jnp.float32),
          pltpu.VMEM((16,), jnp.float32),
          pltpu.SemaphoreType.DMA,
          pltpu.SemaphoreType.DMA,
          pltpu.SemaphoreType.DMA,
          pltpu.SemaphoreType.DMA,
          pltpu.SemaphoreType.DMA,
          pltpu.SemaphoreType.DMA,
      ],
      compiler_params=pltpu.CompilerParams(use_tc_tiling_on_sc=False,
                                           needs_layout_passes=False),
  )
  def k(qA_h, qW_h, st_h, stm_h, qu_h, qum_h, cd_h, cdm_h, inv_h,
        ess_h, u0_h, cand_h, idx_v, r0_v, r1_v, r2_v, r3_v, r4_v, out_v,
        scale_v, sem0, sem1, sem2, sem3, sem4, sem_idx):
    wid = lax.axis_index("s") * NC + lax.axis_index("c")
    pltpu.sync_copy(inv_h, scale_v)
    sv = scale_v[...]
    bufs = (r0_v, r1_v, r2_v, r3_v, r4_v)
    sems = (sem0, sem1, sem2, sem3, sem4)

    def make_phase(tbl_h, main_h, mask_h, out_h, ob, g, nbuf,
                   obp=None, row_map=None):
      obp = ob if obp is None else obp
      row_map = (lambda lr: lr) if row_map is None else row_map
      cw = g * S
      nch_half = ob // g
      nch = 2 * nch_half

      def stage_idx(row0, slot):
        pltpu.async_copy(main_h.at[pl.ds(row0 * S, ob * S)],
                         idx_v.at[slot, pl.ds(0, ob * S)], sem_idx)
        pltpu.async_copy(mask_h.at[pl.ds(row0 * S, ob * S)],
                         idx_v.at[slot, pl.ds(ob * S, ob * S)], sem_idx)

      def wait_idx():
        for half in range(2):
          pltpu.make_async_copy(
              main_h.at[pl.ds(0, ob * S)],
              idx_v.at[0, pl.ds(half * ob * S, ob * S)], sem_idx).wait()

      def fire(c, slot, buf, sem):
        pltpu.async_copy(tbl_h.at[idx_v.at[slot, pl.ds(c * cw, cw)]],
                         buf.at[pl.ds(0, cw)], sem)

      def drain(buf, sem):
        pltpu.make_async_copy(tbl_h.at[idx_v.at[0, pl.ds(0, cw)]],
                              buf.at[pl.ds(0, cw)], sem).wait()

      def reduce_chunk(c, buf):
        half = c // nch_half
        rbase = g * (c % nch_half)
        base_col = D * half

        def seg_body(s, carry):
          def quad(t4, accs):
            new = list(accs)
            for dt in range(4):
              for h in range(2):
                v = buf[s * S + 4 * t4 + dt, pl.ds(32 * h, 32)]
                e, o = plsc.unpack(v, format=plsc.PackFormat.INTERLEAVED,
                                   preferred_element_type=jnp.int32)
                new[2 * h] = new[2 * h] + e
                new[2 * h + 1] = new[2 * h + 1] + o
            return tuple(new)

          z = jnp.zeros((16,), jnp.int32)
          accs = lax.fori_loop(0, S // 4, quad, (z, z, z, z))
          pr = row_map(rbase + s)
          for j in range(D // 16):
            out_v[pr, pl.ds(base_col + 16 * j, 16)] = (
                accs[j].astype(jnp.float32) * sv)
          return carry

        lax.fori_loop(0, g, seg_body, 0)

      def run_block(row0, prow0, slot):
        for b in range(nbuf - 1):
          fire(b, slot, bufs[b], sems[b])

        def group_body(p, inner):
          c0 = nbuf * p
          for b in range(nbuf):
            c = c0 + b
            drain(bufs[b], sems[b])
            reduce_chunk(c, bufs[b])
            nxt = c + nbuf - 1
            bn = (b + nbuf - 1) % nbuf

            @pl.when(nxt < nch)
            def _():
              fire(nxt, slot, bufs[bn], sems[bn])

          return inner

        lax.fori_loop(0, nch // nbuf, group_body, 0)
        pltpu.sync_copy(out_v.at[pl.ds(0, obp)], out_h.at[pl.ds(prow0, obp)])

      return stage_idx, wait_idx, run_block

    zf = jnp.zeros((16,), jnp.float32)
    for bgrp in range(ST_OB // M):
      for prow in range(bgrp * MP + M, (bgrp + 1) * MP):
        for j in range(2 * D // 16):
          out_v[prow, pl.ds(16 * j, 16)] = zf

    st_stage, st_wait, st_block = make_phase(
        qA_h, st_h, stm_h, ess_h, ST_OB, ST_G, 5, obp=ST_OBP,
        row_map=lambda lr: (lr // M) * MP + lax.rem(lr, M))
    st_base = wid * ST_RPW
    st_nb = ST_RPW // ST_OB
    st_stage(st_base, 0)
    st_wait()

    def st_body(ob, carry):
      slot = lax.rem(ob, 2)

      @pl.when(ob + 1 < st_nb)
      def _():
        st_stage(st_base + (ob + 1) * ST_OB, 1 - slot)

      row0 = st_base + ob * ST_OB
      st_block(row0, (row0 // M) * MP, slot)

      @pl.when(ob + 1 < st_nb)
      def _():
        st_wait()

      return carry

    lax.fori_loop(0, st_nb, st_body, 0)

    qu_stage, qu_wait, qu_block = make_phase(qA_h, qu_h, qum_h, u0_h,
                                             QC_OB, QC_G, 4)
    qu_stage(wid * QC_OB, 0)
    qu_wait()
    qu_block(wid * QC_OB, wid * QC_OB, 0)

    cd_base = jnp.minimum(wid * QC_OB, C - QC_OB)
    cd_stage, cd_wait, cd_block = make_phase(qW_h, cd_h, cdm_h, cand_h,
                                             QC_OB, QC_G, 4)
    cd_stage(cd_base, 0)
    cd_wait()
    cd_block(cd_base, cd_base, 0)

  return k(qA, qW, st, stm, qu, qum, cd, cdm, inv_vec)


BB = 256


def _tc_forward(ess, u0, cand, hw, hb):
  def body(ess_ref, u0_ref, cand_ref, hw_ref, hb_ref, out_ref):
    u = u0_ref[...]
    ess_b = ess_ref[...]
    hw_v = hw_ref[...]
    hb_v = hb_ref[...]
    pad = lax.broadcasted_iota(jnp.int32, (BB, MP), 1) >= M
    for _ in range(HOPS):
      att = jnp.sum(ess_b * u[:, None, :], axis=2)
      att = jnp.where(pad, jnp.float32(-1e30), att)
      att = att - jnp.max(att, axis=1, keepdims=True)
      att = jnp.exp(att)
      att = att / jnp.sum(att, axis=1, keepdims=True)
      attn = jnp.sum(att[:, :, None] * ess_b, axis=1)
      u = (lax.dot_general(u, hw_v, (((1,), (1,)), ((), ())),
                           preferred_element_type=jnp.float32)
           + hb_v + attn)
    out_ref[...] = lax.dot_general(u, cand_ref[...], (((1,), (1,)), ((), ())),
                                   preferred_element_type=jnp.float32)

  return pl.pallas_call(
      body,
      grid=(B // BB,),
      in_specs=[
          pl.BlockSpec((BB, MP, 2 * D), lambda i: (i, 0, 0)),
          pl.BlockSpec((BB, 2 * D), lambda i: (i, 0)),
          pl.BlockSpec((C, 2 * D), lambda i: (0, 0)),
          pl.BlockSpec((2 * D, 2 * D), lambda i: (0, 0)),
          pl.BlockSpec((1, 2 * D), lambda i: (0, 0)),
      ],
      out_specs=pl.BlockSpec((BB, C), lambda i: (i, 0)),
      out_shape=jax.ShapeDtypeStruct((B, C), jnp.float32),
  )(ess, u0, cand, hw, hb)


def kernel(stories, query, stories_mask, query_mask, candidates,
           candidates_mask, A, W, H_w, H_b):
  i32 = jnp.int32
  amax = jnp.maximum(jnp.max(jnp.abs(A)), jnp.max(jnp.abs(W)))
  amax = jnp.maximum(amax, jnp.float32(1e-30))
  scale = jnp.float32(32767.0) / amax
  qA = jnp.round(A * scale).astype(jnp.int16)
  qW = jnp.round(W * scale).astype(jnp.int16)
  inv_vec = jnp.full((16,), amax / jnp.float32(32767.0), dtype=jnp.float32)

  ess, u0, cand = _sc_segsum(
      qA, qW,
      stories.reshape(-1).astype(i32), stories_mask.reshape(-1).astype(i32),
      query.reshape(-1).astype(i32), query_mask.reshape(-1).astype(i32),
      candidates.reshape(-1).astype(i32),
      candidates_mask.reshape(-1).astype(i32),
      inv_vec)

  fp = jnp.asarray(FULL_PERM, dtype=i32)
  hw_p = H_w[fp][:, fp]
  hb_p = H_b[fp].reshape(1, 2 * D)
  return _tc_forward(ess.reshape(B, MP, 2 * D), u0, cand, hw_p, hb_p)

# --- scband reference (transcript-rebuilt; emitter-appended) ---
"""Pipeline reference for scband-mem-n2-ndialog-24275155157603 (READ-ONLY COPY).

The authoritative reference and input builder live on the scoring server;
editing this copy changes nothing except your own understanding.
"""

import jax, jax.numpy as jnp
import numpy as np

B, M, S, V, D, C, HOPS = 1024, 50, 20, 100000, 64, 1000, 3

def setup_inputs(seed: int = 0):
    key = jax.random.key(seed)
    ks = jax.random.split(key, 10)
    stories = jax.random.randint(ks[0], (B, M, S), 0, V)
    query = jax.random.randint(ks[1], (B, S), 0, V)
    stories_mask = jax.random.randint(ks[2], (B, M, S), 0, V)
    query_mask = jax.random.randint(ks[3], (B, S), 0, V)
    candidates = jax.random.randint(ks[4], (C, S), 0, V)
    candidates_mask = jax.random.randint(ks[5], (C, S), 0, V)
    A = jax.random.normal(ks[6], (V, D), dtype=jnp.float32) * 0.1
    A = A.at[0].set(0.0)
    W = jax.random.normal(ks[7], (V, D), dtype=jnp.float32) * 0.1
    W = W.at[0].set(0.0)
    H_w = jax.random.normal(ks[8], (2 * D, 2 * D), dtype=jnp.float32) * 0.1
    H_b = jnp.zeros((2 * D,), dtype=jnp.float32)
    return {"stories": stories, "query": query, "stories_mask": stories_mask, "query_mask": query_mask, "candidates": candidates, "candidates_mask": candidates_mask, "A": A, "W": W, "H_w": H_w, "H_b": H_b}

def reference(stories, query, stories_mask, query_mask, candidates, candidates_mask, A, W, H_w, H_b):
    # query embedding (table A) with mask channel concatenated
    query_emb = jnp.concatenate([jnp.take(A, query, axis=0), jnp.take(A, query_mask, axis=0)], axis=2)  # [B,S,2D]
    u = jnp.sum(query_emb, axis=1)  # [B,2D]
    for _ in range(HOPS):
        embed_stories = jnp.concatenate([jnp.take(A, stories, axis=0), jnp.take(A, stories_mask, axis=0)], axis=3)  # [B,M,S,2D]
        embed_stories_sum = jnp.sum(embed_stories, axis=2)  # [B,M,2D]
        attention = jnp.sum(embed_stories_sum * u[:, None, :], axis=2)  # [B,M]
        attention = jax.nn.softmax(attention, axis=1)  # legacy nn.Softmax() -> dim=1 on 2D input
        attn_stories = jnp.sum(attention[:, :, None] * embed_stories_sum, axis=1)  # [B,2D]
        u = u @ H_w.T + H_b + attn_stories
    cand_emb = jnp.concatenate([jnp.take(W, candidates, axis=0), jnp.take(W, candidates_mask, axis=0)], axis=2)  # [C,S,2D]
    cand_emb_sum = jnp.sum(cand_emb, axis=1)  # [C,2D]
    output = u @ cand_emb_sum.T  # [B,C]
    return output

if __name__ == "__main__":
    import jax
    _d = setup_inputs()
    print(jax.jit(kernel)(*tuple(_d.values())))

</pallas_src>

<mosaic_0001>
#map = affine_map<(d0, d1) -> (0, 0)>
#map1 = affine_map<(d0, d1) -> (0)>
module attributes {stable_mosaic.version = 14 : i64} {
  func.func @k(%arg0: i32, %arg1: i32, %arg2: memref<100000x64xi16, #tpu.memory_space<hbm>>, %arg3: memref<100000x64xi16, #tpu.memory_space<hbm>>, %arg4: memref<1024000xi32, #tpu.memory_space<hbm>>, %arg5: memref<1024000xi32, #tpu.memory_space<hbm>>, %arg6: memref<20480xi32, #tpu.memory_space<hbm>>, %arg7: memref<20480xi32, #tpu.memory_space<hbm>>, %arg8: memref<20000xi32, #tpu.memory_space<hbm>>, %arg9: memref<20000xi32, #tpu.memory_space<hbm>>, %arg10: memref<16xf32, #tpu.memory_space<hbm>>, %arg11: memref<57344x128xf32, #tpu.memory_space<hbm>>, %arg12: memref<1024x128xf32, #tpu.memory_space<hbm>>, %arg13: memref<1000x128xf32, #tpu.memory_space<hbm>>, %arg14: memref<2x4000xi32, #tpu.memory_space<vmem>>, %arg15: memref<80x64xi16, #tpu.memory_space<vmem>>, %arg16: memref<80x64xi16, #tpu.memory_space<vmem>>, %arg17: memref<80x64xi16, #tpu.memory_space<vmem>>, %arg18: memref<80x64xi16, #tpu.memory_space<vmem>>, %arg19: memref<80x64xi16, #tpu.memory_space<vmem>>, %arg20: memref<112x128xf32, #tpu.memory_space<vmem>>, %arg21: memref<16xf32, #tpu.memory_space<vmem>>, %arg22: memref<!tpu.dma_semaphore, #tpu.memory_space<semaphore_mem>>, %arg23: memref<!tpu.dma_semaphore, #tpu.memory_space<semaphore_mem>>, %arg24: memref<!tpu.dma_semaphore, #tpu.memory_space<semaphore_mem>>, %arg25: memref<!tpu.dma_semaphore, #tpu.memory_space<semaphore_mem>>, %arg26: memref<!tpu.dma_semaphore, #tpu.memory_space<semaphore_mem>>, %arg27: memref<!tpu.dma_semaphore, #tpu.memory_space<semaphore_mem>>) attributes {dimension_semantics = [#tpu.dimension_semantics<core_parallel>, #tpu.dimension_semantics<subcore_parallel>], iteration_bounds = array<i64: 2, 16>, scalar_prefetch = 0 : i64, scratch_operands = 14 : i64, tpu.core_type = #tpu.core_type<sc_vector_subcore>, window_params = [{transform_indices = #map}, {transform_indices = #map}, {transform_indices = #map1}, {transform_indices = #map1}, {transform_indices = #map1}, {transform_indices = #map1}, {transform_indices = #map1}, {transform_indices = #map1}, {transform_indices = #map1}, {transform_indices = #map}, {transform_indices = #map}, {transform_indices = #map}]} {
    %mul3A = arith.constant 2 : i32
    %mul3A_0 = arith.muli %arg1, %mul3A : i32
    %add3A = arith.addi %mul3A_0, %arg0 : i32
    "tpu.region"() ({
      %run_scoped3A = tpu.sem_alloc : memref<!tpu.dma_semaphore, #tpu.memory_space<semaphore_mem>>
      tpu.enqueue_dma source(%arg10 : memref<16xf32, #tpu.memory_space<hbm>>) target(%arg21 : memref<16xf32, #tpu.memory_space<vmem>>) target_semaphore(%run_scoped3A : memref<!tpu.dma_semaphore, #tpu.memory_space<semaphore_mem>>)
      tpu.wait_dma2 semaphore(%run_scoped3A : memref<!tpu.dma_semaphore, #tpu.memory_space<semaphore_mem>>) src(%arg10 : memref<16xf32, #tpu.memory_space<hbm>>) dst(%arg21 : memref<16xf32, #tpu.memory_space<vmem>>)
      tpu.yield
    }) : () -> ()
    %get3A = arith.constant 0 : index
    %get3A_1 = tpu.vector_load %arg21[%get3A] {strides = array<i32>} : memref<16xf32, #tpu.memory_space<vmem>>, vector<16xf32>,
    %broadcast_in_dim3A = arith.constant 0.000000e+00 : f32
    %broadcast_in_dim3A_2 = vector.broadcast %broadcast_in_dim3A : f32 to vector<16xf32>
    %swap3A = arith.constant 50 : i32
    %swap3A_3 = arith.index_cast %swap3A : i32 to index
    %swap3A_4 = arith.constant 0 : index
    %swap3A_5 = tpu.vector_load %arg20[%swap3A_3, %swap3A_4] {strides = array<i32>} : memref<112x128xf32, #tpu.memory_space<vmem>>, vector<16xf32>,
    tpu.vector_store %arg20[%swap3A_3, %swap3A_4], %broadcast_in_dim3A_2 {strides = array<i32>} : memref<112x128xf32, #tpu.memory_space<vmem>>, vector<16xf32>,
    %swap3A_6 = arith.constant 50 : i32
    %swap3A_7 = arith.index_cast %swap3A_6 : i32 to index
    %swap3A_8 = arith.constant 16 : index
    %swap3A_9 = tpu.vector_load %arg20[%swap3A_7, %swap3A_8] {strides = array<i32>} : memref<112x128xf32, #tpu.memory_space<vmem>>, vector<16xf32>,
    tpu.vector_store %arg20[%swap3A_7, %swap3A_8], %broadcast_in_dim3A_2 {strides = array<i32>} : memref<112x128xf32, #tpu.memory_space<vmem>>, vector<16xf32>,
    %swap3A_10 = arith.constant 50 : i32
    %swap3A_11 = arith.index_cast %swap3A_10 : i32 to index
    %swap3A_12 = arith.constant 32 : index
    %swap3A_13 = tpu.vector_load %arg20[%swap3A_11, %swap3A_12] {strides = array<i32>} : memref<112x128xf32, #tpu.memory_space<vmem>>, vector<16xf32>,
    tpu.vector_store %arg20[%swap3A_11, %swap3A_12], %broadcast_in_dim3A_2 {strides = array<i32>} : memref<112x128xf32, #tpu.memory_space<vmem>>, vector<16xf32>,
    %swap3A_14 = arith.constant 50 : i32
    %swap3A_15 = arith.index_cast %swap3A_14 : i32 to index
    %swap3A_16 = arith.constant 48 : index
    %swap3A_17 = tpu.vector_load %arg20[%swap3A_15, %swap3A_16] {strides = array<i32>} : memref<112x128xf32, #tpu.memory_space<vmem>>, vector<16xf32>,
    tpu.vector_store %arg20[%swap3A_15, %swap3A_16], %broadcast_in_dim3A_2 {strides = array<i32>} : memref<112x128xf32, #tpu.memory_space<vmem>>, vector<16xf32>,
    %swap3A_18 = arith.constant 50 : i32
    %swap3A_19 = arith.index_cast %swap3A_18 : i32 to index
    %swap3A_20 = arith.constant 64 : index
    %swap3A_21 = tpu.vector_load %arg20[%swap3A_19, %swap3A_20] {strides = array<i32>} : memref<112x128xf32, #tpu.memory_space<vmem>>, vector<16xf32>,
    tpu.vector_store %arg20[%swap3A_19, %swap3A_20], %broadcast_in_dim3A_2 {strides = array<i32>} : memref<112x128xf32, #tpu.memory_space<vmem>>, vector<16xf32>,
    %swap3A_22 = arith.constant 50 : i32
    %swap3A_23 = arith.index_cast %swap3A_22 : i32 to index
    %swap3A_24 = arith.constant 80 : index
    %swap3A_25 = tpu.vector_load %arg20[%swap3A_23, %swap3A_24] {strides = array<i32>} : memref<112x128xf32, #tpu.memory_space<vmem>>, vector<16xf32>,
    tpu.vector_store %arg20[%swap3A_23, %swap3A_24], %broadcast_in_dim3A_2 {strides = array<i32>} : memref<112x128xf32, #tpu.memory_space<vmem>>, vector<16xf32>,
    %swap3A_26 = arith.constant 50 : i32
    %swap3A_27 = arith.index_cast %swap3A_26 : i32 to index
    %swap3A_28 = arith.constant 96 : index
    %swap3A_29 = tpu.vector_load %arg20[%swap3A_27, %swap3A_28] {strides = array<i32>} : memref<112x128xf32, #tpu.memory_space<vmem>>, vector<16xf32>,
    tpu.vector_store %arg20[%swap3A_27, %swap3A_28], %broadcast_in_dim3A_2 {strides = array<i32>} : memref<112x128xf32, #tpu.memory_space<vmem>>, vector<16xf32>,
    %swap3A_30 = arith.constant 50 : i32
    %swap3A_31 = arith.index_cast %swap3A_30 : i32 to index
    %swap3A_32 = arith.constant 112 : index
    %swap3A_33 = tpu.vector_load %arg20[%swap3A_31, %swap3A_32] {strides = array<i32>} : memref<112x128xf32, #tpu.memory_space<vmem>>, vector<16xf32>,
    tpu.vector_store %arg20[%swap3A_31, %swap3A_32], %broadcast_in_dim3A_2 {strides = array<i32>} : memref<112x128xf32, #tpu.memory_space<vmem>>, vector<16xf32>,
    %swap3A_34 = arith.constant 51 : i32
    %swap3A_35 = arith.index_cast %swap3A_34 : i32 to index
    %swap3A_36 = arith.constant 0 : index
    %swap3A_37 = tpu.vector_load %arg20[%swap3A_35, %swap3A_36] {strides = array<i32>} : memref<112x128xf32, #tpu.memory_space<vmem>>, vector<16xf32>,
    tpu.vector_store %arg20[%swap3A_35, %swap3A_36], %broadcast_in_dim3A_2 {strides = array<i32>} : memref<112x128xf32, #tpu.memory_space<vmem>>, vector<16xf32>,
    %swap3A_38 = arith.constant 51 : i32
    %swap3A_39 = arith.index_cast %swap3A_38 : i32 to index
    %swap3A_40 = arith.constant 16 : index
    %swap3A_41 = tpu.vector_load %arg20[%swap3A_39, %swap3A_40] {strides = array<i32>} : memref<112x128xf32, #tpu.memory_space<vmem>>, vector<16xf32>,
    tpu.vector_store %arg20[%swap3A_39, %swap3A_40], %broadcast_in_dim3A_2 {strides = array<i32>} : memref<112x128xf32, #tpu.memory_space<vmem>>, vector<16xf32>,
    %swap3A_42 = arith.constant 51 : i32
    %swap3A_43 = arith.index_cast %swap3A_42 : i32 to index
    %swap3A_44 = arith.constant 32 : index
    %swap3A_45 = tpu.vector_load %arg20[%swap3A_43, %swap3A_44] {strides = array<i32>} : memref<112x128xf32, #tpu.memory_space<vmem>>, vector<16xf32>,
    tpu.vector_store %arg20[%swap3A_43, %swap3A_44], %broadcast_in_dim3A_2 {strides = array<i32>} : memref<112x128xf32, #tpu.memory_space<vmem>>, vector<16xf32>,
    %swap3A_46 = arith.constant 51 : i32
    %swap3A_47 = arith.index_cast %swap3A_46 : i32 to index
    %swap3A_48 = arith.constant 48 : index
    %swap3A_49 = tpu.vector_load %arg20[%swap3A_47, %swap3A_48] {strides = array<i32>} : memref<112x128xf32, #tpu.memory_space<vmem>>, vector<16xf32>,
    tpu.vector_store %arg20[%swap3A_47, %swap3A_48], %broadcast_in_dim3A_2 {strides = array<i32>} : memref<112x128xf32, #tpu.memory_space<vmem>>, vector<16xf32>,
    %swap3A_50 = arith.constant 51 : i32
    %swap3A_51 = arith.index_cast %swap3A_50 : i32 to index
    %swap3A_52 = arith.constant 64 : index
    %swap3A_53 = tpu.vector_load %arg20[%swap3A_51, %swap3A_52] {strides = array<i32>} : memref<112x128xf32, #tpu.memory_space<vmem>>, vector<16xf32>,
    tpu.vector_store %arg20[%swap3A_51, %swap3A_52], %broadcast_in_dim3A_2 {strides = array<i32>} : memref<112x128xf32, #tpu.memory_space<vmem>>, vector<16xf32>,
    %swap3A_54 = arith.constant 51 : i32
    %swap3A_55 = arith.index_cast %swap3A_54 : i32 to index
    %swap3A_56 = arith.constant 80 : index
    %swap3A_57 = tpu.vector_load %arg20[%swap3A_55, %swap3A_56] {strides = array<i32>} : memref<112x128xf32, #tpu.memory_space<vmem>>, vector<16xf32>,
    tpu.vector_store %arg20[%swap3A_55, %swap3A_56], %broadcast_in_dim3A_2 {strides = array<i32>} : memref<112x128xf32, #tpu.memory_space<vmem>>, vector<16xf32>,
    %swap3A_58 = arith.constant 51 : i32
    %swap3A_59 = arith.index_cast %swap3A_58 : i32 to index
    %swap3A_60 = arith.constant 96 : index
    %swap3A_61 = tpu.vector_load %arg20[%swap3A_59, %swap3A_60] {strides = array<i32>} : memref<112x128xf32, #tpu.memory_space<vmem>>, vector<16xf32>,
    tpu.vector_store %arg20[%swap3A_59, %swap3A_60], %broadcast_in_dim3A_2 {strides = array<i32>} : memref<112x128xf32, #tpu.memory_space<vmem>>, vector<16xf32>,
    %swap3A_62 = arith.constant 51 : i32
    %swap3A_63 = arith.index_cast %swap3A_62 : i32 to index
    %swap3A_64 = arith.constant 112 : index
    %swap3A_65 = tpu.vector_load %arg20[%swap3A_63, %swap3A_64] {strides = array<i32>} : memref<112x128xf32, #tpu.memory_space<vmem>>, vector<16xf32>,
    tpu.vector_store %arg20[%swap3A_63, %swap3A_64], %broadcast_in_dim3A_2 {strides = array<i32>} : memref<112x128xf32, #tpu.memory_space<vmem>>, vector<16xf32>,
    %swap3A_66 = arith.constant 52 : i32
    %swap3A_67 = arith.index_cast %swap3A_66 : i32 to index
    %swap3A_68 = arith.constant 0 : index
    %swap3A_69 = tpu.vector_load %arg20[%swap3A_67, %swap3A_68] {strides = array<i32>} : memref<112x128xf32, #tpu.memory_space<vmem>>, vector<16xf32>,
    tpu.vector_store %arg20[%swap3A_67, %swap3A_68], %broadcast_in_dim3A_2 {strides = array<i32>} : memref<112x128xf32, #tpu.memory_space<vmem>>, vector<16xf32>,
    %swap3A_70 = arith.constant 52 : i32
    %swap3A_71 = arith.index_cast %swap3A_70 : i32 to index
    %swap3A_72 = arith.constant 16 : index
    %swap3A_73 = tpu.vector_load %arg20[%swap3A_71, %swap3A_72] {strides = array<i32>} : memref<112x128xf32, #tpu.memory_space<vmem>>, vector<16xf32>,
    tpu.vector_store %arg20[%swap3A_71, %swap3A_72], %broadcast_in_dim3A_2 {strides = array<i32>} : memref<112x128xf32, #tpu.memory_space<vmem>>, vector<16xf32>,
    %swap3A_74 = arith.constant 52 : i32
    %swap3A_75 = arith.index_cast %swap3A_74 : i32 to index
    %swap3A_76 = arith.constant 32 : index
    %swap3A_77 = tpu.vector_load %arg20[%swap3A_75, %swap3A_76] {strides = array<i32>} : memref<112x128xf32, #tpu.memory_space<vmem>>, vector<16xf32>,
    tpu.vector_store %arg20[%swap3A_75, %swap3A_76], %broadcast_in_dim3A_2 {strides = array<i32>} : memref<112x128xf32, #tpu.memory_space<vmem>>, vector<16xf32>,
    %swap3A_78 = arith.constant 52 : i32
    %swap3A_79 = arith.index_cast %swap3A_78 : i32 to index
    %swap3A_80 = arith.constant 48 : index
    %swap3A_81 = tpu.vector_load %arg20[%swap3A_79, %swap3A_80] {strides = array<i32>} : memref<112x128xf32, #tpu.memory_space<vmem>>, vector<16xf32>,
    tpu.vector_store %arg20[%swap3A_79, %swap3A_80], %broadcast_in_dim3A_2 {strides = array<i32>} : memref<112x128xf32, #tpu.memory_space<vmem>>, vector<16xf32>,
    %swap3A_82 = arith.constant 52 : i32
    %swap3A_83 = arith.index_cast %swap3A_82 : i32 to index
    %swap3A_84 = arith.constant 64 : index
    %swap3A_85 = tpu.vector_load %arg20[%swap3A_83, %swap3A_84] {strides = array<i32>} : memref<112x128xf32, #tpu.memory_space<vmem>>, vector<16xf32>,
    tpu.vector_store %arg20[%swap3A_83, %swap3A_84], %broadcast_in_dim3A_2 {strides = array<i32>} : memref<112x128xf32, #tpu.memory_space<vmem>>, vector<16xf32>,
    %swap3A_86 = arith.constant 52 : i32
    %swap3A_87 = arith.index_cast %swap3A_86 : i32 to index
    %swap3A_88 = arith.constant 80 : index
    %swap3A_89 = tpu.vector_load %arg20[%swap3A_87, %swap3A_88] {strides = array<i32>} : memref<112x128xf32, #tpu.memory_space<vmem>>, vector<16xf32>,
    tpu.vector_store %arg20[%swap3A_87, %swap3A_88], %broadcast_in_dim3A_2 {strides = array<i32>} : memref<112x128xf32, #tpu.memory_space<vmem>>, vector<16xf32>,
    %swap3A_90 = arith.constant 52 : i32
    %swap3A_91 = arith.index_cast %swap3A_90 : i32 to index
    %swap3A_92 = arith.constant 96 : index
    %swap3A_93 = tpu.vector_load %arg20[%swap3A_91, %swap3A_92] {strides = array<i32>} : memref<112x128xf32, #tpu.memory_space<vmem>>, vector<16xf32>,
    tpu.vector_store %arg20[%swap3A_91, %swap3A_92], %broadcast_in_dim3A_2 {strides = array<i32>} : memref<112x128xf32, #tpu.memory_space<vmem>>, vector<16xf32>,
    %swap3A_94 = arith.constant 52 : i32
    %swap3A_95 = arith.index_cast %swap3A_94 : i32 to index
    %swap3A_96 = arith.constant 112 : index
    %swap3A_97 = tpu.vector_load %arg20[%swap3A_95, %swap3A_96] {strides = array<i32>} : memref<112x128xf32, #tpu.memory_space<vmem>>, vector<16xf32>,
    tpu.vector_store %arg20[%swap3A_95, %swap3A_96], %broadcast_in_dim3A_2 {strides = array<i32>} : memref<112x128xf32, #tpu.memory_space<vmem>>, vector<16xf32>,
    %swap3A_98 = arith.constant 53 : i32
    %swap3A_99 = arith.index_cast %swap3A_98 : i32 to index
    %swap3A_100 = arith.constant 0 : index
    %swap3A_101 = tpu.vector_load %arg20[%swap3A_99, %swap3A_100] {strides = array<i32>} : memref<112x128xf32, #tpu.memory_space<vmem>>, vector<16xf32>,
    tpu.vector_store %arg20[%swap3A_99, %swap3A_100], %broadcast_in_dim3A_2 {strides = array<i32>} : memref<112x128xf32, #tpu.memory_space<vmem>>, vector<16xf32>,
    %swap3A_102 = arith.constant 53 : i32
    %swap3A_103 = arith.index_cast %swap3A_102 : i32 to index
    %swap3A_104 = arith.constant 16 : index
    %swap3A_105 = tpu.vector_load %arg20[%swap3A_103, %swap3A_104] {strides = array<i32>} : memref<112x128xf32, #tpu.memory_space<vmem>>, vector<16xf32>,
    tpu.vector_store %arg20[%swap3A_103, %swap3A_104], %broadcast_in_dim3A_2 {strides = array<i32>} : memref<112x128xf32, #tpu.memory_space<vmem>>, vector<16xf32>,
    %swap3A_106 = arith.constant 53 : i32
    %swap3A_107 = arith.index_cast %swap3A_106 : i32 to index
    %swap3A_108 = arith.constant 32 : index
    %swap3A_109 = tpu.vector_load %arg20[%swap3A_107, %swap3A_108] {strides = array<i32>} : memref<112x128xf32, #tpu.memory_space<vmem>>, vector<16xf32>,
    tpu.vector_store %arg20[%swap3A_107, %swap3A_108], %broadcast_in_dim3A_2 {strides = array<i32>} : memref<112x128xf32, #tpu.memory_space<vmem>>, vector<16xf32>,
    %swap3A_110 = arith.constant 53 : i32
    %swap3A_111 = arith.index_cast %swap3A_110 : i32 to index
    %swap3A_112 = arith.constant 48 : index
    %swap3A_113 = tpu.vector_load %arg20[%swap3A_111, %swap3A_112] {strides = array<i32>} : memref<112x128xf32, #tpu.memory_space<vmem>>, vector<16xf32>,
    tpu.vector_store %arg20[%swap3A_111, %swap3A_112], %broadcast_in_dim3A_2 {strides = array<i32>} : memref<112x128xf32, #tpu.memory_space<vmem>>, vector<16xf32>,
    %swap3A_114 = arith.constant 53 : i32
    %swap3A_115 = arith.index_cast %swap3A_114 : i32 to index
    %swap3A_116 = arith.constant 64 : index
    %swap3A_117 = tpu.vector_load %arg20[%swap3A_115, %swap3A_116] {strides = array<i32>} : memref<112x128xf32, #tpu.memory_space<vmem>>, vector<16xf32>,
    tpu.vector_store %arg20[%swap3A_115, %swap3A_116], %broadcast_in_dim3A_2 {strides = array<i32>} : memref<112x128xf32, #tpu.memory_space<vmem>>, vector<16xf32>,
    %swap3A_118 = arith.constant 53 : i32
    %swap3A_119 = arith.index_cast %swap3A_118 : i32 to index
    %swap3A_120 = arith.constant 80 : index
    %swap3A_121 = tpu.vector_load %arg20[%swap3A_119, %swap3A_120] {strides = array<i32>} : memref<112x128xf32, #tpu.memory_space<vmem>>, vector<16xf32>,
    tpu.vector_store %arg20[%swap3A_119, %swap3A_120], %broadcast_in_dim3A_2 {strides = array<i32>} : memref<112x128xf32, #tpu.memory_space<vmem>>, vector<16xf32>,
    %swap3A_122 = arith.constant 53 : i32
    %swap3A_123 = arith.index_cast %swap3A_122 : i32 to index
    %swap3A_124 = arith.constant 96 : index
    %swap3A_125 = tpu.vector_load %arg20[%swap3A_123, %swap3A_124] {strides = array<i32>} : memref<112x128xf32, #tpu.memory_space<vmem>>, vector<16xf32>,
    tpu.vector_store %arg20[%swap3A_123, %swap3A_124], %broadcast_in_dim3A_2 {strides = array<i32>} : memref<112x128xf32, #tpu.memory_space<vmem>>, vector<16xf32>,
    %swap3A_126 = arith.constant 53 : i32
    %swap3A_127 = arith.index_cast %swap3A_126 : i32 to index
    %swap3A_128 = arith.constant 112 : index
    %swap3A_129 = tpu.vector_load %arg20[%swap3A_127, %swap3A_128] {strides = array<i32>} : memref<112x128xf32, #tpu.memory_space<vmem>>, vector<16xf32>,
    tpu.vector_store %arg20[%swap3A_127, %swap3A_128], %broadcast_in_dim3A_2 {strides = array<i32>} : memref<112x128xf32, #tpu.memory_space<vmem>>, vector<16xf32>,
    %swap3A_130 = arith.constant 54 : i32
    %swap3A_131 = arith.index_cast %swap3A_130 : i32 to index
    %swap3A_132 = arith.constant 0 : index
    %swap3A_133 = tpu.vector_load %arg20[%swap3A_131, %swap3A_132] {strides = array<i32>} : memref<112x128xf32, #tpu.memory_space<vmem>>, vector<16xf32>,
    tpu.vector_store %arg20[%swap3A_131, %swap3A_132], %broadcast_in_dim3A_2 {strides = array<i32>} : memref<112x128xf32, #tpu.memory_space<vmem>>, vector<16xf32>,
    %swap3A_134 = arith.constant 54 : i32
    %swap3A_135 = arith.index_cast %swap3A_134 : i32 to index
    %swap3A_136 = arith.constant 16 : index
    %swap3A_137 = tpu.vector_load %arg20[%swap3A_135, %swap3A_136] {strides = array<i32>} : memref<112x128xf32, #tpu.memory_space<vmem>>, vector<16xf32>,
    tpu.vector_store %arg20[%swap3A_135, %swap3A_136], %broadcast_in_dim3A_2 {strides = array<i32>} : memref<112x128xf32, #tpu.memory_space<vmem>>, vector<16xf32>,
    %swap3A_138 = arith.constant 54 : i32
    %swap3A_139 = arith.index_cast %swap3A_138 : i32 to index
    %swap3A_140 = arith.constant 32 : index
    %swap3A_141 = tpu.vector_load %arg20[%swap3A_139, %swap3A_140] {strides = array<i32>} : memref<112x128xf32, #tpu.memory_space<vmem>>, vector<16xf32>,
    tpu.vector_store %arg20[%swap3A_139, %swap3A_140], %broadcast_in_dim3A_2 {strides = array<i32>} : memref<112x128xf32, #tpu.memory_space<vmem>>, vector<16xf32>,
    %swap3A_142 = arith.constant 54 : i32
    %swap3A_143 = arith.index_cast %swap3A_142 : i32 to index
    %swap3A_144 = arith.constant 48 : index
    %swap3A_145 = tpu.vector_load %arg20[%swap3A_143, %swap3A_144] {strides = array<i32>} : memref<112x128xf32, #tpu.memory_space<vmem>>, vector<16xf32>,
    tpu.vector_store %arg20[%swap3A_143, %swap3A_144], %broadcast_in_dim3A_2 {strides = array<i32>} : memref<112x128xf32, #tpu.memory_space<vmem>>, vector<16xf32>,
    %swap3A_146 = arith.constant 54 : i32
    %swap3A_147 = arith.index_cast %swap3A_146 : i32 to index
    %swap3A_148 = arith.constant 64 : index
    %swap3A_149 = tpu.vector_load %arg20[%swap3A_147, %swap3A_148] {strides = array<i32>} : memref<112x128xf32, #tpu.memory_space<vmem>>, vector<16xf32>,
    tpu.vector_store %arg20[%swap3A_147, %swap3A_148], %broadcast_in_dim3A_2 {strides = array<i32>} : memref<112x128xf32, #tpu.memory_space<vmem>>, vector<16xf32>,
    %swap3A_150 = arith.constant 54 : i32
    %swap3A_151 = arith.index_cast %swap3A_150 : i32 to index
    %swap3A_152 = arith.constant 80 : index
    %swap3A_153 = tpu.vector_load %arg20[%swap3A_151, %swap3A_152] {strides = array<i32>} : memref<112x128xf32, #tpu.memory_space<vmem>>, vector<16xf32>,
    tpu.vector_store %arg20[%swap3A_151, %swap3A_152], %broadcast_in_dim3A_2 {strides = array<i32>} : memref<112x128xf32, #tpu.memory_space<vmem>>, vector<16xf32>,
    %swap3A_154 = arith.constant 54 : i32
    %swap3A_155 = arith.index_cast %swap3A_154 : i32 to index
    %swap3A_156 = arith.constant 96 : index
    %swap3A_157 = tpu.vector_load %arg20[%swap3A_155, %swap3A_156] {strides = array<i32>} : memref<112x128xf32, #tpu.memory_space<vmem>>, vector<16xf32>,
    tpu.vector_store %arg20[%swap3A_155, %swap3A_156], %broadcast_in_dim3A_2 {strides = array<i32>} : memref<112x128xf32, #tpu.memory_space<vmem>>, vector<16xf32>,
    %swap3A_158 = arith.constant 54 : i32
    %swap3A_159 = arith.index_cast %swap3A_158 : i32 to index
    %swap3A_160 = arith.constant 112 : index
    %swap3A_161 = tpu.vector_load %arg20[%swap3A_159, %swap3A_160] {strides = array<i32>} : memref<112x128xf32, #tpu.memory_space<vmem>>, vector<16xf32>,
    tpu.vector_store %arg20[%swap3A_159, %swap3A_160], %broadcast_in_dim3A_2 {strides = array<i32>} : memref<112x128xf32, #tpu.memory_space<vmem>>, vector<16xf32>,
    %swap3A_162 = arith.constant 55 : i32
    %swap3A_163 = arith.index_cast %swap3A_162 : i32 to index
    %swap3A_164 = arith.constant 0 : index
    %swap3A_165 = tpu.vector_load %arg20[%swap3A_163, %swap3A_164] {strides = array<i32>} : memref<112x128xf32, #tpu.memory_space<vmem>>, vector<16xf32>,
    tpu.vector_store %arg20[%swap3A_163, %swap3A_164], %broadcast_in_dim3A_2 {strides = array<i32>} : memref<112x128xf32, #tpu.memory_space<vmem>>, vector<16xf32>,
    %swap3A_166 = arith.constant 55 : i32
    %swap3A_167 = arith.index_cast %swap3A_166 : i32 to index
    %swap3A_168 = arith.constant 16 : index
    %swap3A_169 = tpu.vector_load %arg20[%swap3A_167, %swap3A_168] {strides = array<i32>} : memref<112x128xf32, #tpu.memory_space<vmem>>, vector<16xf32>,
    tpu.vector_store %arg20[%swap3A_167, %swap3A_168], %broadcast_in_dim3A_2 {strides = array<i32>} : memref<112x128xf32, #tpu.memory_space<vmem>>, vector<16xf32>,
    %swap3A_170 = arith.constant 55 : i32
    %swap3A_171 = arith.index_cast %swap3A_170 : i32 to index
    %swap3A_172 = arith.constant 32 : index
    %swap3A_173 = tpu.vector_load %arg20[%swap3A_171, %swap3A_172] {strides = array<i32>} : memref<112x128xf32, #tpu.memory_space<vmem>>, vector<16xf32>,
    tpu.vector_store %arg20[%swap3A_171, %swap3A_172], %broadcast_in_dim3A_2 {strides = array<i32>} : memref<112x128xf32, #tpu.memory_space<vmem>>, vector<16xf32>,
    %swap3A_174 = arith.constant 55 : i32
    %swap3A_175 = arith.index_cast %swap3A_174 : i32 to index
    %swap3A_176 = arith.constant 48 : index
    %swap3A_177 = tpu.vector_load %arg20[%swap3A_175, %swap3A_176] {strides = array<i32>} : memref<112x128xf32, #tpu.memory_space<vmem>>, vector<16xf32>,
    tpu.vector_store %arg20[%swap3A_175, %swap3A_176], %broadcast_in_dim3A_2 {strides = array<i32>} : memref<112x128xf32, #tpu.memory_space<vmem>>, vector<16xf32>,
    %swap3A_178 = arith.constant 55 : i32
    %swap3A_179 = arith.index_cast %swap3A_178 : i32 to index
    %swap3A_180 = arith.constant 64 : index
    %swap3A_181 = tpu.vector_load %arg20[%swap3A_179, %swap3A_180] {strides = array<i32>} : memref<112x128xf32, #tpu.memory_space<vmem>>, vector<16xf32>,
    tpu.vector_store %arg20[%swap3A_179, %swap3A_180], %broadcast_in_dim3A_2 {strides = array<i32>} : memref<112x128xf32, #tpu.memory_space<vmem>>, vector<16xf32>,
    %swap3A_182 = arith.constant 55 : i32
    %swap3A_183 = arith.index_cast %swap3A_182 : i32 to index
    %swap3A_184 = arith.constant 80 : index
    %swap3A_185 = tpu.vector_load %arg20[%swap3A_183, %swap3A_184] {strides = array<i32>} : memref<112x128xf32, #tpu.memory_space<vmem>>, vector<16xf32>,
    tpu.vector_store %arg20[%swap3A_183, %swap3A_184], %broadcast_in_dim3A_2 {strides = array<i32>} : memref<112x128xf32, #tpu.memory_space<vmem>>, vector<16xf32>,
    %swap3A_186 = arith.constant 55 : i32
    %swap3A_187 = arith.index_cast %swap3A_186 : i32 to index
    %swap3A_188 = arith.constant 96 : index
    %swap3A_189 = tpu.vector_load %arg20[%swap3A_187, %swap3A_188] {strides = array<i32>} : memref<112x128xf32, #tpu.memory_space<vmem>>, vector<16xf32>,
    tpu.vector_store %arg20[%swap3A_187, %swap3A_188], %broadcast_in_dim3A_2 {strides = array<i32>} : memref<112x128xf32, #tpu.memory_space<vmem>>, vector<16xf32>,
    %swap3A_190 = arith.constant 55 : i32
    %swap3A_191 = arith.index_cast %swap3A_190 : i32 to index
    %swap3A_192 = arith.constant 112 : index
    %swap3A_193 = tpu.vector_load %arg20[%swap3A_191, %swap3A_192] {strides = array<i32>} : memref<112x128xf32, #tpu.memory_space<vmem>>, vector<16xf32>,
    tpu.vector_store %arg20[%swap3A_191, %swap3A_192], %broadcast_in_dim3A_2 {strides = array<i32>} : memref<112x128xf32, #tpu.memory_space<vmem>>, vector<16xf32>,
    %swap3A_194 = arith.constant 106 : i32
    %swap3A_195 = arith.index_cast %swap3A_194 : i32 to index
    %swap3A_196 = arith.constant 0 : index
    %swap3A_197 = tpu.vector_load %arg20[%swap3A_195, %swap3A_196] {strides = array<i32>} : memref<112x128xf32, #tpu.memory_space<vmem>>, vector<16xf32>,
    tpu.vector_store %arg20[%swap3A_195, %swap3A_196], %broadcast_in_dim3A_2 {strides = array<i32>} : memref<112x128xf32, #tpu.memory_space<vmem>>, vector<16xf32>,
    %swap3A_198 = arith.constant 106 : i32
    %swap3A_199 = arith.index_cast %swap3A_198 : i32 to index
    %swap3A_200 = arith.constant 16 : index
    %swap3A_201 = tpu.vector_load %arg20[%swap3A_199, %swap3A_200] {strides = array<i32>} : memref<112x128xf32, #tpu.memory_space<vmem>>, vector<16xf32>,
    tpu.vector_store %arg20[%swap3A_199, %swap3A_200], %broadcast_in_dim3A_2 {strides = array<i32>} : memref<112x128xf32, #tpu.memory_space<vmem>>, vector<16xf32>,
    %swap3A_202 = arith.constant 106 : i32
    %swap3A_203 = arith.index_cast %swap3A_202 : i32 to index
    %swap3A_204 = arith.constant 32 : index
    %swap3A_205 = tpu.vector_load %arg20[%swap3A_203, %swap3A_204] {strides = array<i32>} : memref<112x128xf32, #tpu.memory_space<vmem>>, vector<16xf32>,
    tpu.vector_store %arg20[%swap3A_203, %swap3A_204], %broadcast_in_dim3A_2 {strides = array<i32>} : memref<112x128xf32, #tpu.memory_space<vmem>>, vector<16xf32>,
    %swap3A_206 = arith.constant 106 : i32
    %swap3A_207 = arith.index_cast %swap3A_206 : i32 to index
    %swap3A_208 = arith.constant 48 : index
    %swap3A_209 = tpu.vector_load %arg20[%swap3A_207, %swap3A_208] {strides = array<i32>} : memref<112x128xf32, #tpu.memory_space<vmem>>, vector<16xf32>,
    tpu.vector_store %arg20[%swap3A_207, %swap3A_208], %broadcast_in_dim3A_2 {strides = array<i32>} : memref<112x128xf32, #tpu.memory_space<vmem>>, vector<16xf32>,
    %swap3A_210 = arith.constant 106 : i32
    %swap3A_211 = arith.index_cast %swap3A_210 : i32 to index
    %swap3A_212 = arith.constant 64 : index
    %swap3A_213 = tpu.vector_load %arg20[%swap3A_211, %swap3A_212] {strides = array<i32>} : memref<112x128xf32, #tpu.memory_space<vmem>>, vector<16xf32>,
    tpu.vector_store %arg20[%swap3A_211, %swap3A_212], %broadcast_in_dim3A_2 {strides = array<i32>} : memref<112x128xf32, #tpu.memory_space<vmem>>, vector<16xf32>,
    %swap3A_214 = arith.constant 106 : i32
    %swap3A_215 = arith.index_cast %swap3A_214 : i32 to index
    %swap3A_216 = arith.constant 80 : index
    %swap3A_217 = tpu.vector_load %arg20[%swap3A_215, %swap3A_216] {strides = array<i32>} : memref<112x128xf32, #tpu.memory_space<vmem>>, vector<16xf32>,
    tpu.vector_store %arg20[%swap3A_215, %swap3A_216], %broadcast_in_dim3A_2 {strides = array<i32>} : memref<112x128xf32, #tpu.memory_space<vmem>>, vector<16xf32>,
    %swap3A_218 = arith.constant 106 : i32
    %swap3A_219 = arith.index_cast %swap3A_218 : i32 to index
    %swap3A_220 = arith.constant 96 : index
    %swap3A_221 = tpu.vector_load %arg20[%swap3A_219, %swap3A_220] {strides = array<i32>} : memref<112x128xf32, #tpu.memory_space<vmem>>, vector<16xf32>,
    tpu.vector_store %arg20[%swap3A_219, %swap3A_220], %broadcast_in_dim3A_2 {strides = array<i32>} : memref<112x128xf32, #tpu.memory_space<vmem>>, vector<16xf32>,
    %swap3A_222 = arith.constant 106 : i32
    %swap3A_223 = arith.index_cast %swap3A_222 : i32 to index
    %swap3A_224 = arith.constant 112 : index
    %swap3A_225 = tpu.vector_load %arg20[%swap3A_223, %swap3A_224] {strides = array<i32>} : memref<112x128xf32, #tpu.memory_space<vmem>>, vector<16xf32>,
    tpu.vector_store %arg20[%swap3A_223, %swap3A_224], %broadcast_in_dim3A_2 {strides = array<i32>} : memref<112x128xf32, #tpu.memory_space<vmem>>, vector<16xf32>,
    %swap3A_226 = arith.constant 107 : i32
    %swap3A_227 = arith.index_cast %swap3A_226 : i32 to index
    %swap3A_228 = arith.constant 0 : index
    %swap3A_229 = tpu.vector_load %arg20[%swap3A_227, %swap3A_228] {strides = array<i32>} : memref<112x128xf32, #tpu.memory_space<vmem>>, vector<16xf32>,
    tpu.vector_store %arg20[%swap3A_227, %swap3A_228], %broadcast_in_dim3A_2 {strides = array<i32>} : memref<112x128xf32, #tpu.memory_space<vmem>>, vector<16xf32>,
    %swap3A_230 = arith.constant 107 : i32
    %swap3A_231 = arith.index_cast %swap3A_230 : i32 to index
    %swap3A_232 = arith.constant 16 : index
    %swap3A_233 = tpu.vector_load %arg20[%swap3A_231, %swap3A_232] {strides = array<i32>} : memref<112x128xf32, #tpu.memory_space<vmem>>, vector<16xf32>,
    tpu.vector_store %arg20[%swap3A_231, %swap3A_232], %broadcast_in_dim3A_2 {strides = array<i32>} : memref<112x128xf32, #tpu.memory_space<vmem>>, vector<16xf32>,
    %swap3A_234 = arith.constant 107 : i32
    %swap3A_235 = arith.index_cast %swap3A_234 : i32 to index
    %swap3A_236 = arith.constant 32 : index
    %swap3A_237 = tpu.vector_load %arg20[%swap3A_235, %swap3A_236] {strides = array<i32>} : memref<112x128xf32, #tpu.memory_space<vmem>>, vector<16xf32>,
    tpu.vector_store %arg20[%swap3A_235, %swap3A_236], %broadcast_in_dim3A_2 {strides = array<i32>} : memref<112x128xf32, #tpu.memory_space<vmem>>, vector<16xf32>,
    %swap3A_238 = arith.constant 107 : i32
    %swap3A_239 = arith.index_cast %swap3A_238 : i32 to index
    %swap3A_240 = arith.constant 48 : index
    %swap3A_241 = tpu.vector_load %arg20[%swap3A_239, %swap3A_240] {strides = array<i32>} : memref<112x128xf32, #tpu.memory_space<vmem>>, vector<16xf32>,
    tpu.vector_store %arg20[%swap3A_239, %swap3A_240], %broadcast_in_dim3A_2 {strides = array<i32>} : memref<112x128xf32, #tpu.memory_space<vmem>>, vector<16xf32>,
    %swap3A_242 = arith.constant 107 : i32
    %swap3A_243 = arith.index_cast %swap3A_242 : i32 to index
    %swap3A_244 = arith.constant 64 : index
    %swap3A_245 = tpu.vector_load %arg20[%swap3A_243, %swap3A_244] {strides = array<i32>} : memref<112x128xf32, #tpu.memory_space<vmem>>, vector<16xf32>,
    tpu.vector_store %arg20[%swap3A_243, %swap3A_244], %broadcast_in_dim3A_2 {strides = array<i32>} : memref<112x128xf32, #tpu.memory_space<vmem>>, vector<16xf32>,
    %swap3A_246 = arith.constant 107 : i32
    %swap3A_247 = arith.index_cast %swap3A_246 : i32 to index
    %swap3A_248 = arith.constant 80 : index
    %swap3A_249 = tpu.vector_load %arg20[%swap3A_247, %swap3A_248] {strides = array<i32>} : memref<112x128xf32, #tpu.memory_space<vmem>>, vector<16xf32>,
    tpu.vector_store %arg20[%swap3A_247, %swap3A_248], %broadcast_in_dim3A_2 {strides = array<i32>} : memref<112x128xf32, #tpu.memory_space<vmem>>, vector<16xf32>,
    %swap3A_250 = arith.constant 107 : i32
    %swap3A_251 = arith.index_cast %swap3A_250 : i32 to index
    %swap3A_252 = arith.constant 96 : index
    %swap3A_253 = tpu.vector_load %arg20[%swap3A_251, %swap3A_252] {strides = array<i32>} : memref<112x128xf32, #tpu.memory_space<vmem>>, vector<16xf32>,
    tpu.vector_store %arg20[%swap3A_251, %swap3A_252], %broadcast_in_dim3A_2 {strides = array<i32>} : memref<112x128xf32, #tpu.memory_space<vmem>>, vector<16xf32>,
    %swap3A_254 = arith.constant 107 : i32
    %swap3A_255 = arith.index_cast %swap3A_254 : i32 to index
    %swap3A_256 = arith.constant 112 : index
    %swap3A_257 = tpu.vector_load %arg20[%swap3A_255, %swap3A_256] {strides = array<i32>} : memref<112x128xf32, #tpu.memory_space<vmem>>, vector<16xf32>,
    tpu.vector_store %arg20[%swap3A_255, %swap3A_256], %broadcast_in_dim3A_2 {strides = array<i32>} : memref<112x128xf32, #tpu.memory_space<vmem>>, vector<16xf32>,
    %swap3A_258 = arith.constant 108 : i32
    %swap3A_259 = arith.index_cast %swap3A_258 : i32 to index
    %swap3A_260 = arith.constant 0 : index
    %swap3A_261 = tpu.vector_load %arg20[%swap3A_259, %swap3A_260] {strides = array<i32>} : memref<112x128xf32, #tpu.memory_space<vmem>>, vector<16xf32>,
    tpu.vector_store %arg20[%swap3A_259, %swap3A_260], %broadcast_in_dim3A_2 {strides = array<i32>} : memref<112x128xf32, #tpu.memory_space<vmem>>, vector<16xf32>,
    %swap3A_262 = arith.constant 108 : i32
    %swap3A_263 = arith.index_cast %swap3A_262 : i32 to index
    %swap3A_264 = arith.constant 16 : index
    %swap3A_265 = tpu.vector_load %arg20[%swap3A_263, %swap3A_264] {strides = array<i32>} : memref<112x128xf32, #tpu.memory_space<vmem>>, vector<16xf32>,
    tpu.vector_store %arg20[%swap3A_263, %swap3A_264], %broadcast_in_dim3A_2 {strides = array<i32>} : memref<112x128xf32, #tpu.memory_space<vmem>>, vector<16xf32>,
    %swap3A_266 = arith.constant 108 : i32
    %swap3A_267 = arith.index_cast %swap3A_266 : i32 to index
    %swap3A_268 = arith.constant 32 : index
    %swap3A_269 = tpu.vector_load %arg20[%swap3A_267, %swap3A_268] {strides = array<i32>} : memref<112x128xf32, #tpu.memory_space<vmem>>, vector<16xf32>,
    tpu.vector_store %arg20[%swap3A_267, %swap3A_268], %broadcast_in_dim3A_2 {strides = array<i32>} : memref<112x128xf32, #tpu.memory_space<vmem>>, vector<16xf32>,
    %swap3A_270 = arith.constant 108 : i32
    %swap3A_271 = arith.index_cast %swap3A_270 : i32 to index
    %swap3A_272 = arith.constant 48 : index
    %swap3A_273 = tpu.vector_load %arg20[%swap3A_271, %swap3A_272] {strides = array<i32>} : memref<112x128xf32, #tpu.memory_space<vmem>>, vector<16xf32>,
    tpu.vector_store %arg20[%swap3A_271, %swap3A_272], %broadcast_in_dim3A_2 {strides = array<i32>} : memref<112x128xf32, #tpu.memory_space<vmem>>, vector<16xf32>,
    %swap3A_274 = arith.constant 108 : i32
    %swap3A_275 = arith.index_cast %swap3A_274 : i32 to index
    %swap3A_276 = arith.constant 64 : index
    %swap3A_277 = tpu.vector_load %arg20[%swap3A_275, %swap3A_276] {strides = array<i32>} : memref<112x128xf32, #tpu.memory_space<vmem>>, vector<16xf32>,
    tpu.vector_store %arg20[%swap3A_275, %swap3A_276], %broadcast_in_dim3A_2 {strides = array<i32>} : memref<112x128xf32, #tpu.memory_space<vmem>>, vector<16xf32>,
    %swap3A_278 = arith.constant 108 : i32
    %swap3A_279 = arith.index_cast %swap3A_278 : i32 to index
    %swap3A_280 = arith.constant 80 : index
    %swap3A_281 = tpu.vector_load %arg20[%swap3A_279, %swap3A_280] {strides = array<i32>} : memref<112x128xf32, #tpu.memory_space<vmem>>, vector<16xf32>,
    tpu.vector_store %arg20[%swap3A_279, %swap3A_280], %broadcast_in_dim3A_2 {strides = array<i32>} : memref<112x128xf32, #tpu.memory_space<vmem>>, vector<16xf32>,
    %swap3A_282 = arith.constant 108 : i32
    %swap3A_283 = arith.index_cast %swap3A_282 : i32 to index
    %swap3A_284 = arith.constant 96 : index
    %swap3A_285 = tpu.vector_load %arg20[%swap3A_283, %swap3A_284] {strides = array<i32>} : memref<112x128xf32, #tpu.memory_space<vmem>>, vector<16xf32>,
    tpu.vector_store %arg20[%swap3A_283, %swap3A_284], %broadcast_in_dim3A_2 {strides = array<i32>} : memref<112x128xf32, #tpu.memory_space<vmem>>, vector<16xf32>,
    %swap3A_286 = arith.constant 108 : i32
    %swap3A_287 = arith.index_cast %swap3A_286 : i32 to index
    %swap3A_288 = arith.constant 112 : index
    %swap3A_289 = tpu.vector_load %arg20[%swap3A_287, %swap3A_288] {strides = array<i32>} : memref<112x128xf32, #tpu.memory_space<vmem>>, vector<16xf32>,
    tpu.vector_store %arg20[%swap3A_287, %swap3A_288], %broadcast_in_dim3A_2 {strides = array<i32>} : memref<112x128xf32, #tpu.memory_space<vmem>>, vector<16xf32>,
    %swap3A_290 = arith.constant 109 : i32
    %swap3A_291 = arith.index_cast %swap3A_290 : i32 to index
    %swap3A_292 = arith.constant 0 : index
    %swap3A_293 = tpu.vector_load %arg20[%swap3A_291, %swap3A_292] {strides = array<i32>} : memref<112x128xf32, #tpu.memory_space<vmem>>, vector<16xf32>,
    tpu.vector_store %arg20[%swap3A_291, %swap3A_292], %broadcast_in_dim3A_2 {strides = array<i32>} : memref<112x128xf32, #tpu.memory_space<vmem>>, vector<16xf32>,
    %swap3A_294 = arith.constant 109 : i32
    %swap3A_295 = arith.index_cast %swap3A_294 : i32 to index
    %swap3A_296 = arith.constant 16 : index
    %swap3A_297 = tpu.vector_load %arg20[%swap3A_295, %swap3A_296] {strides = array<i32>} : memref<112x128xf32, #tpu.memory_space<vmem>>, vector<16xf32>,
    tpu.vector_store %arg20[%swap3A_295, %swap3A_296], %broadcast_in_dim3A_2 {strides = array<i32>} : memref<112x128xf32, #tpu.memory_space<vmem>>, vector<16xf32>,
    %swap3A_298 = arith.constant 109 : i32
    %swap3A_299 = arith.index_cast %swap3A_298 : i32 to index
    %swap3A_300 = arith.constant 32 : index
    %swap3A_301 = tpu.vector_load %arg20[%swap3A_299, %swap3A_300] {strides = array<i32>} : memref<112x128xf32, #tpu.memory_space<vmem>>, vector<16xf32>,
    tpu.vector_store %arg20[%swap3A_299, %swap3A_300], %broadcast_in_dim3A_2 {strides = array<i32>} : memref<112x128xf32, #tpu.memory_space<vmem>>, vector<16xf32>,
    %swap3A_302 = arith.constant 109 : i32
    %swap3A_303 = arith.index_cast %swap3A_302 : i32 to index
    %swap3A_304 = arith.constant 48 : index
    %swap3A_305 = tpu.vector_load %arg20[%swap3A_303, %swap3A_304] {strides = array<i32>} : memref<112x128xf32, #tpu.memory_space<vmem>>, vector<16xf32>,
    tpu.vector_store %arg20[%swap3A_303, %swap3A_304], %broadcast_in_dim3A_2 {strides = array<i32>} : memref<112x128xf32, #tpu.memory_space<vmem>>, vector<16xf32>,
    %swap3A_306 = arith.constant 109 : i32
    %swap3A_307 = arith.index_cast %swap3A_306 : i32 to index
    %swap3A_308 = arith.constant 64 : index
    %swap3A_309 = tpu.vector_load %arg20[%swap3A_307, %swap3A_308] {strides = array<i32>} : memref<112x128xf32, #tpu.memory_space<vmem>>, vector<16xf32>,
    tpu.vector_store %arg20[%swap3A_307, %swap3A_308], %broadcast_in_dim3A_2 {strides = array<i32>} : memref<112x128xf32, #tpu.memory_space<vmem>>, vector<16xf32>,
    %swap3A_310 = arith.constant 109 : i32
    %swap3A_311 = arith.index_cast %swap3A_310 : i32 to index
    %swap3A_312 = arith.constant 80 : index
    %swap3A_313 = tpu.vector_load %arg20[%swap3A_311, %swap3A_312] {strides = array<i32>} : memref<112x128xf32, #tpu.memory_space<vmem>>, vector<16xf32>,
    tpu.vector_store %arg20[%swap3A_311, %swap3A_312], %broadcast_in_dim3A_2 {strides = array<i32>} : memref<112x128xf32, #tpu.memory_space<vmem>>, vector<16xf32>,
    %swap3A_314 = arith.constant 109 : i32
    %swap3A_315 = arith.index_cast %swap3A_314 : i32 to index
    %swap3A_316 = arith.constant 96 : index
    %swap3A_317 = tpu.vector_load %arg20[%swap3A_315, %swap3A_316] {strides = array<i32>} : memref<112x128xf32, #tpu.memory_space<vmem>>, vector<16xf32>,
    tpu.vector_store %arg20[%swap3A_315, %swap3A_316], %broadcast_in_dim3A_2 {strides = array<i32>} : memref<112x128xf32, #tpu.memory_space<vmem>>, vector<16xf32>,
    %swap3A_318 = arith.constant 109 : i32
    %swap3A_319 = arith.index_cast %swap3A_318 : i32 to index
    %swap3A_320 = arith.constant 112 : index
    %swap3A_321 = tpu.vector_load %arg20[%swap3A_319, %swap3A_320] {strides = array<i32>} : memref<112x128xf32, #tpu.memory_space<vmem>>, vector<16xf32>,
    tpu.vector_store %arg20[%swap3A_319, %swap3A_320], %broadcast_in_dim3A_2 {strides = array<i32>} : memref<112x128xf32, #tpu.memory_space<vmem>>, vector<16xf32>,
    %swap3A_322 = arith.constant 110 : i32
    %swap3A_323 = arith.index_cast %swap3A_322 : i32 to index
    %swap3A_324 = arith.constant 0 : index
    %swap3A_325 = tpu.vector_load %arg20[%swap3A_323, %swap3A_324] {strides = array<i32>} : memref<112x128xf32, #tpu.memory_space<vmem>>, vector<16xf32>,
    tpu.vector_store %arg20[%swap3A_323, %swap3A_324], %broadcast_in_dim3A_2 {strides = array<i32>} : memref<112x128xf32, #tpu.memory_space<vmem>>, vector<16xf32>,
    %swap3A_326 = arith.constant 110 : i32
    %swap3A_327 = arith.index_cast %swap3A_326 : i32 to index
    %swap3A_328 = arith.constant 16 : index
    %swap3A_329 = tpu.vector_load %arg20[%swap3A_327, %swap3A_328] {strides = array<i32>} : memref<112x128xf32, #tpu.memory_space<vmem>>, vector<16xf32>,
    tpu.vector_store %arg20[%swap3A_327, %swap3A_328], %broadcast_in_dim3A_2 {strides = array<i32>} : memref<112x128xf32, #tpu.memory_space<vmem>>, vector<16xf32>,
    %swap3A_330 = arith.constant 110 : i32
    %swap3A_331 = arith.index_cast %swap3A_330 : i32 to index
    %swap3A_332 = arith.constant 32 : index
    %swap3A_333 = tpu.vector_load %arg20[%swap3A_331, %swap3A_332] {strides = array<i32>} : memref<112x128xf32, #tpu.memory_space<vmem>>, vector<16xf32>,
    tpu.vector_store %arg20[%swap3A_331, %swap3A_332], %broadcast_in_dim3A_2 {strides = array<i32>} : memref<112x128xf32, #tpu.memory_space<vmem>>, vector<16xf32>,
    %swap3A_334 = arith.constant 110 : i32
    %swap3A_335 = arith.index_cast %swap3A_334 : i32 to index
    %swap3A_336 = arith.constant 48 : index
    %swap3A_337 = tpu.vector_load %arg20[%swap3A_335, %swap3A_336] {strides = array<i32>} : memref<112x128xf32, #tpu.memory_space<vmem>>, vector<16xf32>,
    tpu.vector_store %arg20[%swap3A_335, %swap3A_336], %broadcast_in_dim3A_2 {strides = array<i32>} : memref<112x128xf32, #tpu.memory_space<vmem>>, vector<16xf32>,
    %swap3A_338 = arith.constant 110 : i32
    %swap3A_339 = arith.index_cast %swap3A_338 : i32 to index
    %swap3A_340 = arith.constant 64 : index
    %swap3A_341 = tpu.vector_load %arg20[%swap3A_339, %swap3A_340] {strides = array<i32>} : memref<112x128xf32, #tpu.memory_space<vmem>>, vector<16xf32>,
    tpu.vector_store %arg20[%swap3A_339, %swap3A_340], %broadcast_in_dim3A_2 {strides = array<i32>} : memref<112x128xf32, #tpu.memory_space<vmem>>, vector<16xf32>,
    %swap3A_342 = arith.constant 110 : i32
    %swap3A_343 = arith.index_cast %swap3A_342 : i32 to index
    %swap3A_344 = arith.constant 80 : index
    %swap3A_345 = tpu.vector_load %arg20[%swap3A_343, %swap3A_344] {strides = array<i32>} : memref<112x128xf32, #tpu.memory_space<vmem>>, vector<16xf32>,
    tpu.vector_store %arg20[%swap3A_343, %swap3A_344], %broadcast_in_dim3A_2 {strides = array<i32>} : memref<112x128xf32, #tpu.memory_space<vmem>>, vector<16xf32>,
    %swap3A_346 = arith.constant 110 : i32
    %swap3A_347 = arith.index_cast %swap3A_346 : i32 to index
    %swap3A_348 = arith.constant 96 : index
    %swap3A_349 = tpu.vector_load %arg20[%swap3A_347, %swap3A_348] {strides = array<i32>} : memref<112x128xf32, #tpu.memory_space<vmem>>, vector<16xf32>,
    tpu.vector_store %arg20[%swap3A_347, %swap3A_348], %broadcast_in_dim3A_2 {strides = array<i32>} : memref<112x128xf32, #tpu.memory_space<vmem>>, vector<16xf32>,
    %swap3A_350 = arith.constant 110 : i32
    %swap3A_351 = arith.index_cast %swap3A_350 : i32 to index
    %swap3A_352 = arith.constant 112 : index
    %swap3A_353 = tpu.vector_load %arg20[%swap3A_351, %swap3A_352] {strides = array<i32>} : memref<112x128xf32, #tpu.memory_space<vmem>>, vector<16xf32>,
    tpu.vector_store %arg20[%swap3A_351, %swap3A_352], %broadcast_in_dim3A_2 {strides = array<i32>} : memref<112x128xf32, #tpu.memory_space<vmem>>, vector<16xf32>,
    %swap3A_354 = arith.constant 111 : i32
    %swap3A_355 = arith.index_cast %swap3A_354 : i32 to index
    %swap3A_356 = arith.constant 0 : index
    %swap3A_357 = tpu.vector_load %arg20[%swap3A_355, %swap3A_356] {strides = array<i32>} : memref<112x128xf32, #tpu.memory_space<vmem>>, vector<16xf32>,
    tpu.vector_store %arg20[%swap3A_355, %swap3A_356], %broadcast_in_dim3A_2 {strides = array<i32>} : memref<112x128xf32, #tpu.memory_space<vmem>>, vector<16xf32>,
    %swap3A_358 = arith.constant 111 : i32
    %swap3A_359 = arith.index_cast %swap3A_358 : i32 to index
    %swap3A_360 = arith.constant 16 : index
    %swap3A_361 = tpu.vector_load %arg20[%swap3A_359, %swap3A_360] {strides = array<i32>} : memref<112x128xf32, #tpu.memory_space<vmem>>, vector<16xf32>,
    tpu.vector_store %arg20[%swap3A_359, %swap3A_360], %broadcast_in_dim3A_2 {strides = array<i32>} : memref<112x128xf32, #tpu.memory_space<vmem>>, vector<16xf32>,
    %swap3A_362 = arith.constant 111 : i32
    %swap3A_363 = arith.index_cast %swap3A_362 : i32 to index
    %swap3A_364 = arith.constant 32 : index
    %swap3A_365 = tpu.vector_load %arg20[%swap3A_363, %swap3A_364] {strides = array<i32>} : memref<112x128xf32, #tpu.memory_space<vmem>>, vector<16xf32>,
    tpu.vector_store %arg20[%swap3A_363, %swap3A_364], %broadcast_in_dim3A_2 {strides = array<i32>} : memref<112x128xf32, #tpu.memory_space<vmem>>, vector<16xf32>,
    %swap3A_366 = arith.constant 111 : i32
    %swap3A_367 = arith.index_cast %swap3A_366 : i32 to index
    %swap3A_368 = arith.constant 48 : index
    %swap3A_369 = tpu.vector_load %arg20[%swap3A_367, %swap3A_368] {strides = array<i32>} : memref<112x128xf32, #tpu.memory_space<vmem>>, vector<16xf32>,
    tpu.vector_store %arg20[%swap3A_367, %swap3A_368], %broadcast_in_dim3A_2 {strides = array<i32>} : memref<112x128xf32, #tpu.memory_space<vmem>>, vector<16xf32>,
    %swap3A_370 = arith.constant 111 : i32
    %swap3A_371 = arith.index_cast %swap3A_370 : i32 to index
    %swap3A_372 = arith.constant 64 : index
    %swap3A_373 = tpu.vector_load %arg20[%swap3A_371, %swap3A_372] {strides = array<i32>} : memref<112x128xf32, #tpu.memory_space<vmem>>, vector<16xf32>,
    tpu.vector_store %arg20[%swap3A_371, %swap3A_372], %broadcast_in_dim3A_2 {strides = array<i32>} : memref<112x128xf32, #tpu.memory_space<vmem>>, vector<16xf32>,
    %swap3A_374 = arith.constant 111 : i32
    %swap3A_375 = arith.index_cast %swap3A_374 : i32 to index
    %swap3A_376 = arith.constant 80 : index
    %swap3A_377 = tpu.vector_load %arg20[%swap3A_375, %swap3A_376] {strides = array<i32>} : memref<112x128xf32, #tpu.memory_space<vmem>>, vector<16xf32>,
    tpu.vector_store %arg20[%swap3A_375, %swap3A_376], %broadcast_in_dim3A_2 {strides = array<i32>} : memref<112x128xf32, #tpu.memory_space<vmem>>, vector<16xf32>,
    %swap3A_378 = arith.constant 111 : i32
    %swap3A_379 = arith.index_cast %swap3A_378 : i32 to index
    %swap3A_380 = arith.constant 96 : index
    %swap3A_381 = tpu.vector_load %arg20[%swap3A_379, %swap3A_380] {strides = array<i32>} : memref<112x128xf32, #tpu.memory_space<vmem>>, vector<16xf32>,
    tpu.vector_store %arg20[%swap3A_379, %swap3A_380], %broadcast_in_dim3A_2 {strides = array<i32>} : memref<112x128xf32, #tpu.memory_space<vmem>>, vector<16xf32>,
    %swap3A_382 = arith.constant 111 : i32
    %swap3A_383 = arith.index_cast %swap3A_382 : i32 to index
    %swap3A_384 = arith.constant 112 : index
    %swap3A_385 = tpu.vector_load %arg20[%swap3A_383, %swap3A_384] {strides = array<i32>} : memref<112x128xf32, #tpu.memory_space<vmem>>, vector<16xf32>,
    tpu.vector_store %arg20[%swap3A_383, %swap3A_384], %broadcast_in_dim3A_2 {strides = array<i32>} : memref<112x128xf32, #tpu.memory_space<vmem>>, vector<16xf32>,
    %mul3A_386 = arith.constant 1600 : i32
    %mul3A_387 = arith.muli %add3A, %mul3A_386 : i32
    %mul3A_388 = arith.constant 20 : i32
    %mul3A_389 = arith.muli %mul3A_387, %mul3A_388 : i32
    %dma_start3A = arith.constant 0 : i32
    %dma_start3A_390 = arith.constant 0 : i32
    %dma_start3A_391 = tpu.memref_slice %arg14[%dma_start3A, %dma_start3A_390] : memref<2x4000xi32, #tpu.memory_space<vmem>> -> memref<1x2000xi32, #tpu.memory_space<vmem>>
    %dma_start3A_392 = tpu.memref_squeeze %dma_start3A_391 : memref<1x2000xi32, #tpu.memory_space<vmem>> -> memref<2000xi32, #tpu.memory_space<vmem>>
    %dma_start3A_393 = tpu.memref_slice %arg4[%mul3A_389] : memref<1024000xi32, #tpu.memory_space<hbm>> -> memref<2000xi32, #tpu.memory_space<hbm>>
    %dma_start3A_394 = arith.constant 0 : i32
    %dma_start3A_395 = tpu.memref_slice %arg14[%dma_start3A, %dma_start3A_394] : memref<2x4000xi32, #tpu.memory_space<vmem>> -> memref<1x2000xi32, #tpu.memory_space<vmem>>
    %dma_start3A_396 = tpu.memref_squeeze %dma_start3A_395 : memref<1x2000xi32, #tpu.memory_space<vmem>> -> memref<2000xi32, #tpu.memory_space<vmem>>
    %dma_start3A_397 = tpu.memref_slice %arg4[%mul3A_389] : memref<1024000xi32, #tpu.memory_space<hbm>> -> memref<2000xi32, #tpu.memory_space<hbm>>
    tpu.enqueue_dma source(%dma_start3A_397 : memref<2000xi32, #tpu.memory_space<hbm>>) target(%dma_start3A_396 : memref<2000xi32, #tpu.memory_space<vmem>>) target_semaphore(%arg27 : memref<!tpu.dma_semaphore, #tpu.memory_space<semaphore_mem>>)
    %mul3A_398 = arith.constant 20 : i32
    %mul3A_399 = arith.muli %mul3A_387, %mul3A_398 : i32
    %dma_start3A_400 = arith.constant 0 : i32
    %dma_start3A_401 = arith.constant 2000 : i32
    %dma_start3A_402 = tpu.memref_slice %arg14[%dma_start3A_400, %dma_start3A_401] : memref<2x4000xi32, #tpu.memory_space<vmem>> -> memref<1x2000xi32, #tpu.memory_space<vmem>>
    %dma_start3A_403 = tpu.memref_squeeze %dma_start3A_402 : memref<1x2000xi32, #tpu.memory_space<vmem>> -> memref<2000xi32, #tpu.memory_space<vmem>>
    %dma_start3A_404 = tpu.memref_slice %arg5[%mul3A_399] : memref<1024000xi32, #tpu.memory_space<hbm>> -> memref<2000xi32, #tpu.memory_space<hbm>>
    %dma_start3A_405 = arith.constant 2000 : i32
    %dma_start3A_406 = tpu.memref_slice %arg14[%dma_start3A_400, %dma_start3A_405] : memref<2x4000xi32, #tpu.memory_space<vmem>> -> memref<1x2000xi32, #tpu.memory_space<vmem>>
    %dma_start3A_407 = tpu.memref_squeeze %dma_start3A_406 : memref<1x2000xi32, #tpu.memory_space<vmem>> -> memref<2000xi32, #tpu.memory_space<vmem>>
    %dma_start3A_408 = tpu.memref_slice %arg5[%mul3A_399] : memref<1024000xi32, #tpu.memory_space<hbm>> -> memref<2000xi32, #tpu.memory_space<hbm>>
    tpu.enqueue_dma source(%dma_start3A_408 : memref<2000xi32, #tpu.memory_space<hbm>>) target(%dma_start3A_407 : memref<2000xi32, #tpu.memory_space<vmem>>) target_semaphore(%arg27 : memref<!tpu.dma_semaphore, #tpu.memory_space<semaphore_mem>>)
    %dma_wait3A = arith.constant 0 : i32
    %dma_wait3A_409 = arith.constant 0 : i32
    %dma_wait3A_410 = tpu.memref_slice %arg14[%dma_wait3A, %dma_wait3A_409] : memref<2x4000xi32, #tpu.memory_space<vmem>> -> memref<1x2000xi32, #tpu.memory_space<vmem>>
    %dma_wait3A_411 = tpu.memref_squeeze %dma_wait3A_410 : memref<1x2000xi32, #tpu.memory_space<vmem>> -> memref<2000xi32, #tpu.memory_space<vmem>>
    %dma_wait3A_412 = arith.constant 0 : i32
    %dma_wait3A_413 = tpu.memref_slice %arg4[%dma_wait3A_412] : memref<1024000xi32, #tpu.memory_space<hbm>> -> memref<2000xi32, #tpu.memory_space<hbm>>
    %dma_wait3A_414 = arith.constant 0 : i32
    %dma_wait3A_415 = tpu.memref_slice %arg14[%dma_wait3A, %dma_wait3A_414] : memref<2x4000xi32, #tpu.memory_space<vmem>> -> memref<1x2000xi32, #tpu.memory_space<vmem>>
    %dma_wait3A_416 = tpu.memref_squeeze %dma_wait3A_415 : memref<1x2000xi32, #tpu.memory_space<vmem>> -> memref<2000xi32, #tpu.memory_space<vmem>>
    %dma_wait3A_417 = arith.constant 0 : i32
    %dma_wait3A_418 = tpu.memref_slice %arg4[%dma_wait3A_417] : memref<1024000xi32, #tpu.memory_space<hbm>> -> memref<2000xi32, #tpu.memory_space<hbm>>
    tpu.wait_dma2 semaphore(%arg27 : memref<!tpu.dma_semaphore, #tpu.memory_space<semaphore_mem>>) src(%dma_wait3A_418 : memref<2000xi32, #tpu.memory_space<hbm>>) dst(%dma_wait3A_416 : memref<2000xi32, #tpu.memory_space<vmem>>)
    %dma_wait3A_419 = arith.constant 0 : i32
    %dma_wait3A_420 = arith.constant 2000 : i32
    %dma_wait3A_421 = tpu.memref_slice %arg14[%dma_wait3A_419, %dma_wait3A_420] : memref<2x4000xi32, #tpu.memory_space<vmem>> -> memref<1x2000xi32, #tpu.memory_space<vmem>>
    %dma_wait3A_422 = tpu.memref_squeeze %dma_wait3A_421 : memref<1x2000xi32, #tpu.memory_space<vmem>> -> memref<2000xi32, #tpu.memory_space<vmem>>
    %dma_wait3A_423 = arith.constant 0 : i32
    %dma_wait3A_424 = tpu.memref_slice %arg4[%dma_wait3A_423] : memref<1024000xi32, #tpu.memory_space<hbm>> -> memref<2000xi32, #tpu.memory_space<hbm>>
    %dma_wait3A_425 = arith.constant 2000 : i32
    %dma_wait3A_426 = tpu.memref_slice %arg14[%dma_wait3A_419, %dma_wait3A_425] : memref<2x4000xi32, #tpu.memory_space<vmem>> -> memref<1x2000xi32, #tpu.memory_space<vmem>>
    %dma_wait3A_427 = tpu.memref_squeeze %dma_wait3A_426 : memref<1x2000xi32, #tpu.memory_space<vmem>> -> memref<2000xi32, #tpu.memory_space<vmem>>
    %dma_wait3A_428 = arith.constant 0 : i32
    %dma_wait3A_429 = tpu.memref_slice %arg4[%dma_wait3A_428] : memref<1024000xi32, #tpu.memory_space<hbm>> -> memref<2000xi32, #tpu.memory_space<hbm>>
    tpu.wait_dma2 semaphore(%arg27 : memref<!tpu.dma_semaphore, #tpu.memory_space<semaphore_mem>>) src(%dma_wait3A_429 : memref<2000xi32, #tpu.memory_space<hbm>>) dst(%dma_wait3A_427 : memref<2000xi32, #tpu.memory_space<vmem>>)
    %scan3A = arith.constant 0 : i32
    %scan3A_430 = arith.constant 0 : i32
    %scan3A_431 = arith.constant 16 : i32
    %scan3A_432 = arith.addi %scan3A_430, %scan3A_431 : i32
    %scan3A_433 = arith.constant 1 : i32
    scf.for %scan3A_604 = %scan3A_430 to %scan3A_432 step %scan3A_433  : i32 {
      %rem3A = arith.constant 2 : i32
      %rem3A_605 = arith.remsi %scan3A_604, %rem3A : i32
      %add3A_606 = arith.constant 1 : i32
      %add3A_607 = arith.addi %scan3A_604, %add3A_606 : i32
      %lt3A = arith.constant 16 : i32
      %lt3A_608 = arith.cmpi slt, %add3A_607, %lt3A : i32
      %convert_element_type3A = arith.extui %lt3A_608 : i1 to i32
      %cond3A = arith.constant 0 : i32
      %cond3A_609 = arith.cmpi ne, %convert_element_type3A, %cond3A : i32
      scf.if %cond3A_609 {
        %add3A_681 = arith.constant 1 : i32
        %add3A_682 = arith.addi %scan3A_604, %add3A_681 : i32
        %mul3A_683 = arith.constant 100 : i32
        %mul3A_684 = arith.muli %add3A_682, %mul3A_683 : i32
        %add3A_685 = arith.addi %mul3A_387, %mul3A_684 : i32
        %sub3A_686 = arith.constant 1 : i32
        %sub3A_687 = arith.subi %sub3A_686, %rem3A_605 : i32
        %mul3A_688 = arith.constant 20 : i32
        %mul3A_689 = arith.muli %add3A_685, %mul3A_688 : i32
        %dma_start3A_690 = arith.constant 0 : i32
        %dma_start3A_691 = tpu.memref_slice %arg14[%sub3A_687, %dma_start3A_690] : memref<2x4000xi32, #tpu.memory_space<vmem>> -> memref<1x2000xi32, #tpu.memory_space<vmem>>
        %dma_start3A_692 = tpu.memref_squeeze %dma_start3A_691 : memref<1x2000xi32, #tpu.memory_space<vmem>> -> memref<2000xi32, #tpu.memory_space<vmem>>
        %dma_start3A_693 = tpu.memref_slice %arg4[%mul3A_689] : memref<1024000xi32, #tpu.memory_space<hbm>> -> memref<2000xi32, #tpu.memory_space<hbm>>
        %dma_start3A_694 = arith.constant 0 : i32
        %dma_start3A_695 = tpu.memref_slice %arg14[%sub3A_687, %dma_start3A_694] : memref<2x4000xi32, #tpu.memory_space<vmem>> -> memref<1x2000xi32, #tpu.memory_space<vmem>>
        %dma_start3A_696 = tpu.memref_squeeze %dma_start3A_695 : memref<1x2000xi32, #tpu.memory_space<vmem>> -> memref<2000xi32, #tpu.memory_space<vmem>>
        %dma_start3A_697 = tpu.memref_slice %arg4[%mul3A_689] : memref<1024000xi32, #tpu.memory_space<hbm>> -> memref<2000xi32, #tpu.memory_space<hbm>>
        tpu.enqueue_dma source(%dma_start3A_697 : memref<2000xi32, #tpu.memory_space<hbm>>) target(%dma_start3A_696 : memref<2000xi32, #tpu.memory_space<vmem>>) target_semaphore(%arg27 : memref<!tpu.dma_semaphore, #tpu.memory_space<semaphore_mem>>)
        %mul3A_698 = arith.constant 20 : i32
        %mul3A_699 = arith.muli %add3A_685, %mul3A_698 : i32
        %dma_start3A_700 = arith.constant 2000 : i32
        %dma_start3A_701 = tpu.memref_slice %arg14[%sub3A_687, %dma_start3A_700] : memref<2x4000xi32, #tpu.memory_space<vmem>> -> memref<1x2000xi32, #tpu.memory_space<vmem>>
        %dma_start3A_702 = tpu.memref_squeeze %dma_start3A_701 : memref<1x2000xi32, #tpu.memory_space<vmem>> -> memref<2000xi32, #tpu.memory_space<vmem>>
        %dma_start3A_703 = tpu.memref_slice %arg5[%mul3A_699] : memref<1024000xi32, #tpu.memory_space<hbm>> -> memref<2000xi32, #tpu.memory_space<hbm>>
        %dma_start3A_704 = arith.constant 2000 : i32
        %dma_start3A_705 = tpu.memref_slice %arg14[%sub3A_687, %dma_start3A_704] : memref<2x4000xi32, #tpu.memory_space<vmem>> -> memref<1x2000xi32, #tpu.memory_space<vmem>>
        %dma_start3A_706 = tpu.memref_squeeze %dma_start3A_705 : memref<1x2000xi32, #tpu.memory_space<vmem>> -> memref<2000xi32, #tpu.memory_space<vmem>>
        %dma_start3A_707 = tpu.memref_slice %arg5[%mul3A_699] : memref<1024000xi32, #tpu.memory_space<hbm>> -> memref<2000xi32, #tpu.memory_space<hbm>>
        tpu.enqueue_dma source(%dma_start3A_707 : memref<2000xi32, #tpu.memory_space<hbm>>) target(%dma_start3A_706 : memref<2000xi32, #tpu.memory_space<vmem>>) target_semaphore(%arg27 : memref<!tpu.dma_semaphore, #tpu.memory_space<semaphore_mem>>)
      } else {
      }
      %mul3A_610 = arith.constant 100 : i32
      %mul3A_611 = arith.muli %scan3A_604, %mul3A_610 : i32
      %add3A_612 = arith.addi %mul3A_387, %mul3A_611 : i32
      %jit3A = arith.constant 50 : i32
      %div3A = arith.divsi %add3A_612, %jit3A : i32
      %sign3A = arith.constant 0 : i32
      %sign3A_613 = arith.cmpi sgt, %add3A_612, %sign3A : i32
      %sign3A_614 = arith.extui %sign3A_613 : i1 to i32
      %sign3A_615 = arith.constant 0 : i32
      %sign3A_616 = arith.cmpi slt, %add3A_612, %sign3A_615 : i32
      %sign3A_617 = arith.extui %sign3A_616 : i1 to i32
      %sign3A_618 = arith.subi %sign3A_614, %sign3A_617 : i32
      %sign3A_619 = arith.constant 0 : i32
      %sign3A_620 = arith.cmpi sgt, %jit3A, %sign3A_619 : i32
      %sign3A_621 = arith.extui %sign3A_620 : i1 to i32
      %sign3A_622 = arith.constant 0 : i32
      %sign3A_623 = arith.cmpi slt, %jit3A, %sign3A_622 : i32
      %sign3A_624 = arith.extui %sign3A_623 : i1 to i32
      %sign3A_625 = arith.subi %sign3A_621, %sign3A_624 : i32
      %ne3A = arith.cmpi ne, %sign3A_618, %sign3A_625 : i32
      %rem3A_626 = arith.remsi %add3A_612, %jit3A : i32
      %ne3A_627 = arith.constant 0 : i32
      %ne3A_628 = arith.cmpi ne, %rem3A_626, %ne3A_627 : i32
      %and3A = arith.andi %ne3A, %ne3A_628 : i1
      %sub3A = arith.constant 1 : i32
      %sub3A_629 = arith.subi %div3A, %sub3A : i32
      %select_n3A = arith.select %and3A, %sub3A_629, %div3A : i32
      %mul3A_630 = arith.constant 56 : i32
      %mul3A_631 = arith.muli %select_n3A, %mul3A_630 : i32
      %dma_start3A_632 = arith.constant 0 : i32
      %dma_start3A_633 = arith.constant 0 : i32
      %dma_start3A_634 = tpu.memref_slice %arg15[%dma_start3A_632, %dma_start3A_633] : memref<80x64xi16, #tpu.memory_space<vmem>> -> memref<80x64xi16, #tpu.memory_space<vmem>>
      %dma_start3A_635 = arith.constant 0 : i32
      %dma_start3A_636 = tpu.memref_slice %arg14[%rem3A_605, %dma_start3A_635] : memref<2x4000xi32, #tpu.memory_space<vmem>> -> memref<1x80xi32, #tpu.memory_space<vmem>>
      %dma_start3A_637 = tpu.memref_squeeze %dma_start3A_636 : memref<1x80xi32, #tpu.memory_space<vmem>> -> memref<80xi32, #tpu.memory_space<vmem>>
      %dma_start3A_638 = arith.constant 0 : i32
      %dma_start3A_639 = arith.constant 0 : i32
      %dma_start3A_640 = tpu.memref_slice %arg2[%dma_start3A_638, %dma_start3A_639] : memref<100000x64xi16, #tpu.memory_space<hbm>> -> memref<100000x64xi16, #tpu.memory_space<hbm>>
      tpu.enqueue_indirect_dma source(%dma_start3A_640 : memref<100000x64xi16, #tpu.memory_space<hbm>>) target(%dma_start3A_634 : memref<80x64xi16, #tpu.memory_space<vmem>>) offsets(%dma_start3A_637 : memref<80xi32, #tpu.memory_space<vmem>>) semaphore(%arg22 : memref<!tpu.dma_semaphore, #tpu.memory_space<semaphore_mem>>)
      %dma_start3A_641 = arith.constant 0 : i32
      %dma_start3A_642 = arith.constant 0 : i32
      %dma_start3A_643 = tpu.memref_slice %arg16[%dma_start3A_641, %dma_start3A_642] : memref<80x64xi16, #tpu.memory_space<vmem>> -> memref<80x64xi16, #tpu.memory_space<vmem>>
      %dma_start3A_644 = arith.constant 80 : i32
      %dma_start3A_645 = tpu.memref_slice %arg14[%rem3A_605, %dma_start3A_644] : memref<2x4000xi32, #tpu.memory_space<vmem>> -> memref<1x80xi32, #tpu.memory_space<vmem>>
      %dma_start3A_646 = tpu.memref_squeeze %dma_start3A_645 : memref<1x80xi32, #tpu.memory_space<vmem>> -> memref<80xi32, #tpu.memory_space<vmem>>
      %dma_start3A_647 = arith.constant 0 : i32
      %dma_start3A_648 = arith.constant 0 : i32
      %dma_start3A_649 = tpu.memref_slice %arg2[%dma_start3A_647, %dma_start3A_648] : memref<100000x64xi16, #tpu.memory_space<hbm>> -> memref<100000x64xi16, #tpu.memory_space<hbm>>
      tpu.enqueue_indirect_dma source(%dma_start3A_649 : memref<100000x64xi16, #tpu.memory_space<hbm>>) target(%dma_start3A_643 : memref<80x64xi16, #tpu.memory_space<vmem>>) offsets(%dma_start3A_646 : memref<80xi32, #tpu.memory_space<vmem>>) semaphore(%arg23 : memref<!tpu.dma_semaphore, #tpu.memory_space<semaphore_mem>>)
      %dma_start3A_650 = arith.constant 0 : i32
      %dma_start3A_651 = arith.constant 0 : i32
      %dma_start3A_652 = tpu.memref_slice %arg17[%dma_start3A_650, %dma_start3A_651] : memref<80x64xi16, #tpu.memory_space<vmem>> -> memref<80x64xi16, #tpu.memory_space<vmem>>
      %dma_start3A_653 = arith.constant 160 : i32
      %dma_start3A_654 = tpu.memref_slice %arg14[%rem3A_605, %dma_start3A_653] : memref<2x4000xi32, #tpu.memory_space<vmem>> -> memref<1x80xi32, #tpu.memory_space<vmem>>
      %dma_start3A_655 = tpu.memref_squeeze %dma_start3A_654 : memref<1x80xi32, #tpu.memory_space<vmem>> -> memref<80xi32, #tpu.memory_space<vmem>>
      %dma_start3A_656 = arith.constant 0 : i32
      %dma_start3A_657 = arith.constant 0 : i32
      %dma_start3A_658 = tpu.memref_slice %arg2[%dma_start3A_656, %dma_start3A_657] : memref<100000x64xi16, #tpu.memory_space<hbm>> -> memref<100000x64xi16, #tpu.memory_space<hbm>>
      tpu.enqueue_indirect_dma source(%dma_start3A_658 : memref<100000x64xi16, #tpu.memory_space<hbm>>) target(%dma_start3A_652 : memref<80x64xi16, #tpu.memory_space<vmem>>) offsets(%dma_start3A_655 : memref<80xi32, #tpu.memory_space<vmem>>) semaphore(%arg24 : memref<!tpu.dma_semaphore, #tpu.memory_space<semaphore_mem>>)
      %dma_start3A_659 = arith.constant 0 : i32
      %dma_start3A_660 = arith.constant 0 : i32
      %dma_start3A_661 = tpu.memref_slice %arg18[%dma_start3A_659, %dma_start3A_660] : memref<80x64xi16, #tpu.memory_space<vmem>> -> memref<80x64xi16, #tpu.memory_space<vmem>>
      %dma_start3A_662 = arith.constant 240 : i32
      %dma_start3A_663 = tpu.memref_slice %arg14[%rem3A_605, %dma_start3A_662] : memref<2x4000xi32, #tpu.memory_space<vmem>> -> memref<1x80xi32, #tpu.memory_space<vmem>>
      %dma_start3A_664 = tpu.memref_squeeze %dma_start3A_663 : memref<1x80xi32, #tpu.memory_space<vmem>> -> memref<80xi32, #tpu.memory_space<vmem>>
      %dma_start3A_665 = arith.constant 0 : i32
      %dma_start3A_666 = arith.constant 0 : i32
      %dma_start3A_667 = tpu.memref_slice %arg2[%dma_start3A_665, %dma_start3A_666] : memref<100000x64xi16, #tpu.memory_space<hbm>> -> memref<100000x64xi16, #tpu.memory_space<hbm>>
      tpu.enqueue_indirect_dma source(%dma_start3A_667 : memref<100000x64xi16, #tpu.memory_space<hbm>>) target(%dma_start3A_661 : memref<80x64xi16, #tpu.memory_space<vmem>>) offsets(%dma_start3A_664 : memref<80xi32, #tpu.memory_space<vmem>>) semaphore(%arg25 : memref<!tpu.dma_semaphore, #tpu.memory_space<semaphore_mem>>)
      %scan3A_668 = arith.constant 0 : i32
      %scan3A_669 = arith.constant 0 : i32
      %scan3A_670 = arith.constant 10 : i32
      %scan3A_671 = arith.addi %scan3A_669, %scan3A_670 : i32
      %scan3A_672 = arith.constant 1 : i32
      scf.for %scan3A_681 = %scan3A_669 to %scan3A_671 step %scan3A_672  : i32 {
        %mul3A_682 = arith.constant 5 : i32
        %mul3A_683 = arith.muli %mul3A_682, %scan3A_681 : i32
        %add3A_684 = arith.constant 0 : i32
        %add3A_685 = arith.addi %mul3A_683, %add3A_684 : i32
        %dma_wait3A_686 = arith.constant 0 : i32
        %dma_wait3A_687 = arith.constant 0 : i32
        %dma_wait3A_688 = arith.constant 0 : i32
        %dma_wait3A_689 = tpu.memref_slice %arg15[%dma_wait3A_687, %dma_wait3A_688] : memref<80x64xi16, #tpu.memory_space<vmem>> -> memref<80x64xi16, #tpu.memory_space<vmem>>
        %dma_wait3A_690 = arith.constant 0 : i32
        %dma_wait3A_691 = tpu.memref_slice %arg14[%dma_wait3A_686, %dma_wait3A_690] : memref<2x4000xi32, #tpu.memory_space<vmem>> -> memref<1x80xi32, #tpu.memory_space<vmem>>
        %dma_wait3A_692 = tpu.memref_squeeze %dma_wait3A_691 : memref<1x80xi32, #tpu.memory_space<vmem>> -> memref<80xi32, #tpu.memory_space<vmem>>
        %dma_wait3A_693 = arith.constant 0 : i32
        %dma_wait3A_694 = arith.constant 0 : i32
        %dma_wait3A_695 = tpu.memref_slice %arg2[%dma_wait3A_693, %dma_wait3A_694] : memref<100000x64xi16, #tpu.memory_space<hbm>> -> memref<100000x64xi16, #tpu.memory_space<hbm>>
        tpu.wait_indirect_dma semaphore(%arg22 : memref<!tpu.dma_semaphore, #tpu.memory_space<semaphore_mem>>) src(%dma_wait3A_695 : memref<100000x64xi16, #tpu.memory_space<hbm>>) dst(%dma_wait3A_689 : memref<80x64xi16, #tpu.memory_space<vmem>>)
        %jit3A_696 = arith.constant 25 : i32
        %div3A_697 = arith.divsi %add3A_685, %jit3A_696 : i32
        %sign3A_698 = arith.constant 0 : i32
        %sign3A_699 = arith.cmpi sgt, %add3A_685, %sign3A_698 : i32
        %sign3A_700 = arith.extui %sign3A_699 : i1 to i32
        %sign3A_701 = arith.constant 0 : i32
        %sign3A_702 = arith.cmpi slt, %add3A_685, %sign3A_701 : i32
        %sign3A_703 = arith.extui %sign3A_702 : i1 to i32
        %sign3A_704 = arith.subi %sign3A_700, %sign3A_703 : i32
        %sign3A_705 = arith.constant 0 : i32
        %sign3A_706 = arith.cmpi sgt, %jit3A_696, %sign3A_705 : i32
        %sign3A_707 = arith.extui %sign3A_706 : i1 to i32
        %sign3A_708 = arith.constant 0 : i32
        %sign3A_709 = arith.cmpi slt, %jit3A_696, %sign3A_708 : i32
        %sign3A_710 = arith.extui %sign3A_709 : i1 to i32
        %sign3A_711 = arith.subi %sign3A_707, %sign3A_710 : i32
        %ne3A_712 = arith.cmpi ne, %sign3A_704, %sign3A_711 : i32
        %rem3A_713 = arith.remsi %add3A_685, %jit3A_696 : i32
        %ne3A_714 = arith.constant 0 : i32
        %ne3A_715 = arith.cmpi ne, %rem3A_713, %ne3A_714 : i32
        %and3A_716 = arith.andi %ne3A_712, %ne3A_715 : i1
        %sub3A_717 = arith.constant 1 : i32
        %sub3A_718 = arith.subi %div3A_697, %sub3A_717 : i32
        %select_n3A_719 = arith.select %and3A_716, %sub3A_718, %div3A_697 : i32
        %jit3A_720 = arith.constant 25 : i32
        %eq3A = arith.constant 0 : i32
        %eq3A_721 = arith.cmpi eq, %jit3A_720, %eq3A : i32
        %jit3A_722 = arith.constant 1 : i32
        %select_n3A_723 = arith.select %eq3A_721, %jit3A_722, %jit3A_720 : i32
        %rem3A_724 = arith.remsi %add3A_685, %select_n3A_723 : i32
        %ne3A_725 = arith.constant 0 : i32
        %ne3A_726 = arith.cmpi ne, %rem3A_724, %ne3A_725 : i32
        %lt3A_727 = arith.constant 0 : i32
        %lt3A_728 = arith.cmpi slt, %rem3A_724, %lt3A_727 : i32
        %lt3A_729 = arith.constant 0 : i32
        %lt3A_730 = arith.cmpi slt, %select_n3A_723, %lt3A_729 : i32
        %ne3A_731 = arith.xori %lt3A_728, %lt3A_730 : i1
        %and3A_732 = arith.andi %ne3A_731, %ne3A_726 : i1
        %add3A_733 = arith.addi %rem3A_724, %select_n3A_723 : i32
        %select_n3A_734 = arith.select %and3A_732, %add3A_733, %rem3A_724 : i32
        %mul3A_735 = arith.constant 4 : i32
        %mul3A_736 = arith.muli %mul3A_735, %select_n3A_734 : i32
        %mul3A_737 = arith.constant 64 : i32
        %mul3A_738 = arith.muli %mul3A_737, %select_n3A_719 : i32
        %scan3A_739 = arith.constant 0 : i32
        %scan3A_740 = arith.constant 0 : i32
        %scan3A_741 = arith.constant 4 : i32
        %scan3A_742 = arith.addi %scan3A_740, %scan3A_741 : i32
        %scan3A_743 = arith.constant 1 : i32
        scf.for %scan3A_1038 = %scan3A_740 to %scan3A_742 step %scan3A_743  : i32 {
          %broadcast_in_dim3A_1039 = arith.constant 0 : i32
          %broadcast_in_dim3A_1040 = vector.broadcast %broadcast_in_dim3A_1039 : i32 to vector<16xi32>
          %scan3A_1041 = arith.constant 0 : i32
          %scan3A_1042 = arith.constant 5 : i32
          %scan3A_1043 = arith.addi %scan3A_1041, %scan3A_1042 : i32
          %scan3A_1044 = arith.constant 1 : i32
          %scan3A_1045:4 = scf.for %scan3A_1105 = %scan3A_1041 to %scan3A_1043 step %scan3A_1044 iter_args(%scan3A_1106 = %broadcast_in_dim3A_1040, %scan3A_1107 = %broadcast_in_dim3A_1040, %scan3A_1108 = %broadcast_in_dim3A_1040, %scan3A_1109 = %broadcast_in_dim3A_1040) -> (vector<16xi32>, vector<16xi32>, vector<16xi32>, vector<16xi32>)  : i32 {
            %mul3A_1110 = arith.constant 20 : i32
            %mul3A_1111 = arith.muli %scan3A_1038, %mul3A_1110 : i32
            %mul3A_1112 = arith.constant 4 : i32
            %mul3A_1113 = arith.muli %mul3A_1112, %scan3A_1105 : i32
            %add3A_1114 = arith.addi %mul3A_1111, %mul3A_1113 : i32
            %add3A_1115 = arith.constant 0 : i32
            %add3A_1116 = arith.addi %add3A_1114, %add3A_1115 : i32
            %get3A_1117 = arith.index_cast %add3A_1116 : i32 to index
            %get3A_1118 = arith.constant 0 : index
            %get3A_1119 = tpu.vector_load %arg15[%get3A_1117, %get3A_1118] {strides = array<i32>} : memref<80x64xi16, #tpu.memory_space<vmem>>, vector<32xi16>,
            %unpack3A = tpu.unpack_subelements %get3A_1119, 0 {pack_format = #tpu.pack_format<interleaved>} : vector<32xi16> -> vector<16xi32>
            %unpack3A_1120 = tpu.unpack_subelements %get3A_1119, 1 {pack_format = #tpu.pack_format<interleaved>} : vector<32xi16> -> vector<16xi32>
            %add3A_1121 = arith.addi %scan3A_1106, %unpack3A : vector<16xi32>
            %add3A_1122 = arith.addi %scan3A_1107, %unpack3A_1120 : vector<16xi32>
            %mul3A_1123 = arith.constant 20 : i32
            %mul3A_1124 = arith.muli %scan3A_1038, %mul3A_1123 : i32
            %mul3A_1125 = arith.constant 4 : i32
            %mul3A_1126 = arith.muli %mul3A_1125, %scan3A_1105 : i32
            %add3A_1127 = arith.addi %mul3A_1124, %mul3A_1126 : i32
            %add3A_1128 = arith.constant 0 : i32
            %add3A_1129 = arith.addi %add3A_1127, %add3A_1128 : i32
            %get3A_1130 = arith.index_cast %add3A_1129 : i32 to index
            %get3A_1131 = arith.constant 32 : index
            %get3A_1132 = tpu.vector_load %arg15[%get3A_1130, %get3A_1131] {strides = array<i32>} : memref<80x64xi16, #tpu.memory_space<vmem>>, vector<32xi16>,
            %unpack3A_1133 = tpu.unpack_subelements %get3A_1132, 0 {pack_format = #tpu.pack_format<interleaved>} : vector<32xi16> -> vector<16xi32>
            %unpack3A_1134 = tpu.unpack_subelements %get3A_1132, 1 {pack_format = #tpu.pack_format<interleaved>} : vector<32xi16> -> vector<16xi32>
            %add3A_1135 = arith.addi %scan3A_1108, %unpack3A_1133 : vector<16xi32>
            %add3A_1136 = arith.addi %scan3A_1109, %unpack3A_1134 : vector<16xi32>
            %mul3A_1137 = arith.constant 20 : i32
            %mul3A_1138 = arith.muli %scan3A_1038, %mul3A_1137 : i32
            %mul3A_1139 = arith.constant 4 : i32
            %mul3A_1140 = arith.muli %mul3A_1139, %scan3A_1105 : i32
            %add3A_1141 = arith.addi %mul3A_1138, %mul3A_1140 : i32
            %add3A_1142 = arith.constant 1 : i32
            %add3A_1143 = arith.addi %add3A_1141, %add3A_1142 : i32
            %get3A_1144 = arith.index_cast %add3A_1143 : i32 to index
            %get3A_1145 = arith.constant 0 : index
            %get3A_1146 = tpu.vector_load %arg15[%get3A_1144, %get3A_1145] {strides = array<i32>} : memref<80x64xi16, #tpu.memory_space<vmem>>, vector<32xi16>,
            %unpack3A_1147 = tpu.unpack_subelements %get3A_1146, 0 {pack_format = #tpu.pack_format<interleaved>} : vector<32xi16> -> vector<16xi32>
            %unpack3A_1148 = tpu.unpack_subelements %get3A_1146, 1 {pack_format = #tpu.pack_format<interleaved>} : vector<32xi16> -> vector<16xi32>
            %add3A_1149 = arith.addi %add3A_1121, %unpack3A_1147 : vector<16xi32>
            %add3A_1150 = arith.addi %add3A_1122, %unpack3A_1148 : vector<16xi32>
            %mul3A_1151 = arith.constant 20 : i32
            %mul3A_1152 = arith.muli %scan3A_1038, %mul3A_1151 : i32
            %mul3A_1153 = arith.constant 4 : i32
            %mul3A_1154 = arith.muli %mul3A_1153, %scan3A_1105 : i32
            %add3A_1155 = arith.addi %mul3A_1152, %mul3A_1154 : i32
            %add3A_1156 = arith.constant 1 : i32
            %add3A_1157 = arith.addi %add3A_1155, %add3A_1156 : i32
            %get3A_1158 = arith.index_cast %add3A_1157 : i32 to index
            %get3A_1159 = arith.constant 32 : index
            %get3A_1160 = tpu.vector_load %arg15[%get3A_1158, %get3A_1159] {strides = array<i32>} : memref<80x64xi16, #tpu.memory_space<vmem>>, vector<32xi16>,
            %unpack3A_1161 = tpu.unpack_subelements %get3A_1160, 0 {pack_format = #tpu.pack_format<interleaved>} : vector<32xi16> -> vector<16xi32>
            %unpack3A_1162 = tpu.unpack_subelements %get3A_1160, 1 {pack_format = #tpu.pack_format<interleaved>} : vector<32xi16> -> vector<16xi32>
            %add3A_1163 = arith.addi %add3A_1135, %unpack3A_1161 : vector<16xi32>
            %add3A_1164 = arith.addi %add3A_1136, %unpack3A_1162 : vector<16xi32>
            %mul3A_1165 = arith.constant 20 : i32
            %mul3A_1166 = arith.muli %scan3A_1038, %mul3A_1165 : i32
            %mul3A_1167 = arith.constant 4 : i32
            %mul3A_1168 = arith.muli %mul3A_1167, %scan3A_1105 : i32
            %add3A_1169 = arith.addi %mul3A_1166, %mul3A_1168 : i32
            %add3A_1170 = arith.constant 2 : i32
            %add3A_1171 = arith.addi %add3A_1169, %add3A_1170 : i32
            %get3A_1172 = arith.index_cast %add3A_1171 : i32 to index
            %get3A_1173 = arith.constant 0 : index
            %get3A_1174 = tpu.vector_load %arg15[%get3A_1172, %get3A_1173] {strides = array<i32>} : memref<80x64xi16, #tpu.memory_space<vmem>>, vector<32xi16>,
            %unpack3A_1175 = tpu.unpack_subelements %get3A_1174, 0 {pack_format = #tpu.pack_format<interleaved>} : vector<32xi16> -> vector<16xi32>
            %unpack3A_1176 = tpu.unpack_subelements %get3A_1174, 1 {pack_format = #tpu.pack_format<interleaved>} : vector<32xi16> -> vector<16xi32>
            %add3A_1177 = arith.addi %add3A_1149, %unpack3A_1175 : vector<16xi32>
            %add3A_1178 = arith.addi %add3A_1150, %unpack3A_1176 : vector<16xi32>
            %mul3A_1179 = arith.constant 20 : i32
            %mul3A_1180 = arith.muli %scan3A_1038, %mul3A_1179 : i32
            %mul3A_1181 = arith.constant 4 : i32
            %mul3A_1182 = arith.muli %mul3A_1181, %scan3A_1105 : i32
            %add3A_1183 = arith.addi %mul3A_1180, %mul3A_1182 : i32
            %add3A_1184 = arith.constant 2 : i32
            %add3A_1185 = arith.addi %add3A_1183, %add3A_1184 : i32
            %get3A_1186 = arith.index_cast %add3A_1185 : i32 to index
            %get3A_1187 = arith.constant 32 : index
            %get3A_1188 = tpu.vector_load %arg15[%get3A_1186, %get3A_1187] {strides = array<i32>} : memref<80x64xi16, #tpu.memory_space<vmem>>, vector<32xi16>,
            %unpack3A_1189 = tpu.unpack_subelements %get3A_1188, 0 {pack_format = #tpu.pack_format<interleaved>} : vector<32xi16> -> vector<16xi32>
            %unpack3A_1190 = tpu.unpack_subelements %get3A_1188, 1 {pack_format = #tpu.pack_format<interleaved>} : vector<32xi16> -> vector<16xi32>
            %add3A_1191 = arith.addi %add3A_1163, %unpack3A_1189 : vector<16xi32>
            %add3A_1192 = arith.addi %add3A_1164, %unpack3A_1190 : vector<16xi32>
            %mul3A_1193 = arith.constant 20 : i32
            %mul3A_1194 = arith.muli %scan3A_1038, %mul3A_1193 : i32
            %mul3A_1195 = arith.constant 4 : i32
            %mul3A_1196 = arith.muli %mul3A_1195, %scan3A_1105 : i32
            %add3A_1197 = arith.addi %mul3A_1194, %mul3A_1196 : i32
            %add3A_1198 = arith.constant 3 : i32
            %add3A_1199 = arith.addi %add3A_1197, %add3A_1198 : i32
            %get3A_1200 = arith.index_cast %add3A_1199 : i32 to index
            %get3A_1201 = arith.constant 0 : index
            %get3A_1202 = tpu.vector_load %arg15[%get3A_1200, %get3A_1201] {strides = array<i32>} : memref<80x64xi16, #tpu.memory_space<vmem>>, vector<32xi16>,
            %unpack3A_1203 = tpu.unpack_subelements %get3A_1202, 0 {pack_format = #tpu.pack_format<interleaved>} : vector<32xi16> -> vector<16xi32>
            %unpack3A_1204 = tpu.unpack_subelements %get3A_1202, 1 {pack_format = #tpu.pack_format<interleaved>} : vector<32xi16> -> vector<16xi32>
            %add3A_1205 = arith.addi %add3A_1177, %unpack3A_1203 : vector<16xi32>
            %add3A_1206 = arith.addi %add3A_1178, %unpack3A_1204 : vector<16xi32>
            %mul3A_1207 = arith.constant 20 : i32
            %mul3A_1208 = arith.muli %scan3A_1038, %mul3A_1207 : i32
            %mul3A_1209 = arith.constant 4 : i32
            %mul3A_1210 = arith.muli %mul3A_1209, %scan3A_1105 : i32
            %add3A_1211 = arith.addi %mul3A_1208, %mul3A_1210 : i32
            %add3A_1212 = arith.constant 3 : i32
            %add3A_1213 = arith.addi %add3A_1211, %add3A_1212 : i32
            %get3A_1214 = arith.index_cast %add3A_1213 : i32 to index
            %get3A_1215 = arith.constant 32 : index
            %get3A_1216 = tpu.vector_load %arg15[%get3A_1214, %get3A_1215] {strides = array<i32>} : memref<80x64xi16, #tpu.memory_space<vmem>>, vector<32xi16>,
            %unpack3A_1217 = tpu.unpack_subelements %get3A_1216, 0 {pack_format = #tpu.pack_format<interleaved>} : vector<32xi16> -> vector<16xi32>
            %unpack3A_1218 = tpu.unpack_subelements %get3A_1216, 1 {pack_format = #tpu.pack_format<interleaved>} : vector<32xi16> -> vector<16xi32>
            %add3A_1219 = arith.addi %add3A_1191, %unpack3A_1217 : vector<16xi32>
            %add3A_1220 = arith.addi %add3A_1192, %unpack3A_1218 : vector<16xi32>
            scf.yield %add3A_1205, %add3A_1206, %add3A_1219, %add3A_1220 : vector<16xi32>, vector<16xi32>, vector<16xi32>, vector<16xi32>
          }
          %scan3A_1046 = arith.constant 5 : i32
          %add3A_1047 = arith.addi %mul3A_736, %scan3A_1038 : i32
          %jit3A_1048 = arith.constant 50 : i32
          %div3A_1049 = arith.divsi %add3A_1047, %jit3A_1048 : i32
          %sign3A_1050 = arith.constant 0 : i32
          %sign3A_1051 = arith.cmpi sgt, %add3A_1047, %sign3A_1050 : i32
          %sign3A_1052 = arith.extui %sign3A_1051 : i1 to i32
          %sign3A_1053 = arith.constant 0 : i32
          %sign3A_1054 = arith.cmpi slt, %add3A_1047, %sign3A_1053 : i32
          %sign3A_1055 = arith.extui %sign3A_1054 : i1 to i32
          %sign3A_1056 = arith.subi %sign3A_1052, %sign3A_1055 : i32
          %sign3A_1057 = arith.constant 0 : i32
          %sign3A_1058 = arith.cmpi sgt, %jit3A_1048, %sign3A_1057 : i32
          %sign3A_1059 = arith.extui %sign3A_1058 : i1 to i32
          %sign3A_1060 = arith.constant 0 : i32
          %sign3A_1061 = arith.cmpi slt, %jit3A_1048, %sign3A_1060 : i32
          %sign3A_1062 = arith.extui %sign3A_1061 : i1 to i32
          %sign3A_1063 = arith.subi %sign3A_1059, %sign3A_1062 : i32
          %ne3A_1064 = arith.cmpi ne, %sign3A_1056, %sign3A_1063 : i32
          %rem3A_1065 = arith.remsi %add3A_1047, %jit3A_1048 : i32
          %ne3A_1066 = arith.constant 0 : i32
          %ne3A_1067 = arith.cmpi ne, %rem3A_1065, %ne3A_1066 : i32
          %and3A_1068 = arith.andi %ne3A_1064, %ne3A_1067 : i1
          %sub3A_1069 = arith.constant 1 : i32
          %sub3A_1070 = arith.subi %div3A_1049, %sub3A_1069 : i32
          %select_n3A_1071 = arith.select %and3A_1068, %sub3A_1070, %div3A_1049 : i32
          %mul3A_1072 = arith.constant 56 : i32
          %mul3A_1073 = arith.muli %select_n3A_1071, %mul3A_1072 : i32
          %rem3A_1074 = arith.constant 50 : i32
          %rem3A_1075 = arith.remsi %add3A_1047, %rem3A_1074 : i32
          %add3A_1076 = arith.addi %mul3A_1073, %rem3A_1075 : i32
          %convert_element_type3A_1077 = arith.sitofp %scan3A_1045#0 : vector<16xi32> to vector<16xf32>
          %mul3A_1078 = arith.mulf %convert_element_type3A_1077, %get3A_1 : vector<16xf32>
          %add3A_1079 = arith.constant 0 : i32
          %add3A_1080 = arith.addi %mul3A_738, %add3A_1079 : i32
          %swap3A_1081 = arith.index_cast %add3A_1076 : i32 to index
          %swap3A_1082 = arith.index_cast %add3A_1080 : i32 to index
          %swap3A_1083 = tpu.vector_load %arg20[%swap3A_1081, %swap3A_1082] {strides = array<i32>} : memref<112x128xf32, #tpu.memory_space<vmem>>, vector<16xf32>,
          tpu.vector_store %arg20[%swap3A_1081, %swap3A_1082], %mul3A_1078 {strides = array<i32>} : memref<112x128xf32, #tpu.memory_space<vmem>>, vector<16xf32>,
          %convert_element_type3A_1084 = arith.sitofp %scan3A_1045#1 : vector<16xi32> to vector<16xf32>
          %mul3A_1085 = arith.mulf %convert_element_type3A_1084, %get3A_1 : vector<16xf32>
          %add3A_1086 = arith.constant 16 : i32
          %add3A_1087 = arith.addi %mul3A_738, %add3A_1086 : i32
          %swap3A_1088 = arith.index_cast %add3A_1076 : i32 to index
          %swap3A_1089 = arith.index_cast %add3A_1087 : i32 to index
          %swap3A_1090 = tpu.vector_load %arg20[%swap3A_1088, %swap3A_1089] {strides = array<i32>} : memref<112x128xf32, #tpu.memory_space<vmem>>, vector<16xf32>,
          tpu.vector_store %arg20[%swap3A_1088, %swap3A_1089], %mul3A_1085 {strides = array<i32>} : memref<112x128xf32, #tpu.memory_space<vmem>>, vector<16xf32>,
          %convert_element_type3A_1091 = arith.sitofp %scan3A_1045#2 : vector<16xi32> to vector<16xf32>
          %mul3A_1092 = arith.mulf %convert_element_type3A_1091, %get3A_1 : vector<16xf32>
          %add3A_1093 = arith.constant 32 : i32
          %add3A_1094 = arith.addi %mul3A_738, %add3A_1093 : i32
          %swap3A_1095 = arith.index_cast %add3A_1076 : i32 to index
          %swap3A_1096 = arith.index_cast %add3A_1094 : i32 to index
          %swap3A_1097 = tpu.vector_load %arg20[%swap3A_1095, %swap3A_1096] {strides = array<i32>} : memref<112x128xf32, #tpu.memory_space<vmem>>, vector<16xf32>,
          tpu.vector_store %arg20[%swap3A_1095, %swap3A_1096], %mul3A_1092 {strides = array<i32>} : memref<112x128xf32, #tpu.memory_space<vmem>>, vector<16xf32>,
          %convert_element_type3A_1098 = arith.sitofp %scan3A_1045#3 : vector<16xi32> to vector<16xf32>
          %mul3A_1099 = arith.mulf %convert_element_type3A_1098, %get3A_1 : vector<16xf32>
          %add3A_1100 = arith.constant 48 : i32
          %add3A_1101 = arith.addi %mul3A_738, %add3A_1100 : i32
          %swap3A_1102 = arith.index_cast %add3A_1076 : i32 to index
          %swap3A_1103 = arith.index_cast %add3A_1101 : i32 to index
          %swap3A_1104 = tpu.vector_load %arg20[%swap3A_1102, %swap3A_1103] {strides = array<i32>} : memref<112x128xf32, #tpu.memory_space<vmem>>, vector<16xf32>,
          tpu.vector_store %arg20[%swap3A_1102, %swap3A_1103], %mul3A_1099 {strides = array<i32>} : memref<112x128xf32, #tpu.memory_space<vmem>>, vector<16xf32>,
        }
        %scan3A_744 = arith.constant 4 : i32
        %add3A_745 = arith.constant 5 : i32
        %add3A_746 = arith.addi %add3A_685, %add3A_745 : i32
        %sub3A_747 = arith.constant 1 : i32
        %sub3A_748 = arith.subi %add3A_746, %sub3A_747 : i32
        %lt3A_749 = arith.constant 50 : i32
        %lt3A_750 = arith.cmpi slt, %sub3A_748, %lt3A_749 : i32
        %convert_element_type3A_751 = arith.extui %lt3A_750 : i1 to i32
        %cond3A_752 = arith.constant 0 : i32
        %cond3A_753 = arith.cmpi ne, %convert_element_type3A_751, %cond3A_752 : i32
        scf.if %cond3A_753 {
          %mul3A_1038 = arith.constant 80 : i32
          %mul3A_1039 = arith.muli %sub3A_748, %mul3A_1038 : i32
          %dma_start3A_1040 = arith.constant 0 : i32
          %dma_start3A_1041 = arith.constant 0 : i32
          %dma_start3A_1042 = tpu.memref_slice %arg19[%dma_start3A_1040, %dma_start3A_1041] : memref<80x64xi16, #tpu.memory_space<vmem>> -> memref<80x64xi16, #tpu.memory_space<vmem>>
          %dma_start3A_1043 = tpu.memref_slice %arg14[%rem3A_605, %mul3A_1039] : memref<2x4000xi32, #tpu.memory_space<vmem>> -> memref<1x80xi32, #tpu.memory_space<vmem>>
          %dma_start3A_1044 = tpu.memref_squeeze %dma_start3A_1043 : memref<1x80xi32, #tpu.memory_space<vmem>> -> memref<80xi32, #tpu.memory_space<vmem>>
          %dma_start3A_1045 = arith.constant 0 : i32
          %dma_start3A_1046 = arith.constant 0 : i32
          %dma_start3A_1047 = tpu.memref_slice %arg2[%dma_start3A_1045, %dma_start3A_1046] : memref<100000x64xi16, #tpu.memory_space<hbm>> -> memref<100000x64xi16, #tpu.memory_space<hbm>>
          tpu.enqueue_indirect_dma source(%dma_start3A_1047 : memref<100000x64xi16, #tpu.memory_space<hbm>>) target(%dma_start3A_1042 : memref<80x64xi16, #tpu.memory_space<vmem>>) offsets(%dma_start3A_1044 : memref<80xi32, #tpu.memory_space<vmem>>) semaphore(%arg26 : memref<!tpu.dma_semaphore, #tpu.memory_space<semaphore_mem>>)
        } else {
        }
        %add3A_754 = arith.constant 1 : i32
        %add3A_755 = arith.addi %mul3A_683, %add3A_754 : i32
        %dma_wait3A_756 = arith.constant 0 : i32
        %dma_wait3A_757 = arith.constant 0 : i32
        %dma_wait3A_758 = arith.constant 0 : i32
        %dma_wait3A_759 = tpu.memref_slice %arg16[%dma_wait3A_757, %dma_wait3A_758] : memref<80x64xi16, #tpu.memory_space<vmem>> -> memref<80x64xi16, #tpu.memory_space<vmem>>
        %dma_wait3A_760 = arith.constant 0 : i32
        %dma_wait3A_761 = tpu.memref_slice %arg14[%dma_wait3A_756, %dma_wait3A_760] : memref<2x4000xi32, #tpu.memory_space<vmem>> -> memref<1x80xi32, #tpu.memory_space<vmem>>
        %dma_wait3A_762 = tpu.memref_squeeze %dma_wait3A_761 : memref<1x80xi32, #tpu.memory_space<vmem>> -> memref<80xi32, #tpu.memory_space<vmem>>
        %dma_wait3A_763 = arith.constant 0 : i32
        %dma_wait3A_764 = arith.constant 0 : i32
        %dma_wait3A_765 = tpu.memref_slice %arg2[%dma_wait3A_763, %dma_wait3A_764] : memref<100000x64xi16, #tpu.memory_space<hbm>> -> memref<100000x64xi16, #tpu.memory_space<hbm>>
        tpu.wait_indirect_dma semaphore(%arg23 : memref<!tpu.dma_semaphore, #tpu.memory_space<semaphore_mem>>) src(%dma_wait3A_765 : memref<100000x64xi16, #tpu.memory_space<hbm>>) dst(%dma_wait3A_759 : memref<80x64xi16, #tpu.memory_space<vmem>>)
        %jit3A_766 = arith.constant 25 : i32
        %div3A_767 = arith.divsi %add3A_755, %jit3A_766 : i32
        %sign3A_768 = arith.constant 0 : i32
        %sign3A_769 = arith.cmpi sgt, %add3A_755, %sign3A_768 : i32
        %sign3A_770 = arith.extui %sign3A_769 : i1 to i32
        %sign3A_771 = arith.constant 0 : i32
        %sign3A_772 = arith.cmpi slt, %add3A_755, %sign3A_771 : i32
        %sign3A_773 = arith.extui %sign3A_772 : i1 to i32
        %sign3A_774 = arith.subi %sign3A_770, %sign3A_773 : i32
        %sign3A_775 = arith.constant 0 : i32
        %sign3A_776 = arith.cmpi sgt, %jit3A_766, %sign3A_775 : i32
        %sign3A_777 = arith.extui %sign3A_776 : i1 to i32
        %sign3A_778 = arith.constant 0 : i32
        %sign3A_779 = arith.cmpi slt, %jit3A_766, %sign3A_778 : i32
        %sign3A_780 = arith.extui %sign3A_779 : i1 to i32
        %sign3A_781 = arith.subi %sign3A_777, %sign3A_780 : i32
        %ne3A_782 = arith.cmpi ne, %sign3A_774, %sign3A_781 : i32
        %rem3A_783 = arith.remsi %add3A_755, %jit3A_766 : i32
        %ne3A_784 = arith.constant 0 : i32
        %ne3A_785 = arith.cmpi ne, %rem3A_783, %ne3A_784 : i32
        %and3A_786 = arith.andi %ne3A_782, %ne3A_785 : i1
        %sub3A_787 = arith.constant 1 : i32
        %sub3A_788 = arith.subi %div3A_767, %sub3A_787 : i32
        %select_n3A_789 = arith.select %and3A_786, %sub3A_788, %div3A_767 : i32
        %jit3A_790 = arith.constant 25 : i32
        %eq3A_791 = arith.constant 0 : i32
        %eq3A_792 = arith.cmpi eq, %jit3A_790, %eq3A_791 : i32
        %jit3A_793 = arith.constant 1 : i32
        %select_n3A_794 = arith.select %eq3A_792, %jit3A_793, %jit3A_790 : i32
        %rem3A_795 = arith.remsi %add3A_755, %select_n3A_794 : i32
        %ne3A_796 = arith.constant 0 : i32
        %ne3A_797 = arith.cmpi ne, %rem3A_795, %ne3A_796 : i32
        %lt3A_798 = arith.constant 0 : i32
        %lt3A_799 = arith.cmpi slt, %rem3A_795, %lt3A_798 : i32
        %lt3A_800 = arith.constant 0 : i32
        %lt3A_801 = arith.cmpi slt, %select_n3A_794, %lt3A_800 : i32
        %ne3A_802 = arith.xori %lt3A_799, %lt3A_801 : i1
        %and3A_803 = arith.andi %ne3A_802, %ne3A_797 : i1
        %add3A_804 = arith.addi %rem3A_795, %select_n3A_794 : i32
        %select_n3A_805 = arith.select %and3A_803, %add3A_804, %rem3A_795 : i32
        %mul3A_806 = arith.constant 4 : i32
        %mul3A_807 = arith.muli %mul3A_806, %select_n3A_805 : i32
        %mul3A_808 = arith.constant 64 : i32
        %mul3A_809 = arith.muli %mul3A_808, %select_n3A_789 : i32
        %scan3A_810 = arith.constant 0 : i32
        %scan3A_811 = arith.constant 0 : i32
        %scan3A_812 = arith.constant 4 : i32
        %scan3A_813 = arith.addi %scan3A_811, %scan3A_812 : i32
        %scan3A_814 = arith.constant 1 : i32
        scf.for %scan3A_1038 = %scan3A_811 to %scan3A_813 step %scan3A_814  : i32 {
          %broadcast_in_dim3A_1039 = arith.constant 0 : i32
          %broadcast_in_dim3A_1040 = vector.broadcast %broadcast_in_dim3A_1039 : i32 to vector<16xi32>
          %scan3A_1041 = arith.constant 0 : i32
          %scan3A_1042 = arith.constant 5 : i32
          %scan3A_1043 = arith.addi %scan3A_1041, %scan3A_1042 : i32
          %scan3A_1044 = arith.constant 1 : i32
          %scan3A_1045:4 = scf.for %scan3A_1105 = %scan3A_1041 to %scan3A_1043 step %scan3A_1044 iter_args(%scan3A_1106 = %broadcast_in_dim3A_1040, %scan3A_1107 = %broadcast_in_dim3A_1040, %scan3A_1108 = %broadcast_in_dim3A_1040, %scan3A_1109 = %broadcast_in_dim3A_1040) -> (vector<16xi32>, vector<16xi32>, vector<16xi32>, vector<16xi32>)  : i32 {
            %mul3A_1110 = arith.constant 20 : i32
            %mul3A_1111 = arith.muli %scan3A_1038, %mul3A_1110 : i32
            %mul3A_1112 = arith.constant 4 : i32
            %mul3A_1113 = arith.muli %mul3A_1112, %scan3A_1105 : i32
            %add3A_1114 = arith.addi %mul3A_1111, %mul3A_1113 : i32
            %add3A_1115 = arith.constant 0 : i32
            %add3A_1116 = arith.addi %add3A_1114, %add3A_1115 : i32
            %get3A_1117 = arith.index_cast %add3A_1116 : i32 to index
            %get3A_1118 = arith.constant 0 : index
            %get3A_1119 = tpu.vector_load %arg16[%get3A_1117, %get3A_1118] {strides = array<i32>} : memref<80x64xi16, #tpu.memory_space<vmem>>, vector<32xi16>,
            %unpack3A = tpu.unpack_subelements %get3A_1119, 0 {pack_format = #tpu.pack_format<interleaved>} : vector<32xi16> -> vector<16xi32>
            %unpack3A_1120 = tpu.unpack_subelements %get3A_1119, 1 {pack_format = #tpu.pack_format<interleaved>} : vector<32xi16> -> vector<16xi32>
            %add3A_1121 = arith.addi %scan3A_1106, %unpack3A : vector<16xi32>
            %add3A_1122 = arith.addi %scan3A_1107, %unpack3A_1120 : vector<16xi32>
            %mul3A_1123 = arith.constant 20 : i32
            %mul3A_1124 = arith.muli %scan3A_1038, %mul3A_1123 : i32
            %mul3A_1125 = arith.constant 4 : i32
            %mul3A_1126 = arith.muli %mul3A_1125, %scan3A_1105 : i32
            %add3A_1127 = arith.addi %mul3A_1124, %mul3A_1126 : i32
            %add3A_1128 = arith.constant 0 : i32
            %add3A_1129 = arith.addi %add3A_1127, %add3A_1128 : i32
            %get3A_1130 = arith.index_cast %add3A_1129 : i32 to index
            %get3A_1131 = arith.constant 32 : index
            %get3A_1132 = tpu.vector_load %arg16[%get3A_1130, %get3A_1131] {strides = array<i32>} : memref<80x64xi16, #tpu.memory_space<vmem>>, vector<32xi16>,
            %unpack3A_1133 = tpu.unpack_subelements %get3A_1132, 0 {pack_format = #tpu.pack_format<interleaved>} : vector<32xi16> -> vector<16xi32>
            %unpack3A_1134 = tpu.unpack_subelements %get3A_1132, 1 {pack_format = #tpu.pack_format<interleaved>} : vector<32xi16> -> vector<16xi32>
            %add3A_1135 = arith.addi %scan3A_1108, %unpack3A_1133 : vector<16xi32>
            %add3A_1136 = arith.addi %scan3A_1109, %unpack3A_1134 : vector<16xi32>
            %mul3A_1137 = arith.constant 20 : i32
            %mul3A_1138 = arith.muli %scan3A_1038, %mul3A_1137 : i32
            %mul3A_1139 = arith.constant 4 : i32
            %mul3A_1140 = arith.muli %mul3A_1139, %scan3A_1105 : i32
            %add3A_1141 = arith.addi %mul3A_1138, %mul3A_1140 : i32
            %add3A_1142 = arith.constant 1 : i32
            %add3A_1143 = arith.addi %add3A_1141, %add3A_1142 : i32
            %get3A_1144 = arith.index_cast %add3A_1143 : i32 to index
            %get3A_1145 = arith.constant 0 : index
            %get3A_1146 = tpu.vector_load %arg16[%get3A_1144, %get3A_1145] {strides = array<i32>} : memref<80x64xi16, #tpu.memory_space<vmem>>, vector<32xi16>,
            %unpack3A_1147 = tpu.unpack_subelements %get3A_1146, 0 {pack_format = #tpu.pack_format<interleaved>} : vector<32xi16> -> vector<16xi32>
            %unpack3A_1148 = tpu.unpack_subelements %get3A_1146, 1 {pack_format = #tpu.pack_format<interleaved>} : vector<32xi16> -> vector<16xi32>
            %add3A_1149 = arith.addi %add3A_1121, %unpack3A_1147 : vector<16xi32>
            %add3A_1150 = arith.addi %add3A_1122, %unpack3A_1148 : vector<16xi32>
            %mul3A_1151 = arith.constant 20 : i32
            %mul3A_1152 = arith.muli %scan3A_1038, %mul3A_1151 : i32
            %mul3A_1153 = arith.constant 4 : i32
            %mul3A_1154 = arith.muli %mul3A_1153, %scan3A_1105 : i32
            %add3A_1155 = arith.addi %mul3A_1152, %mul3A_1154 : i32
            %add3A_1156 = arith.constant 1 : i32
            %add3A_1157 = arith.addi %add3A_1155, %add3A_1156 : i32
            %get3A_1158 = arith.index_cast %add3A_1157 : i32 to index
            %get3A_1159 = arith.constant 32 : index
            %get3A_1160 = tpu.vector_load %arg16[%get3A_1158, %get3A_1159] {strides = array<i32>} : memref<80x64xi16, #tpu.memory_space<vmem>>, vector<32xi16>,
            %unpack3A_1161 = tpu.unpack_subelements %get3A_1160, 0 {pack_format = #tpu.pack_format<interleaved>} : vector<32xi16> -> vector<16xi32>
            %unpack3A_1162 = tpu.unpack_subelements %get3A_1160, 1 {pack_format = #tpu.pack_format<interleaved>} : vector<32xi16> -> vector<16xi32>
            %add3A_1163 = arith.addi %add3A_1135, %unpack3A_1161 : vector<16xi32>
            %add3A_1164 = arith.addi %add3A_1136, %unpack3A_1162 : vector<16xi32>
            %mul3A_1165 = arith.constant 20 : i32
            %mul3A_1166 = arith.muli %scan3A_1038, %mul3A_1165 : i32
            %mul3A_1167 = arith.constant 4 : i32
            %mul3A_1168 = arith.muli %mul3A_1167, %scan3A_1105 : i32
            %add3A_1169 = arith.addi %mul3A_1166, %mul3A_1168 : i32
            %add3A_1170 = arith.constant 2 : i32
            %add3A_1171 = arith.addi %add3A_1169, %add3A_1170 : i32
            %get3A_1172 = arith.index_cast %add3A_1171 : i32 to index
            %get3A_1173 = arith.constant 0 : index
            %get3A_1174 = tpu.vector_load %arg16[%get3A_1172, %get3A_1173] {strides = array<i32>} : memref<80x64xi16, #tpu.memory_space<vmem>>, vector<32xi16>,
            %unpack3A_1175 = tpu.unpack_subelements %get3A_1174, 0 {pack_format = #tpu.pack_format<interleaved>} : vector<32xi16> -> vector<16xi32>
            %unpack3A_1176 = tpu.unpack_subelements %get3A_1174, 1 {pack_format = #tpu.pack_format<interleaved>} : vector<32xi16> -> vector<16xi32>
            %add3A_1177 = arith.addi %add3A_1149, %unpack3A_1175 : vector<16xi32>
            %add3A_1178 = arith.addi %add3A_1150, %unpack3A_1176 : vector<16xi32>
            %mul3A_1179 = arith.constant 20 : i32
            %mul3A_1180 = arith.muli %scan3A_1038, %mul3A_1179 : i32
            %mul3A_1181 = arith.constant 4 : i32
            %mul3A_1182 = arith.muli %mul3A_1181, %scan3A_1105 : i32
            %add3A_1183 = arith.addi %mul3A_1180, %mul3A_1182 : i32
            %add3A_1184 = arith.constant 2 : i32
            %add3A_1185 = arith.addi %add3A_1183, %add3A_1184 : i32
            %get3A_1186 = arith.index_cast %add3A_1185 : i32 to index
            %get3A_1187 = arith.constant 32 : index
            %get3A_1188 = tpu.vector_load %arg16[%get3A_1186, %get3A_1187] {strides = array<i32>} : memref<80x64xi16, #tpu.memory_space<vmem>>, vector<32xi16>,
            %unpack3A_1189 = tpu.unpack_subelements %get3A_1188, 0 {pack_format = #tpu.pack_format<interleaved>} : vector<32xi16> -> vector<16xi32>
            %unpack3A_1190 = tpu.unpack_subelements %get3A_1188, 1 {pack_format = #tpu.pack_format<interleaved>} : vector<32xi16> -> vector<16xi32>
            %add3A_1191 = arith.addi %add3A_1163, %unpack3A_1189 : vector<16xi32>
            %add3A_1192 = arith.addi %add3A_1164, %unpack3A_1190 : vector<16xi32>
            %mul3A_1193 = arith.constant 20 : i32
            %mul3A_1194 = arith.muli %scan3A_1038, %mul3A_1193 : i32
            %mul3A_1195 = arith.constant 4 : i32
            %mul3A_1196 = arith.muli %mul3A_1195, %scan3A_1105 : i32
            %add3A_1197 = arith.addi %mul3A_1194, %mul3A_1196 : i32
            %add3A_1198 = arith.constant 3 : i32
            %add3A_1199 = arith.addi %add3A_1197, %add3A_1198 : i32
            %get3A_1200 = arith.index_cast %add3A_1199 : i32 to index
            %get3A_1201 = arith.constant 0 : index
            %get3A_1202 = tpu.vector_load %arg16[%get3A_1200, %get3A_1201] {strides = array<i32>} : memref<80x64xi16, #tpu.memory_space<vmem>>, vector<32xi16>,
            %unpack3A_1203 = tpu.unpack_subelements %get3A_1202, 0 {pack_format = #tpu.pack_format<interleaved>} : vector<32xi16> -> vector<16xi32>
            %unpack3A_1204 = tpu.unpack_subelements %get3A_1202, 1 {pack_format = #tpu.pack_format<interleaved>} : vector<32xi16> -> vector<16xi32>
            %add3A_1205 = arith.addi %add3A_1177, %unpack3A_1203 : vector<16xi32>
            %add3A_1206 = arith.addi %add3A_1178, %unpack3A_1204 : vector<16xi32>
            %mul3A_1207 = arith.constant 20 : i32
            %mul3A_1208 = arith.muli %scan3A_1038, %mul3A_1207 : i32
            %mul3A_1209 = arith.constant 4 : i32
            %mul3A_1210 = arith.muli %mul3A_1209, %scan3A_1105 : i32
            %add3A_1211 = arith.addi %mul3A_1208, %mul3A_1210 : i32
            %add3A_1212 = arith.constant 3 : i32
            %add3A_1213 = arith.addi %add3A_1211, %add3A_1212 : i32
            %get3A_1214 = arith.index_cast %add3A_1213 : i32 to index
            %get3A_1215 = arith.constant 32 : index
            %get3A_1216 = tpu.vector_load %arg16[%get3A_1214, %get3A_1215] {strides = array<i32>} : memref<80x64xi16, #tpu.memory_space<vmem>>, vector<32xi16>,
            %unpack3A_1217 = tpu.unpack_subelements %get3A_1216, 0 {pack_format = #tpu.pack_format<interleaved>} : vector<32xi16> -> vector<16xi32>
            %unpack3A_1218 = tpu.unpack_subelements %get3A_1216, 1 {pack_format = #tpu.pack_format<interleaved>} : vector<32xi16> -> vector<16xi32>
            %add3A_1219 = arith.addi %add3A_1191, %unpack3A_1217 : vector<16xi32>
            %add3A_1220 = arith.addi %add3A_1192, %unpack3A_1218 : vector<16xi32>
            scf.yield %add3A_1205, %add3A_1206, %add3A_1219, %add3A_1220 : vector<16xi32>, vector<16xi32>, vector<16xi32>, vector<16xi32>
          }
          %scan3A_1046 = arith.constant 5 : i32
          %add3A_1047 = arith.addi %mul3A_807, %scan3A_1038 : i32
          %jit3A_1048 = arith.constant 50 : i32
          %div3A_1049 = arith.divsi %add3A_1047, %jit3A_1048 : i32
          %sign3A_1050 = arith.constant 0 : i32
          %sign3A_1051 = arith.cmpi sgt, %add3A_1047, %sign3A_1050 : i32
          %sign3A_1052 = arith.extui %sign3A_1051 : i1 to i32
          %sign3A_1053 = arith.constant 0 : i32
          %sign3A_1054 = arith.cmpi slt, %add3A_1047, %sign3A_1053 : i32
          %sign3A_1055 = arith.extui %sign3A_1054 : i1 to i32
          %sign3A_1056 = arith.subi %sign3A_1052, %sign3A_1055 : i32
          %sign3A_1057 = arith.constant 0 : i32
          %sign3A_1058 = arith.cmpi sgt, %jit3A_1048, %sign3A_1057 : i32
          %sign3A_1059 = arith.extui %sign3A_1058 : i1 to i32
          %sign3A_1060 = arith.constant 0 : i32
          %sign3A_1061 = arith.cmpi slt, %jit3A_1048, %sign3A_1060 : i32
          %sign3A_1062 = arith.extui %sign3A_1061 : i1 to i32
          %sign3A_1063 = arith.subi %sign3A_1059, %sign3A_1062 : i32
          %ne3A_1064 = arith.cmpi ne, %sign3A_1056, %sign3A_1063 : i32
          %rem3A_1065 = arith.remsi %add3A_1047, %jit3A_1048 : i32
          %ne3A_1066 = arith.constant 0 : i32
          %ne3A_1067 = arith.cmpi ne, %rem3A_1065, %ne3A_1066 : i32
          %and3A_1068 = arith.andi %ne3A_1064, %ne3A_1067 : i1
          %sub3A_1069 = arith.constant 1 : i32
          %sub3A_1070 = arith.subi %div3A_1049, %sub3A_1069 : i32
          %select_n3A_1071 = arith.select %and3A_1068, %sub3A_1070, %div3A_1049 : i32
          %mul3A_1072 = arith.constant 56 : i32
          %mul3A_1073 = arith.muli %select_n3A_1071, %mul3A_1072 : i32
          %rem3A_1074 = arith.constant 50 : i32
          %rem3A_1075 = arith.remsi %add3A_1047, %rem3A_1074 : i32
          %add3A_1076 = arith.addi %mul3A_1073, %rem3A_1075 : i32
          %convert_element_type3A_1077 = arith.sitofp %scan3A_1045#0 : vector<16xi32> to vector<16xf32>
          %mul3A_1078 = arith.mulf %convert_element_type3A_1077, %get3A_1 : vector<16xf32>
          %add3A_1079 = arith.constant 0 : i32
          %add3A_1080 = arith.addi %mul3A_809, %add3A_1079 : i32
          %swap3A_1081 = arith.index_cast %add3A_1076 : i32 to index
          %swap3A_1082 = arith.index_cast %add3A_1080 : i32 to index
          %swap3A_1083 = tpu.vector_load %arg20[%swap3A_1081, %swap3A_1082] {strides = array<i32>} : memref<112x128xf32, #tpu.memory_space<vmem>>, vector<16xf32>,
          tpu.vector_store %arg20[%swap3A_1081, %swap3A_1082], %mul3A_1078 {strides = array<i32>} : memref<112x128xf32, #tpu.memory_space<vmem>>, vector<16xf32>,
          %convert_element_type3A_1084 = arith.sitofp %scan3A_1045#1 : vector<16xi32> to vector<16xf32>
          %mul3A_1085 = arith.mulf %convert_element_type3A_1084, %get3A_1 : vector<16xf32>
          %add3A_1086 = arith.constant 16 : i32
          %add3A_1087 = arith.addi %mul3A_809, %add3A_1086 : i32
          %swap3A_1088 = arith.index_cast %add3A_1076 : i32 to index
          %swap3A_1089 = arith.index_cast %add3A_1087 : i32 to index
          %swap3A_1090 = tpu.vector_load %arg20[%swap3A_1088, %swap3A_1089] {strides = array<i32>} : memref<112x128xf32, #tpu.memory_space<vmem>>, vector<16xf32>,
          tpu.vector_store %arg20[%swap3A_1088, %swap3A_1089], %mul3A_1085 {strides = array<i32>} : memref<112x128xf32, #tpu.memory_space<vmem>>, vector<16xf32>,
          %convert_element_type3A_1091 = arith.sitofp %scan3A_1045#2 : vector<16xi32> to vector<16xf32>
          %mul3A_1092 = arith.mulf %convert_element_type3A_1091, %get3A_1 : vector<16xf32>
          %add3A_1093 = arith.constant 32 : i32
          %add3A_1094 = arith.addi %mul3A_809, %add3A_1093 : i32
          %swap3A_1095 = arith.index_cast %add3A_1076 : i32 to index
          %swap3A_1096 = arith.index_cast %add3A_1094 : i32 to index
          %swap3A_1097 = tpu.vector_load %arg20[%swap3A_1095, %swap3A_1096] {strides = array<i32>} : memref<112x128xf32, #tpu.memory_space<vmem>>, vector<16xf32>,
          tpu.vector_store %arg20[%swap3A_1095, %swap3A_1096], %mul3A_1092 {strides = array<i32>} : memref<112x128xf32, #tpu.memory_space<vmem>>, vector<16xf32>,
          %convert_element_type3A_1098 = arith.sitofp %scan3A_1045#3 : vector<16xi32> to vector<16xf32>
          %mul3A_1099 = arith.mulf %convert_element_type3A_1098, %get3A_1 : vector<16xf32>
          %add3A_1100 = arith.constant 48 : i32
          %add3A_1101 = arith.addi %mul3A_809, %add3A_1100 : i32
          %swap3A_1102 = arith.index_cast %add3A_1076 : i32 to index
          %swap3A_1103 = arith.index_cast %add3A_1101 : i32 to index
          %swap3A_1104 = tpu.vector_load %arg20[%swap3A_1102, %swap3A_1103] {strides = array<i32>} : memref<112x128xf32, #tpu.memory_space<vmem>>, vector<16xf32>,
          tpu.vector_store %arg20[%swap3A_1102, %swap3A_1103], %mul3A_1099 {strides = array<i32>} : memref<112x128xf32, #tpu.memory_space<vmem>>, vector<16xf32>,
        }
        %scan3A_815 = arith.constant 4 : i32
        %add3A_816 = arith.constant 5 : i32
        %add3A_817 = arith.addi %add3A_755, %add3A_816 : i32
        %sub3A_818 = arith.constant 1 : i32
        %sub3A_819 = arith.subi %add3A_817, %sub3A_818 : i32
        %lt3A_820 = arith.constant 50 : i32
        %lt3A_821 = arith.cmpi slt, %sub3A_819, %lt3A_820 : i32
        %convert_element_type3A_822 = arith.extui %lt3A_821 : i1 to i32
        %cond3A_823 = arith.constant 0 : i32
        %cond3A_824 = arith.cmpi ne, %convert_element_type3A_822, %cond3A_823 : i32
        scf.if %cond3A_824 {
          %mul3A_1038 = arith.constant 80 : i32
          %mul3A_1039 = arith.muli %sub3A_819, %mul3A_1038 : i32
          %dma_start3A_1040 = arith.constant 0 : i32
          %dma_start3A_1041 = arith.constant 0 : i32
          %dma_start3A_1042 = tpu.memref_slice %arg15[%dma_start3A_1040, %dma_start3A_1041] : memref<80x64xi16, #tpu.memory_space<vmem>> -> memref<80x64xi16, #tpu.memory_space<vmem>>
          %dma_start3A_1043 = tpu.memref_slice %arg14[%rem3A_605, %mul3A_1039] : memref<2x4000xi32, #tpu.memory_space<vmem>> -> memref<1x80xi32, #tpu.memory_space<vmem>>
          %dma_start3A_1044 = tpu.memref_squeeze %dma_start3A_1043 : memref<1x80xi32, #tpu.memory_space<vmem>> -> memref<80xi32, #tpu.memory_space<vmem>>
          %dma_start3A_1045 = arith.constant 0 : i32
          %dma_start3A_1046 = arith.constant 0 : i32
          %dma_start3A_1047 = tpu.memref_slice %arg2[%dma_start3A_1045, %dma_start3A_1046] : memref<100000x64xi16, #tpu.memory_space<hbm>> -> memref<100000x64xi16, #tpu.memory_space<hbm>>
          tpu.enqueue_indirect_dma source(%dma_start3A_1047 : memref<100000x64xi16, #tpu.memory_space<hbm>>) target(%dma_start3A_1042 : memref<80x64xi16, #tpu.memory_space<vmem>>) offsets(%dma_start3A_1044 : memref<80xi32, #tpu.memory_space<vmem>>) semaphore(%arg22 : memref<!tpu.dma_semaphore, #tpu.memory_space<semaphore_mem>>)
        } else {
        }
        %add3A_825 = arith.constant 2 : i32
        %add3A_826 = arith.addi %mul3A_683, %add3A_825 : i32
        %dma_wait3A_827 = arith.constant 0 : i32
        %dma_wait3A_828 = arith.constant 0 : i32
        %dma_wait3A_829 = arith.constant 0 : i32
        %dma_wait3A_830 = tpu.memref_slice %arg17[%dma_wait3A_828, %dma_wait3A_829] : memref<80x64xi16, #tpu.memory_space<vmem>> -> memref<80x64xi16, #tpu.memory_space<vmem>>
        %dma_wait3A_831 = arith.constant 0 : i32
        %dma_wait3A_832 = tpu.memref_slice %arg14[%dma_wait3A_827, %dma_wait3A_831] : memref<2x4000xi32, #tpu.memory_space<vmem>> -> memref<1x80xi32, #tpu.memory_space<vmem>>
        %dma_wait3A_833 = tpu.memref_squeeze %dma_wait3A_832 : memref<1x80xi32, #tpu.memory_space<vmem>> -> memref<80xi32, #tpu.memory_space<vmem>>
        %dma_wait3A_834 = arith.constant 0 : i32
        %dma_wait3A_835 = arith.constant 0 : i32
        %dma_wait3A_836 = tpu.memref_slice %arg2[%dma_wait3A_834, %dma_wait3A_835] : memref<100000x64xi16, #tpu.memory_space<hbm>> -> memref<100000x64xi16, #tpu.memory_space<hbm>>
        tpu.wait_indirect_dma semaphore(%arg24 : memref<!tpu.dma_semaphore, #tpu.memory_space<semaphore_mem>>) src(%dma_wait3A_836 : memref<100000x64xi16, #tpu.memory_space<hbm>>) dst(%dma_wait3A_830 : memref<80x64xi16, #tpu.memory_space<vmem>>)
        %jit3A_837 = arith.constant 25 : i32
        %div3A_838 = arith.divsi %add3A_826, %jit3A_837 : i32
        %sign3A_839 = arith.constant 0 : i32
        %sign3A_840 = arith.cmpi sgt, %add3A_826, %sign3A_839 : i32
        %sign3A_841 = arith.extui %sign3A_840 : i1 to i32
        %sign3A_842 = arith.constant 0 : i32
        %sign3A_843 = arith.cmpi slt, %add3A_826, %sign3A_842 : i32
        %sign3A_844 = arith.extui %sign3A_843 : i1 to i32
        %sign3A_845 = arith.subi %sign3A_841, %sign3A_844 : i32
        %sign3A_846 = arith.constant 0 : i32
        %sign3A_847 = arith.cmpi sgt, %jit3A_837, %sign3A_846 : i32
        %sign3A_848 = arith.extui %sign3A_847 : i1 to i32
        %sign3A_849 = arith.constant 0 : i32
        %sign3A_850 = arith.cmpi slt, %jit3A_837, %sign3A_849 : i32
        %sign3A_851 = arith.extui %sign3A_850 : i1 to i32
        %sign3A_852 = arith.subi %sign3A_848, %sign3A_851 : i32
        %ne3A_853 = arith.cmpi ne, %sign3A_845, %sign3A_852 : i32
        %rem3A_854 = arith.remsi %add3A_826, %jit3A_837 : i32
        %ne3A_855 = arith.constant 0 : i32
        %ne3A_856 = arith.cmpi ne, %rem3A_854, %ne3A_855 : i32
        %and3A_857 = arith.andi %ne3A_853, %ne3A_856 : i1
        %sub3A_858 = arith.constant 1 : i32
        %sub3A_859 = arith.subi %div3A_838, %sub3A_858 : i32
        %select_n3A_860 = arith.select %and3A_857, %sub3A_859, %div3A_838 : i32
        %jit3A_861 = arith.constant 25 : i32
        %eq3A_862 = arith.constant 0 : i32
        %eq3A_863 = arith.cmpi eq, %jit3A_861, %eq3A_862 : i32
        %jit3A_864 = arith.constant 1 : i32
        %select_n3A_865 = arith.select %eq3A_863, %jit3A_864, %jit3A_861 : i32
        %rem3A_866 = arith.remsi %add3A_826, %select_n3A_865 : i32
        %ne3A_867 = arith.constant 0 : i32
        %ne3A_868 = arith.cmpi ne, %rem3A_866, %ne3A_867 : i32
        %lt3A_869 = arith.constant 0 : i32
        %lt3A_870 = arith.cmpi slt, %rem3A_866, %lt3A_869 : i32
        %lt3A_871 = arith.constant 0 : i32
        %lt3A_872 = arith.cmpi slt, %select_n3A_865, %lt3A_871 : i32
        %ne3A_873 = arith.xori %lt3A_870, %lt3A_872 : i1
        %and3A_874 = arith.andi %ne3A_873, %ne3A_868 : i1
        %add3A_875 = arith.addi %rem3A_866, %select_n3A_865 : i32
        %select_n3A_876 = arith.select %and3A_874, %add3A_875, %rem3A_866 : i32
        %mul3A_877 = arith.constant 4 : i32
        %mul3A_878 = arith.muli %mul3A_877, %select_n3A_876 : i32
        %mul3A_879 = arith.constant 64 : i32
        %mul3A_880 = arith.muli %mul3A_879, %select_n3A_860 : i32
        %scan3A_881 = arith.constant 0 : i32
        %scan3A_882 = arith.constant 0 : i32
        %scan3A_883 = arith.constant 4 : i32
        %scan3A_884 = arith.addi %scan3A_882, %scan3A_883 : i32
        %scan3A_885 = arith.constant 1 : i32
        scf.for %scan3A_1038 = %scan3A_882 to %scan3A_884 step %scan3A_885  : i32 {
          %broadcast_in_dim3A_1039 = arith.constant 0 : i32
          %broadcast_in_dim3A_1040 = vector.broadcast %broadcast_in_dim3A_1039 : i32 to vector<16xi32>
          %scan3A_1041 = arith.constant 0 : i32
          %scan3A_1042 = arith.constant 5 : i32
          %scan3A_1043 = arith.addi %scan3A_1041, %scan3A_1042 : i32
          %scan3A_1044 = arith.constant 1 : i32
          %scan3A_1045:4 = scf.for %scan3A_1105 = %scan3A_1041 to %scan3A_1043 step %scan3A_1044 iter_args(%scan3A_1106 = %broadcast_in_dim3A_1040, %scan3A_1107 = %broadcast_in_dim3A_1040, %scan3A_1108 = %broadcast_in_dim3A_1040, %scan3A_1109 = %broadcast_in_dim3A_1040) -> (vector<16xi32>, vector<16xi32>, vector<16xi32>, vector<16xi32>)  : i32 {
            %mul3A_1110 = arith.constant 20 : i32
            %mul3A_1111 = arith.muli %scan3A_1038, %mul3A_1110 : i32
            %mul3A_1112 = arith.constant 4 : i32
            %mul3A_1113 = arith.muli %mul3A_1112, %scan3A_1105 : i32
            %add3A_1114 = arith.addi %mul3A_1111, %mul3A_1113 : i32
            %add3A_1115 = arith.constant 0 : i32
            %add3A_1116 = arith.addi %add3A_1114, %add3A_1115 : i32
            %get3A_1117 = arith.index_cast %add3A_1116 : i32 to index
            %get3A_1118 = arith.constant 0 : index
            %get3A_1119 = tpu.vector_load %arg17[%get3A_1117, %get3A_1118] {strides = array<i32>} : memref<80x64xi16, #tpu.memory_space<vmem>>, vector<32xi16>,
            %unpack3A = tpu.unpack_subelements %get3A_1119, 0 {pack_format = #tpu.pack_format<interleaved>} : vector<32xi16> -> vector<16xi32>
            %unpack3A_1120 = tpu.unpack_subelements %get3A_1119, 1 {pack_format = #tpu.pack_format<interleaved>} : vector<32xi16> -> vector<16xi32>
            %add3A_1121 = arith.addi %scan3A_1106, %unpack3A : vector<16xi32>
            %add3A_1122 = arith.addi %scan3A_1107, %unpack3A_1120 : vector<16xi32>
            %mul3A_1123 = arith.constant 20 : i32
            %mul3A_1124 = arith.muli %scan3A_1038, %mul3A_1123 : i32
            %mul3A_1125 = arith.constant 4 : i32
            %mul3A_1126 = arith.muli %mul3A_1125, %scan3A_1105 : i32
            %add3A_1127 = arith.addi %mul3A_1124, %mul3A_1126 : i32
            %add3A_1128 = arith.constant 0 : i32
            %add3A_1129 = arith.addi %add3A_1127, %add3A_1128 : i32
            %get3A_1130 = arith.index_cast %add3A_1129 : i32 to index
            %get3A_1131 = arith.constant 32 : index
            %get3A_1132 = tpu.vector_load %arg17[%get3A_1130, %get3A_1131] {strides = array<i32>} : memref<80x64xi16, #tpu.memory_space<vmem>>, vector<32xi16>,
            %unpack3A_1133 = tpu.unpack_subelements %get3A_1132, 0 {pack_format = #tpu.pack_format<interleaved>} : vector<32xi16> -> vector<16xi32>
            %unpack3A_1134 = tpu.unpack_subelements %get3A_1132, 1 {pack_format = #tpu.pack_format<interleaved>} : vector<32xi16> -> vector<16xi32>
            %add3A_1135 = arith.addi %scan3A_1108, %unpack3A_1133 : vector<16xi32>
            %add3A_1136 = arith.addi %scan3A_1109, %unpack3A_1134 : vector<16xi32>
            %mul3A_1137 = arith.constant 20 : i32
            %mul3A_1138 = arith.muli %scan3A_1038, %mul3A_1137 : i32
            %mul3A_1139 = arith.constant 4 : i32
            %mul3A_1140 = arith.muli %mul3A_1139, %scan3A_1105 : i32
            %add3A_1141 = arith.addi %mul3A_1138, %mul3A_1140 : i32
            %add3A_1142 = arith.constant 1 : i32
            %add3A_1143 = arith.addi %add3A_1141, %add3A_1142 : i32
            %get3A_1144 = arith.index_cast %add3A_1143 : i32 to index
            %get3A_1145 = arith.constant 0 : index
            %get3A_1146 = tpu.vector_load %arg17[%get3A_1144, %get3A_1145] {strides = array<i32>} : memref<80x64xi16, #tpu.memory_space<vmem>>, vector<32xi16>,
            %unpack3A_1147 = tpu.unpack_subelements %get3A_1146, 0 {pack_format = #tpu.pack_format<interleaved>} : vector<32xi16> -> vector<16xi32>
            %unpack3A_1148 = tpu.unpack_subelements %get3A_1146, 1 {pack_format = #tpu.pack_format<interleaved>} : vector<32xi16> -> vector<16xi32>
            %add3A_1149 = arith.addi %add3A_1121, %unpack3A_1147 : vector<16xi32>
            %add3A_1150 = arith.addi %add3A_1122, %unpack3A_1148 : vector<16xi32>
            %mul3A_1151 = arith.constant 20 : i32
            %mul3A_1152 = arith.muli %scan3A_1038, %mul3A_1151 : i32
            %mul3A_1153 = arith.constant 4 : i32
            %mul3A_1154 = arith.muli %mul3A_1153, %scan3A_1105 : i32
            %add3A_1155 = arith.addi %mul3A_1152, %mul3A_1154 : i32
            %add3A_1156 = arith.constant 1 : i32
            %add3A_1157 = arith.addi %add3A_1155, %add3A_1156 : i32
            %get3A_1158 = arith.index_cast %add3A_1157 : i32 to index
            %get3A_1159 = arith.constant 32 : index
            %get3A_1160 = tpu.vector_load %arg17[%get3A_1158, %get3A_1159] {strides = array<i32>} : memref<80x64xi16, #tpu.memory_space<vmem>>, vector<32xi16>,
            %unpack3A_1161 = tpu.unpack_subelements %get3A_1160, 0 {pack_format = #tpu.pack_format<interleaved>} : vector<32xi16> -> vector<16xi32>
            %unpack3A_1162 = tpu.unpack_subelements %get3A_1160, 1 {pack_format = #tpu.pack_format<interleaved>} : vector<32xi16> -> vector<16xi32>
            %add3A_1163 = arith.addi %add3A_1135, %unpack3A_1161 : vector<16xi32>
            %add3A_1164 = arith.addi %add3A_1136, %unpack3A_1162 : vector<16xi32>
            %mul3A_1165 = arith.constant 20 : i32
            %mul3A_1166 = arith.muli %scan3A_1038, %mul3A_1165 : i32
            %mul3A_1167 = arith.constant 4 : i32
            %mul3A_1168 = arith.muli %mul3A_1167, %scan3A_1105 : i32
            %add3A_1169 = arith.addi %mul3A_1166, %mul3A_1168 : i32
            %add3A_1170 = arith.constant 2 : i32
            %add3A_1171 = arith.addi %add3A_1169, %add3A_1170 : i32
            %get3A_1172 = arith.index_cast %add3A_1171 : i32 to index
            %get3A_1173 = arith.constant 0 : index
            %get3A_1174 = tpu.vector_load %arg17[%get3A_1172, %get3A_1173] {strides = array<i32>} : memref<80x64xi16, #tpu.memory_space<vmem>>, vector<32xi16>,
            %unpack3A_1175 = tpu.unpack_subelements %get3A_1174, 0 {pack_format = #tpu.pack_format<interleaved>} : vector<32xi16> -> vector<16xi32>
            %unpack3A_1176 = tpu.unpack_subelements %get3A_1174, 1 {pack_format = #tpu.pack_format<interleaved>} : vector<32xi16> -> vector<16xi32>
            %add3A_1177 = arith.addi %add3A_1149, %unpack3A_1175 : vector<16xi32>
            %add3A_1178 = arith.addi %add3A_1150, %unpack3A_1176 : vector<16xi32>
            %mul3A_1179 = arith.constant 20 : i32
            %mul3A_1180 = arith.muli %scan3A_1038, %mul3A_1179 : i32
            %mul3A_1181 = arith.constant 4 : i32
            %mul3A_1182 = arith.muli %mul3A_1181, %scan3A_1105 : i32
            %add3A_1183 = arith.addi %mul3A_1180, %mul3A_1182 : i32
            %add3A_1184 = arith.constant 2 : i32
            %add3A_1185 = arith.addi %add3A_1183, %add3A_1184 : i32
            %get3A_1186 = arith.index_cast %add3A_1185 : i32 to index
            %get3A_1187 = arith.constant 32 : index
            %get3A_1188 = tpu.vector_load %arg17[%get3A_1186, %get3A_1187] {strides = array<i32>} : memref<80x64xi16, #tpu.memory_space<vmem>>, vector<32xi16>,
            %unpack3A_1189 = tpu.unpack_subelements %get3A_1188, 0 {pack_format = #tpu.pack_format<interleaved>} : vector<32xi16> -> vector<16xi32>
            %unpack3A_1190 = tpu.unpack_subelements %get3A_1188, 1 {pack_format = #tpu.pack_format<interleaved>} : vector<32xi16> -> vector<16xi32>
            %add3A_1191 = arith.addi %add3A_1163, %unpack3A_1189 : vector<16xi32>
            %add3A_1192 = arith.addi %add3A_1164, %unpack3A_1190 : vector<16xi32>
            %mul3A_1193 = arith.constant 20 : i32
            %mul3A_1194 = arith.muli %scan3A_1038, %mul3A_1193 : i32
            %mul3A_1195 = arith.constant 4 : i32
            %mul3A_1196 = arith.muli %mul3A_1195, %scan3A_1105 : i32
            %add3A_1197 = arith.addi %mul3A_1194, %mul3A_1196 : i32
            %add3A_1198 = arith.constant 3 : i32
            %add3A_1199 = arith.addi %add3A_1197, %add3A_1198 : i32
            %get3A_1200 = arith.index_cast %add3A_1199 : i32 to index
            %get3A_1201 = arith.constant 0 : index
            %get3A_1202 = tpu.vector_load %arg17[%get3A_1200, %get3A_1201] {strides = array<i32>} : memref<80x64xi16, #tpu.memory_space<vmem>>, vector<32xi16>,
            %unpack3A_1203 = tpu.unpack_subelements %get3A_1202, 0 {pack_format = #tpu.pack_format<interleaved>} : vector<32xi16> -> vector<16xi32>
            %unpack3A_1204 = tpu.unpack_subelements %get3A_1202, 1 {pack_format = #tpu.pack_format<interleaved>} : vector<32xi16> -> vector<16xi32>
            %add3A_1205 = arith.addi %add3A_1177, %unpack3A_1203 : vector<16xi32>
            %add3A_1206 = arith.addi %add3A_1178, %unpack3A_1204 : vector<16xi32>
            %mul3A_1207 = arith.constant 20 : i32
            %mul3A_1208 = arith.muli %scan3A_1038, %mul3A_1207 : i32
            %mul3A_1209 = arith.constant 4 : i32
            %mul3A_1210 = arith.muli %mul3A_1209, %scan3A_1105 : i32
            %add3A_1211 = arith.addi %mul3A_1208, %mul3A_1210 : i32
            %add3A_1212 = arith.constant 3 : i32
            %add3A_1213 = arith.addi %add3A_1211, %add3A_1212 : i32
            %get3A_1214 = arith.index_cast %add3A_1213 : i32 to index
            %get3A_1215 = arith.constant 32 : index
            %get3A_1216 = tpu.vector_load %arg17[%get3A_1214, %get3A_1215] {strides = array<i32>} : memref<80x64xi16, #tpu.memory_space<vmem>>, vector<32xi16>,
            %unpack3A_1217 = tpu.unpack_subelements %get3A_1216, 0 {pack_format = #tpu.pack_format<interleaved>} : vector<32xi16> -> vector<16xi32>
            %unpack3A_1218 = tpu.unpack_subelements %get3A_1216, 1 {pack_format = #tpu.pack_format<interleaved>} : vector<32xi16> -> vector<16xi32>
            %add3A_1219 = arith.addi %add3A_1191, %unpack3A_1217 : vector<16xi32>
            %add3A_1220 = arith.addi %add3A_1192, %unpack3A_1218 : vector<16xi32>
            scf.yield %add3A_1205, %add3A_1206, %add3A_1219, %add3A_1220 : vector<16xi32>, vector<16xi32>, vector<16xi32>, vector<16xi32>
          }
          %scan3A_1046 = arith.constant 5 : i32
          %add3A_1047 = arith.addi %mul3A_878, %scan3A_1038 : i32
          %jit3A_1048 = arith.constant 50 : i32
          %div3A_1049 = arith.divsi %add3A_1047, %jit3A_1048 : i32
          %sign3A_1050 = arith.constant 0 : i32
          %sign3A_1051 = arith.cmpi sgt, %add3A_1047, %sign3A_1050 : i32
          %sign3A_1052 = arith.extui %sign3A_1051 : i1 to i32
          %sign3A_1053 = arith.constant 0 : i32
          %sign3A_1054 = arith.cmpi slt, %add3A_1047, %sign3A_1053 : i32
          %sign3A_1055 = arith.extui %sign3A_1054 : i1 to i32
          %sign3A_1056 = arith.subi %sign3A_1052, %sign3A_1055 : i32
          %sign3A_1057 = arith.constant 0 : i32
          %sign3A_1058 = arith.cmpi sgt, %jit3A_1048, %sign3A_1057 : i32
          %sign3A_1059 = arith.extui %sign3A_1058 : i1 to i32
          %sign3A_1060 = arith.constant 0 : i32
          %sign3A_1061 = arith.cmpi slt, %jit3A_1048, %sign3A_1060 : i32
          %sign3A_1062 = arith.extui %sign3A_1061 : i1 to i32
          %sign3A_1063 = arith.subi %sign3A_1059, %sign3A_1062 : i32
          %ne3A_1064 = arith.cmpi ne, %sign3A_1056, %sign3A_1063 : i32
          %rem3A_1065 = arith.remsi %add3A_1047, %jit3A_1048 : i32
          %ne3A_1066 = arith.constant 0 : i32
          %ne3A_1067 = arith.cmpi ne, %rem3A_1065, %ne3A_1066 : i32
          %and3A_1068 = arith.andi %ne3A_1064, %ne3A_1067 : i1
          %sub3A_1069 = arith.constant 1 : i32
          %sub3A_1070 = arith.subi %div3A_1049, %sub3A_1069 : i32
          %select_n3A_1071 = arith.select %and3A_1068, %sub3A_1070, %div3A_1049 : i32
          %mul3A_1072 = arith.constant 56 : i32
          %mul3A_1073 = arith.muli %select_n3A_1071, %mul3A_1072 : i32
          %rem3A_1074 = arith.constant 50 : i32
          %rem3A_1075 = arith.remsi %add3A_1047, %rem3A_1074 : i32
          %add3A_1076 = arith.addi %mul3A_1073, %rem3A_1075 : i32
          %convert_element_type3A_1077 = arith.sitofp %scan3A_1045#0 : vector<16xi32> to vector<16xf32>
          %mul3A_1078 = arith.mulf %convert_element_type3A_1077, %get3A_1 : vector<16xf32>
          %add3A_1079 = arith.constant 0 : i32
          %add3A_1080 = arith.addi %mul3A_880, %add3A_1079 : i32
          %swap3A_1081 = arith.index_cast %add3A_1076 : i32 to index
          %swap3A_1082 = arith.index_cast %add3A_1080 : i32 to index
          %swap3A_1083 = tpu.vector_load %arg20[%swap3A_1081, %swap3A_1082] {strides = array<i32>} : memref<112x128xf32, #tpu.memory_space<vmem>>, vector<16xf32>,
          tpu.vector_store %arg20[%swap3A_1081, %swap3A_1082], %mul3A_1078 {strides = array<i32>} : memref<112x128xf32, #tpu.memory_space<vmem>>, vector<16xf32>,
          %convert_element_type3A_1084 = arith.sitofp %scan3A_1045#1 : vector<16xi32> to vector<16xf32>
          %mul3A_1085 = arith.mulf %convert_element_type3A_1084, %get3A_1 : vector<16xf32>
          %add3A_1086 = arith.constant 16 : i32
          %add3A_1087 = arith.addi %mul3A_880, %add3A_1086 : i32
          %swap3A_1088 = arith.index_cast %add3A_1076 : i32 to index
          %swap3A_1089 = arith.index_cast %add3A_1087 : i32 to index
          %swap3A_1090 = tpu.vector_load %arg20[%swap3A_1088, %swap3A_1089] {strides = array<i32>} : memref<112x128xf32, #tpu.memory_space<vmem>>, vector<16xf32>,
          tpu.vector_store %arg20[%swap3A_1088, %swap3A_1089], %mul3A_1085 {strides = array<i32>} : memref<112x128xf32, #tpu.memory_space<vmem>>, vector<16xf32>,
          %convert_element_type3A_1091 = arith.sitofp %scan3A_1045#2 : vector<16xi32> to vector<16xf32>
          %mul3A_1092 = arith.mulf %convert_element_type3A_1091, %get3A_1 : vector<16xf32>
          %add3A_1093 = arith.constant 32 : i32
          %add3A_1094 = arith.addi %mul3A_880, %add3A_1093 : i32
          %swap3A_1095 = arith.index_cast %add3A_1076 : i32 to index
          %swap3A_1096 = arith.index_cast %add3A_1094 : i32 to index
          %swap3A_1097 = tpu.vector_load %arg20[%swap3A_1095, %swap3A_1096] {strides = array<i32>} : memref<112x128xf32, #tpu.memory_space<vmem>>, vector<16xf32>,
          tpu.vector_store %arg20[%swap3A_1095, %swap3A_1096], %mul3A_1092 {strides = array<i32>} : memref<112x128xf32, #tpu.memory_space<vmem>>, vector<16xf32>,
          %convert_element_type3A_1098 = arith.sitofp %scan3A_1045#3 : vector<16xi32> to vector<16xf32>
          %mul3A_1099 = arith.mulf %convert_element_type3A_1098, %get3A_1 : vector<16xf32>
          %add3A_1100 = arith.constant 48 : i32
          %add3A_1101 = arith.addi %mul3A_880, %add3A_1100 : i32
          %swap3A_1102 = arith.index_cast %add3A_1076 : i32 to index
          %swap3A_1103 = arith.index_cast %add3A_1101 : i32 to index
          %swap3A_1104 = tpu.vector_load %arg20[%swap3A_1102, %swap3A_1103] {strides = array<i32>} : memref<112x128xf32, #tpu.memory_space<vmem>>, vector<16xf32>,
          tpu.vector_store %arg20[%swap3A_1102, %swap3A_1103], %mul3A_1099 {strides = array<i32>} : memref<112x128xf32, #tpu.memory_space<vmem>>, vector<16xf32>,
        }
        %scan3A_886 = arith.constant 4 : i32
        %add3A_887 = arith.constant 5 : i32
        %add3A_888 = arith.addi %add3A_826, %add3A_887 : i32
        %sub3A_889 = arith.constant 1 : i32
        %sub3A_890 = arith.subi %add3A_888, %sub3A_889 : i32
        %lt3A_891 = arith.constant 50 : i32
        %lt3A_892 = arith.cmpi slt, %sub3A_890, %lt3A_891 : i32
        %convert_element_type3A_893 = arith.extui %lt3A_892 : i1 to i32
        %cond3A_894 = arith.constant 0 : i32
        %cond3A_895 = arith.cmpi ne, %convert_element_type3A_893, %cond3A_894 : i32
        scf.if %cond3A_895 {
          %mul3A_1038 = arith.constant 80 : i32
          %mul3A_1039 = arith.muli %sub3A_890, %mul3A_1038 : i32
          %dma_start3A_1040 = arith.constant 0 : i32
          %dma_start3A_1041 = arith.constant 0 : i32
          %dma_start3A_1042 = tpu.memref_slice %arg16[%dma_start3A_1040, %dma_start3A_1041] : memref<80x64xi16, #tpu.memory_space<vmem>> -> memref<80x64xi16, #tpu.memory_space<vmem>>
          %dma_start3A_1043 = tpu.memref_slice %arg14[%rem3A_605, %mul3A_1039] : memref<2x4000xi32, #tpu.memory_space<vmem>> -> memref<1x80xi32, #tpu.memory_space<vmem>>
          %dma_start3A_1044 = tpu.memref_squeeze %dma_start3A_1043 : memref<1x80xi32, #tpu.memory_space<vmem>> -> memref<80xi32, #tpu.memory_space<vmem>>
          %dma_start3A_1045 = arith.constant 0 : i32
          %dma_start3A_1046 = arith.constant 0 : i32
          %dma_start3A_1047 = tpu.memref_slice %arg2[%dma_start3A_1045, %dma_start3A_1046] : memref<100000x64xi16, #tpu.memory_space<hbm>> -> memref<100000x64xi16, #tpu.memory_space<hbm>>
          tpu.enqueue_indirect_dma source(%dma_start3A_1047 : memref<100000x64xi16, #tpu.memory_space<hbm>>) target(%dma_start3A_1042 : memref<80x64xi16, #tpu.memory_space<vmem>>) offsets(%dma_start3A_1044 : memref<80xi32, #tpu.memory_space<vmem>>) semaphore(%arg23 : memref<!tpu.dma_semaphore, #tpu.memory_space<semaphore_mem>>)
        } else {
        }
        %add3A_896 = arith.constant 3 : i32
        %add3A_897 = arith.addi %mul3A_683, %add3A_896 : i32
        %dma_wait3A_898 = arith.constant 0 : i32
        %dma_wait3A_899 = arith.constant 0 : i32
        %dma_wait3A_900 = arith.constant 0 : i32
        %dma_wait3A_901 = tpu.memref_slice %arg18[%dma_wait3A_899, %dma_wait3A_900] : memref<80x64xi16, #tpu.memory_space<vmem>> -> memref<80x64xi16, #tpu.memory_space<vmem>>
        %dma_wait3A_902 = arith.constant 0 : i32
        %dma_wait3A_903 = tpu.memref_slice %arg14[%dma_wait3A_898, %dma_wait3A_902] : memref<2x4000xi32, #tpu.memory_space<vmem>> -> memref<1x80xi32, #tpu.memory_space<vmem>>
        %dma_wait3A_904 = tpu.memref_squeeze %dma_wait3A_903 : memref<1x80xi32, #tpu.memory_space<vmem>> -> memref<80xi32, #tpu.memory_space<vmem>>
        %dma_wait3A_905 = arith.constant 0 : i32
        %dma_wait3A_906 = arith.constant 0 : i32
        %dma_wait3A_907 = tpu.memref_slice %arg2[%dma_wait3A_905, %dma_wait3A_906] : memref<100000x64xi16, #tpu.memory_space<hbm>> -> memref<100000x64xi16, #tpu.memory_space<hbm>>
        tpu.wait_indirect_dma semaphore(%arg25 : memref<!tpu.dma_semaphore, #tpu.memory_space<semaphore_mem>>) src(%dma_wait3A_907 : memref<100000x64xi16, #tpu.memory_space<hbm>>) dst(%dma_wait3A_901 : memref<80x64xi16, #tpu.memory_space<vmem>>)
        %jit3A_908 = arith.constant 25 : i32
        %div3A_909 = arith.divsi %add3A_897, %jit3A_908 : i32
        %sign3A_910 = arith.constant 0 : i32
        %sign3A_911 = arith.cmpi sgt, %add3A_897, %sign3A_910 : i32
        %sign3A_912 = arith.extui %sign3A_911 : i1 to i32
        %sign3A_913 = arith.constant 0 : i32
        %sign3A_914 = arith.cmpi slt, %add3A_897, %sign3A_913 : i32
        %sign3A_915 = arith.extui %sign3A_914 : i1 to i32
        %sign3A_916 = arith.subi %sign3A_912, %sign3A_915 : i32
        %sign3A_917 = arith.constant 0 : i32
        %sign3A_918 = arith.cmpi sgt, %jit3A_908, %sign3A_917 : i32
        %sign3A_919 = arith.extui %sign3A_918 : i1 to i32
        %sign3A_920 = arith.constant 0 : i32
        %sign3A_921 = arith.cmpi slt, %jit3A_908, %sign3A_920 : i32
        %sign3A_922 = arith.extui %sign3A_921 : i1 to i32
        %sign3A_923 = arith.subi %sign3A_919, %sign3A_922 : i32
        %ne3A_924 = arith.cmpi ne, %sign3A_916, %sign3A_923 : i32
        %rem3A_925 = arith.remsi %add3A_897, %jit3A_908 : i32
        %ne3A_926 = arith.constant 0 : i32
        %ne3A_927 = arith.cmpi ne, %rem3A_925, %ne3A_926 : i32
        %and3A_928 = arith.andi %ne3A_924, %ne3A_927 : i1
        %sub3A_929 = arith.constant 1 : i32
        %sub3A_930 = arith.subi %div3A_909, %sub3A_929 : i32
        %select_n3A_931 = arith.select %and3A_928, %sub3A_930, %div3A_909 : i32
        %jit3A_932 = arith.constant 25 : i32
        %eq3A_933 = arith.constant 0 : i32
        %eq3A_934 = arith.cmpi eq, %jit3A_932, %eq3A_933 : i32
        %jit3A_935 = arith.constant 1 : i32
        %select_n3A_936 = arith.select %eq3A_934, %jit3A_935, %jit3A_932 : i32
        %rem3A_937 = arith.remsi %add3A_897, %select_n3A_936 : i32
        %ne3A_938 = arith.constant 0 : i32
        %ne3A_939 = arith.cmpi ne, %rem3A_937, %ne3A_938 : i32
        %lt3A_940 = arith.constant 0 : i32
        %lt3A_941 = arith.cmpi slt, %rem3A_937, %lt3A_940 : i32
        %lt3A_942 = arith.constant 0 : i32
        %lt3A_943 = arith.cmpi slt, %select_n3A_936, %lt3A_942 : i32
        %ne3A_944 = arith.xori %lt3A_941, %lt3A_943 : i1
        %and3A_945 = arith.andi %ne3A_944, %ne3A_939 : i1
        %add3A_946 = arith.addi %rem3A_937, %select_n3A_936 : i32
        %select_n3A_947 = arith.select %and3A_945, %add3A_946, %rem3A_937 : i32
        %mul3A_948 = arith.constant 4 : i32
        %mul3A_949 = arith.muli %mul3A_948, %select_n3A_947 : i32
        %mul3A_950 = arith.constant 64 : i32
        %mul3A_951 = arith.muli %mul3A_950, %select_n3A_931 : i32
        %scan3A_952 = arith.constant 0 : i32
        %scan3A_953 = arith.constant 0 : i32
        %scan3A_954 = arith.constant 4 : i32
        %scan3A_955 = arith.addi %scan3A_953, %scan3A_954 : i32
        %scan3A_956 = arith.constant 1 : i32
        scf.for %scan3A_1038 = %scan3A_953 to %scan3A_955 step %scan3A_956  : i32 {
          %broadcast_in_dim3A_1039 = arith.constant 0 : i32
          %broadcast_in_dim3A_1040 = vector.broadcast %broadcast_in_dim3A_1039 : i32 to vector<16xi32>
          %scan3A_1041 = arith.constant 0 : i32
          %scan3A_1042 = arith.constant 5 : i32
          %scan3A_1043 = arith.addi %scan3A_1041, %scan3A_1042 : i32
          %scan3A_1044 = arith.constant 1 : i32
          %scan3A_1045:4 = scf.for %scan3A_1105 = %scan3A_1041 to %scan3A_1043 step %scan3A_1044 iter_args(%scan3A_1106 = %broadcast_in_dim3A_1040, %scan3A_1107 = %broadcast_in_dim3A_1040, %scan3A_1108 = %broadcast_in_dim3A_1040, %scan3A_1109 = %broadcast_in_dim3A_1040) -> (vector<16xi32>, vector<16xi32>, vector<16xi32>, vector<16xi32>)  : i32 {
            %mul3A_1110 = arith.constant 20 : i32
            %mul3A_1111 = arith.muli %scan3A_1038, %mul3A_1110 : i32
            %mul3A_1112 = arith.constant 4 : i32
            %mul3A_1113 = arith.muli %mul3A_1112, %scan3A_1105 : i32
            %add3A_1114 = arith.addi %mul3A_1111, %mul3A_1113 : i32
            %add3A_1115 = arith.constant 0 : i32
            %add3A_1116 = arith.addi %add3A_1114, %add3A_1115 : i32
            %get3A_1117 = arith.index_cast %add3A_1116 : i32 to index
            %get3A_1118 = arith.constant 0 : index
            %get3A_1119 = tpu.vector_load %arg18[%get3A_1117, %get3A_1118] {strides = array<i32>} : memref<80x64xi16, #tpu.memory_space<vmem>>, vector<32xi16>,
            %unpack3A = tpu.unpack_subelements %get3A_1119, 0 {pack_format = #tpu.pack_format<interleaved>} : vector<32xi16> -> vector<16xi32>
            %unpack3A_1120 = tpu.unpack_subelements %get3A_1119, 1 {pack_format = #tpu.pack_format<interleaved>} : vector<32xi16> -> vector<16xi32>
            %add3A_1121 = arith.addi %scan3A_1106, %unpack3A : vector<16xi32>
            %add3A_1122 = arith.addi %scan3A_1107, %unpack3A_1120 : vector<16xi32>
            %mul3A_1123 = arith.constant 20 : i32
            %mul3A_1124 = arith.muli %scan3A_1038, %mul3A_1123 : i32
            %mul3A_1125 = arith.constant 4 : i32
            %mul3A_1126 = arith.muli %mul3A_1125, %scan3A_1105 : i32
            %add3A_1127 = arith.addi %mul3A_1124, %mul3A_1126 : i32
            %add3A_1128 = arith.constant 0 : i32
            %add3A_1129 = arith.addi %add3A_1127, %add3A_1128 : i32
            %get3A_1130 = arith.index_cast %add3A_1129 : i32 to index
            %get3A_1131 = arith.constant 32 : index
            %get3A_1132 = tpu.vector_load %arg18[%get3A_1130, %get3A_1131] {strides = array<i32>} : memref<80x64xi16, #tpu.memory_space<vmem>>, vector<32xi16>,
            %unpack3A_1133 = tpu.unpack_subelements %get3A_1132, 0 {pack_format = #tpu.pack_format<interleaved>} : vector<32xi16> -> vector<16xi32>
            %unpack3A_1134 = tpu.unpack_subelements %get3A_1132, 1 {pack_format = #tpu.pack_format<interleaved>} : vector<32xi16> -> vector<16xi32>
            %add3A_1135 = arith.addi %scan3A_1108, %unpack3A_1133 : vector<16xi32>
            %add3A_1136 = arith.addi %scan3A_1109, %unpack3A_1134 : vector<16xi32>
            %mul3A_1137 = arith.constant 20 : i32
            %mul3A_1138 = arith.muli %scan3A_1038, %mul3A_1137 : i32
            %mul3A_1139 = arith.constant 4 : i32
            %mul3A_1140 = arith.muli %mul3A_1139, %scan3A_1105 : i32
            %add3A_1141 = arith.addi %mul3A_1138, %mul3A_1140 : i32
            %add3A_1142 = arith.constant 1 : i32
            %add3A_1143 = arith.addi %add3A_1141, %add3A_1142 : i32
            %get3A_1144 = arith.index_cast %add3A_1143 : i32 to index
            %get3A_1145 = arith.constant 0 : index
            %get3A_1146 = tpu.vector_load %arg18[%get3A_1144, %get3A_1145] {strides = array<i32>} : memref<80x64xi16, #tpu.memory_space<vmem>>, vector<32xi16>,
            %unpack3A_1147 = tpu.unpack_subelements %get3A_1146, 0 {pack_format = #tpu.pack_format<interleaved>} : vector<32xi16> -> vector<16xi32>
            %unpack3A_1148 = tpu.unpack_subelements %get3A_1146, 1 {pack_format = #tpu.pack_format<interleaved>} : vector<32xi16> -> vector<16xi32>
            %add3A_1149 = arith.addi %add3A_1121, %unpack3A_1147 : vector<16xi32>
            %add3A_1150 = arith.addi %add3A_1122, %unpack3A_1148 : vector<16xi32>
            %mul3A_1151 = arith.constant 20 : i32
            %mul3A_1152 = arith.muli %scan3A_1038, %mul3A_1151 : i32
            %mul3A_1153 = arith.constant 4 : i32
            %mul3A_1154 = arith.muli %mul3A_1153, %scan3A_1105 : i32
            %add3A_1155 = arith.addi %mul3A_1152, %mul3A_1154 : i32
            %add3A_1156 = arith.constant 1 : i32
            %add3A_1157 = arith.addi %add3A_1155, %add3A_1156 : i32
            %get3A_1158 = arith.index_cast %add3A_1157 : i32 to index
            %get3A_1159 = arith.constant 32 : index
            %get3A_1160 = tpu.vector_load %arg18[%get3A_1158, %get3A_1159] {strides = array<i32>} : memref<80x64xi16, #tpu.memory_space<vmem>>, vector<32xi16>,
            %unpack3A_1161 = tpu.unpack_subelements %get3A_1160, 0 {pack_format = #tpu.pack_format<interleaved>} : vector<32xi16> -> vector<16xi32>
            %unpack3A_1162 = tpu.unpack_subelements %get3A_1160, 1 {pack_format = #tpu.pack_format<interleaved>} : vector<32xi16> -> vector<16xi32>
            %add3A_1163 = arith.addi %add3A_1135, %unpack3A_1161 : vector<16xi32>
            %add3A_1164 = arith.addi %add3A_1136, %unpack3A_1162 : vector<16xi32>
            %mul3A_1165 = arith.constant 20 : i32
            %mul3A_1166 = arith.muli %scan3A_1038, %mul3A_1165 : i32
            %mul3A_1167 = arith.constant 4 : i32
            %mul3A_1168 = arith.muli %mul3A_1167, %scan3A_1105 : i32
            %add3A_1169 = arith.addi %mul3A_1166, %mul3A_1168 : i32
            %add3A_1170 = arith.constant 2 : i32
            %add3A_1171 = arith.addi %add3A_1169, %add3A_1170 : i32
            %get3A_1172 = arith.index_cast %add3A_1171 : i32 to index
            %get3A_1173 = arith.constant 0 : index
            %get3A_1174 = tpu.vector_load %arg18[%get3A_1172, %get3A_1173] {strides = array<i32>} : memref<80x64xi16, #tpu.memory_space<vmem>>, vector<32xi16>,
            %unpack3A_1175 = tpu.unpack_subelements %get3A_1174, 0 {pack_format = #tpu.pack_format<interleaved>} : vector<32xi16> -> vector<16xi32>
            %unpack3A_1176 = tpu.unpack_subelements %get3A_1174, 1 {pack_format = #tpu.pack_format<interleaved>} : vector<32xi16> -> vector<16xi32>
            %add3A_1177 = arith.addi %add3A_1149, %unpack3A_1175 : vector<16xi32>
            %add3A_1178 = arith.addi %add3A_1150, %unpack3A_1176 : vector<16xi32>
            %mul3A_1179 = arith.constant 20 : i32
            %mul3A_1180 = arith.muli %scan3A_1038, %mul3A_1179 : i32
            %mul3A_1181 = arith.constant 4 : i32
            %mul3A_1182 = arith.muli %mul3A_1181, %scan3A_1105 : i32
            %add3A_1183 = arith.addi %mul3A_1180, %mul3A_1182 : i32
            %add3A_1184 = arith.constant 2 : i32
            %add3A_1185 = arith.addi %add3A_1183, %add3A_1184 : i32
            %get3A_1186 = arith.index_cast %add3A_1185 : i32 to index
            %get3A_1187 = arith.constant 32 : index
            %get3A_1188 = tpu.vector_load %arg18[%get3A_1186, %get3A_1187] {strides = array<i32>} : memref<80x64xi16, #tpu.memory_space<vmem>>, vector<32xi16>,
            %unpack3A_1189 = tpu.unpack_subelements %get3A_1188, 0 {pack_format = #tpu.pack_format<interleaved>} : vector<32xi16> -> vector<16xi32>
            %unpack3A_1190 = tpu.unpack_subelements %get3A_1188, 1 {pack_format = #tpu.pack_format<interleaved>} : vector<32xi16> -> vector<16xi32>
            %add3A_1191 = arith.addi %add3A_1163, %unpack3A_1189 : vector<16xi32>
            %add3A_1192 = arith.addi %add3A_1164, %unpack3A_1190 : vector<16xi32>
            %mul3A_1193 = arith.constant 20 : i32
            %mul3A_1194 = arith.muli %scan3A_1038, %mul3A_1193 : i32
            %mul3A_1195 = arith.constant 4 : i32
            %mul3A_1196 = arith.muli %mul3A_1195, %scan3A_1105 : i32
            %add3A_1197 = arith.addi %mul3A_1194, %mul3A_1196 : i32
            %add3A_1198 = arith.constant 3 : i32
            %add3A_1199 = arith.addi %add3A_1197, %add3A_1198 : i32
            %get3A_1200 = arith.index_cast %add3A_1199 : i32 to index
            %get3A_1201 = arith.constant 0 : index
            %get3A_1202 = tpu.vector_load %arg18[%get3A_1200, %get3A_1201] {strides = array<i32>} : memref<80x64xi16, #tpu.memory_space<vmem>>, vector<32xi16>,
            %unpack3A_1203 = tpu.unpack_subelements %get3A_1202, 0 {pack_format = #tpu.pack_format<interleaved>} : vector<32xi16> -> vector<16xi32>
            %unpack3A_1204 = tpu.unpack_subelements %get3A_1202, 1 {pack_format = #tpu.pack_format<interleaved>} : vector<32xi16> -> vector<16xi32>
            %add3A_1205 = arith.addi %add3A_1177, %unpack3A_1203 : vector<16xi32>
            %add3A_1206 = arith.addi %add3A_1178, %unpack3A_1204 : vector<16xi32>
            %mul3A_1207 = arith.constant 20 : i32
            %mul3A_1208 = arith.muli %scan3A_1038, %mul3A_1207 : i32
            %mul3A_1209 = arith.constant 4 : i32
            %mul3A_1210 = arith.muli %mul3A_1209, %scan3A_1105 : i32
            %add3A_1211 = arith.addi %mul3A_1208, %mul3A_1210 : i32
            %add3A_1212 = arith.constant 3 : i32
            %add3A_1213 = arith.addi %add3A_1211, %add3A_1212 : i32
            %get3A_1214 = arith.index_cast %add3A_1213 : i32 to index
            %get3A_1215 = arith.constant 32 : index
            %get3A_1216 = tpu.vector_load %arg18[%get3A_1214, %get3A_1215] {strides = array<i32>} : memref<80x64xi16, #tpu.memory_space<vmem>>, vector<32xi16>,
            %unpack3A_1217 = tpu.unpack_subelements %get3A_1216, 0 {pack_format = #tpu.pack_format<interleaved>} : vector<32xi16> -> vector<16xi32>
            %unpack3A_1218 = tpu.unpack_subelements %get3A_1216, 1 {pack_format = #tpu.pack_format<interleaved>} : vector<32xi16> -> vector<16xi32>
            %add3A_1219 = arith.addi %add3A_1191, %unpack3A_1217 : vector<16xi32>
            %add3A_1220 = arith.addi %add3A_1192, %unpack3A_1218 : vector<16xi32>
            scf.yield %add3A_1205, %add3A_1206, %add3A_1219, %add3A_1220 : vector<16xi32>, vector<16xi32>, vector<16xi32>, vector<16xi32>
          }
          %scan3A_1046 = arith.constant 5 : i32
          %add3A_1047 = arith.addi %mul3A_949, %scan3A_1038 : i32
          %jit3A_1048 = arith.constant 50 : i32
          %div3A_1049 = arith.divsi %add3A_1047, %jit3A_1048 : i32
          %sign3A_1050 = arith.constant 0 : i32
          %sign3A_1051 = arith.cmpi sgt, %add3A_1047, %sign3A_1050 : i32
          %sign3A_1052 = arith.extui %sign3A_1051 : i1 to i32
          %sign3A_1053 = arith.constant 0 : i32
          %sign3A_1054 = arith.cmpi slt, %add3A_1047, %sign3A_1053 : i32
          %sign3A_1055 = arith.extui %sign3A_1054 : i1 to i32
          %sign3A_1056 = arith.subi %sign3A_1052, %sign3A_1055 : i32
          %sign3A_1057 = arith.constant 0 : i32
          %sign3A_1058 = arith.cmpi sgt, %jit3A_1048, %sign3A_1057 : i32
          %sign3A_1059 = arith.extui %sign3A_1058 : i1 to i32
          %sign3A_1060 = arith.constant 0 : i32
          %sign3A_1061 = arith.cmpi slt, %jit3A_1048, %sign3A_1060 : i32
          %sign3A_1062 = arith.extui %sign3A_1061 : i1 to i32
          %sign3A_1063 = arith.subi %sign3A_1059, %sign3A_1062 : i32
          %ne3A_1064 = arith.cmpi ne, %sign3A_1056, %sign3A_1063 : i32
          %rem3A_1065 = arith.remsi %add3A_1047, %jit3A_1048 : i32
          %ne3A_1066 = arith.constant 0 : i32
          %ne3A_1067 = arith.cmpi ne, %rem3A_1065, %ne3A_1066 : i32
          %and3A_1068 = arith.andi %ne3A_1064, %ne3A_1067 : i1
          %sub3A_1069 = arith.constant 1 : i32
          %sub3A_1070 = arith.subi %div3A_1049, %sub3A_1069 : i32
          %select_n3A_1071 = arith.select %and3A_1068, %sub3A_1070, %div3A_1049 : i32
          %mul3A_1072 = arith.constant 56 : i32
          %mul3A_1073 = arith.muli %select_n3A_1071, %mul3A_1072 : i32
          %rem3A_1074 = arith.constant 50 : i32
          %rem3A_1075 = arith.remsi %add3A_1047, %rem3A_1074 : i32
          %add3A_1076 = arith.addi %mul3A_1073, %rem3A_1075 : i32
          %convert_element_type3A_1077 = arith.sitofp %scan3A_1045#0 : vector<16xi32> to vector<16xf32>
          %mul3A_1078 = arith.mulf %convert_element_type3A_1077, %get3A_1 : vector<16xf32>
          %add3A_1079 = arith.constant 0 : i32
          %add3A_1080 = arith.addi %mul3A_951, %add3A_1079 : i32
          %swap3A_1081 = arith.index_cast %add3A_1076 : i32 to index
          %swap3A_1082 = arith.index_cast %add3A_1080 : i32 to index
          %swap3A_1083 = tpu.vector_load %arg20[%swap3A_1081, %swap3A_1082] {strides = array<i32>} : memref<112x128xf32, #tpu.memory_space<vmem>>, vector<16xf32>,
          tpu.vector_store %arg20[%swap3A_1081, %swap3A_1082], %mul3A_1078 {strides = array<i32>} : memref<112x128xf32, #tpu.memory_space<vmem>>, vector<16xf32>,
          %convert_element_type3A_1084 = arith.sitofp %scan3A_1045#1 : vector<16xi32> to vector<16xf32>
          %mul3A_1085 = arith.mulf %convert_element_type3A_1084, %get3A_1 : vector<16xf32>
          %add3A_1086 = arith.constant 16 : i32
          %add3A_1087 = arith.addi %mul3A_951, %add3A_1086 : i32
          %swap3A_1088 = arith.index_cast %add3A_1076 : i32 to index
          %swap3A_1089 = arith.index_cast %add3A_1087 : i32 to index
          %swap3A_1090 = tpu.vector_load %arg20[%swap3A_1088, %swap3A_1089] {strides = array<i32>} : memref<112x128xf32, #tpu.memory_space<vmem>>, vector<16xf32>,
          tpu.vector_store %arg20[%swap3A_1088, %swap3A_1089], %mul3A_1085 {strides = array<i32>} : memref<112x128xf32, #tpu.memory_space<vmem>>, vector<16xf32>,
          %convert_element_type3A_1091 = arith.sitofp %scan3A_1045#2 : vector<16xi32> to vector<16xf32>
          %mul3A_1092 = arith.mulf %convert_element_type3A_1091, %get3A_1 : vector<16xf32>
          %add3A_1093 = arith.constant 32 : i32
          %add3A_1094 = arith.addi %mul3A_951, %add3A_1093 : i32
          %swap3A_1095 = arith.index_cast %add3A_1076 : i32 to index
          %swap3A_1096 = arith.index_cast %add3A_1094 : i32 to index
          %swap3A_1097 = tpu.vector_load %arg20[%swap3A_1095, %swap3A_1096] {strides = array<i32>} : memref<112x128xf32, #tpu.memory_space<vmem>>, vector<16xf32>,
          tpu.vector_store %arg20[%swap3A_1095, %swap3A_1096], %mul3A_1092 {strides = array<i32>} : memref<112x128xf32, #tpu.memory_space<vmem>>, vector<16xf32>,
          %convert_element_type3A_1098 = arith.sitofp %scan3A_1045#3 : vector<16xi32> to vector<16xf32>
          %mul3A_1099 = arith.mulf %convert_element_type3A_1098, %get3A_1 : vector<16xf32>
          %add3A_1100 = arith.constant 48 : i32
          %add3A_1101 = arith.addi %mul3A_951, %add3A_1100 : i32
          %swap3A_1102 = arith.index_cast %add3A_1076 : i32 to index
          %swap3A_1103 = arith.index_cast %add3A_1101 : i32 to index
          %swap3A_1104 = tpu.vector_load %arg20[%swap3A_1102, %swap3A_1103] {strides = array<i32>} : memref<112x128xf32, #tpu.memory_space<vmem>>, vector<16xf32>,
          tpu.vector_store %arg20[%swap3A_1102, %swap3A_1103], %mul3A_1099 {strides = array<i32>} : memref<112x128xf32, #tpu.memory_space<vmem>>, vector<16xf32>,
        }
        %scan3A_957 = arith.constant 4 : i32
        %add3A_958 = arith.constant 5 : i32
        %add3A_959 = arith.addi %add3A_897, %add3A_958 : i32
        %sub3A_960 = arith.constant 1 : i32
        %sub3A_961 = arith.subi %add3A_959, %sub3A_960 : i32
        %lt3A_962 = arith.constant 50 : i32
        %lt3A_963 = arith.cmpi slt, %sub3A_961, %lt3A_962 : i32
        %convert_element_type3A_964 = arith.extui %lt3A_963 : i1 to i32
        %cond3A_965 = arith.constant 0 : i32
        %cond3A_966 = arith.cmpi ne, %convert_element_type3A_964, %cond3A_965 : i32
        scf.if %cond3A_966 {
          %mul3A_1038 = arith.constant 80 : i32
          %mul3A_1039 = arith.muli %sub3A_961, %mul3A_1038 : i32
          %dma_start3A_1040 = arith.constant 0 : i32
          %dma_start3A_1041 = arith.constant 0 : i32
          %dma_start3A_1042 = tpu.memref_slice %arg17[%dma_start3A_1040, %dma_start3A_1041] : memref<80x64xi16, #tpu.memory_space<vmem>> -> memref<80x64xi16, #tpu.memory_space<vmem>>
          %dma_start3A_1043 = tpu.memref_slice %arg14[%rem3A_605, %mul3A_1039] : memref<2x4000xi32, #tpu.memory_space<vmem>> -> memref<1x80xi32, #tpu.memory_space<vmem>>
          %dma_start3A_1044 = tpu.memref_squeeze %dma_start3A_1043 : memref<1x80xi32, #tpu.memory_space<vmem>> -> memref<80xi32, #tpu.memory_space<vmem>>
          %dma_start3A_1045 = arith.constant 0 : i32
          %dma_start3A_1046 = arith.constant 0 : i32
          %dma_start3A_1047 = tpu.memref_slice %arg2[%dma_start3A_1045, %dma_start3A_1046] : memref<100000x64xi16, #tpu.memory_space<hbm>> -> memref<100000x64xi16, #tpu.memory_space<hbm>>
          tpu.enqueue_indirect_dma source(%dma_start3A_1047 : memref<100000x64xi16, #tpu.memory_space<hbm>>) target(%dma_start3A_1042 : memref<80x64xi16, #tpu.memory_space<vmem>>) offsets(%dma_start3A_1044 : memref<80xi32, #tpu.memory_space<vmem>>) semaphore(%arg24 : memref<!tpu.dma_semaphore, #tpu.memory_space<semaphore_mem>>)
        } else {
        }
        %add3A_967 = arith.constant 4 : i32
        %add3A_968 = arith.addi %mul3A_683, %add3A_967 : i32
        %dma_wait3A_969 = arith.constant 0 : i32
        %dma_wait3A_970 = arith.constant 0 : i32
        %dma_wait3A_971 = arith.constant 0 : i32
        %dma_wait3A_972 = tpu.memref_slice %arg19[%dma_wait3A_970, %dma_wait3A_971] : memref<80x64xi16, #tpu.memory_space<vmem>> -> memref<80x64xi16, #tpu.memory_space<vmem>>
        %dma_wait3A_973 = arith.constant 0 : i32
        %dma_wait3A_974 = tpu.memref_slice %arg14[%dma_wait3A_969, %dma_wait3A_973] : memref<2x4000xi32, #tpu.memory_space<vmem>> -> memref<1x80xi32, #tpu.memory_space<vmem>>
        %dma_wait3A_975 = tpu.memref_squeeze %dma_wait3A_974 : memref<1x80xi32, #tpu.memory_space<vmem>> -> memref<80xi32, #tpu.memory_space<vmem>>
        %dma_wait3A_976 = arith.constant 0 : i32
        %dma_wait3A_977 = arith.constant 0 : i32
        %dma_wait3A_978 = tpu.memref_slice %arg2[%dma_wait3A_976, %dma_wait3A_977] : memref<100000x64xi16, #tpu.memory_space<hbm>> -> memref<100000x64xi16, #tpu.memory_space<hbm>>
        tpu.wait_indirect_dma semaphore(%arg26 : memref<!tpu.dma_semaphore, #tpu.memory_space<semaphore_mem>>) src(%dma_wait3A_978 : memref<100000x64xi16, #tpu.memory_space<hbm>>) dst(%dma_wait3A_972 : memref<80x64xi16, #tpu.memory_space<vmem>>)
        %jit3A_979 = arith.constant 25 : i32
        %div3A_980 = arith.divsi %add3A_968, %jit3A_979 : i32
        %sign3A_981 = arith.constant 0 : i32
        %sign3A_982 = arith.cmpi sgt, %add3A_968, %sign3A_981 : i32
        %sign3A_983 = arith.extui %sign3A_982 : i1 to i32
        %sign3A_984 = arith.constant 0 : i32
        %sign3A_985 = arith.cmpi slt, %add3A_968, %sign3A_984 : i32
        %sign3A_986 = arith.extui %sign3A_985 : i1 to i32
        %sign3A_987 = arith.subi %sign3A_983, %sign3A_986 : i32
        %sign3A_988 = arith.constant 0 : i32
        %sign3A_989 = arith.cmpi sgt, %jit3A_979, %sign3A_988 : i32
        %sign3A_990 = arith.extui %sign3A_989 : i1 to i32
        %sign3A_991 = arith.constant 0 : i32
        %sign3A_992 = arith.cmpi slt, %jit3A_979, %sign3A_991 : i32
        %sign3A_993 = arith.extui %sign3A_992 : i1 to i32
        %sign3A_994 = arith.subi %sign3A_990, %sign3A_993 : i32
        %ne3A_995 = arith.cmpi ne, %sign3A_987, %sign3A_994 : i32
        %rem3A_996 = arith.remsi %add3A_968, %jit3A_979 : i32
        %ne3A_997 = arith.constant 0 : i32
        %ne3A_998 = arith.cmpi ne, %rem3A_996, %ne3A_997 : i32
        %and3A_999 = arith.andi %ne3A_995, %ne3A_998 : i1
        %sub3A_1000 = arith.constant 1 : i32
        %sub3A_1001 = arith.subi %div3A_980, %sub3A_1000 : i32
        %select_n3A_1002 = arith.select %and3A_999, %sub3A_1001, %div3A_980 : i32
        %jit3A_1003 = arith.constant 25 : i32
        %eq3A_1004 = arith.constant 0 : i32
        %eq3A_1005 = arith.cmpi eq, %jit3A_1003, %eq3A_1004 : i32
        %jit3A_1006 = arith.constant 1 : i32
        %select_n3A_1007 = arith.select %eq3A_1005, %jit3A_1006, %jit3A_1003 : i32
        %rem3A_1008 = arith.remsi %add3A_968, %select_n3A_1007 : i32
        %ne3A_1009 = arith.constant 0 : i32
        %ne3A_1010 = arith.cmpi ne, %rem3A_1008, %ne3A_1009 : i32
        %lt3A_1011 = arith.constant 0 : i32
        %lt3A_1012 = arith.cmpi slt, %rem3A_1008, %lt3A_1011 : i32
        %lt3A_1013 = arith.constant 0 : i32
        %lt3A_1014 = arith.cmpi slt, %select_n3A_1007, %lt3A_1013 : i32
        %ne3A_1015 = arith.xori %lt3A_1012, %lt3A_1014 : i1
        %and3A_1016 = arith.andi %ne3A_1015, %ne3A_1010 : i1
        %add3A_1017 = arith.addi %rem3A_1008, %select_n3A_1007 : i32
        %select_n3A_1018 = arith.select %and3A_1016, %add3A_1017, %rem3A_1008 : i32
        %mul3A_1019 = arith.constant 4 : i32
        %mul3A_1020 = arith.muli %mul3A_1019, %select_n3A_1018 : i32
        %mul3A_1021 = arith.constant 64 : i32
        %mul3A_1022 = arith.muli %mul3A_1021, %select_n3A_1002 : i32
        %scan3A_1023 = arith.constant 0 : i32
        %scan3A_1024 = arith.constant 0 : i32
        %scan3A_1025 = arith.constant 4 : i32
        %scan3A_1026 = arith.addi %scan3A_1024, %scan3A_1025 : i32
        %scan3A_1027 = arith.constant 1 : i32
        scf.for %scan3A_1038 = %scan3A_1024 to %scan3A_1026 step %scan3A_1027  : i32 {
          %broadcast_in_dim3A_1039 = arith.constant 0 : i32
          %broadcast_in_dim3A_1040 = vector.broadcast %broadcast_in_dim3A_1039 : i32 to vector<16xi32>
          %scan3A_1041 = arith.constant 0 : i32
          %scan3A_1042 = arith.constant 5 : i32
          %scan3A_1043 = arith.addi %scan3A_1041, %scan3A_1042 : i32
          %scan3A_1044 = arith.constant 1 : i32
          %scan3A_1045:4 = scf.for %scan3A_1105 = %scan3A_1041 to %scan3A_1043 step %scan3A_1044 iter_args(%scan3A_1106 = %broadcast_in_dim3A_1040, %scan3A_1107 = %broadcast_in_dim3A_1040, %scan3A_1108 = %broadcast_in_dim3A_1040, %scan3A_1109 = %broadcast_in_dim3A_1040) -> (vector<16xi32>, vector<16xi32>, vector<16xi32>, vector<16xi32>)  : i32 {
            %mul3A_1110 = arith.constant 20 : i32
            %mul3A_1111 = arith.muli %scan3A_1038, %mul3A_1110 : i32
            %mul3A_1112 = arith.constant 4 : i32
            %mul3A_1113 = arith.muli %mul3A_1112, %scan3A_1105 : i32
            %add3A_1114 = arith.addi %mul3A_1111, %mul3A_1113 : i32
            %add3A_1115 = arith.constant 0 : i32
            %add3A_1116 = arith.addi %add3A_1114, %add3A_1115 : i32
            %get3A_1117 = arith.index_cast %add3A_1116 : i32 to index
            %get3A_1118 = arith.constant 0 : index
            %get3A_1119 = tpu.vector_load %arg19[%get3A_1117, %get3A_1118] {strides = array<i32>} : memref<80x64xi16, #tpu.memory_space<vmem>>, vector<32xi16>,
            %unpack3A = tpu.unpack_subelements %get3A_1119, 0 {pack_format = #tpu.pack_format<interleaved>} : vector<32xi16> -> vector<16xi32>
            %unpack3A_1120 = tpu.unpack_subelements %get3A_1119, 1 {pack_format = #tpu.pack_format<interleaved>} : vector<32xi16> -> vector<16xi32>
            %add3A_1121 = arith.addi %scan3A_1106, %unpack3A : vector<16xi32>
            %add3A_1122 = arith.addi %scan3A_1107, %unpack3A_1120 : vector<16xi32>
            %mul3A_1123 = arith.constant 20 : i32
            %mul3A_1124 = arith.muli %scan3A_1038, %mul3A_1123 : i32
            %mul3A_1125 = arith.constant 4 : i32
            %mul3A_1126 = arith.muli %mul3A_1125, %scan3A_1105 : i32
            %add3A_1127 = arith.addi %mul3A_1124, %mul3A_1126 : i32
            %add3A_1128 = arith.constant 0 : i32
            %add3A_1129 = arith.addi %add3A_1127, %add3A_1128 : i32
            %get3A_1130 = arith.index_cast %add3A_1129 : i32 to index
            %get3A_1131 = arith.constant 32 : index
            %get3A_1132 = tpu.vector_load %arg19[%get3A_1130, %get3A_1131] {strides = array<i32>} : memref<80x64xi16, #tpu.memory_space<vmem>>, vector<32xi16>,
            %unpack3A_1133 = tpu.unpack_subelements %get3A_1132, 0 {pack_format = #tpu.pack_format<interleaved>} : vector<32xi16> -> vector<16xi32>
            %unpack3A_1134 = tpu.unpack_subelements %get3A_1132, 1 {pack_format = #tpu.pack_format<interleaved>} : vector<32xi16> -> vector<16xi32>
            %add3A_1135 = arith.addi %scan3A_1108, %unpack3A_1133 : vector<16xi32>
            %add3A_1136 = arith.addi %scan3A_1109, %unpack3A_1134 : vector<16xi32>
            %mul3A_1137 = arith.constant 20 : i32
            %mul3A_1138 = arith.muli %scan3A_1038, %mul3A_1137 : i32
            %mul3A_1139 = arith.constant 4 : i32
            %mul3A_1140 = arith.muli %mul3A_1139, %scan3A_1105 : i32
            %add3A_1141 = arith.addi %mul3A_1138, %mul3A_1140 : i32
            %add3A_1142 = arith.constant 1 : i32
            %add3A_1143 = arith.addi %add3A_1141, %add3A_1142 : i32
            %get3A_1144 = arith.index_cast %add3A_1143 : i32 to index
            %get3A_1145 = arith.constant 0 : index
            %get3A_1146 = tpu.vector_load %arg19[%get3A_1144, %get3A_1145] {strides = array<i32>} : memref<80x64xi16, #tpu.memory_space<vmem>>, vector<32xi16>,
            %unpack3A_1147 = tpu.unpack_subelements %get3A_1146, 0 {pack_format = #tpu.pack_format<interleaved>} : vector<32xi16> -> vector<16xi32>
            %unpack3A_1148 = tpu.unpack_subelements %get3A_1146, 1 {pack_format = #tpu.pack_format<interleaved>} : vector<32xi16> -> vector<16xi32>
            %add3A_1149 = arith.addi %add3A_1121, %unpack3A_1147 : vector<16xi32>
            %add3A_1150 = arith.addi %add3A_1122, %unpack3A_1148 : vector<16xi32>
            %mul3A_1151 = arith.constant 20 : i32
            %mul3A_1152 = arith.muli %scan3A_1038, %mul3A_1151 : i32
            %mul3A_1153 = arith.constant 4 : i32
            %mul3A_1154 = arith.muli %mul3A_1153, %scan3A_1105 : i32
            %add3A_1155 = arith.addi %mul3A_1152, %mul3A_1154 : i32
            %add3A_1156 = arith.constant 1 : i32
            %add3A_1157 = arith.addi %add3A_1155, %add3A_1156 : i32
            %get3A_1158 = arith.index_cast %add3A_1157 : i32 to index
            %get3A_1159 = arith.constant 32 : index
            %get3A_1160 = tpu.vector_load %arg19[%get3A_1158, %get3A_1159] {strides = array<i32>} : memref<80x64xi16, #tpu.memory_space<vmem>>, vector<32xi16>,
            %unpack3A_1161 = tpu.unpack_subelements %get3A_1160, 0 {pack_format = #tpu.pack_format<interleaved>} : vector<32xi16> -> vector<16xi32>
            %unpack3A_1162 = tpu.unpack_subelements %get3A_1160, 1 {pack_format = #tpu.pack_format<interleaved>} : vector<32xi16> -> vector<16xi32>
            %add3A_1163 = arith.addi %add3A_1135, %unpack3A_1161 : vector<16xi32>
            %add3A_1164 = arith.addi %add3A_1136, %unpack3A_1162 : vector<16xi32>
            %mul3A_1165 = arith.constant 20 : i32
            %mul3A_1166 = arith.muli %scan3A_1038, %mul3A_1165 : i32
            %mul3A_1167 = arith.constant 4 : i32
            %mul3A_1168 = arith.muli %mul3A_1167, %scan3A_1105 : i32
            %add3A_1169 = arith.addi %mul3A_1166, %mul3A_1168 : i32
            %add3A_1170 = arith.constant 2 : i32
            %add3A_1171 = arith.addi %add3A_1169, %add3A_1170 : i32
            %get3A_1172 = arith.index_cast %add3A_1171 : i32 to index
            %get3A_1173 = arith.constant 0 : index
            %get3A_1174 = tpu.vector_load %arg19[%get3A_1172, %get3A_1173] {strides = array<i32>} : memref<80x64xi16, #tpu.memory_space<vmem>>, vector<32xi16>,
            %unpack3A_1175 = tpu.unpack_subelements %get3A_1174, 0 {pack_format = #tpu.pack_format<interleaved>} : vector<32xi16> -> vector<16xi32>
            %unpack3A_1176 = tpu.unpack_subelements %get3A_1174, 1 {pack_format = #tpu.pack_format<interleaved>} : vector<32xi16> -> vector<16xi32>
            %add3A_1177 = arith.addi %add3A_1149, %unpack3A_1175 : vector<16xi32>
            %add3A_1178 = arith.addi %add3A_1150, %unpack3A_1176 : vector<16xi32>
            %mul3A_1179 = arith.constant 20 : i32
            %mul3A_1180 = arith.muli %scan3A_1038, %mul3A_1179 : i32
            %mul3A_1181 = arith.constant 4 : i32
            %mul3A_1182 = arith.muli %mul3A_1181, %scan3A_1105 : i32
            %add3A_1183 = arith.addi %mul3A_1180, %mul3A_1182 : i32
            %add3A_1184 = arith.constant 2 : i32
            %add3A_1185 = arith.addi %add3A_1183, %add3A_1184 : i32
            %get3A_1186 = arith.index_cast %add3A_1185 : i32 to index
            %get3A_1187 = arith.constant 32 : index
            %get3A_1188 = tpu.vector_load %arg19[%get3A_1186, %get3A_1187] {strides = array<i32>} : memref<80x64xi16, #tpu.memory_space<vmem>>, vector<32xi16>,
            %unpack3A_1189 = tpu.unpack_subelements %get3A_1188, 0 {pack_format = #tpu.pack_format<interleaved>} : vector<32xi16> -> vector<16xi32>
            %unpack3A_1190 = tpu.unpack_subelements %get3A_1188, 1 {pack_format = #tpu.pack_format<interleaved>} : vector<32xi16> -> vector<16xi32>
            %add3A_1191 = arith.addi %add3A_1163, %unpack3A_1189 : vector<16xi32>
            %add3A_1192 = arith.addi %add3A_1164, %unpack3A_1190 : vector<16xi32>
            %mul3A_1193 = arith.constant 20 : i32
            %mul3A_1194 = arith.muli %scan3A_1038, %mul3A_1193 : i32
            %mul3A_1195 = arith.constant 4 : i32
            %mul3A_1196 = arith.muli %mul3A_1195, %scan3A_1105 : i32
            %add3A_1197 = arith.addi %mul3A_1194, %mul3A_1196 : i32
            %add3A_1198 = arith.constant 3 : i32
            %add3A_1199 = arith.addi %add3A_1197, %add3A_1198 : i32
            %get3A_1200 = arith.index_cast %add3A_1199 : i32 to index
            %get3A_1201 = arith.constant 0 : index
            %get3A_1202 = tpu.vector_load %arg19[%get3A_1200, %get3A_1201] {strides = array<i32>} : memref<80x64xi16, #tpu.memory_space<vmem>>, vector<32xi16>,
            %unpack3A_1203 = tpu.unpack_subelements %get3A_1202, 0 {pack_format = #tpu.pack_format<interleaved>} : vector<32xi16> -> vector<16xi32>
            %unpack3A_1204 = tpu.unpack_subelements %get3A_1202, 1 {pack_format = #tpu.pack_format<interleaved>} : vector<32xi16> -> vector<16xi32>
            %add3A_1205 = arith.addi %add3A_1177, %unpack3A_1203 : vector<16xi32>
            %add3A_1206 = arith.addi %add3A_1178, %unpack3A_1204 : vector<16xi32>
            %mul3A_1207 = arith.constant 20 : i32
            %mul3A_1208 = arith.muli %scan3A_1038, %mul3A_1207 : i32
            %mul3A_1209 = arith.constant 4 : i32
            %mul3A_1210 = arith.muli %mul3A_1209, %scan3A_1105 : i32
            %add3A_1211 = arith.addi %mul3A_1208, %mul3A_1210 : i32
            %add3A_1212 = arith.constant 3 : i32
            %add3A_1213 = arith.addi %add3A_1211, %add3A_1212 : i32
            %get3A_1214 = arith.index_cast %add3A_1213 : i32 to index
            %get3A_1215 = arith.constant 32 : index
            %get3A_1216 = tpu.vector_load %arg19[%get3A_1214, %get3A_1215] {strides = array<i32>} : memref<80x64xi16, #tpu.memory_space<vmem>>, vector<32xi16>,
            %unpack3A_1217 = tpu.unpack_subelements %get3A_1216, 0 {pack_format = #tpu.pack_format<interleaved>} : vector<32xi16> -> vector<16xi32>
            %unpack3A_1218 = tpu.unpack_subelements %get3A_1216, 1 {pack_format = #tpu.pack_format<interleaved>} : vector<32xi16> -> vector<16xi32>
            %add3A_1219 = arith.addi %add3A_1191, %unpack3A_1217 : vector<16xi32>
            %add3A_1220 = arith.addi %add3A_1192, %unpack3A_1218 : vector<16xi32>
            scf.yield %add3A_1205, %add3A_1206, %add3A_1219, %add3A_1220 : vector<16xi32>, vector<16xi32>, vector<16xi32>, vector<16xi32>
          }
          %scan3A_1046 = arith.constant 5 : i32
          %add3A_1047 = arith.addi %mul3A_1020, %scan3A_1038 : i32
          %jit3A_1048 = arith.constant 50 : i32
          %div3A_1049 = arith.divsi %add3A_1047, %jit3A_1048 : i32
          %sign3A_1050 = arith.constant 0 : i32
          %sign3A_1051 = arith.cmpi sgt, %add3A_1047, %sign3A_1050 : i32
          %sign3A_1052 = arith.extui %sign3A_1051 : i1 to i32
          %sign3A_1053 = arith.constant 0 : i32
          %sign3A_1054 = arith.cmpi slt, %add3A_1047, %sign3A_1053 : i32
          %sign3A_1055 = arith.extui %sign3A_1054 : i1 to i32
          %sign3A_1056 = arith.subi %sign3A_1052, %sign3A_1055 : i32
          %sign3A_1057 = arith.constant 0 : i32
          %sign3A_1058 = arith.cmpi sgt, %jit3A_1048, %sign3A_1057 : i32
          %sign3A_1059 = arith.extui %sign3A_1058 : i1 to i32
          %sign3A_1060 = arith.constant 0 : i32
          %sign3A_1061 = arith.cmpi slt, %jit3A_1048, %sign3A_1060 : i32
          %sign3A_1062 = arith.extui %sign3A_1061 : i1 to i32
          %sign3A_1063 = arith.subi %sign3A_1059, %sign3A_1062 : i32
          %ne3A_1064 = arith.cmpi ne, %sign3A_1056, %sign3A_1063 : i32
          %rem3A_1065 = arith.remsi %add3A_1047, %jit3A_1048 : i32
          %ne3A_1066 = arith.constant 0 : i32
          %ne3A_1067 = arith.cmpi ne, %rem3A_1065, %ne3A_1066 : i32
          %and3A_1068 = arith.andi %ne3A_1064, %ne3A_1067 : i1
          %sub3A_1069 = arith.constant 1 : i32
          %sub3A_1070 = arith.subi %div3A_1049, %sub3A_1069 : i32
          %select_n3A_1071 = arith.select %and3A_1068, %sub3A_1070, %div3A_1049 : i32
          %mul3A_1072 = arith.constant 56 : i32
          %mul3A_1073 = arith.muli %select_n3A_1071, %mul3A_1072 : i32
          %rem3A_1074 = arith.constant 50 : i32
          %rem3A_1075 = arith.remsi %add3A_1047, %rem3A_1074 : i32
          %add3A_1076 = arith.addi %mul3A_1073, %rem3A_1075 : i32
          %convert_element_type3A_1077 = arith.sitofp %scan3A_1045#0 : vector<16xi32> to vector<16xf32>
          %mul3A_1078 = arith.mulf %convert_element_type3A_1077, %get3A_1 : vector<16xf32>
          %add3A_1079 = arith.constant 0 : i32
          %add3A_1080 = arith.addi %mul3A_1022, %add3A_1079 : i32
          %swap3A_1081 = arith.index_cast %add3A_1076 : i32 to index
          %swap3A_1082 = arith.index_cast %add3A_1080 : i32 to index
          %swap3A_1083 = tpu.vector_load %arg20[%swap3A_1081, %swap3A_1082] {strides = array<i32>} : memref<112x128xf32, #tpu.memory_space<vmem>>, vector<16xf32>,
          tpu.vector_store %arg20[%swap3A_1081, %swap3A_1082], %mul3A_1078 {strides = array<i32>} : memref<112x128xf32, #tpu.memory_space<vmem>>, vector<16xf32>,
          %convert_element_type3A_1084 = arith.sitofp %scan3A_1045#1 : vector<16xi32> to vector<16xf32>
          %mul3A_1085 = arith.mulf %convert_element_type3A_1084, %get3A_1 : vector<16xf32>
          %add3A_1086 = arith.constant 16 : i32
          %add3A_1087 = arith.addi %mul3A_1022, %add3A_1086 : i32
          %swap3A_1088 = arith.index_cast %add3A_1076 : i32 to index
          %swap3A_1089 = arith.index_cast %add3A_1087 : i32 to index
          %swap3A_1090 = tpu.vector_load %arg20[%swap3A_1088, %swap3A_1089] {strides = array<i32>} : memref<112x128xf32, #tpu.memory_space<vmem>>, vector<16xf32>,
          tpu.vector_store %arg20[%swap3A_1088, %swap3A_1089], %mul3A_1085 {strides = array<i32>} : memref<112x128xf32, #tpu.memory_space<vmem>>, vector<16xf32>,
          %convert_element_type3A_1091 = arith.sitofp %scan3A_1045#2 : vector<16xi32> to vector<16xf32>
          %mul3A_1092 = arith.mulf %convert_element_type3A_1091, %get3A_1 : vector<16xf32>
          %add3A_1093 = arith.constant 32 : i32
          %add3A_1094 = arith.addi %mul3A_1022, %add3A_1093 : i32
          %swap3A_1095 = arith.index_cast %add3A_1076 : i32 to index
          %swap3A_1096 = arith.index_cast %add3A_1094 : i32 to index
          %swap3A_1097 = tpu.vector_load %arg20[%swap3A_1095, %swap3A_1096] {strides = array<i32>} : memref<112x128xf32, #tpu.memory_space<vmem>>, vector<16xf32>,
          tpu.vector_store %arg20[%swap3A_1095, %swap3A_1096], %mul3A_1092 {strides = array<i32>} : memref<112x128xf32, #tpu.memory_space<vmem>>, vector<16xf32>,
          %convert_element_type3A_1098 = arith.sitofp %scan3A_1045#3 : vector<16xi32> to vector<16xf32>
          %mul3A_1099 = arith.mulf %convert_element_type3A_1098, %get3A_1 : vector<16xf32>
          %add3A_1100 = arith.constant 48 : i32
          %add3A_1101 = arith.addi %mul3A_1022, %add3A_1100 : i32
          %swap3A_1102 = arith.index_cast %add3A_1076 : i32 to index
          %swap3A_1103 = arith.index_cast %add3A_1101 : i32 to index
          %swap3A_1104 = tpu.vector_load %arg20[%swap3A_1102, %swap3A_1103] {strides = array<i32>} : memref<112x128xf32, #tpu.memory_space<vmem>>, vector<16xf32>,
          tpu.vector_store %arg20[%swap3A_1102, %swap3A_1103], %mul3A_1099 {strides = array<i32>} : memref<112x128xf32, #tpu.memory_space<vmem>>, vector<16xf32>,
        }
        %scan3A_1028 = arith.constant 4 : i32
        %add3A_1029 = arith.constant 5 : i32
        %add3A_1030 = arith.addi %add3A_968, %add3A_1029 : i32
        %sub3A_1031 = arith.constant 1 : i32
        %sub3A_1032 = arith.subi %add3A_1030, %sub3A_1031 : i32
        %lt3A_1033 = arith.constant 50 : i32
        %lt3A_1034 = arith.cmpi slt, %sub3A_1032, %lt3A_1033 : i32
        %convert_element_type3A_1035 = arith.extui %lt3A_1034 : i1 to i32
        %cond3A_1036 = arith.constant 0 : i32
        %cond3A_1037 = arith.cmpi ne, %convert_element_type3A_1035, %cond3A_1036 : i32
        scf.if %cond3A_1037 {
          %mul3A_1038 = arith.constant 80 : i32
          %mul3A_1039 = arith.muli %sub3A_1032, %mul3A_1038 : i32
          %dma_start3A_1040 = arith.constant 0 : i32
          %dma_start3A_1041 = arith.constant 0 : i32
          %dma_start3A_1042 = tpu.memref_slice %arg18[%dma_start3A_1040, %dma_start3A_1041] : memref<80x64xi16, #tpu.memory_space<vmem>> -> memref<80x64xi16, #tpu.memory_space<vmem>>
          %dma_start3A_1043 = tpu.memref_slice %arg14[%rem3A_605, %mul3A_1039] : memref<2x4000xi32, #tpu.memory_space<vmem>> -> memref<1x80xi32, #tpu.memory_space<vmem>>
          %dma_start3A_1044 = tpu.memref_squeeze %dma_start3A_1043 : memref<1x80xi32, #tpu.memory_space<vmem>> -> memref<80xi32, #tpu.memory_space<vmem>>
          %dma_start3A_1045 = arith.constant 0 : i32
          %dma_start3A_1046 = arith.constant 0 : i32
          %dma_start3A_1047 = tpu.memref_slice %arg2[%dma_start3A_1045, %dma_start3A_1046] : memref<100000x64xi16, #tpu.memory_space<hbm>> -> memref<100000x64xi16, #tpu.memory_space<hbm>>
          tpu.enqueue_indirect_dma source(%dma_start3A_1047 : memref<100000x64xi16, #tpu.memory_space<hbm>>) target(%dma_start3A_1042 : memref<80x64xi16, #tpu.memory_space<vmem>>) offsets(%dma_start3A_1044 : memref<80xi32, #tpu.memory_space<vmem>>) semaphore(%arg25 : memref<!tpu.dma_semaphore, #tpu.memory_space<semaphore_mem>>)
        } else {
        }
      }
      %scan3A_673 = arith.constant 10 : i32
      "tpu.region"() ({
        %run_scoped3A = tpu.sem_alloc : memref<!tpu.dma_semaphore, #tpu.memory_space<semaphore_mem>>
        %dma_start3A_681 = arith.constant 0 : i32
        %dma_start3A_682 = arith.constant 0 : i32
        %dma_start3A_683 = tpu.memref_slice %arg20[%dma_start3A_681, %dma_start3A_682] : memref<112x128xf32, #tpu.memory_space<vmem>> -> memref<112x128xf32, #tpu.memory_space<vmem>>
        %dma_start3A_684 = arith.constant 0 : i32
        %dma_start3A_685 = tpu.memref_slice %arg11[%mul3A_631, %dma_start3A_684] : memref<57344x128xf32, #tpu.memory_space<hbm>> -> memref<112x128xf32, #tpu.memory_space<hbm>>
        %dma_start3A_686 = arith.constant 0 : i32
        %dma_start3A_687 = tpu.memref_slice %arg11[%mul3A_631, %dma_start3A_686] : memref<57344x128xf32, #tpu.memory_space<hbm>> -> memref<112x128xf32, #tpu.memory_space<hbm>>
        %dma_start3A_688 = arith.constant 0 : i32
        %dma_start3A_689 = arith.constant 0 : i32
        %dma_start3A_690 = tpu.memref_slice %arg20[%dma_start3A_688, %dma_start3A_689] : memref<112x128xf32, #tpu.memory_space<vmem>> -> memref<112x128xf32, #tpu.memory_space<vmem>>
        tpu.enqueue_dma source(%dma_start3A_690 : memref<112x128xf32, #tpu.memory_space<vmem>>) target(%dma_start3A_687 : memref<112x128xf32, #tpu.memory_space<hbm>>) target_semaphore(%run_scoped3A : memref<!tpu.dma_semaphore, #tpu.memory_space<semaphore_mem>>)
        %dma_wait3A_691 = arith.constant 0 : i32
        %dma_wait3A_692 = arith.constant 0 : i32
        %dma_wait3A_693 = tpu.memref_slice %arg20[%dma_wait3A_691, %dma_wait3A_692] : memref<112x128xf32, #tpu.memory_space<vmem>> -> memref<112x128xf32, #tpu.memory_space<vmem>>
        %dma_wait3A_694 = arith.constant 0 : i32
        %dma_wait3A_695 = tpu.memref_slice %arg11[%mul3A_631, %dma_wait3A_694] : memref<57344x128xf32, #tpu.memory_space<hbm>> -> memref<112x128xf32, #tpu.memory_space<hbm>>
        %dma_wait3A_696 = arith.constant 0 : i32
        %dma_wait3A_697 = tpu.memref_slice %arg11[%mul3A_631, %dma_wait3A_696] : memref<57344x128xf32, #tpu.memory_space<hbm>> -> memref<112x128xf32, #tpu.memory_space<hbm>>
        %dma_wait3A_698 = arith.constant 0 : i32
        %dma_wait3A_699 = arith.constant 0 : i32
        %dma_wait3A_700 = tpu.memref_slice %arg20[%dma_wait3A_698, %dma_wait3A_699] : memref<112x128xf32, #tpu.memory_space<vmem>> -> memref<112x128xf32, #tpu.memory_space<vmem>>
        tpu.wait_dma2 semaphore(%run_scoped3A : memref<!tpu.dma_semaphore, #tpu.memory_space<semaphore_mem>>) src(%dma_wait3A_700 : memref<112x128xf32, #tpu.memory_space<vmem>>) dst(%dma_wait3A_697 : memref<112x128xf32, #tpu.memory_space<hbm>>)
        tpu.yield
      }) : () -> ()
      %add3A_674 = arith.constant 1 : i32
      %add3A_675 = arith.addi %scan3A_604, %add3A_674 : i32
      %lt3A_676 = arith.constant 16 : i32
      %lt3A_677 = arith.cmpi slt, %add3A_675, %lt3A_676 : i32
      %convert_element_type3A_678 = arith.extui %lt3A_677 : i1 to i32
      %cond3A_679 = arith.constant 0 : i32
      %cond3A_680 = arith.cmpi ne, %convert_element_type3A_678, %cond3A_679 : i32
      scf.if %cond3A_680 {
        %dma_wait3A_681 = arith.constant 0 : i32
        %dma_wait3A_682 = arith.constant 0 : i32
        %dma_wait3A_683 = tpu.memref_slice %arg14[%dma_wait3A_681, %dma_wait3A_682] : memref<2x4000xi32, #tpu.memory_space<vmem>> -> memref<1x2000xi32, #tpu.memory_space<vmem>>
        %dma_wait3A_684 = tpu.memref_squeeze %dma_wait3A_683 : memref<1x2000xi32, #tpu.memory_space<vmem>> -> memref<2000xi32, #tpu.memory_space<vmem>>
        %dma_wait3A_685 = arith.constant 0 : i32
        %dma_wait3A_686 = tpu.memref_slice %arg4[%dma_wait3A_685] : memref<1024000xi32, #tpu.memory_space<hbm>> -> memref<2000xi32, #tpu.memory_space<hbm>>
        %dma_wait3A_687 = arith.constant 0 : i32
        %dma_wait3A_688 = tpu.memref_slice %arg14[%dma_wait3A_681, %dma_wait3A_687] : memref<2x4000xi32, #tpu.memory_space<vmem>> -> memref<1x2000xi32, #tpu.memory_space<vmem>>
        %dma_wait3A_689 = tpu.memref_squeeze %dma_wait3A_688 : memref<1x2000xi32, #tpu.memory_space<vmem>> -> memref<2000xi32, #tpu.memory_space<vmem>>
        %dma_wait3A_690 = arith.constant 0 : i32
        %dma_wait3A_691 = tpu.memref_slice %arg4[%dma_wait3A_690] : memref<1024000xi32, #tpu.memory_space<hbm>> -> memref<2000xi32, #tpu.memory_space<hbm>>
        tpu.wait_dma2 semaphore(%arg27 : memref<!tpu.dma_semaphore, #tpu.memory_space<semaphore_mem>>) src(%dma_wait3A_691 : memref<2000xi32, #tpu.memory_space<hbm>>) dst(%dma_wait3A_689 : memref<2000xi32, #tpu.memory_space<vmem>>)
        %dma_wait3A_692 = arith.constant 0 : i32
        %dma_wait3A_693 = arith.constant 2000 : i32
        %dma_wait3A_694 = tpu.memref_slice %arg14[%dma_wait3A_692, %dma_wait3A_693] : memref<2x4000xi32, #tpu.memory_space<vmem>> -> memref<1x2000xi32, #tpu.memory_space<vmem>>
        %dma_wait3A_695 = tpu.memref_squeeze %dma_wait3A_694 : memref<1x2000xi32, #tpu.memory_space<vmem>> -> memref<2000xi32, #tpu.memory_space<vmem>>
        %dma_wait3A_696 = arith.constant 0 : i32
        %dma_wait3A_697 = tpu.memref_slice %arg4[%dma_wait3A_696] : memref<1024000xi32, #tpu.memory_space<hbm>> -> memref<2000xi32, #tpu.memory_space<hbm>>
        %dma_wait3A_698 = arith.constant 2000 : i32
        %dma_wait3A_699 = tpu.memref_slice %arg14[%dma_wait3A_692, %dma_wait3A_698] : memref<2x4000xi32, #tpu.memory_space<vmem>> -> memref<1x2000xi32, #tpu.memory_space<vmem>>
        %dma_wait3A_700 = tpu.memref_squeeze %dma_wait3A_699 : memref<1x2000xi32, #tpu.memory_space<vmem>> -> memref<2000xi32, #tpu.memory_space<vmem>>
        %dma_wait3A_701 = arith.constant 0 : i32
        %dma_wait3A_702 = tpu.memref_slice %arg4[%dma_wait3A_701] : memref<1024000xi32, #tpu.memory_space<hbm>> -> memref<2000xi32, #tpu.memory_space<hbm>>
        tpu.wait_dma2 semaphore(%arg27 : memref<!tpu.dma_semaphore, #tpu.memory_space<semaphore_mem>>) src(%dma_wait3A_702 : memref<2000xi32, #tpu.memory_space<hbm>>) dst(%dma_wait3A_700 : memref<2000xi32, #tpu.memory_space<vmem>>)
      } else {
      }
    }
    %scan3A_434 = arith.constant 16 : i32
    %mul3A_435 = arith.constant 32 : i32
    %mul3A_436 = arith.muli %add3A, %mul3A_435 : i32
    %mul3A_437 = arith.constant 20 : i32
    %mul3A_438 = arith.muli %mul3A_436, %mul3A_437 : i32
    %dma_start3A_439 = arith.constant 0 : i32
    %dma_start3A_440 = arith.constant 0 : i32
    %dma_start3A_441 = tpu.memref_slice %arg14[%dma_start3A_439, %dma_start3A_440] : memref<2x4000xi32, #tpu.memory_space<vmem>> -> memref<1x640xi32, #tpu.memory_space<vmem>>
    %dma_start3A_442 = tpu.memref_squeeze %dma_start3A_441 : memref<1x640xi32, #tpu.memory_space<vmem>> -> memref<640xi32, #tpu.memory_space<vmem>>
    %dma_start3A_443 = tpu.memref_slice %arg6[%mul3A_438] : memref<20480xi32, #tpu.memory_space<hbm>> -> memref<640xi32, #tpu.memory_space<hbm>>
    %dma_start3A_444 = arith.constant 0 : i32
    %dma_start3A_445 = tpu.memref_slice %arg14[%dma_start3A_439, %dma_start3A_444] : memref<2x4000xi32, #tpu.memory_space<vmem>> -> memref<1x640xi32, #tpu.memory_space<vmem>>
    %dma_start3A_446 = tpu.memref_squeeze %dma_start3A_445 : memref<1x640xi32, #tpu.memory_space<vmem>> -> memref<640xi32, #tpu.memory_space<vmem>>
    %dma_start3A_447 = tpu.memref_slice %arg6[%mul3A_438] : memref<20480xi32, #tpu.memory_space<hbm>> -> memref<640xi32, #tpu.memory_space<hbm>>
    tpu.enqueue_dma source(%dma_start3A_447 : memref<640xi32, #tpu.memory_space<hbm>>) target(%dma_start3A_446 : memref<640xi32, #tpu.memory_space<vmem>>) target_semaphore(%arg27 : memref<!tpu.dma_semaphore, #tpu.memory_space<semaphore_mem>>)
    %mul3A_448 = arith.constant 20 : i32
    %mul3A_449 = arith.muli %mul3A_436, %mul3A_448 : i32
    %dma_start3A_450 = arith.constant 0 : i32
    %dma_start3A_451 = arith.constant 640 : i32
    %dma_start3A_452 = tpu.memref_slice %arg14[%dma_start3A_450, %dma_start3A_451] : memref<2x4000xi32, #tpu.memory_space<vmem>> -> memref<1x640xi32, #tpu.memory_space<vmem>>
    %dma_start3A_453 = tpu.memref_squeeze %dma_start3A_452 : memref<1x640xi32, #tpu.memory_space<vmem>> -> memref<640xi32, #tpu.memory_space<vmem>>
    %dma_start3A_454 = tpu.memref_slice %arg7[%mul3A_449] : memref<20480xi32, #tpu.memory_space<hbm>> -> memref<640xi32, #tpu.memory_space<hbm>>
    %dma_start3A_455 = arith.constant 640 : i32
    %dma_start3A_456 = tpu.memref_slice %arg14[%dma_start3A_450, %dma_start3A_455] : memref<2x4000xi32, #tpu.memory_space<vmem>> -> memref<1x640xi32, #tpu.memory_space<vmem>>
    %dma_start3A_457 = tpu.memref_squeeze %dma_start3A_456 : memref<1x640xi32, #tpu.memory_space<vmem>> -> memref<640xi32, #tpu.memory_space<vmem>>
    %dma_start3A_458 = tpu.memref_slice %arg7[%mul3A_449] : memref<20480xi32, #tpu.memory_space<hbm>> -> memref<640xi32, #tpu.memory_space<hbm>>
    tpu.enqueue_dma source(%dma_start3A_458 : memref<640xi32, #tpu.memory_space<hbm>>) target(%dma_start3A_457 : memref<640xi32, #tpu.memory_space<vmem>>) target_semaphore(%arg27 : memref<!tpu.dma_semaphore, #tpu.memory_space<semaphore_mem>>)
    %dma_wait3A_459 = arith.constant 0 : i32
    %dma_wait3A_460 = arith.constant 0 : i32
    %dma_wait3A_461 = tpu.memref_slice %arg14[%dma_wait3A_459, %dma_wait3A_460] : memref<2x4000xi32, #tpu.memory_space<vmem>> -> memref<1x640xi32, #tpu.memory_space<vmem>>
    %dma_wait3A_462 = tpu.memref_squeeze %dma_wait3A_461 : memref<1x640xi32, #tpu.memory_space<vmem>> -> memref<640xi32, #tpu.memory_space<vmem>>
    %dma_wait3A_463 = arith.constant 0 : i32
    %dma_wait3A_464 = tpu.memref_slice %arg6[%dma_wait3A_463] : memref<20480xi32, #tpu.memory_space<hbm>> -> memref<640xi32, #tpu.memory_space<hbm>>
    %dma_wait3A_465 = arith.constant 0 : i32
    %dma_wait3A_466 = tpu.memref_slice %arg14[%dma_wait3A_459, %dma_wait3A_465] : memref<2x4000xi32, #tpu.memory_space<vmem>> -> memref<1x640xi32, #tpu.memory_space<vmem>>
    %dma_wait3A_467 = tpu.memref_squeeze %dma_wait3A_466 : memref<1x640xi32, #tpu.memory_space<vmem>> -> memref<640xi32, #tpu.memory_space<vmem>>
    %dma_wait3A_468 = arith.constant 0 : i32
    %dma_wait3A_469 = tpu.memref_slice %arg6[%dma_wait3A_468] : memref<20480xi32, #tpu.memory_space<hbm>> -> memref<640xi32, #tpu.memory_space<hbm>>
    tpu.wait_dma2 semaphore(%arg27 : memref<!tpu.dma_semaphore, #tpu.memory_space<semaphore_mem>>) src(%dma_wait3A_469 : memref<640xi32, #tpu.memory_space<hbm>>) dst(%dma_wait3A_467 : memref<640xi32, #tpu.memory_space<vmem>>)
    %dma_wait3A_470 = arith.constant 0 : i32
    %dma_wait3A_471 = arith.constant 640 : i32
    %dma_wait3A_472 = tpu.memref_slice %arg14[%dma_wait3A_470, %dma_wait3A_471] : memref<2x4000xi32, #tpu.memory_space<vmem>> -> memref<1x640xi32, #tpu.memory_space<vmem>>
    %dma_wait3A_473 = tpu.memref_squeeze %dma_wait3A_472 : memref<1x640xi32, #tpu.memory_space<vmem>> -> memref<640xi32, #tpu.memory_space<vmem>>
    %dma_wait3A_474 = arith.constant 0 : i32
    %dma_wait3A_475 = tpu.memref_slice %arg6[%dma_wait3A_474] : memref<20480xi32, #tpu.memory_space<hbm>> -> memref<640xi32, #tpu.memory_space<hbm>>
    %dma_wait3A_476 = arith.constant 640 : i32
    %dma_wait3A_477 = tpu.memref_slice %arg14[%dma_wait3A_470, %dma_wait3A_476] : memref<2x4000xi32, #tpu.memory_space<vmem>> -> memref<1x640xi32, #tpu.memory_space<vmem>>
    %dma_wait3A_478 = tpu.memref_squeeze %dma_wait3A_477 : memref<1x640xi32, #tpu.memory_space<vmem>> -> memref<640xi32, #tpu.memory_space<vmem>>
    %dma_wait3A_479 = arith.constant 0 : i32
    %dma_wait3A_480 = tpu.memref_slice %arg6[%dma_wait3A_479] : memref<20480xi32, #tpu.memory_space<hbm>> -> memref<640xi32, #tpu.memory_space<hbm>>
    tpu.wait_dma2 semaphore(%arg27 : memref<!tpu.dma_semaphore, #tpu.memory_space<semaphore_mem>>) src(%dma_wait3A_480 : memref<640xi32, #tpu.memory_space<hbm>>) dst(%dma_wait3A_478 : memref<640xi32, #tpu.memory_space<vmem>>)
    %mul3A_481 = arith.constant 32 : i32
    %mul3A_482 = arith.muli %add3A, %mul3A_481 : i32
    %mul3A_483 = arith.constant 32 : i32
    %mul3A_484 = arith.muli %add3A, %mul3A_483 : i32
    %dma_start3A_485 = arith.constant 0 : i32
    %dma_start3A_486 = arith.constant 0 : i32
    %dma_start3A_487 = arith.constant 0 : i32
    %dma_start3A_488 = tpu.memref_slice %arg15[%dma_start3A_486, %dma_start3A_487] : memref<80x64xi16, #tpu.memory_space<vmem>> -> memref<80x64xi16, #tpu.memory_space<vmem>>
    %dma_start3A_489 = arith.constant 0 : i32
    %dma_start3A_490 = tpu.memref_slice %arg14[%dma_start3A_485, %dma_start3A_489] : memref<2x4000xi32, #tpu.memory_space<vmem>> -> memref<1x80xi32, #tpu.memory_space<vmem>>
    %dma_start3A_491 = tpu.memref_squeeze %dma_start3A_490 : memref<1x80xi32, #tpu.memory_space<vmem>> -> memref<80xi32, #tpu.memory_space<vmem>>
    %dma_start3A_492 = arith.constant 0 : i32
    %dma_start3A_493 = arith.constant 0 : i32
    %dma_start3A_494 = tpu.memref_slice %arg2[%dma_start3A_492, %dma_start3A_493] : memref<100000x64xi16, #tpu.memory_space<hbm>> -> memref<100000x64xi16, #tpu.memory_space<hbm>>
    tpu.enqueue_indirect_dma source(%dma_start3A_494 : memref<100000x64xi16, #tpu.memory_space<hbm>>) target(%dma_start3A_488 : memref<80x64xi16, #tpu.memory_space<vmem>>) offsets(%dma_start3A_491 : memref<80xi32, #tpu.memory_space<vmem>>) semaphore(%arg22 : memref<!tpu.dma_semaphore, #tpu.memory_space<semaphore_mem>>)
    %dma_start3A_495 = arith.constant 0 : i32
    %dma_start3A_496 = arith.constant 0 : i32
    %dma_start3A_497 = arith.constant 0 : i32
    %dma_start3A_498 = tpu.memref_slice %arg16[%dma_start3A_496, %dma_start3A_497] : memref<80x64xi16, #tpu.memory_space<vmem>> -> memref<80x64xi16, #tpu.memory_space<vmem>>
    %dma_start3A_499 = arith.constant 80 : i32
    %dma_start3A_500 = tpu.memref_slice %arg14[%dma_start3A_495, %dma_start3A_499] : memref<2x4000xi32, #tpu.memory_space<vmem>> -> memref<1x80xi32, #tpu.memory_space<vmem>>
    %dma_start3A_501 = tpu.memref_squeeze %dma_start3A_500 : memref<1x80xi32, #tpu.memory_space<vmem>> -> memref<80xi32, #tpu.memory_space<vmem>>
    %dma_start3A_502 = arith.constant 0 : i32
    %dma_start3A_503 = arith.constant 0 : i32
    %dma_start3A_504 = tpu.memref_slice %arg2[%dma_start3A_502, %dma_start3A_503] : memref<100000x64xi16, #tpu.memory_space<hbm>> -> memref<100000x64xi16, #tpu.memory_space<hbm>>
    tpu.enqueue_indirect_dma source(%dma_start3A_504 : memref<100000x64xi16, #tpu.memory_space<hbm>>) target(%dma_start3A_498 : memref<80x64xi16, #tpu.memory_space<vmem>>) offsets(%dma_start3A_501 : memref<80xi32, #tpu.memory_space<vmem>>) semaphore(%arg23 : memref<!tpu.dma_semaphore, #tpu.memory_space<semaphore_mem>>)
    %dma_start3A_505 = arith.constant 0 : i32
    %dma_start3A_506 = arith.constant 0 : i32
    %dma_start3A_507 = arith.constant 0 : i32
    %dma_start3A_508 = tpu.memref_slice %arg17[%dma_start3A_506, %dma_start3A_507] : memref<80x64xi16, #tpu.memory_space<vmem>> -> memref<80x64xi16, #tpu.memory_space<vmem>>
    %dma_start3A_509 = arith.constant 160 : i32
    %dma_start3A_510 = tpu.memref_slice %arg14[%dma_start3A_505, %dma_start3A_509] : memref<2x4000xi32, #tpu.memory_space<vmem>> -> memref<1x80xi32, #tpu.memory_space<vmem>>
    %dma_start3A_511 = tpu.memref_squeeze %dma_start3A_510 : memref<1x80xi32, #tpu.memory_space<vmem>> -> memref<80xi32, #tpu.memory_space<vmem>>
    %dma_start3A_512 = arith.constant 0 : i32
    %dma_start3A_513 = arith.constant 0 : i32
    %dma_start3A_514 = tpu.memref_slice %arg2[%dma_start3A_512, %dma_start3A_513] : memref<100000x64xi16, #tpu.memory_space<hbm>> -> memref<100000x64xi16, #tpu.memory_space<hbm>>
    tpu.enqueue_indirect_dma source(%dma_start3A_514 : memref<100000x64xi16, #tpu.memory_space<hbm>>) target(%dma_start3A_508 : memref<80x64xi16, #tpu.memory_space<vmem>>) offsets(%dma_start3A_511 : memref<80xi32, #tpu.memory_space<vmem>>) semaphore(%arg24 : memref<!tpu.dma_semaphore, #tpu.memory_space<semaphore_mem>>)
    %scan3A_515 = arith.constant 0 : i32
    %scan3A_516 = arith.constant 0 : i32
    %scan3A_517 = arith.constant 4 : i32
    %scan3A_518 = arith.addi %scan3A_516, %scan3A_517 : i32
    %scan3A_519 = arith.constant 1 : i32
    scf.for %scan3A_604 = %scan3A_516 to %scan3A_518 step %scan3A_519  : i32 {
      %mul3A_605 = arith.constant 4 : i32
      %mul3A_606 = arith.muli %mul3A_605, %scan3A_604 : i32
      %add3A_607 = arith.constant 0 : i32
      %add3A_608 = arith.addi %mul3A_606, %add3A_607 : i32
      %dma_wait3A_609 = arith.constant 0 : i32
      %dma_wait3A_610 = arith.constant 0 : i32
      %dma_wait3A_611 = arith.constant 0 : i32
      %dma_wait3A_612 = tpu.memref_slice %arg15[%dma_wait3A_610, %dma_wait3A_611] : memref<80x64xi16, #tpu.memory_space<vmem>> -> memref<80x64xi16, #tpu.memory_space<vmem>>
      %dma_wait3A_613 = arith.constant 0 : i32
      %dma_wait3A_614 = tpu.memref_slice %arg14[%dma_wait3A_609, %dma_wait3A_613] : memref<2x4000xi32, #tpu.memory_space<vmem>> -> memref<1x80xi32, #tpu.memory_space<vmem>>
      %dma_wait3A_615 = tpu.memref_squeeze %dma_wait3A_614 : memref<1x80xi32, #tpu.memory_space<vmem>> -> memref<80xi32, #tpu.memory_space<vmem>>
      %dma_wait3A_616 = arith.constant 0 : i32
      %dma_wait3A_617 = arith.constant 0 : i32
      %dma_wait3A_618 = tpu.memref_slice %arg2[%dma_wait3A_616, %dma_wait3A_617] : memref<100000x64xi16, #tpu.memory_space<hbm>> -> memref<100000x64xi16, #tpu.memory_space<hbm>>
      tpu.wait_indirect_dma semaphore(%arg22 : memref<!tpu.dma_semaphore, #tpu.memory_space<semaphore_mem>>) src(%dma_wait3A_618 : memref<100000x64xi16, #tpu.memory_space<hbm>>) dst(%dma_wait3A_612 : memref<80x64xi16, #tpu.memory_space<vmem>>)
      %jit3A = arith.constant 8 : i32
      %div3A = arith.divsi %add3A_608, %jit3A : i32
      %sign3A = arith.constant 0 : i32
      %sign3A_619 = arith.cmpi sgt, %add3A_608, %sign3A : i32
      %sign3A_620 = arith.extui %sign3A_619 : i1 to i32
      %sign3A_621 = arith.constant 0 : i32
      %sign3A_622 = arith.cmpi slt, %add3A_608, %sign3A_621 : i32
      %sign3A_623 = arith.extui %sign3A_622 : i1 to i32
      %sign3A_624 = arith.subi %sign3A_620, %sign3A_623 : i32
      %sign3A_625 = arith.constant 0 : i32
      %sign3A_626 = arith.cmpi sgt, %jit3A, %sign3A_625 : i32
      %sign3A_627 = arith.extui %sign3A_626 : i1 to i32
      %sign3A_628 = arith.constant 0 : i32
      %sign3A_629 = arith.cmpi slt, %jit3A, %sign3A_628 : i32
      %sign3A_630 = arith.extui %sign3A_629 : i1 to i32
      %sign3A_631 = arith.subi %sign3A_627, %sign3A_630 : i32
      %ne3A = arith.cmpi ne, %sign3A_624, %sign3A_631 : i32
      %rem3A = arith.remsi %add3A_608, %jit3A : i32
      %ne3A_632 = arith.constant 0 : i32
      %ne3A_633 = arith.cmpi ne, %rem3A, %ne3A_632 : i32
      %and3A = arith.andi %ne3A, %ne3A_633 : i1
      %sub3A = arith.constant 1 : i32
      %sub3A_634 = arith.subi %div3A, %sub3A : i32
      %select_n3A = arith.select %and3A, %sub3A_634, %div3A : i32
      %jit3A_635 = arith.constant 8 : i32
      %eq3A = arith.constant 0 : i32
      %eq3A_636 = arith.cmpi eq, %jit3A_635, %eq3A : i32
      %jit3A_637 = arith.constant 1 : i32
      %select_n3A_638 = arith.select %eq3A_636, %jit3A_637, %jit3A_635 : i32
      %rem3A_639 = arith.remsi %add3A_608, %select_n3A_638 : i32
      %ne3A_640 = arith.constant 0 : i32
      %ne3A_641 = arith.cmpi ne, %rem3A_639, %ne3A_640 : i32
      %lt3A = arith.constant 0 : i32
      %lt3A_642 = arith.cmpi slt, %rem3A_639, %lt3A : i32
      %lt3A_643 = arith.constant 0 : i32
      %lt3A_644 = arith.cmpi slt, %select_n3A_638, %lt3A_643 : i32
      %ne3A_645 = arith.xori %lt3A_642, %lt3A_644 : i1
      %and3A_646 = arith.andi %ne3A_645, %ne3A_641 : i1
      %add3A_647 = arith.addi %rem3A_639, %select_n3A_638 : i32
      %select_n3A_648 = arith.select %and3A_646, %add3A_647, %rem3A_639 : i32
      %mul3A_649 = arith.constant 4 : i32
      %mul3A_650 = arith.muli %mul3A_649, %select_n3A_648 : i32
      %mul3A_651 = arith.constant 64 : i32
      %mul3A_652 = arith.muli %mul3A_651, %select_n3A : i32
      %scan3A_653 = arith.constant 0 : i32
      %scan3A_654 = arith.constant 0 : i32
      %scan3A_655 = arith.constant 4 : i32
      %scan3A_656 = arith.addi %scan3A_654, %scan3A_655 : i32
      %scan3A_657 = arith.constant 1 : i32
      scf.for %scan3A_879 = %scan3A_654 to %scan3A_656 step %scan3A_657  : i32 {
        %broadcast_in_dim3A_880 = arith.constant 0 : i32
        %broadcast_in_dim3A_881 = vector.broadcast %broadcast_in_dim3A_880 : i32 to vector<16xi32>
        %scan3A_882 = arith.constant 0 : i32
        %scan3A_883 = arith.constant 5 : i32
        %scan3A_884 = arith.addi %scan3A_882, %scan3A_883 : i32
        %scan3A_885 = arith.constant 1 : i32
        %scan3A_886:4 = scf.for %scan3A_917 = %scan3A_882 to %scan3A_884 step %scan3A_885 iter_args(%scan3A_918 = %broadcast_in_dim3A_881, %scan3A_919 = %broadcast_in_dim3A_881, %scan3A_920 = %broadcast_in_dim3A_881, %scan3A_921 = %broadcast_in_dim3A_881) -> (vector<16xi32>, vector<16xi32>, vector<16xi32>, vector<16xi32>)  : i32 {
          %mul3A_922 = arith.constant 20 : i32
          %mul3A_923 = arith.muli %scan3A_879, %mul3A_922 : i32
          %mul3A_924 = arith.constant 4 : i32
          %mul3A_925 = arith.muli %mul3A_924, %scan3A_917 : i32
          %add3A_926 = arith.addi %mul3A_923, %mul3A_925 : i32
          %add3A_927 = arith.constant 0 : i32
          %add3A_928 = arith.addi %add3A_926, %add3A_927 : i32
          %get3A_929 = arith.index_cast %add3A_928 : i32 to index
          %get3A_930 = arith.constant 0 : index
          %get3A_931 = tpu.vector_load %arg15[%get3A_929, %get3A_930] {strides = array<i32>} : memref<80x64xi16, #tpu.memory_space<vmem>>, vector<32xi16>,
          %unpack3A = tpu.unpack_subelements %get3A_931, 0 {pack_format = #tpu.pack_format<interleaved>} : vector<32xi16> -> vector<16xi32>
          %unpack3A_932 = tpu.unpack_subelements %get3A_931, 1 {pack_format = #tpu.pack_format<interleaved>} : vector<32xi16> -> vector<16xi32>
          %add3A_933 = arith.addi %scan3A_918, %unpack3A : vector<16xi32>
          %add3A_934 = arith.addi %scan3A_919, %unpack3A_932 : vector<16xi32>
          %mul3A_935 = arith.constant 20 : i32
          %mul3A_936 = arith.muli %scan3A_879, %mul3A_935 : i32
          %mul3A_937 = arith.constant 4 : i32
          %mul3A_938 = arith.muli %mul3A_937, %scan3A_917 : i32
          %add3A_939 = arith.addi %mul3A_936, %mul3A_938 : i32
          %add3A_940 = arith.constant 0 : i32
          %add3A_941 = arith.addi %add3A_939, %add3A_940 : i32
          %get3A_942 = arith.index_cast %add3A_941 : i32 to index
          %get3A_943 = arith.constant 32 : index
          %get3A_944 = tpu.vector_load %arg15[%get3A_942, %get3A_943] {strides = array<i32>} : memref<80x64xi16, #tpu.memory_space<vmem>>, vector<32xi16>,
          %unpack3A_945 = tpu.unpack_subelements %get3A_944, 0 {pack_format = #tpu.pack_format<interleaved>} : vector<32xi16> -> vector<16xi32>
          %unpack3A_946 = tpu.unpack_subelements %get3A_944, 1 {pack_format = #tpu.pack_format<interleaved>} : vector<32xi16> -> vector<16xi32>
          %add3A_947 = arith.addi %scan3A_920, %unpack3A_945 : vector<16xi32>
          %add3A_948 = arith.addi %scan3A_921, %unpack3A_946 : vector<16xi32>
          %mul3A_949 = arith.constant 20 : i32
          %mul3A_950 = arith.muli %scan3A_879, %mul3A_949 : i32
          %mul3A_951 = arith.constant 4 : i32
          %mul3A_952 = arith.muli %mul3A_951, %scan3A_917 : i32
          %add3A_953 = arith.addi %mul3A_950, %mul3A_952 : i32
          %add3A_954 = arith.constant 1 : i32
          %add3A_955 = arith.addi %add3A_953, %add3A_954 : i32
          %get3A_956 = arith.index_cast %add3A_955 : i32 to index
          %get3A_957 = arith.constant 0 : index
          %get3A_958 = tpu.vector_load %arg15[%get3A_956, %get3A_957] {strides = array<i32>} : memref<80x64xi16, #tpu.memory_space<vmem>>, vector<32xi16>,
          %unpack3A_959 = tpu.unpack_subelements %get3A_958, 0 {pack_format = #tpu.pack_format<interleaved>} : vector<32xi16> -> vector<16xi32>
          %unpack3A_960 = tpu.unpack_subelements %get3A_958, 1 {pack_format = #tpu.pack_format<interleaved>} : vector<32xi16> -> vector<16xi32>
          %add3A_961 = arith.addi %add3A_933, %unpack3A_959 : vector<16xi32>
          %add3A_962 = arith.addi %add3A_934, %unpack3A_960 : vector<16xi32>
          %mul3A_963 = arith.constant 20 : i32
          %mul3A_964 = arith.muli %scan3A_879, %mul3A_963 : i32
          %mul3A_965 = arith.constant 4 : i32
          %mul3A_966 = arith.muli %mul3A_965, %scan3A_917 : i32
          %add3A_967 = arith.addi %mul3A_964, %mul3A_966 : i32
          %add3A_968 = arith.constant 1 : i32
          %add3A_969 = arith.addi %add3A_967, %add3A_968 : i32
          %get3A_970 = arith.index_cast %add3A_969 : i32 to index
          %get3A_971 = arith.constant 32 : index
          %get3A_972 = tpu.vector_load %arg15[%get3A_970, %get3A_971] {strides = array<i32>} : memref<80x64xi16, #tpu.memory_space<vmem>>, vector<32xi16>,
          %unpack3A_973 = tpu.unpack_subelements %get3A_972, 0 {pack_format = #tpu.pack_format<interleaved>} : vector<32xi16> -> vector<16xi32>
          %unpack3A_974 = tpu.unpack_subelements %get3A_972, 1 {pack_format = #tpu.pack_format<interleaved>} : vector<32xi16> -> vector<16xi32>
          %add3A_975 = arith.addi %add3A_947, %unpack3A_973 : vector<16xi32>
          %add3A_976 = arith.addi %add3A_948, %unpack3A_974 : vector<16xi32>
          %mul3A_977 = arith.constant 20 : i32
          %mul3A_978 = arith.muli %scan3A_879, %mul3A_977 : i32
          %mul3A_979 = arith.constant 4 : i32
          %mul3A_980 = arith.muli %mul3A_979, %scan3A_917 : i32
          %add3A_981 = arith.addi %mul3A_978, %mul3A_980 : i32
          %add3A_982 = arith.constant 2 : i32
          %add3A_983 = arith.addi %add3A_981, %add3A_982 : i32
          %get3A_984 = arith.index_cast %add3A_983 : i32 to index
          %get3A_985 = arith.constant 0 : index
          %get3A_986 = tpu.vector_load %arg15[%get3A_984, %get3A_985] {strides = array<i32>} : memref<80x64xi16, #tpu.memory_space<vmem>>, vector<32xi16>,
          %unpack3A_987 = tpu.unpack_subelements %get3A_986, 0 {pack_format = #tpu.pack_format<interleaved>} : vector<32xi16> -> vector<16xi32>
          %unpack3A_988 = tpu.unpack_subelements %get3A_986, 1 {pack_format = #tpu.pack_format<interleaved>} : vector<32xi16> -> vector<16xi32>
          %add3A_989 = arith.addi %add3A_961, %unpack3A_987 : vector<16xi32>
          %add3A_990 = arith.addi %add3A_962, %unpack3A_988 : vector<16xi32>
          %mul3A_991 = arith.constant 20 : i32
          %mul3A_992 = arith.muli %scan3A_879, %mul3A_991 : i32
          %mul3A_993 = arith.constant 4 : i32
          %mul3A_994 = arith.muli %mul3A_993, %scan3A_917 : i32
          %add3A_995 = arith.addi %mul3A_992, %mul3A_994 : i32
          %add3A_996 = arith.constant 2 : i32
          %add3A_997 = arith.addi %add3A_995, %add3A_996 : i32
          %get3A_998 = arith.index_cast %add3A_997 : i32 to index
          %get3A_999 = arith.constant 32 : index
          %get3A_1000 = tpu.vector_load %arg15[%get3A_998, %get3A_999] {strides = array<i32>} : memref<80x64xi16, #tpu.memory_space<vmem>>, vector<32xi16>,
          %unpack3A_1001 = tpu.unpack_subelements %get3A_1000, 0 {pack_format = #tpu.pack_format<interleaved>} : vector<32xi16> -> vector<16xi32>
          %unpack3A_1002 = tpu.unpack_subelements %get3A_1000, 1 {pack_format = #tpu.pack_format<interleaved>} : vector<32xi16> -> vector<16xi32>
          %add3A_1003 = arith.addi %add3A_975, %unpack3A_1001 : vector<16xi32>
          %add3A_1004 = arith.addi %add3A_976, %unpack3A_1002 : vector<16xi32>
          %mul3A_1005 = arith.constant 20 : i32
          %mul3A_1006 = arith.muli %scan3A_879, %mul3A_1005 : i32
          %mul3A_1007 = arith.constant 4 : i32
          %mul3A_1008 = arith.muli %mul3A_1007, %scan3A_917 : i32
          %add3A_1009 = arith.addi %mul3A_1006, %mul3A_1008 : i32
          %add3A_1010 = arith.constant 3 : i32
          %add3A_1011 = arith.addi %add3A_1009, %add3A_1010 : i32
          %get3A_1012 = arith.index_cast %add3A_1011 : i32 to index
          %get3A_1013 = arith.constant 0 : index
          %get3A_1014 = tpu.vector_load %arg15[%get3A_1012, %get3A_1013] {strides = array<i32>} : memref<80x64xi16, #tpu.memory_space<vmem>>, vector<32xi16>,
          %unpack3A_1015 = tpu.unpack_subelements %get3A_1014, 0 {pack_format = #tpu.pack_format<interleaved>} : vector<32xi16> -> vector<16xi32>
          %unpack3A_1016 = tpu.unpack_subelements %get3A_1014, 1 {pack_format = #tpu.pack_format<interleaved>} : vector<32xi16> -> vector<16xi32>
          %add3A_1017 = arith.addi %add3A_989, %unpack3A_1015 : vector<16xi32>
          %add3A_1018 = arith.addi %add3A_990, %unpack3A_1016 : vector<16xi32>
          %mul3A_1019 = arith.constant 20 : i32
          %mul3A_1020 = arith.muli %scan3A_879, %mul3A_1019 : i32
          %mul3A_1021 = arith.constant 4 : i32
          %mul3A_1022 = arith.muli %mul3A_1021, %scan3A_917 : i32
          %add3A_1023 = arith.addi %mul3A_1020, %mul3A_1022 : i32
          %add3A_1024 = arith.constant 3 : i32
          %add3A_1025 = arith.addi %add3A_1023, %add3A_1024 : i32
          %get3A_1026 = arith.index_cast %add3A_1025 : i32 to index
          %get3A_1027 = arith.constant 32 : index
          %get3A_1028 = tpu.vector_load %arg15[%get3A_1026, %get3A_1027] {strides = array<i32>} : memref<80x64xi16, #tpu.memory_space<vmem>>, vector<32xi16>,
          %unpack3A_1029 = tpu.unpack_subelements %get3A_1028, 0 {pack_format = #tpu.pack_format<interleaved>} : vector<32xi16> -> vector<16xi32>
          %unpack3A_1030 = tpu.unpack_subelements %get3A_1028, 1 {pack_format = #tpu.pack_format<interleaved>} : vector<32xi16> -> vector<16xi32>
          %add3A_1031 = arith.addi %add3A_1003, %unpack3A_1029 : vector<16xi32>
          %add3A_1032 = arith.addi %add3A_1004, %unpack3A_1030 : vector<16xi32>
          scf.yield %add3A_1017, %add3A_1018, %add3A_1031, %add3A_1032 : vector<16xi32>, vector<16xi32>, vector<16xi32>, vector<16xi32>
        }
        %scan3A_887 = arith.constant 5 : i32
        %add3A_888 = arith.addi %mul3A_650, %scan3A_879 : i32
        %convert_element_type3A_889 = arith.sitofp %scan3A_886#0 : vector<16xi32> to vector<16xf32>
        %mul3A_890 = arith.mulf %convert_element_type3A_889, %get3A_1 : vector<16xf32>
        %add3A_891 = arith.constant 0 : i32
        %add3A_892 = arith.addi %mul3A_652, %add3A_891 : i32
        %swap3A_893 = arith.index_cast %add3A_888 : i32 to index
        %swap3A_894 = arith.index_cast %add3A_892 : i32 to index
        %swap3A_895 = tpu.vector_load %arg20[%swap3A_893, %swap3A_894] {strides = array<i32>} : memref<112x128xf32, #tpu.memory_space<vmem>>, vector<16xf32>,
        tpu.vector_store %arg20[%swap3A_893, %swap3A_894], %mul3A_890 {strides = array<i32>} : memref<112x128xf32, #tpu.memory_space<vmem>>, vector<16xf32>,
        %convert_element_type3A_896 = arith.sitofp %scan3A_886#1 : vector<16xi32> to vector<16xf32>
        %mul3A_897 = arith.mulf %convert_element_type3A_896, %get3A_1 : vector<16xf32>
        %add3A_898 = arith.constant 16 : i32
        %add3A_899 = arith.addi %mul3A_652, %add3A_898 : i32
        %swap3A_900 = arith.index_cast %add3A_888 : i32 to index
        %swap3A_901 = arith.index_cast %add3A_899 : i32 to index
        %swap3A_902 = tpu.vector_load %arg20[%swap3A_900, %swap3A_901] {strides = array<i32>} : memref<112x128xf32, #tpu.memory_space<vmem>>, vector<16xf32>,
        tpu.vector_store %arg20[%swap3A_900, %swap3A_901], %mul3A_897 {strides = array<i32>} : memref<112x128xf32, #tpu.memory_space<vmem>>, vector<16xf32>,
        %convert_element_type3A_903 = arith.sitofp %scan3A_886#2 : vector<16xi32> to vector<16xf32>
        %mul3A_904 = arith.mulf %convert_element_type3A_903, %get3A_1 : vector<16xf32>
        %add3A_905 = arith.constant 32 : i32
        %add3A_906 = arith.addi %mul3A_652, %add3A_905 : i32
        %swap3A_907 = arith.index_cast %add3A_888 : i32 to index
        %swap3A_908 = arith.index_cast %add3A_906 : i32 to index
        %swap3A_909 = tpu.vector_load %arg20[%swap3A_907, %swap3A_908] {strides = array<i32>} : memref<112x128xf32, #tpu.memory_space<vmem>>, vector<16xf32>,
        tpu.vector_store %arg20[%swap3A_907, %swap3A_908], %mul3A_904 {strides = array<i32>} : memref<112x128xf32, #tpu.memory_space<vmem>>, vector<16xf32>,
        %convert_element_type3A_910 = arith.sitofp %scan3A_886#3 : vector<16xi32> to vector<16xf32>
        %mul3A_911 = arith.mulf %convert_element_type3A_910, %get3A_1 : vector<16xf32>
        %add3A_912 = arith.constant 48 : i32
        %add3A_913 = arith.addi %mul3A_652, %add3A_912 : i32
        %swap3A_914 = arith.index_cast %add3A_888 : i32 to index
        %swap3A_915 = arith.index_cast %add3A_913 : i32 to index
        %swap3A_916 = tpu.vector_load %arg20[%swap3A_914, %swap3A_915] {strides = array<i32>} : memref<112x128xf32, #tpu.memory_space<vmem>>, vector<16xf32>,
        tpu.vector_store %arg20[%swap3A_914, %swap3A_915], %mul3A_911 {strides = array<i32>} : memref<112x128xf32, #tpu.memory_space<vmem>>, vector<16xf32>,
      }
      %scan3A_658 = arith.constant 4 : i32
      %add3A_659 = arith.constant 4 : i32
      %add3A_660 = arith.addi %add3A_608, %add3A_659 : i32
      %sub3A_661 = arith.constant 1 : i32
      %sub3A_662 = arith.subi %add3A_660, %sub3A_661 : i32
      %lt3A_663 = arith.constant 16 : i32
      %lt3A_664 = arith.cmpi slt, %sub3A_662, %lt3A_663 : i32
      %convert_element_type3A = arith.extui %lt3A_664 : i1 to i32
      %cond3A = arith.constant 0 : i32
      %cond3A_665 = arith.cmpi ne, %convert_element_type3A, %cond3A : i32
      scf.if %cond3A_665 {
        %mul3A_879 = arith.constant 80 : i32
        %mul3A_880 = arith.muli %sub3A_662, %mul3A_879 : i32
        %dma_start3A_881 = arith.constant 0 : i32
        %dma_start3A_882 = arith.constant 0 : i32
        %dma_start3A_883 = arith.constant 0 : i32
        %dma_start3A_884 = tpu.memref_slice %arg18[%dma_start3A_882, %dma_start3A_883] : memref<80x64xi16, #tpu.memory_space<vmem>> -> memref<80x64xi16, #tpu.memory_space<vmem>>
        %dma_start3A_885 = tpu.memref_slice %arg14[%dma_start3A_881, %mul3A_880] : memref<2x4000xi32, #tpu.memory_space<vmem>> -> memref<1x80xi32, #tpu.memory_space<vmem>>
        %dma_start3A_886 = tpu.memref_squeeze %dma_start3A_885 : memref<1x80xi32, #tpu.memory_space<vmem>> -> memref<80xi32, #tpu.memory_space<vmem>>
        %dma_start3A_887 = arith.constant 0 : i32
        %dma_start3A_888 = arith.constant 0 : i32
        %dma_start3A_889 = tpu.memref_slice %arg2[%dma_start3A_887, %dma_start3A_888] : memref<100000x64xi16, #tpu.memory_space<hbm>> -> memref<100000x64xi16, #tpu.memory_space<hbm>>
        tpu.enqueue_indirect_dma source(%dma_start3A_889 : memref<100000x64xi16, #tpu.memory_space<hbm>>) target(%dma_start3A_884 : memref<80x64xi16, #tpu.memory_space<vmem>>) offsets(%dma_start3A_886 : memref<80xi32, #tpu.memory_space<vmem>>) semaphore(%arg25 : memref<!tpu.dma_semaphore, #tpu.memory_space<semaphore_mem>>)
      } else {
      }
      %add3A_666 = arith.constant 1 : i32
      %add3A_667 = arith.addi %mul3A_606, %add3A_666 : i32
      %dma_wait3A_668 = arith.constant 0 : i32
      %dma_wait3A_669 = arith.constant 0 : i32
      %dma_wait3A_670 = arith.constant 0 : i32
      %dma_wait3A_671 = tpu.memref_slice %arg16[%dma_wait3A_669, %dma_wait3A_670] : memref<80x64xi16, #tpu.memory_space<vmem>> -> memref<80x64xi16, #tpu.memory_space<vmem>>
      %dma_wait3A_672 = arith.constant 0 : i32
      %dma_wait3A_673 = tpu.memref_slice %arg14[%dma_wait3A_668, %dma_wait3A_672] : memref<2x4000xi32, #tpu.memory_space<vmem>> -> memref<1x80xi32, #tpu.memory_space<vmem>>
      %dma_wait3A_674 = tpu.memref_squeeze %dma_wait3A_673 : memref<1x80xi32, #tpu.memory_space<vmem>> -> memref<80xi32, #tpu.memory_space<vmem>>
      %dma_wait3A_675 = arith.constant 0 : i32
      %dma_wait3A_676 = arith.constant 0 : i32
      %dma_wait3A_677 = tpu.memref_slice %arg2[%dma_wait3A_675, %dma_wait3A_676] : memref<100000x64xi16, #tpu.memory_space<hbm>> -> memref<100000x64xi16, #tpu.memory_space<hbm>>
      tpu.wait_indirect_dma semaphore(%arg23 : memref<!tpu.dma_semaphore, #tpu.memory_space<semaphore_mem>>) src(%dma_wait3A_677 : memref<100000x64xi16, #tpu.memory_space<hbm>>) dst(%dma_wait3A_671 : memref<80x64xi16, #tpu.memory_space<vmem>>)
      %jit3A_678 = arith.constant 8 : i32
      %div3A_679 = arith.divsi %add3A_667, %jit3A_678 : i32
      %sign3A_680 = arith.constant 0 : i32
      %sign3A_681 = arith.cmpi sgt, %add3A_667, %sign3A_680 : i32
      %sign3A_682 = arith.extui %sign3A_681 : i1 to i32
      %sign3A_683 = arith.constant 0 : i32
      %sign3A_684 = arith.cmpi slt, %add3A_667, %sign3A_683 : i32
      %sign3A_685 = arith.extui %sign3A_684 : i1 to i32
      %sign3A_686 = arith.subi %sign3A_682, %sign3A_685 : i32
      %sign3A_687 = arith.constant 0 : i32
      %sign3A_688 = arith.cmpi sgt, %jit3A_678, %sign3A_687 : i32
      %sign3A_689 = arith.extui %sign3A_688 : i1 to i32
      %sign3A_690 = arith.constant 0 : i32
      %sign3A_691 = arith.cmpi slt, %jit3A_678, %sign3A_690 : i32
      %sign3A_692 = arith.extui %sign3A_691 : i1 to i32
      %sign3A_693 = arith.subi %sign3A_689, %sign3A_692 : i32
      %ne3A_694 = arith.cmpi ne, %sign3A_686, %sign3A_693 : i32
      %rem3A_695 = arith.remsi %add3A_667, %jit3A_678 : i32
      %ne3A_696 = arith.constant 0 : i32
      %ne3A_697 = arith.cmpi ne, %rem3A_695, %ne3A_696 : i32
      %and3A_698 = arith.andi %ne3A_694, %ne3A_697 : i1
      %sub3A_699 = arith.constant 1 : i32
      %sub3A_700 = arith.subi %div3A_679, %sub3A_699 : i32
      %select_n3A_701 = arith.select %and3A_698, %sub3A_700, %div3A_679 : i32
      %jit3A_702 = arith.constant 8 : i32
      %eq3A_703 = arith.constant 0 : i32
      %eq3A_704 = arith.cmpi eq, %jit3A_702, %eq3A_703 : i32
      %jit3A_705 = arith.constant 1 : i32
      %select_n3A_706 = arith.select %eq3A_704, %jit3A_705, %jit3A_702 : i32
      %rem3A_707 = arith.remsi %add3A_667, %select_n3A_706 : i32
      %ne3A_708 = arith.constant 0 : i32
      %ne3A_709 = arith.cmpi ne, %rem3A_707, %ne3A_708 : i32
      %lt3A_710 = arith.constant 0 : i32
      %lt3A_711 = arith.cmpi slt, %rem3A_707, %lt3A_710 : i32
      %lt3A_712 = arith.constant 0 : i32
      %lt3A_713 = arith.cmpi slt, %select_n3A_706, %lt3A_712 : i32
      %ne3A_714 = arith.xori %lt3A_711, %lt3A_713 : i1
      %and3A_715 = arith.andi %ne3A_714, %ne3A_709 : i1
      %add3A_716 = arith.addi %rem3A_707, %select_n3A_706 : i32
      %select_n3A_717 = arith.select %and3A_715, %add3A_716, %rem3A_707 : i32
      %mul3A_718 = arith.constant 4 : i32
      %mul3A_719 = arith.muli %mul3A_718, %select_n3A_717 : i32
      %mul3A_720 = arith.constant 64 : i32
      %mul3A_721 = arith.muli %mul3A_720, %select_n3A_701 : i32
      %scan3A_722 = arith.constant 0 : i32
      %scan3A_723 = arith.constant 0 : i32
      %scan3A_724 = arith.constant 4 : i32
      %scan3A_725 = arith.addi %scan3A_723, %scan3A_724 : i32
      %scan3A_726 = arith.constant 1 : i32
      scf.for %scan3A_879 = %scan3A_723 to %scan3A_725 step %scan3A_726  : i32 {
        %broadcast_in_dim3A_880 = arith.constant 0 : i32
        %broadcast_in_dim3A_881 = vector.broadcast %broadcast_in_dim3A_880 : i32 to vector<16xi32>
        %scan3A_882 = arith.constant 0 : i32
        %scan3A_883 = arith.constant 5 : i32
        %scan3A_884 = arith.addi %scan3A_882, %scan3A_883 : i32
        %scan3A_885 = arith.constant 1 : i32
        %scan3A_886:4 = scf.for %scan3A_917 = %scan3A_882 to %scan3A_884 step %scan3A_885 iter_args(%scan3A_918 = %broadcast_in_dim3A_881, %scan3A_919 = %broadcast_in_dim3A_881, %scan3A_920 = %broadcast_in_dim3A_881, %scan3A_921 = %broadcast_in_dim3A_881) -> (vector<16xi32>, vector<16xi32>, vector<16xi32>, vector<16xi32>)  : i32 {
          %mul3A_922 = arith.constant 20 : i32
          %mul3A_923 = arith.muli %scan3A_879, %mul3A_922 : i32
          %mul3A_924 = arith.constant 4 : i32
          %mul3A_925 = arith.muli %mul3A_924, %scan3A_917 : i32
          %add3A_926 = arith.addi %mul3A_923, %mul3A_925 : i32
          %add3A_927 = arith.constant 0 : i32
          %add3A_928 = arith.addi %add3A_926, %add3A_927 : i32
          %get3A_929 = arith.index_cast %add3A_928 : i32 to index
          %get3A_930 = arith.constant 0 : index
          %get3A_931 = tpu.vector_load %arg16[%get3A_929, %get3A_930] {strides = array<i32>} : memref<80x64xi16, #tpu.memory_space<vmem>>, vector<32xi16>,
          %unpack3A = tpu.unpack_subelements %get3A_931, 0 {pack_format = #tpu.pack_format<interleaved>} : vector<32xi16> -> vector<16xi32>
          %unpack3A_932 = tpu.unpack_subelements %get3A_931, 1 {pack_format = #tpu.pack_format<interleaved>} : vector<32xi16> -> vector<16xi32>
          %add3A_933 = arith.addi %scan3A_918, %unpack3A : vector<16xi32>
          %add3A_934 = arith.addi %scan3A_919, %unpack3A_932 : vector<16xi32>
          %mul3A_935 = arith.constant 20 : i32
          %mul3A_936 = arith.muli %scan3A_879, %mul3A_935 : i32
          %mul3A_937 = arith.constant 4 : i32
          %mul3A_938 = arith.muli %mul3A_937, %scan3A_917 : i32
          %add3A_939 = arith.addi %mul3A_936, %mul3A_938 : i32
          %add3A_940 = arith.constant 0 : i32
          %add3A_941 = arith.addi %add3A_939, %add3A_940 : i32
          %get3A_942 = arith.index_cast %add3A_941 : i32 to index
          %get3A_943 = arith.constant 32 : index
          %get3A_944 = tpu.vector_load %arg16[%get3A_942, %get3A_943] {strides = array<i32>} : memref<80x64xi16, #tpu.memory_space<vmem>>, vector<32xi16>,
          %unpack3A_945 = tpu.unpack_subelements %get3A_944, 0 {pack_format = #tpu.pack_format<interleaved>} : vector<32xi16> -> vector<16xi32>
          %unpack3A_946 = tpu.unpack_subelements %get3A_944, 1 {pack_format = #tpu.pack_format<interleaved>} : vector<32xi16> -> vector<16xi32>
          %add3A_947 = arith.addi %scan3A_920, %unpack3A_945 : vector<16xi32>
          %add3A_948 = arith.addi %scan3A_921, %unpack3A_946 : vector<16xi32>
          %mul3A_949 = arith.constant 20 : i32
          %mul3A_950 = arith.muli %scan3A_879, %mul3A_949 : i32
          %mul3A_951 = arith.constant 4 : i32
          %mul3A_952 = arith.muli %mul3A_951, %scan3A_917 : i32
          %add3A_953 = arith.addi %mul3A_950, %mul3A_952 : i32
          %add3A_954 = arith.constant 1 : i32
          %add3A_955 = arith.addi %add3A_953, %add3A_954 : i32
          %get3A_956 = arith.index_cast %add3A_955 : i32 to index
          %get3A_957 = arith.constant 0 : index
          %get3A_958 = tpu.vector_load %arg16[%get3A_956, %get3A_957] {strides = array<i32>} : memref<80x64xi16, #tpu.memory_space<vmem>>, vector<32xi16>,
          %unpack3A_959 = tpu.unpack_subelements %get3A_958, 0 {pack_format = #tpu.pack_format<interleaved>} : vector<32xi16> -> vector<16xi32>
          %unpack3A_960 = tpu.unpack_subelements %get3A_958, 1 {pack_format = #tpu.pack_format<interleaved>} : vector<32xi16> -> vector<16xi32>
          %add3A_961 = arith.addi %add3A_933, %unpack3A_959 : vector<16xi32>
          %add3A_962 = arith.addi %add3A_934, %unpack3A_960 : vector<16xi32>
          %mul3A_963 = arith.constant 20 : i32
          %mul3A_964 = arith.muli %scan3A_879, %mul3A_963 : i32
          %mul3A_965 = arith.constant 4 : i32
          %mul3A_966 = arith.muli %mul3A_965, %scan3A_917 : i32
          %add3A_967 = arith.addi %mul3A_964, %mul3A_966 : i32
          %add3A_968 = arith.constant 1 : i32
          %add3A_969 = arith.addi %add3A_967, %add3A_968 : i32
          %get3A_970 = arith.index_cast %add3A_969 : i32 to index
          %get3A_971 = arith.constant 32 : index
          %get3A_972 = tpu.vector_load %arg16[%get3A_970, %get3A_971] {strides = array<i32>} : memref<80x64xi16, #tpu.memory_space<vmem>>, vector<32xi16>,
          %unpack3A_973 = tpu.unpack_subelements %get3A_972, 0 {pack_format = #tpu.pack_format<interleaved>} : vector<32xi16> -> vector<16xi32>
          %unpack3A_974 = tpu.unpack_subelements %get3A_972, 1 {pack_format = #tpu.pack_format<interleaved>} : vector<32xi16> -> vector<16xi32>
          %add3A_975 = arith.addi %add3A_947, %unpack3A_973 : vector<16xi32>
          %add3A_976 = arith.addi %add3A_948, %unpack3A_974 : vector<16xi32>
          %mul3A_977 = arith.constant 20 : i32
          %mul3A_978 = arith.muli %scan3A_879, %mul3A_977 : i32
          %mul3A_979 = arith.constant 4 : i32
          %mul3A_980 = arith.muli %mul3A_979, %scan3A_917 : i32
          %add3A_981 = arith.addi %mul3A_978, %mul3A_980 : i32
          %add3A_982 = arith.constant 2 : i32
          %add3A_983 = arith.addi %add3A_981, %add3A_982 : i32
          %get3A_984 = arith.index_cast %add3A_983 : i32 to index
          %get3A_985 = arith.constant 0 : index
          %get3A_986 = tpu.vector_load %arg16[%get3A_984, %get3A_985] {strides = array<i32>} : memref<80x64xi16, #tpu.memory_space<vmem>>, vector<32xi16>,
          %unpack3A_987 = tpu.unpack_subelements %get3A_986, 0 {pack_format = #tpu.pack_format<interleaved>} : vector<32xi16> -> vector<16xi32>
          %unpack3A_988 = tpu.unpack_subelements %get3A_986, 1 {pack_format = #tpu.pack_format<interleaved>} : vector<32xi16> -> vector<16xi32>
          %add3A_989 = arith.addi %add3A_961, %unpack3A_987 : vector<16xi32>
          %add3A_990 = arith.addi %add3A_962, %unpack3A_988 : vector<16xi32>
          %mul3A_991 = arith.constant 20 : i32
          %mul3A_992 = arith.muli %scan3A_879, %mul3A_991 : i32
          %mul3A_993 = arith.constant 4 : i32
          %mul3A_994 = arith.muli %mul3A_993, %scan3A_917 : i32
          %add3A_995 = arith.addi %mul3A_992, %mul3A_994 : i32
          %add3A_996 = arith.constant 2 : i32
          %add3A_997 = arith.addi %add3A_995, %add3A_996 : i32
          %get3A_998 = arith.index_cast %add3A_997 : i32 to index
          %get3A_999 = arith.constant 32 : index
          %get3A_1000 = tpu.vector_load %arg16[%get3A_998, %get3A_999] {strides = array<i32>} : memref<80x64xi16, #tpu.memory_space<vmem>>, vector<32xi16>,
          %unpack3A_1001 = tpu.unpack_subelements %get3A_1000, 0 {pack_format = #tpu.pack_format<interleaved>} : vector<32xi16> -> vector<16xi32>
          %unpack3A_1002 = tpu.unpack_subelements %get3A_1000, 1 {pack_format = #tpu.pack_format<interleaved>} : vector<32xi16> -> vector<16xi32>
          %add3A_1003 = arith.addi %add3A_975, %unpack3A_1001 : vector<16xi32>
          %add3A_1004 = arith.addi %add3A_976, %unpack3A_1002 : vector<16xi32>
          %mul3A_1005 = arith.constant 20 : i32
          %mul3A_1006 = arith.muli %scan3A_879, %mul3A_1005 : i32
          %mul3A_1007 = arith.constant 4 : i32
          %mul3A_1008 = arith.muli %mul3A_1007, %scan3A_917 : i32
          %add3A_1009 = arith.addi %mul3A_1006, %mul3A_1008 : i32
          %add3A_1010 = arith.constant 3 : i32
          %add3A_1011 = arith.addi %add3A_1009, %add3A_1010 : i32
          %get3A_1012 = arith.index_cast %add3A_1011 : i32 to index
          %get3A_1013 = arith.constant 0 : index
          %get3A_1014 = tpu.vector_load %arg16[%get3A_1012, %get3A_1013] {strides = array<i32>} : memref<80x64xi16, #tpu.memory_space<vmem>>, vector<32xi16>,
          %unpack3A_1015 = tpu.unpack_subelements %get3A_1014, 0 {pack_format = #tpu.pack_format<interleaved>} : vector<32xi16> -> vector<16xi32>
          %unpack3A_1016 = tpu.unpack_subelements %get3A_1014, 1 {pack_format = #tpu.pack_format<interleaved>} : vector<32xi16> -> vector<16xi32>
          %add3A_1017 = arith.addi %add3A_989, %unpack3A_1015 : vector<16xi32>
          %add3A_1018 = arith.addi %add3A_990, %unpack3A_1016 : vector<16xi32>
          %mul3A_1019 = arith.constant 20 : i32
          %mul3A_1020 = arith.muli %scan3A_879, %mul3A_1019 : i32
          %mul3A_1021 = arith.constant 4 : i32
          %mul3A_1022 = arith.muli %mul3A_1021, %scan3A_917 : i32
          %add3A_1023 = arith.addi %mul3A_1020, %mul3A_1022 : i32
          %add3A_1024 = arith.constant 3 : i32
          %add3A_1025 = arith.addi %add3A_1023, %add3A_1024 : i32
          %get3A_1026 = arith.index_cast %add3A_1025 : i32 to index
          %get3A_1027 = arith.constant 32 : index
          %get3A_1028 = tpu.vector_load %arg16[%get3A_1026, %get3A_1027] {strides = array<i32>} : memref<80x64xi16, #tpu.memory_space<vmem>>, vector<32xi16>,
          %unpack3A_1029 = tpu.unpack_subelements %get3A_1028, 0 {pack_format = #tpu.pack_format<interleaved>} : vector<32xi16> -> vector<16xi32>
          %unpack3A_1030 = tpu.unpack_subelements %get3A_1028, 1 {pack_format = #tpu.pack_format<interleaved>} : vector<32xi16> -> vector<16xi32>
          %add3A_1031 = arith.addi %add3A_1003, %unpack3A_1029 : vector<16xi32>
          %add3A_1032 = arith.addi %add3A_1004, %unpack3A_1030 : vector<16xi32>
          scf.yield %add3A_1017, %add3A_1018, %add3A_1031, %add3A_1032 : vector<16xi32>, vector<16xi32>, vector<16xi32>, vector<16xi32>
        }
        %scan3A_887 = arith.constant 5 : i32
        %add3A_888 = arith.addi %mul3A_719, %scan3A_879 : i32
        %convert_element_type3A_889 = arith.sitofp %scan3A_886#0 : vector<16xi32> to vector<16xf32>
        %mul3A_890 = arith.mulf %convert_element_type3A_889, %get3A_1 : vector<16xf32>
        %add3A_891 = arith.constant 0 : i32
        %add3A_892 = arith.addi %mul3A_721, %add3A_891 : i32
        %swap3A_893 = arith.index_cast %add3A_888 : i32 to index
        %swap3A_894 = arith.index_cast %add3A_892 : i32 to index
        %swap3A_895 = tpu.vector_load %arg20[%swap3A_893, %swap3A_894] {strides = array<i32>} : memref<112x128xf32, #tpu.memory_space<vmem>>, vector<16xf32>,
        tpu.vector_store %arg20[%swap3A_893, %swap3A_894], %mul3A_890 {strides = array<i32>} : memref<112x128xf32, #tpu.memory_space<vmem>>, vector<16xf32>,
        %convert_element_type3A_896 = arith.sitofp %scan3A_886#1 : vector<16xi32> to vector<16xf32>
        %mul3A_897 = arith.mulf %convert_element_type3A_896, %get3A_1 : vector<16xf32>
        %add3A_898 = arith.constant 16 : i32
        %add3A_899 = arith.addi %mul3A_721, %add3A_898 : i32
        %swap3A_900 = arith.index_cast %add3A_888 : i32 to index
        %swap3A_901 = arith.index_cast %add3A_899 : i32 to index
        %swap3A_902 = tpu.vector_load %arg20[%swap3A_900, %swap3A_901] {strides = array<i32>} : memref<112x128xf32, #tpu.memory_space<vmem>>, vector<16xf32>,
        tpu.vector_store %arg20[%swap3A_900, %swap3A_901], %mul3A_897 {strides = array<i32>} : memref<112x128xf32, #tpu.memory_space<vmem>>, vector<16xf32>,
        %convert_element_type3A_903 = arith.sitofp %scan3A_886#2 : vector<16xi32> to vector<16xf32>
        %mul3A_904 = arith.mulf %convert_element_type3A_903, %get3A_1 : vector<16xf32>
        %add3A_905 = arith.constant 32 : i32
        %add3A_906 = arith.addi %mul3A_721, %add3A_905 : i32
        %swap3A_907 = arith.index_cast %add3A_888 : i32 to index
        %swap3A_908 = arith.index_cast %add3A_906 : i32 to index
        %swap3A_909 = tpu.vector_load %arg20[%swap3A_907, %swap3A_908] {strides = array<i32>} : memref<112x128xf32, #tpu.memory_space<vmem>>, vector<16xf32>,
        tpu.vector_store %arg20[%swap3A_907, %swap3A_908], %mul3A_904 {strides = array<i32>} : memref<112x128xf32, #tpu.memory_space<vmem>>, vector<16xf32>,
        %convert_element_type3A_910 = arith.sitofp %scan3A_886#3 : vector<16xi32> to vector<16xf32>
        %mul3A_911 = arith.mulf %convert_element_type3A_910, %get3A_1 : vector<16xf32>
        %add3A_912 = arith.constant 48 : i32
        %add3A_913 = arith.addi %mul3A_721, %add3A_912 : i32
        %swap3A_914 = arith.index_cast %add3A_888 : i32 to index
        %swap3A_915 = arith.index_cast %add3A_913 : i32 to index
        %swap3A_916 = tpu.vector_load %arg20[%swap3A_914, %swap3A_915] {strides = array<i32>} : memref<112x128xf32, #tpu.memory_space<vmem>>, vector<16xf32>,
        tpu.vector_store %arg20[%swap3A_914, %swap3A_915], %mul3A_911 {strides = array<i32>} : memref<112x128xf32, #tpu.memory_space<vmem>>, vector<16xf32>,
      }
      %scan3A_727 = arith.constant 4 : i32
      %add3A_728 = arith.constant 4 : i32
      %add3A_729 = arith.addi %add3A_667, %add3A_728 : i32
      %sub3A_730 = arith.constant 1 : i32
      %sub3A_731 = arith.subi %add3A_729, %sub3A_730 : i32
      %lt3A_732 = arith.constant 16 : i32
      %lt3A_733 = arith.cmpi slt, %sub3A_731, %lt3A_732 : i32
      %convert_element_type3A_734 = arith.extui %lt3A_733 : i1 to i32
      %cond3A_735 = arith.constant 0 : i32
      %cond3A_736 = arith.cmpi ne, %convert_element_type3A_734, %cond3A_735 : i32
      scf.if %cond3A_736 {
        %mul3A_879 = arith.constant 80 : i32
        %mul3A_880 = arith.muli %sub3A_731, %mul3A_879 : i32
        %dma_start3A_881 = arith.constant 0 : i32
        %dma_start3A_882 = arith.constant 0 : i32
        %dma_start3A_883 = arith.constant 0 : i32
        %dma_start3A_884 = tpu.memref_slice %arg15[%dma_start3A_882, %dma_start3A_883] : memref<80x64xi16, #tpu.memory_space<vmem>> -> memref<80x64xi16, #tpu.memory_space<vmem>>
        %dma_start3A_885 = tpu.memref_slice %arg14[%dma_start3A_881, %mul3A_880] : memref<2x4000xi32, #tpu.memory_space<vmem>> -> memref<1x80xi32, #tpu.memory_space<vmem>>
        %dma_start3A_886 = tpu.memref_squeeze %dma_start3A_885 : memref<1x80xi32, #tpu.memory_space<vmem>> -> memref<80xi32, #tpu.memory_space<vmem>>
        %dma_start3A_887 = arith.constant 0 : i32
        %dma_start3A_888 = arith.constant 0 : i32
        %dma_start3A_889 = tpu.memref_slice %arg2[%dma_start3A_887, %dma_start3A_888] : memref<100000x64xi16, #tpu.memory_space<hbm>> -> memref<100000x64xi16, #tpu.memory_space<hbm>>
        tpu.enqueue_indirect_dma source(%dma_start3A_889 : memref<100000x64xi16, #tpu.memory_space<hbm>>) target(%dma_start3A_884 : memref<80x64xi16, #tpu.memory_space<vmem>>) offsets(%dma_start3A_886 : memref<80xi32, #tpu.memory_space<vmem>>) semaphore(%arg22 : memref<!tpu.dma_semaphore, #tpu.memory_space<semaphore_mem>>)
      } else {
      }
      %add3A_737 = arith.constant 2 : i32
      %add3A_738 = arith.addi %mul3A_606, %add3A_737 : i32
      %dma_wait3A_739 = arith.constant 0 : i32
      %dma_wait3A_740 = arith.constant 0 : i32
      %dma_wait3A_741 = arith.constant 0 : i32
      %dma_wait3A_742 = tpu.memref_slice %arg17[%dma_wait3A_740, %dma_wait3A_741] : memref<80x64xi16, #tpu.memory_space<vmem>> -> memref<80x64xi16, #tpu.memory_space<vmem>>
      %dma_wait3A_743 = arith.constant 0 : i32
      %dma_wait3A_744 = tpu.memref_slice %arg14[%dma_wait3A_739, %dma_wait3A_743] : memref<2x4000xi32, #tpu.memory_space<vmem>> -> memref<1x80xi32, #tpu.memory_space<vmem>>
      %dma_wait3A_745 = tpu.memref_squeeze %dma_wait3A_744 : memref<1x80xi32, #tpu.memory_space<vmem>> -> memref<80xi32, #tpu.memory_space<vmem>>
      %dma_wait3A_746 = arith.constant 0 : i32
      %dma_wait3A_747 = arith.constant 0 : i32
      %dma_wait3A_748 = tpu.memref_slice %arg2[%dma_wait3A_746, %dma_wait3A_747] : memref<100000x64xi16, #tpu.memory_space<hbm>> -> memref<100000x64xi16, #tpu.memory_space<hbm>>
      tpu.wait_indirect_dma semaphore(%arg24 : memref<!tpu.dma_semaphore, #tpu.memory_space<semaphore_mem>>) src(%dma_wait3A_748 : memref<100000x64xi16, #tpu.memory_space<hbm>>) dst(%dma_wait3A_742 : memref<80x64xi16, #tpu.memory_space<vmem>>)
      %jit3A_749 = arith.constant 8 : i32
      %div3A_750 = arith.divsi %add3A_738, %jit3A_749 : i32
      %sign3A_751 = arith.constant 0 : i32
      %sign3A_752 = arith.cmpi sgt, %add3A_738, %sign3A_751 : i32
      %sign3A_753 = arith.extui %sign3A_752 : i1 to i32
      %sign3A_754 = arith.constant 0 : i32
      %sign3A_755 = arith.cmpi slt, %add3A_738, %sign3A_754 : i32
      %sign3A_756 = arith.extui %sign3A_755 : i1 to i32
      %sign3A_757 = arith.subi %sign3A_753, %sign3A_756 : i32
      %sign3A_758 = arith.constant 0 : i32
      %sign3A_759 = arith.cmpi sgt, %jit3A_749, %sign3A_758 : i32
      %sign3A_760 = arith.extui %sign3A_759 : i1 to i32
      %sign3A_761 = arith.constant 0 : i32
      %sign3A_762 = arith.cmpi slt, %jit3A_749, %sign3A_761 : i32
      %sign3A_763 = arith.extui %sign3A_762 : i1 to i32
      %sign3A_764 = arith.subi %sign3A_760, %sign3A_763 : i32
      %ne3A_765 = arith.cmpi ne, %sign3A_757, %sign3A_764 : i32
      %rem3A_766 = arith.remsi %add3A_738, %jit3A_749 : i32
      %ne3A_767 = arith.constant 0 : i32
      %ne3A_768 = arith.cmpi ne, %rem3A_766, %ne3A_767 : i32
      %and3A_769 = arith.andi %ne3A_765, %ne3A_768 : i1
      %sub3A_770 = arith.constant 1 : i32
      %sub3A_771 = arith.subi %div3A_750, %sub3A_770 : i32
      %select_n3A_772 = arith.select %and3A_769, %sub3A_771, %div3A_750 : i32
      %jit3A_773 = arith.constant 8 : i32
      %eq3A_774 = arith.constant 0 : i32
      %eq3A_775 = arith.cmpi eq, %jit3A_773, %eq3A_774 : i32
      %jit3A_776 = arith.constant 1 : i32
      %select_n3A_777 = arith.select %eq3A_775, %jit3A_776, %jit3A_773 : i32
      %rem3A_778 = arith.remsi %add3A_738, %select_n3A_777 : i32
      %ne3A_779 = arith.constant 0 : i32
      %ne3A_780 = arith.cmpi ne, %rem3A_778, %ne3A_779 : i32
      %lt3A_781 = arith.constant 0 : i32
      %lt3A_782 = arith.cmpi slt, %rem3A_778, %lt3A_781 : i32
      %lt3A_783 = arith.constant 0 : i32
      %lt3A_784 = arith.cmpi slt, %select_n3A_777, %lt3A_783 : i32
      %ne3A_785 = arith.xori %lt3A_782, %lt3A_784 : i1
      %and3A_786 = arith.andi %ne3A_785, %ne3A_780 : i1
      %add3A_787 = arith.addi %rem3A_778, %select_n3A_777 : i32
      %select_n3A_788 = arith.select %and3A_786, %add3A_787, %rem3A_778 : i32
      %mul3A_789 = arith.constant 4 : i32
      %mul3A_790 = arith.muli %mul3A_789, %select_n3A_788 : i32
      %mul3A_791 = arith.constant 64 : i32
      %mul3A_792 = arith.muli %mul3A_791, %select_n3A_772 : i32
      %scan3A_793 = arith.constant 0 : i32
      %scan3A_794 = arith.constant 0 : i32
      %scan3A_795 = arith.constant 4 : i32
      %scan3A_796 = arith.addi %scan3A_794, %scan3A_795 : i32
      %scan3A_797 = arith.constant 1 : i32
      scf.for %scan3A_879 = %scan3A_794 to %scan3A_796 step %scan3A_797  : i32 {
        %broadcast_in_dim3A_880 = arith.constant 0 : i32
        %broadcast_in_dim3A_881 = vector.broadcast %broadcast_in_dim3A_880 : i32 to vector<16xi32>
        %scan3A_882 = arith.constant 0 : i32
        %scan3A_883 = arith.constant 5 : i32
        %scan3A_884 = arith.addi %scan3A_882, %scan3A_883 : i32
        %scan3A_885 = arith.constant 1 : i32
        %scan3A_886:4 = scf.for %scan3A_917 = %scan3A_882 to %scan3A_884 step %scan3A_885 iter_args(%scan3A_918 = %broadcast_in_dim3A_881, %scan3A_919 = %broadcast_in_dim3A_881, %scan3A_920 = %broadcast_in_dim3A_881, %scan3A_921 = %broadcast_in_dim3A_881) -> (vector<16xi32>, vector<16xi32>, vector<16xi32>, vector<16xi32>)  : i32 {
          %mul3A_922 = arith.constant 20 : i32
          %mul3A_923 = arith.muli %scan3A_879, %mul3A_922 : i32
          %mul3A_924 = arith.constant 4 : i32
          %mul3A_925 = arith.muli %mul3A_924, %scan3A_917 : i32
          %add3A_926 = arith.addi %mul3A_923, %mul3A_925 : i32
          %add3A_927 = arith.constant 0 : i32
          %add3A_928 = arith.addi %add3A_926, %add3A_927 : i32
          %get3A_929 = arith.index_cast %add3A_928 : i32 to index
          %get3A_930 = arith.constant 0 : index
          %get3A_931 = tpu.vector_load %arg17[%get3A_929, %get3A_930] {strides = array<i32>} : memref<80x64xi16, #tpu.memory_space<vmem>>, vector<32xi16>,
          %unpack3A = tpu.unpack_subelements %get3A_931, 0 {pack_format = #tpu.pack_format<interleaved>} : vector<32xi16> -> vector<16xi32>
          %unpack3A_932 = tpu.unpack_subelements %get3A_931, 1 {pack_format = #tpu.pack_format<interleaved>} : vector<32xi16> -> vector<16xi32>
          %add3A_933 = arith.addi %scan3A_918, %unpack3A : vector<16xi32>
          %add3A_934 = arith.addi %scan3A_919, %unpack3A_932 : vector<16xi32>
          %mul3A_935 = arith.constant 20 : i32
          %mul3A_936 = arith.muli %scan3A_879, %mul3A_935 : i32
          %mul3A_937 = arith.constant 4 : i32
          %mul3A_938 = arith.muli %mul3A_937, %scan3A_917 : i32
          %add3A_939 = arith.addi %mul3A_936, %mul3A_938 : i32
          %add3A_940 = arith.constant 0 : i32
          %add3A_941 = arith.addi %add3A_939, %add3A_940 : i32
          %get3A_942 = arith.index_cast %add3A_941 : i32 to index
          %get3A_943 = arith.constant 32 : index
          %get3A_944 = tpu.vector_load %arg17[%get3A_942, %get3A_943] {strides = array<i32>} : memref<80x64xi16, #tpu.memory_space<vmem>>, vector<32xi16>,
          %unpack3A_945 = tpu.unpack_subelements %get3A_944, 0 {pack_format = #tpu.pack_format<interleaved>} : vector<32xi16> -> vector<16xi32>
          %unpack3A_946 = tpu.unpack_subelements %get3A_944, 1 {pack_format = #tpu.pack_format<interleaved>} : vector<32xi16> -> vector<16xi32>
          %add3A_947 = arith.addi %scan3A_920, %unpack3A_945 : vector<16xi32>
          %add3A_948 = arith.addi %scan3A_921, %unpack3A_946 : vector<16xi32>
          %mul3A_949 = arith.constant 20 : i32
          %mul3A_950 = arith.muli %scan3A_879, %mul3A_949 : i32
          %mul3A_951 = arith.constant 4 : i32
          %mul3A_952 = arith.muli %mul3A_951, %scan3A_917 : i32
          %add3A_953 = arith.addi %mul3A_950, %mul3A_952 : i32
          %add3A_954 = arith.constant 1 : i32
          %add3A_955 = arith.addi %add3A_953, %add3A_954 : i32
          %get3A_956 = arith.index_cast %add3A_955 : i32 to index
          %get3A_957 = arith.constant 0 : index
          %get3A_958 = tpu.vector_load %arg17[%get3A_956, %get3A_957] {strides = array<i32>} : memref<80x64xi16, #tpu.memory_space<vmem>>, vector<32xi16>,
          %unpack3A_959 = tpu.unpack_subelements %get3A_958, 0 {pack_format = #tpu.pack_format<interleaved>} : vector<32xi16> -> vector<16xi32>
          %unpack3A_960 = tpu.unpack_subelements %get3A_958, 1 {pack_format = #tpu.pack_format<interleaved>} : vector<32xi16> -> vector<16xi32>
          %add3A_961 = arith.addi %add3A_933, %unpack3A_959 : vector<16xi32>
          %add3A_962 = arith.addi %add3A_934, %unpack3A_960 : vector<16xi32>
          %mul3A_963 = arith.constant 20 : i32
          %mul3A_964 = arith.muli %scan3A_879, %mul3A_963 : i32
          %mul3A_965 = arith.constant 4 : i32
          %mul3A_966 = arith.muli %mul3A_965, %scan3A_917 : i32
          %add3A_967 = arith.addi %mul3A_964, %mul3A_966 : i32
          %add3A_968 = arith.constant 1 : i32
          %add3A_969 = arith.addi %add3A_967, %add3A_968 : i32
          %get3A_970 = arith.index_cast %add3A_969 : i32 to index
          %get3A_971 = arith.constant 32 : index
          %get3A_972 = tpu.vector_load %arg17[%get3A_970, %get3A_971] {strides = array<i32>} : memref<80x64xi16, #tpu.memory_space<vmem>>, vector<32xi16>,
          %unpack3A_973 = tpu.unpack_subelements %get3A_972, 0 {pack_format = #tpu.pack_format<interleaved>} : vector<32xi16> -> vector<16xi32>
          %unpack3A_974 = tpu.unpack_subelements %get3A_972, 1 {pack_format = #tpu.pack_format<interleaved>} : vector<32xi16> -> vector<16xi32>
          %add3A_975 = arith.addi %add3A_947, %unpack3A_973 : vector<16xi32>
          %add3A_976 = arith.addi %add3A_948, %unpack3A_974 : vector<16xi32>
          %mul3A_977 = arith.constant 20 : i32
          %mul3A_978 = arith.muli %scan3A_879, %mul3A_977 : i32
          %mul3A_979 = arith.constant 4 : i32
          %mul3A_980 = arith.muli %mul3A_979, %scan3A_917 : i32
          %add3A_981 = arith.addi %mul3A_978, %mul3A_980 : i32
          %add3A_982 = arith.constant 2 : i32
          %add3A_983 = arith.addi %add3A_981, %add3A_982 : i32
          %get3A_984 = arith.index_cast %add3A_983 : i32 to index
          %get3A_985 = arith.constant 0 : index
          %get3A_986 = tpu.vector_load %arg17[%get3A_984, %get3A_985] {strides = array<i32>} : memref<80x64xi16, #tpu.memory_space<vmem>>, vector<32xi16>,
          %unpack3A_987 = tpu.unpack_subelements %get3A_986, 0 {pack_format = #tpu.pack_format<interleaved>} : vector<32xi16> -> vector<16xi32>
          %unpack3A_988 = tpu.unpack_subelements %get3A_986, 1 {pack_format = #tpu.pack_format<interleaved>} : vector<32xi16> -> vector<16xi32>
          %add3A_989 = arith.addi %add3A_961, %unpack3A_987 : vector<16xi32>
          %add3A_990 = arith.addi %add3A_962, %unpack3A_988 : vector<16xi32>
          %mul3A_991 = arith.constant 20 : i32
          %mul3A_992 = arith.muli %scan3A_879, %mul3A_991 : i32
          %mul3A_993 = arith.constant 4 : i32
          %mul3A_994 = arith.muli %mul3A_993, %scan3A_917 : i32
          %add3A_995 = arith.addi %mul3A_992, %mul3A_994 : i32
          %add3A_996 = arith.constant 2 : i32
          %add3A_997 = arith.addi %add3A_995, %add3A_996 : i32
          %get3A_998 = arith.index_cast %add3A_997 : i32 to index
          %get3A_999 = arith.constant 32 : index
          %get3A_1000 = tpu.vector_load %arg17[%get3A_998, %get3A_999] {strides = array<i32>} : memref<80x64xi16, #tpu.memory_space<vmem>>, vector<32xi16>,
          %unpack3A_1001 = tpu.unpack_subelements %get3A_1000, 0 {pack_format = #tpu.pack_format<interleaved>} : vector<32xi16> -> vector<16xi32>
          %unpack3A_1002 = tpu.unpack_subelements %get3A_1000, 1 {pack_format = #tpu.pack_format<interleaved>} : vector<32xi16> -> vector<16xi32>
          %add3A_1003 = arith.addi %add3A_975, %unpack3A_1001 : vector<16xi32>
          %add3A_1004 = arith.addi %add3A_976, %unpack3A_1002 : vector<16xi32>
          %mul3A_1005 = arith.constant 20 : i32
          %mul3A_1006 = arith.muli %scan3A_879, %mul3A_1005 : i32
          %mul3A_1007 = arith.constant 4 : i32
          %mul3A_1008 = arith.muli %mul3A_1007, %scan3A_917 : i32
          %add3A_1009 = arith.addi %mul3A_1006, %mul3A_1008 : i32
          %add3A_1010 = arith.constant 3 : i32
          %add3A_1011 = arith.addi %add3A_1009, %add3A_1010 : i32
          %get3A_1012 = arith.index_cast %add3A_1011 : i32 to index
          %get3A_1013 = arith.constant 0 : index
          %get3A_1014 = tpu.vector_load %arg17[%get3A_1012, %get3A_1013] {strides = array<i32>} : memref<80x64xi16, #tpu.memory_space<vmem>>, vector<32xi16>,
          %unpack3A_1015 = tpu.unpack_subelements %get3A_1014, 0 {pack_format = #tpu.pack_format<interleaved>} : vector<32xi16> -> vector<16xi32>
          %unpack3A_1016 = tpu.unpack_subelements %get3A_1014, 1 {pack_format = #tpu.pack_format<interleaved>} : vector<32xi16> -> vector<16xi32>
          %add3A_1017 = arith.addi %add3A_989, %unpack3A_1015 : vector<16xi32>
          %add3A_1018 = arith.addi %add3A_990, %unpack3A_1016 : vector<16xi32>
          %mul3A_1019 = arith.constant 20 : i32
          %mul3A_1020 = arith.muli %scan3A_879, %mul3A_1019 : i32
          %mul3A_1021 = arith.constant 4 : i32
          %mul3A_1022 = arith.muli %mul3A_1021, %scan3A_917 : i32
          %add3A_1023 = arith.addi %mul3A_1020, %mul3A_1022 : i32
          %add3A_1024 = arith.constant 3 : i32
          %add3A_1025 = arith.addi %add3A_1023, %add3A_1024 : i32
          %get3A_1026 = arith.index_cast %add3A_1025 : i32 to index
          %get3A_1027 = arith.constant 32 : index
          %get3A_1028 = tpu.vector_load %arg17[%get3A_1026, %get3A_1027] {strides = array<i32>} : memref<80x64xi16, #tpu.memory_space<vmem>>, vector<32xi16>,
          %unpack3A_1029 = tpu.unpack_subelements %get3A_1028, 0 {pack_format = #tpu.pack_format<interleaved>} : vector<32xi16> -> vector<16xi32>
          %unpack3A_1030 = tpu.unpack_subelements %get3A_1028, 1 {pack_format = #tpu.pack_format<interleaved>} : vector<32xi16> -> vector<16xi32>
          %add3A_1031 = arith.addi %add3A_1003, %unpack3A_1029 : vector<16xi32>
          %add3A_1032 = arith.addi %add3A_1004, %unpack3A_1030 : vector<16xi32>
          scf.yield %add3A_1017, %add3A_1018, %add3A_1031, %add3A_1032 : vector<16xi32>, vector<16xi32>, vector<16xi32>, vector<16xi32>
        }
        %scan3A_887 = arith.constant 5 : i32
        %add3A_888 = arith.addi %mul3A_790, %scan3A_879 : i32
        %convert_element_type3A_889 = arith.sitofp %scan3A_886#0 : vector<16xi32> to vector<16xf32>
        %mul3A_890 = arith.mulf %convert_element_type3A_889, %get3A_1 : vector<16xf32>
        %add3A_891 = arith.constant 0 : i32
        %add3A_892 = arith.addi %mul3A_792, %add3A_891 : i32
        %swap3A_893 = arith.index_cast %add3A_888 : i32 to index
        %swap3A_894 = arith.index_cast %add3A_892 : i32 to index
        %swap3A_895 = tpu.vector_load %arg20[%swap3A_893, %swap3A_894] {strides = array<i32>} : memref<112x128xf32, #tpu.memory_space<vmem>>, vector<16xf32>,
        tpu.vector_store %arg20[%swap3A_893, %swap3A_894], %mul3A_890 {strides = array<i32>} : memref<112x128xf32, #tpu.memory_space<vmem>>, vector<16xf32>,
        %convert_element_type3A_896 = arith.sitofp %scan3A_886#1 : vector<16xi32> to vector<16xf32>
        %mul3A_897 = arith.mulf %convert_element_type3A_896, %get3A_1 : vector<16xf32>
        %add3A_898 = arith.constant 16 : i32
        %add3A_899 = arith.addi %mul3A_792, %add3A_898 : i32
        %swap3A_900 = arith.index_cast %add3A_888 : i32 to index
        %swap3A_901 = arith.index_cast %add3A_899 : i32 to index
        %swap3A_902 = tpu.vector_load %arg20[%swap3A_900, %swap3A_901] {strides = array<i32>} : memref<112x128xf32, #tpu.memory_space<vmem>>, vector<16xf32>,
        tpu.vector_store %arg20[%swap3A_900, %swap3A_901], %mul3A_897 {strides = array<i32>} : memref<112x128xf32, #tpu.memory_space<vmem>>, vector<16xf32>,
        %convert_element_type3A_903 = arith.sitofp %scan3A_886#2 : vector<16xi32> to vector<16xf32>
        %mul3A_904 = arith.mulf %convert_element_type3A_903, %get3A_1 : vector<16xf32>
        %add3A_905 = arith.constant 32 : i32
        %add3A_906 = arith.addi %mul3A_792, %add3A_905 : i32
        %swap3A_907 = arith.index_cast %add3A_888 : i32 to index
        %swap3A_908 = arith.index_cast %add3A_906 : i32 to index
        %swap3A_909 = tpu.vector_load %arg20[%swap3A_907, %swap3A_908] {strides = array<i32>} : memref<112x128xf32, #tpu.memory_space<vmem>>, vector<16xf32>,
        tpu.vector_store %arg20[%swap3A_907, %swap3A_908], %mul3A_904 {strides = array<i32>} : memref<112x128xf32, #tpu.memory_space<vmem>>, vector<16xf32>,
        %convert_element_type3A_910 = arith.sitofp %scan3A_886#3 : vector<16xi32> to vector<16xf32>
        %mul3A_911 = arith.mulf %convert_element_type3A_910, %get3A_1 : vector<16xf32>
        %add3A_912 = arith.constant 48 : i32
        %add3A_913 = arith.addi %mul3A_792, %add3A_912 : i32
        %swap3A_914 = arith.index_cast %add3A_888 : i32 to index
        %swap3A_915 = arith.index_cast %add3A_913 : i32 to index
        %swap3A_916 = tpu.vector_load %arg20[%swap3A_914, %swap3A_915] {strides = array<i32>} : memref<112x128xf32, #tpu.memory_space<vmem>>, vector<16xf32>,
        tpu.vector_store %arg20[%swap3A_914, %swap3A_915], %mul3A_911 {strides = array<i32>} : memref<112x128xf32, #tpu.memory_space<vmem>>, vector<16xf32>,
      }
      %scan3A_798 = arith.constant 4 : i32
      %add3A_799 = arith.constant 4 : i32
      %add3A_800 = arith.addi %add3A_738, %add3A_799 : i32
      %sub3A_801 = arith.constant 1 : i32
      %sub3A_802 = arith.subi %add3A_800, %sub3A_801 : i32
      %lt3A_803 = arith.constant 16 : i32
      %lt3A_804 = arith.cmpi slt, %sub3A_802, %lt3A_803 : i32
      %convert_element_type3A_805 = arith.extui %lt3A_804 : i1 to i32
      %cond3A_806 = arith.constant 0 : i32
      %cond3A_807 = arith.cmpi ne, %convert_element_type3A_805, %cond3A_806 : i32
      scf.if %cond3A_807 {
        %mul3A_879 = arith.constant 80 : i32
        %mul3A_880 = arith.muli %sub3A_802, %mul3A_879 : i32
        %dma_start3A_881 = arith.constant 0 : i32
        %dma_start3A_882 = arith.constant 0 : i32
        %dma_start3A_883 = arith.constant 0 : i32
        %dma_start3A_884 = tpu.memref_slice %arg16[%dma_start3A_882, %dma_start3A_883] : memref<80x64xi16, #tpu.memory_space<vmem>> -> memref<80x64xi16, #tpu.memory_space<vmem>>
        %dma_start3A_885 = tpu.memref_slice %arg14[%dma_start3A_881, %mul3A_880] : memref<2x4000xi32, #tpu.memory_space<vmem>> -> memref<1x80xi32, #tpu.memory_space<vmem>>
        %dma_start3A_886 = tpu.memref_squeeze %dma_start3A_885 : memref<1x80xi32, #tpu.memory_space<vmem>> -> memref<80xi32, #tpu.memory_space<vmem>>
        %dma_start3A_887 = arith.constant 0 : i32
        %dma_start3A_888 = arith.constant 0 : i32
        %dma_start3A_889 = tpu.memref_slice %arg2[%dma_start3A_887, %dma_start3A_888] : memref<100000x64xi16, #tpu.memory_space<hbm>> -> memref<100000x64xi16, #tpu.memory_space<hbm>>
        tpu.enqueue_indirect_dma source(%dma_start3A_889 : memref<100000x64xi16, #tpu.memory_space<hbm>>) target(%dma_start3A_884 : memref<80x64xi16, #tpu.memory_space<vmem>>) offsets(%dma_start3A_886 : memref<80xi32, #tpu.memory_space<vmem>>) semaphore(%arg23 : memref<!tpu.dma_semaphore, #tpu.memory_space<semaphore_mem>>)
      } else {
      }
      %add3A_808 = arith.constant 3 : i32
      %add3A_809 = arith.addi %mul3A_606, %add3A_808 : i32
      %dma_wait3A_810 = arith.constant 0 : i32
      %dma_wait3A_811 = arith.constant 0 : i32
      %dma_wait3A_812 = arith.constant 0 : i32
      %dma_wait3A_813 = tpu.memref_slice %arg18[%dma_wait3A_811, %dma_wait3A_812] : memref<80x64xi16, #tpu.memory_space<vmem>> -> memref<80x64xi16, #tpu.memory_space<vmem>>
      %dma_wait3A_814 = arith.constant 0 : i32
      %dma_wait3A_815 = tpu.memref_slice %arg14[%dma_wait3A_810, %dma_wait3A_814] : memref<2x4000xi32, #tpu.memory_space<vmem>> -> memref<1x80xi32, #tpu.memory_space<vmem>>
      %dma_wait3A_816 = tpu.memref_squeeze %dma_wait3A_815 : memref<1x80xi32, #tpu.memory_space<vmem>> -> memref<80xi32, #tpu.memory_space<vmem>>
      %dma_wait3A_817 = arith.constant 0 : i32
      %dma_wait3A_818 = arith.constant 0 : i32
      %dma_wait3A_819 = tpu.memref_slice %arg2[%dma_wait3A_817, %dma_wait3A_818] : memref<100000x64xi16, #tpu.memory_space<hbm>> -> memref<100000x64xi16, #tpu.memory_space<hbm>>
      tpu.wait_indirect_dma semaphore(%arg25 : memref<!tpu.dma_semaphore, #tpu.memory_space<semaphore_mem>>) src(%dma_wait3A_819 : memref<100000x64xi16, #tpu.memory_space<hbm>>) dst(%dma_wait3A_813 : memref<80x64xi16, #tpu.memory_space<vmem>>)
      %jit3A_820 = arith.constant 8 : i32
      %div3A_821 = arith.divsi %add3A_809, %jit3A_820 : i32
      %sign3A_822 = arith.constant 0 : i32
      %sign3A_823 = arith.cmpi sgt, %add3A_809, %sign3A_822 : i32
      %sign3A_824 = arith.extui %sign3A_823 : i1 to i32
      %sign3A_825 = arith.constant 0 : i32
      %sign3A_826 = arith.cmpi slt, %add3A_809, %sign3A_825 : i32
      %sign3A_827 = arith.extui %sign3A_826 : i1 to i32
      %sign3A_828 = arith.subi %sign3A_824, %sign3A_827 : i32
      %sign3A_829 = arith.constant 0 : i32
      %sign3A_830 = arith.cmpi sgt, %jit3A_820, %sign3A_829 : i32
      %sign3A_831 = arith.extui %sign3A_830 : i1 to i32
      %sign3A_832 = arith.constant 0 : i32
      %sign3A_833 = arith.cmpi slt, %jit3A_820, %sign3A_832 : i32
      %sign3A_834 = arith.extui %sign3A_833 : i1 to i32
      %sign3A_835 = arith.subi %sign3A_831, %sign3A_834 : i32
      %ne3A_836 = arith.cmpi ne, %sign3A_828, %sign3A_835 : i32
      %rem3A_837 = arith.remsi %add3A_809, %jit3A_820 : i32
      %ne3A_838 = arith.constant 0 : i32
      %ne3A_839 = arith.cmpi ne, %rem3A_837, %ne3A_838 : i32
      %and3A_840 = arith.andi %ne3A_836, %ne3A_839 : i1
      %sub3A_841 = arith.constant 1 : i32
      %sub3A_842 = arith.subi %div3A_821, %sub3A_841 : i32
      %select_n3A_843 = arith.select %and3A_840, %sub3A_842, %div3A_821 : i32
      %jit3A_844 = arith.constant 8 : i32
      %eq3A_845 = arith.constant 0 : i32
      %eq3A_846 = arith.cmpi eq, %jit3A_844, %eq3A_845 : i32
      %jit3A_847 = arith.constant 1 : i32
      %select_n3A_848 = arith.select %eq3A_846, %jit3A_847, %jit3A_844 : i32
      %rem3A_849 = arith.remsi %add3A_809, %select_n3A_848 : i32
      %ne3A_850 = arith.constant 0 : i32
      %ne3A_851 = arith.cmpi ne, %rem3A_849, %ne3A_850 : i32
      %lt3A_852 = arith.constant 0 : i32
      %lt3A_853 = arith.cmpi slt, %rem3A_849, %lt3A_852 : i32
      %lt3A_854 = arith.constant 0 : i32
      %lt3A_855 = arith.cmpi slt, %select_n3A_848, %lt3A_854 : i32
      %ne3A_856 = arith.xori %lt3A_853, %lt3A_855 : i1
      %and3A_857 = arith.andi %ne3A_856, %ne3A_851 : i1
      %add3A_858 = arith.addi %rem3A_849, %select_n3A_848 : i32
      %select_n3A_859 = arith.select %and3A_857, %add3A_858, %rem3A_849 : i32
      %mul3A_860 = arith.constant 4 : i32
      %mul3A_861 = arith.muli %mul3A_860, %select_n3A_859 : i32
      %mul3A_862 = arith.constant 64 : i32
      %mul3A_863 = arith.muli %mul3A_862, %select_n3A_843 : i32
      %scan3A_864 = arith.constant 0 : i32
      %scan3A_865 = arith.constant 0 : i32
      %scan3A_866 = arith.constant 4 : i32
      %scan3A_867 = arith.addi %scan3A_865, %scan3A_866 : i32
      %scan3A_868 = arith.constant 1 : i32
      scf.for %scan3A_879 = %scan3A_865 to %scan3A_867 step %scan3A_868  : i32 {
        %broadcast_in_dim3A_880 = arith.constant 0 : i32
        %broadcast_in_dim3A_881 = vector.broadcast %broadcast_in_dim3A_880 : i32 to vector<16xi32>
        %scan3A_882 = arith.constant 0 : i32
        %scan3A_883 = arith.constant 5 : i32
        %scan3A_884 = arith.addi %scan3A_882, %scan3A_883 : i32
        %scan3A_885 = arith.constant 1 : i32
        %scan3A_886:4 = scf.for %scan3A_917 = %scan3A_882 to %scan3A_884 step %scan3A_885 iter_args(%scan3A_918 = %broadcast_in_dim3A_881, %scan3A_919 = %broadcast_in_dim3A_881, %scan3A_920 = %broadcast_in_dim3A_881, %scan3A_921 = %broadcast_in_dim3A_881) -> (vector<16xi32>, vector<16xi32>, vector<16xi32>, vector<16xi32>)  : i32 {
          %mul3A_922 = arith.constant 20 : i32
          %mul3A_923 = arith.muli %scan3A_879, %mul3A_922 : i32
          %mul3A_924 = arith.constant 4 : i32
          %mul3A_925 = arith.muli %mul3A_924, %scan3A_917 : i32
          %add3A_926 = arith.addi %mul3A_923, %mul3A_925 : i32
          %add3A_927 = arith.constant 0 : i32
          %add3A_928 = arith.addi %add3A_926, %add3A_927 : i32
          %get3A_929 = arith.index_cast %add3A_928 : i32 to index
          %get3A_930 = arith.constant 0 : index
          %get3A_931 = tpu.vector_load %arg18[%get3A_929, %get3A_930] {strides = array<i32>} : memref<80x64xi16, #tpu.memory_space<vmem>>, vector<32xi16>,
          %unpack3A = tpu.unpack_subelements %get3A_931, 0 {pack_format = #tpu.pack_format<interleaved>} : vector<32xi16> -> vector<16xi32>
          %unpack3A_932 = tpu.unpack_subelements %get3A_931, 1 {pack_format = #tpu.pack_format<interleaved>} : vector<32xi16> -> vector<16xi32>
          %add3A_933 = arith.addi %scan3A_918, %unpack3A : vector<16xi32>
          %add3A_934 = arith.addi %scan3A_919, %unpack3A_932 : vector<16xi32>
          %mul3A_935 = arith.constant 20 : i32
          %mul3A_936 = arith.muli %scan3A_879, %mul3A_935 : i32
          %mul3A_937 = arith.constant 4 : i32
          %mul3A_938 = arith.muli %mul3A_937, %scan3A_917 : i32
          %add3A_939 = arith.addi %mul3A_936, %mul3A_938 : i32
          %add3A_940 = arith.constant 0 : i32
          %add3A_941 = arith.addi %add3A_939, %add3A_940 : i32
          %get3A_942 = arith.index_cast %add3A_941 : i32 to index
          %get3A_943 = arith.constant 32 : index
          %get3A_944 = tpu.vector_load %arg18[%get3A_942, %get3A_943] {strides = array<i32>} : memref<80x64xi16, #tpu.memory_space<vmem>>, vector<32xi16>,
          %unpack3A_945 = tpu.unpack_subelements %get3A_944, 0 {pack_format = #tpu.pack_format<interleaved>} : vector<32xi16> -> vector<16xi32>
          %unpack3A_946 = tpu.unpack_subelements %get3A_944, 1 {pack_format = #tpu.pack_format<interleaved>} : vector<32xi16> -> vector<16xi32>
          %add3A_947 = arith.addi %scan3A_920, %unpack3A_945 : vector<16xi32>
          %add3A_948 = arith.addi %scan3A_921, %unpack3A_946 : vector<16xi32>
          %mul3A_949 = arith.constant 20 : i32
          %mul3A_950 = arith.muli %scan3A_879, %mul3A_949 : i32
          %mul3A_951 = arith.constant 4 : i32
          %mul3A_952 = arith.muli %mul3A_951, %scan3A_917 : i32
          %add3A_953 = arith.addi %mul3A_950, %mul3A_952 : i32
          %add3A_954 = arith.constant 1 : i32
          %add3A_955 = arith.addi %add3A_953, %add3A_954 : i32
          %get3A_956 = arith.index_cast %add3A_955 : i32 to index
          %get3A_957 = arith.constant 0 : index
          %get3A_958 = tpu.vector_load %arg18[%get3A_956, %get3A_957] {strides = array<i32>} : memref<80x64xi16, #tpu.memory_space<vmem>>, vector<32xi16>,
          %unpack3A_959 = tpu.unpack_subelements %get3A_958, 0 {pack_format = #tpu.pack_format<interleaved>} : vector<32xi16> -> vector<16xi32>
          %unpack3A_960 = tpu.unpack_subelements %get3A_958, 1 {pack_format = #tpu.pack_format<interleaved>} : vector<32xi16> -> vector<16xi32>
          %add3A_961 = arith.addi %add3A_933, %unpack3A_959 : vector<16xi32>
          %add3A_962 = arith.addi %add3A_934, %unpack3A_960 : vector<16xi32>
          %mul3A_963 = arith.constant 20 : i32
          %mul3A_964 = arith.muli %scan3A_879, %mul3A_963 : i32
          %mul3A_965 = arith.constant 4 : i32
          %mul3A_966 = arith.muli %mul3A_965, %scan3A_917 : i32
          %add3A_967 = arith.addi %mul3A_964, %mul3A_966 : i32
          %add3A_968 = arith.constant 1 : i32
          %add3A_969 = arith.addi %add3A_967, %add3A_968 : i32
          %get3A_970 = arith.index_cast %add3A_969 : i32 to index
          %get3A_971 = arith.constant 32 : index
          %get3A_972 = tpu.vector_load %arg18[%get3A_970, %get3A_971] {strides = array<i32>} : memref<80x64xi16, #tpu.memory_space<vmem>>, vector<32xi16>,
          %unpack3A_973 = tpu.unpack_subelements %get3A_972, 0 {pack_format = #tpu.pack_format<interleaved>} : vector<32xi16> -> vector<16xi32>
          %unpack3A_974 = tpu.unpack_subelements %get3A_972, 1 {pack_format = #tpu.pack_format<interleaved>} : vector<32xi16> -> vector<16xi32>
          %add3A_975 = arith.addi %add3A_947, %unpack3A_973 : vector<16xi32>
          %add3A_976 = arith.addi %add3A_948, %unpack3A_974 : vector<16xi32>
          %mul3A_977 = arith.constant 20 : i32
          %mul3A_978 = arith.muli %scan3A_879, %mul3A_977 : i32
          %mul3A_979 = arith.constant 4 : i32
          %mul3A_980 = arith.muli %mul3A_979, %scan3A_917 : i32
          %add3A_981 = arith.addi %mul3A_978, %mul3A_980 : i32
          %add3A_982 = arith.constant 2 : i32
          %add3A_983 = arith.addi %add3A_981, %add3A_982 : i32
          %get3A_984 = arith.index_cast %add3A_983 : i32 to index
          %get3A_985 = arith.constant 0 : index
          %get3A_986 = tpu.vector_load %arg18[%get3A_984, %get3A_985] {strides = array<i32>} : memref<80x64xi16, #tpu.memory_space<vmem>>, vector<32xi16>,
          %unpack3A_987 = tpu.unpack_subelements %get3A_986, 0 {pack_format = #tpu.pack_format<interleaved>} : vector<32xi16> -> vector<16xi32>
          %unpack3A_988 = tpu.unpack_subelements %get3A_986, 1 {pack_format = #tpu.pack_format<interleaved>} : vector<32xi16> -> vector<16xi32>
          %add3A_989 = arith.addi %add3A_961, %unpack3A_987 : vector<16xi32>
          %add3A_990 = arith.addi %add3A_962, %unpack3A_988 : vector<16xi32>
          %mul3A_991 = arith.constant 20 : i32
          %mul3A_992 = arith.muli %scan3A_879, %mul3A_991 : i32
          %mul3A_993 = arith.constant 4 : i32
          %mul3A_994 = arith.muli %mul3A_993, %scan3A_917 : i32
          %add3A_995 = arith.addi %mul3A_992, %mul3A_994 : i32
          %add3A_996 = arith.constant 2 : i32
          %add3A_997 = arith.addi %add3A_995, %add3A_996 : i32
          %get3A_998 = arith.index_cast %add3A_997 : i32 to index
          %get3A_999 = arith.constant 32 : index
          %get3A_1000 = tpu.vector_load %arg18[%get3A_998, %get3A_999] {strides = array<i32>} : memref<80x64xi16, #tpu.memory_space<vmem>>, vector<32xi16>,
          %unpack3A_1001 = tpu.unpack_subelements %get3A_1000, 0 {pack_format = #tpu.pack_format<interleaved>} : vector<32xi16> -> vector<16xi32>
          %unpack3A_1002 = tpu.unpack_subelements %get3A_1000, 1 {pack_format = #tpu.pack_format<interleaved>} : vector<32xi16> -> vector<16xi32>
          %add3A_1003 = arith.addi %add3A_975, %unpack3A_1001 : vector<16xi32>
          %add3A_1004 = arith.addi %add3A_976, %unpack3A_1002 : vector<16xi32>
          %mul3A_1005 = arith.constant 20 : i32
          %mul3A_1006 = arith.muli %scan3A_879, %mul3A_1005 : i32
          %mul3A_1007 = arith.constant 4 : i32
          %mul3A_1008 = arith.muli %mul3A_1007, %scan3A_917 : i32
          %add3A_1009 = arith.addi %mul3A_1006, %mul3A_1008 : i32
          %add3A_1010 = arith.constant 3 : i32
          %add3A_1011 = arith.addi %add3A_1009, %add3A_1010 : i32
          %get3A_1012 = arith.index_cast %add3A_1011 : i32 to index
          %get3A_1013 = arith.constant 0 : index
          %get3A_1014 = tpu.vector_load %arg18[%get3A_1012, %get3A_1013] {strides = array<i32>} : memref<80x64xi16, #tpu.memory_space<vmem>>, vector<32xi16>,
          %unpack3A_1015 = tpu.unpack_subelements %get3A_1014, 0 {pack_format = #tpu.pack_format<interleaved>} : vector<32xi16> -> vector<16xi32>
          %unpack3A_1016 = tpu.unpack_subelements %get3A_1014, 1 {pack_format = #tpu.pack_format<interleaved>} : vector<32xi16> -> vector<16xi32>
          %add3A_1017 = arith.addi %add3A_989, %unpack3A_1015 : vector<16xi32>
          %add3A_1018 = arith.addi %add3A_990, %unpack3A_1016 : vector<16xi32>
          %mul3A_1019 = arith.constant 20 : i32
          %mul3A_1020 = arith.muli %scan3A_879, %mul3A_1019 : i32
          %mul3A_1021 = arith.constant 4 : i32
          %mul3A_1022 = arith.muli %mul3A_1021, %scan3A_917 : i32
          %add3A_1023 = arith.addi %mul3A_1020, %mul3A_1022 : i32
          %add3A_1024 = arith.constant 3 : i32
          %add3A_1025 = arith.addi %add3A_1023, %add3A_1024 : i32
          %get3A_1026 = arith.index_cast %add3A_1025 : i32 to index
          %get3A_1027 = arith.constant 32 : index
          %get3A_1028 = tpu.vector_load %arg18[%get3A_1026, %get3A_1027] {strides = array<i32>} : memref<80x64xi16, #tpu.memory_space<vmem>>, vector<32xi16>,
          %unpack3A_1029 = tpu.unpack_subelements %get3A_1028, 0 {pack_format = #tpu.pack_format<interleaved>} : vector<32xi16> -> vector<16xi32>
          %unpack3A_1030 = tpu.unpack_subelements %get3A_1028, 1 {pack_format = #tpu.pack_format<interleaved>} : vector<32xi16> -> vector<16xi32>
          %add3A_1031 = arith.addi %add3A_1003, %unpack3A_1029 : vector<16xi32>
          %add3A_1032 = arith.addi %add3A_1004, %unpack3A_1030 : vector<16xi32>
          scf.yield %add3A_1017, %add3A_1018, %add3A_1031, %add3A_1032 : vector<16xi32>, vector<16xi32>, vector<16xi32>, vector<16xi32>
        }
        %scan3A_887 = arith.constant 5 : i32
        %add3A_888 = arith.addi %mul3A_861, %scan3A_879 : i32
        %convert_element_type3A_889 = arith.sitofp %scan3A_886#0 : vector<16xi32> to vector<16xf32>
        %mul3A_890 = arith.mulf %convert_element_type3A_889, %get3A_1 : vector<16xf32>
        %add3A_891 = arith.constant 0 : i32
        %add3A_892 = arith.addi %mul3A_863, %add3A_891 : i32
        %swap3A_893 = arith.index_cast %add3A_888 : i32 to index
        %swap3A_894 = arith.index_cast %add3A_892 : i32 to index
        %swap3A_895 = tpu.vector_load %arg20[%swap3A_893, %swap3A_894] {strides = array<i32>} : memref<112x128xf32, #tpu.memory_space<vmem>>, vector<16xf32>,
        tpu.vector_store %arg20[%swap3A_893, %swap3A_894], %mul3A_890 {strides = array<i32>} : memref<112x128xf32, #tpu.memory_space<vmem>>, vector<16xf32>,
        %convert_element_type3A_896 = arith.sitofp %scan3A_886#1 : vector<16xi32> to vector<16xf32>
        %mul3A_897 = arith.mulf %convert_element_type3A_896, %get3A_1 : vector<16xf32>
        %add3A_898 = arith.constant 16 : i32
        %add3A_899 = arith.addi %mul3A_863, %add3A_898 : i32
        %swap3A_900 = arith.index_cast %add3A_888 : i32 to index
        %swap3A_901 = arith.index_cast %add3A_899 : i32 to index
        %swap3A_902 = tpu.vector_load %arg20[%swap3A_900, %swap3A_901] {strides = array<i32>} : memref<112x128xf32, #tpu.memory_space<vmem>>, vector<16xf32>,
        tpu.vector_store %arg20[%swap3A_900, %swap3A_901], %mul3A_897 {strides = array<i32>} : memref<112x128xf32, #tpu.memory_space<vmem>>, vector<16xf32>,
        %convert_element_type3A_903 = arith.sitofp %scan3A_886#2 : vector<16xi32> to vector<16xf32>
        %mul3A_904 = arith.mulf %convert_element_type3A_903, %get3A_1 : vector<16xf32>
        %add3A_905 = arith.constant 32 : i32
        %add3A_906 = arith.addi %mul3A_863, %add3A_905 : i32
        %swap3A_907 = arith.index_cast %add3A_888 : i32 to index
        %swap3A_908 = arith.index_cast %add3A_906 : i32 to index
        %swap3A_909 = tpu.vector_load %arg20[%swap3A_907, %swap3A_908] {strides = array<i32>} : memref<112x128xf32, #tpu.memory_space<vmem>>, vector<16xf32>,
        tpu.vector_store %arg20[%swap3A_907, %swap3A_908], %mul3A_904 {strides = array<i32>} : memref<112x128xf32, #tpu.memory_space<vmem>>, vector<16xf32>,
        %convert_element_type3A_910 = arith.sitofp %scan3A_886#3 : vector<16xi32> to vector<16xf32>
        %mul3A_911 = arith.mulf %convert_element_type3A_910, %get3A_1 : vector<16xf32>
        %add3A_912 = arith.constant 48 : i32
        %add3A_913 = arith.addi %mul3A_863, %add3A_912 : i32
        %swap3A_914 = arith.index_cast %add3A_888 : i32 to index
        %swap3A_915 = arith.index_cast %add3A_913 : i32 to index
        %swap3A_916 = tpu.vector_load %arg20[%swap3A_914, %swap3A_915] {strides = array<i32>} : memref<112x128xf32, #tpu.memory_space<vmem>>, vector<16xf32>,
        tpu.vector_store %arg20[%swap3A_914, %swap3A_915], %mul3A_911 {strides = array<i32>} : memref<112x128xf32, #tpu.memory_space<vmem>>, vector<16xf32>,
      }
      %scan3A_869 = arith.constant 4 : i32
      %add3A_870 = arith.constant 4 : i32
      %add3A_871 = arith.addi %add3A_809, %add3A_870 : i32
      %sub3A_872 = arith.constant 1 : i32
      %sub3A_873 = arith.subi %add3A_871, %sub3A_872 : i32
      %lt3A_874 = arith.constant 16 : i32
      %lt3A_875 = arith.cmpi slt, %sub3A_873, %lt3A_874 : i32
      %convert_element_type3A_876 = arith.extui %lt3A_875 : i1 to i32
      %cond3A_877 = arith.constant 0 : i32
      %cond3A_878 = arith.cmpi ne, %convert_element_type3A_876, %cond3A_877 : i32
      scf.if %cond3A_878 {
        %mul3A_879 = arith.constant 80 : i32
        %mul3A_880 = arith.muli %sub3A_873, %mul3A_879 : i32
        %dma_start3A_881 = arith.constant 0 : i32
        %dma_start3A_882 = arith.constant 0 : i32
        %dma_start3A_883 = arith.constant 0 : i32
        %dma_start3A_884 = tpu.memref_slice %arg17[%dma_start3A_882, %dma_start3A_883] : memref<80x64xi16, #tpu.memory_space<vmem>> -> memref<80x64xi16, #tpu.memory_space<vmem>>
        %dma_start3A_885 = tpu.memref_slice %arg14[%dma_start3A_881, %mul3A_880] : memref<2x4000xi32, #tpu.memory_space<vmem>> -> memref<1x80xi32, #tpu.memory_space<vmem>>
        %dma_start3A_886 = tpu.memref_squeeze %dma_start3A_885 : memref<1x80xi32, #tpu.memory_space<vmem>> -> memref<80xi32, #tpu.memory_space<vmem>>
        %dma_start3A_887 = arith.constant 0 : i32
        %dma_start3A_888 = arith.constant 0 : i32
        %dma_start3A_889 = tpu.memref_slice %arg2[%dma_start3A_887, %dma_start3A_888] : memref<100000x64xi16, #tpu.memory_space<hbm>> -> memref<100000x64xi16, #tpu.memory_space<hbm>>
        tpu.enqueue_indirect_dma source(%dma_start3A_889 : memref<100000x64xi16, #tpu.memory_space<hbm>>) target(%dma_start3A_884 : memref<80x64xi16, #tpu.memory_space<vmem>>) offsets(%dma_start3A_886 : memref<80xi32, #tpu.memory_space<vmem>>) semaphore(%arg24 : memref<!tpu.dma_semaphore, #tpu.memory_space<semaphore_mem>>)
      } else {
      }
    }
    %scan3A_520 = arith.constant 4 : i32
    "tpu.region"() ({
      %run_scoped3A = tpu.sem_alloc : memref<!tpu.dma_semaphore, #tpu.memory_space<semaphore_mem>>
      %dma_start3A_604 = arith.constant 0 : i32
      %dma_start3A_605 = arith.constant 0 : i32
      %dma_start3A_606 = tpu.memref_slice %arg20[%dma_start3A_604, %dma_start3A_605] : memref<112x128xf32, #tpu.memory_space<vmem>> -> memref<32x128xf32, #tpu.memory_space<vmem>>
      %dma_start3A_607 = arith.constant 0 : i32
      %dma_start3A_608 = tpu.memref_slice %arg12[%mul3A_484, %dma_start3A_607] : memref<1024x128xf32, #tpu.memory_space<hbm>> -> memref<32x128xf32, #tpu.memory_space<hbm>>
      %dma_start3A_609 = arith.constant 0 : i32
      %dma_start3A_610 = tpu.memref_slice %arg12[%mul3A_484, %dma_start3A_609] : memref<1024x128xf32, #tpu.memory_space<hbm>> -> memref<32x128xf32, #tpu.memory_space<hbm>>
      %dma_start3A_611 = arith.constant 0 : i32
      %dma_start3A_612 = arith.constant 0 : i32
      %dma_start3A_613 = tpu.memref_slice %arg20[%dma_start3A_611, %dma_start3A_612] : memref<112x128xf32, #tpu.memory_space<vmem>> -> memref<32x128xf32, #tpu.memory_space<vmem>>
      tpu.enqueue_dma source(%dma_start3A_613 : memref<32x128xf32, #tpu.memory_space<vmem>>) target(%dma_start3A_610 : memref<32x128xf32, #tpu.memory_space<hbm>>) target_semaphore(%run_scoped3A : memref<!tpu.dma_semaphore, #tpu.memory_space<semaphore_mem>>)
      %dma_wait3A_614 = arith.constant 0 : i32
      %dma_wait3A_615 = arith.constant 0 : i32
      %dma_wait3A_616 = tpu.memref_slice %arg20[%dma_wait3A_614, %dma_wait3A_615] : memref<112x128xf32, #tpu.memory_space<vmem>> -> memref<32x128xf32, #tpu.memory_space<vmem>>
      %dma_wait3A_617 = arith.constant 0 : i32
      %dma_wait3A_618 = tpu.memref_slice %arg12[%mul3A_484, %dma_wait3A_617] : memref<1024x128xf32, #tpu.memory_space<hbm>> -> memref<32x128xf32, #tpu.memory_space<hbm>>
      %dma_wait3A_619 = arith.constant 0 : i32
      %dma_wait3A_620 = tpu.memref_slice %arg12[%mul3A_484, %dma_wait3A_619] : memref<1024x128xf32, #tpu.memory_space<hbm>> -> memref<32x128xf32, #tpu.memory_space<hbm>>
      %dma_wait3A_621 = arith.constant 0 : i32
      %dma_wait3A_622 = arith.constant 0 : i32
      %dma_wait3A_623 = tpu.memref_slice %arg20[%dma_wait3A_621, %dma_wait3A_622] : memref<112x128xf32, #tpu.memory_space<vmem>> -> memref<32x128xf32, #tpu.memory_space<vmem>>
      tpu.wait_dma2 semaphore(%run_scoped3A : memref<!tpu.dma_semaphore, #tpu.memory_space<semaphore_mem>>) src(%dma_wait3A_623 : memref<32x128xf32, #tpu.memory_space<vmem>>) dst(%dma_wait3A_620 : memref<32x128xf32, #tpu.memory_space<hbm>>)
      tpu.yield
    }) : () -> ()
    %mul3A_521 = arith.constant 32 : i32
    %mul3A_522 = arith.muli %add3A, %mul3A_521 : i32
    %min3A = arith.constant 968 : i32
    %min3A_523 = arith.minsi %mul3A_522, %min3A : i32
    %mul3A_524 = arith.constant 20 : i32
    %mul3A_525 = arith.muli %min3A_523, %mul3A_524 : i32
    %dma_start3A_526 = arith.constant 0 : i32
    %dma_start3A_527 = arith.constant 0 : i32
    %dma_start3A_528 = tpu.memref_slice %arg14[%dma_start3A_526, %dma_start3A_527] : memref<2x4000xi32, #tpu.memory_space<vmem>> -> memref<1x640xi32, #tpu.memory_space<vmem>>
    %dma_start3A_529 = tpu.memref_squeeze %dma_start3A_528 : memref<1x640xi32, #tpu.memory_space<vmem>> -> memref<640xi32, #tpu.memory_space<vmem>>
    %dma_start3A_530 = tpu.memref_slice %arg8[%mul3A_525] : memref<20000xi32, #tpu.memory_space<hbm>> -> memref<640xi32, #tpu.memory_space<hbm>>
    %dma_start3A_531 = arith.constant 0 : i32
    %dma_start3A_532 = tpu.memref_slice %arg14[%dma_start3A_526, %dma_start3A_531] : memref<2x4000xi32, #tpu.memory_space<vmem>> -> memref<1x640xi32, #tpu.memory_space<vmem>>
    %dma_start3A_533 = tpu.memref_squeeze %dma_start3A_532 : memref<1x640xi32, #tpu.memory_space<vmem>> -> memref<640xi32, #tpu.memory_space<vmem>>
    %dma_start3A_534 = tpu.memref_slice %arg8[%mul3A_525] : memref<20000xi32, #tpu.memory_space<hbm>> -> memref<640xi32, #tpu.memory_space<hbm>>
    tpu.enqueue_dma source(%dma_start3A_534 : memref<640xi32, #tpu.memory_space<hbm>>) target(%dma_start3A_533 : memref<640xi32, #tpu.memory_space<vmem>>) target_semaphore(%arg27 : memref<!tpu.dma_semaphore, #tpu.memory_space<semaphore_mem>>)
    %mul3A_535 = arith.constant 20 : i32
    %mul3A_536 = arith.muli %min3A_523, %mul3A_535 : i32
    %dma_start3A_537 = arith.constant 0 : i32
    %dma_start3A_538 = arith.constant 640 : i32
    %dma_start3A_539 = tpu.memref_slice %arg14[%dma_start3A_537, %dma_start3A_538] : memref<2x4000xi32, #tpu.memory_space<vmem>> -> memref<1x640xi32, #tpu.memory_space<vmem>>
    %dma_start3A_540 = tpu.memref_squeeze %dma_start3A_539 : memref<1x640xi32, #tpu.memory_space<vmem>> -> memref<640xi32, #tpu.memory_space<vmem>>
    %dma_start3A_541 = tpu.memref_slice %arg9[%mul3A_536] : memref<20000xi32, #tpu.memory_space<hbm>> -> memref<640xi32, #tpu.memory_space<hbm>>
    %dma_start3A_542 = arith.constant 640 : i32
    %dma_start3A_543 = tpu.memref_slice %arg14[%dma_start3A_537, %dma_start3A_542] : memref<2x4000xi32, #tpu.memory_space<vmem>> -> memref<1x640xi32, #tpu.memory_space<vmem>>
    %dma_start3A_544 = tpu.memref_squeeze %dma_start3A_543 : memref<1x640xi32, #tpu.memory_space<vmem>> -> memref<640xi32, #tpu.memory_space<vmem>>
    %dma_start3A_545 = tpu.memref_slice %arg9[%mul3A_536] : memref<20000xi32, #tpu.memory_space<hbm>> -> memref<640xi32, #tpu.memory_space<hbm>>
    tpu.enqueue_dma source(%dma_start3A_545 : memref<640xi32, #tpu.memory_space<hbm>>) target(%dma_start3A_544 : memref<640xi32, #tpu.memory_space<vmem>>) target_semaphore(%arg27 : memref<!tpu.dma_semaphore, #tpu.memory_space<semaphore_mem>>)
    %dma_wait3A_546 = arith.constant 0 : i32
    %dma_wait3A_547 = arith.constant 0 : i32
    %dma_wait3A_548 = tpu.memref_slice %arg14[%dma_wait3A_546, %dma_wait3A_547] : memref<2x4000xi32, #tpu.memory_space<vmem>> -> memref<1x640xi32, #tpu.memory_space<vmem>>
    %dma_wait3A_549 = tpu.memref_squeeze %dma_wait3A_548 : memref<1x640xi32, #tpu.memory_space<vmem>> -> memref<640xi32, #tpu.memory_space<vmem>>
    %dma_wait3A_550 = arith.constant 0 : i32
    %dma_wait3A_551 = tpu.memref_slice %arg8[%dma_wait3A_550] : memref<20000xi32, #tpu.memory_space<hbm>> -> memref<640xi32, #tpu.memory_space<hbm>>
    %dma_wait3A_552 = arith.constant 0 : i32
    %dma_wait3A_553 = tpu.memref_slice %arg14[%dma_wait3A_546, %dma_wait3A_552] : memref<2x4000xi32, #tpu.memory_space<vmem>> -> memref<1x640xi32, #tpu.memory_space<vmem>>
    %dma_wait3A_554 = tpu.memref_squeeze %dma_wait3A_553 : memref<1x640xi32, #tpu.memory_space<vmem>> -> memref<640xi32, #tpu.memory_space<vmem>>
    %dma_wait3A_555 = arith.constant 0 : i32
    %dma_wait3A_556 = tpu.memref_slice %arg8[%dma_wait3A_555] : memref<20000xi32, #tpu.memory_space<hbm>> -> memref<640xi32, #tpu.memory_space<hbm>>
    tpu.wait_dma2 semaphore(%arg27 : memref<!tpu.dma_semaphore, #tpu.memory_space<semaphore_mem>>) src(%dma_wait3A_556 : memref<640xi32, #tpu.memory_space<hbm>>) dst(%dma_wait3A_554 : memref<640xi32, #tpu.memory_space<vmem>>)
    %dma_wait3A_557 = arith.constant 0 : i32
    %dma_wait3A_558 = arith.constant 640 : i32
    %dma_wait3A_559 = tpu.memref_slice %arg14[%dma_wait3A_557, %dma_wait3A_558] : memref<2x4000xi32, #tpu.memory_space<vmem>> -> memref<1x640xi32, #tpu.memory_space<vmem>>
    %dma_wait3A_560 = tpu.memref_squeeze %dma_wait3A_559 : memref<1x640xi32, #tpu.memory_space<vmem>> -> memref<640xi32, #tpu.memory_space<vmem>>
    %dma_wait3A_561 = arith.constant 0 : i32
    %dma_wait3A_562 = tpu.memref_slice %arg8[%dma_wait3A_561] : memref<20000xi32, #tpu.memory_space<hbm>> -> memref<640xi32, #tpu.memory_space<hbm>>
    %dma_wait3A_563 = arith.constant 640 : i32
    %dma_wait3A_564 = tpu.memref_slice %arg14[%dma_wait3A_557, %dma_wait3A_563] : memref<2x4000xi32, #tpu.memory_space<vmem>> -> memref<1x640xi32, #tpu.memory_space<vmem>>
    %dma_wait3A_565 = tpu.memref_squeeze %dma_wait3A_564 : memref<1x640xi32, #tpu.memory_space<vmem>> -> memref<640xi32, #tpu.memory_space<vmem>>
    %dma_wait3A_566 = arith.constant 0 : i32
    %dma_wait3A_567 = tpu.memref_slice %arg8[%dma_wait3A_566] : memref<20000xi32, #tpu.memory_space<hbm>> -> memref<640xi32, #tpu.memory_space<hbm>>
    tpu.wait_dma2 semaphore(%arg27 : memref<!tpu.dma_semaphore, #tpu.memory_space<semaphore_mem>>) src(%dma_wait3A_567 : memref<640xi32, #tpu.memory_space<hbm>>) dst(%dma_wait3A_565 : memref<640xi32, #tpu.memory_space<vmem>>)
    %dma_start3A_568 = arith.constant 0 : i32
    %dma_start3A_569 = arith.constant 0 : i32
    %dma_start3A_570 = arith.constant 0 : i32
    %dma_start3A_571 = tpu.memref_slice %arg15[%dma_start3A_569, %dma_start3A_570] : memref<80x64xi16, #tpu.memory_space<vmem>> -> memref<80x64xi16, #tpu.memory_space<vmem>>
    %dma_start3A_572 = arith.constant 0 : i32
    %dma_start3A_573 = tpu.memref_slice %arg14[%dma_start3A_568, %dma_start3A_572] : memref<2x4000xi32, #tpu.memory_space<vmem>> -> memref<1x80xi32, #tpu.memory_space<vmem>>
    %dma_start3A_574 = tpu.memref_squeeze %dma_start3A_573 : memref<1x80xi32, #tpu.memory_space<vmem>> -> memref<80xi32, #tpu.memory_space<vmem>>
    %dma_start3A_575 = arith.constant 0 : i32
    %dma_start3A_576 = arith.constant 0 : i32
    %dma_start3A_577 = tpu.memref_slice %arg3[%dma_start3A_575, %dma_start3A_576] : memref<100000x64xi16, #tpu.memory_space<hbm>> -> memref<100000x64xi16, #tpu.memory_space<hbm>>
    tpu.enqueue_indirect_dma source(%dma_start3A_577 : memref<100000x64xi16, #tpu.memory_space<hbm>>) target(%dma_start3A_571 : memref<80x64xi16, #tpu.memory_space<vmem>>) offsets(%dma_start3A_574 : memref<80xi32, #tpu.memory_space<vmem>>) semaphore(%arg22 : memref<!tpu.dma_semaphore, #tpu.memory_space<semaphore_mem>>)
    %dma_start3A_578 = arith.constant 0 : i32
    %dma_start3A_579 = arith.constant 0 : i32
    %dma_start3A_580 = arith.constant 0 : i32
    %dma_start3A_581 = tpu.memref_slice %arg16[%dma_start3A_579, %dma_start3A_580] : memref<80x64xi16, #tpu.memory_space<vmem>> -> memref<80x64xi16, #tpu.memory_space<vmem>>
    %dma_start3A_582 = arith.constant 80 : i32
    %dma_start3A_583 = tpu.memref_slice %arg14[%dma_start3A_578, %dma_start3A_582] : memref<2x4000xi32, #tpu.memory_space<vmem>> -> memref<1x80xi32, #tpu.memory_space<vmem>>
    %dma_start3A_584 = tpu.memref_squeeze %dma_start3A_583 : memref<1x80xi32, #tpu.memory_space<vmem>> -> memref<80xi32, #tpu.memory_space<vmem>>
    %dma_start3A_585 = arith.constant 0 : i32
    %dma_start3A_586 = arith.constant 0 : i32
    %dma_start3A_587 = tpu.memref_slice %arg3[%dma_start3A_585, %dma_start3A_586] : memref<100000x64xi16, #tpu.memory_space<hbm>> -> memref<100000x64xi16, #tpu.memory_space<hbm>>
    tpu.enqueue_indirect_dma source(%dma_start3A_587 : memref<100000x64xi16, #tpu.memory_space<hbm>>) target(%dma_start3A_581 : memref<80x64xi16, #tpu.memory_space<vmem>>) offsets(%dma_start3A_584 : memref<80xi32, #tpu.memory_space<vmem>>) semaphore(%arg23 : memref<!tpu.dma_semaphore, #tpu.memory_space<semaphore_mem>>)
    %dma_start3A_588 = arith.constant 0 : i32
    %dma_start3A_589 = arith.constant 0 : i32
    %dma_start3A_590 = arith.constant 0 : i32
    %dma_start3A_591 = tpu.memref_slice %arg17[%dma_start3A_589, %dma_start3A_590] : memref<80x64xi16, #tpu.memory_space<vmem>> -> memref<80x64xi16, #tpu.memory_space<vmem>>
    %dma_start3A_592 = arith.constant 160 : i32
    %dma_start3A_593 = tpu.memref_slice %arg14[%dma_start3A_588, %dma_start3A_592] : memref<2x4000xi32, #tpu.memory_space<vmem>> -> memref<1x80xi32, #tpu.memory_space<vmem>>
    %dma_start3A_594 = tpu.memref_squeeze %dma_start3A_593 : memref<1x80xi32, #tpu.memory_space<vmem>> -> memref<80xi32, #tpu.memory_space<vmem>>
    %dma_start3A_595 = arith.constant 0 : i32
    %dma_start3A_596 = arith.constant 0 : i32
    %dma_start3A_597 = tpu.memref_slice %arg3[%dma_start3A_595, %dma_start3A_596] : memref<100000x64xi16, #tpu.memory_space<hbm>> -> memref<100000x64xi16, #tpu.memory_space<hbm>>
    tpu.enqueue_indirect_dma source(%dma_start3A_597 : memref<100000x64xi16, #tpu.memory_space<hbm>>) target(%dma_start3A_591 : memref<80x64xi16, #tpu.memory_space<vmem>>) offsets(%dma_start3A_594 : memref<80xi32, #tpu.memory_space<vmem>>) semaphore(%arg24 : memref<!tpu.dma_semaphore, #tpu.memory_space<semaphore_mem>>)
    %scan3A_598 = arith.constant 0 : i32
    %scan3A_599 = arith.constant 0 : i32
    %scan3A_600 = arith.constant 4 : i32
    %scan3A_601 = arith.addi %scan3A_599, %scan3A_600 : i32
    %scan3A_602 = arith.constant 1 : i32
    scf.for %scan3A_604 = %scan3A_599 to %scan3A_601 step %scan3A_602  : i32 {
      %mul3A_605 = arith.constant 4 : i32
      %mul3A_606 = arith.muli %mul3A_605, %scan3A_604 : i32
      %add3A_607 = arith.constant 0 : i32
      %add3A_608 = arith.addi %mul3A_606, %add3A_607 : i32
      %dma_wait3A_609 = arith.constant 0 : i32
      %dma_wait3A_610 = arith.constant 0 : i32
      %dma_wait3A_611 = arith.constant 0 : i32
      %dma_wait3A_612 = tpu.memref_slice %arg15[%dma_wait3A_610, %dma_wait3A_611] : memref<80x64xi16, #tpu.memory_space<vmem>> -> memref<80x64xi16, #tpu.memory_space<vmem>>
      %dma_wait3A_613 = arith.constant 0 : i32
      %dma_wait3A_614 = tpu.memref_slice %arg14[%dma_wait3A_609, %dma_wait3A_613] : memref<2x4000xi32, #tpu.memory_space<vmem>> -> memref<1x80xi32, #tpu.memory_space<vmem>>
      %dma_wait3A_615 = tpu.memref_squeeze %dma_wait3A_614 : memref<1x80xi32, #tpu.memory_space<vmem>> -> memref<80xi32, #tpu.memory_space<vmem>>
      %dma_wait3A_616 = arith.constant 0 : i32
      %dma_wait3A_617 = arith.constant 0 : i32
      %dma_wait3A_618 = tpu.memref_slice %arg3[%dma_wait3A_616, %dma_wait3A_617] : memref<100000x64xi16, #tpu.memory_space<hbm>> -> memref<100000x64xi16, #tpu.memory_space<hbm>>
      tpu.wait_indirect_dma semaphore(%arg22 : memref<!tpu.dma_semaphore, #tpu.memory_space<semaphore_mem>>) src(%dma_wait3A_618 : memref<100000x64xi16, #tpu.memory_space<hbm>>) dst(%dma_wait3A_612 : memref<80x64xi16, #tpu.memory_space<vmem>>)
      %jit3A = arith.constant 8 : i32
      %div3A = arith.divsi %add3A_608, %jit3A : i32
      %sign3A = arith.constant 0 : i32
      %sign3A_619 = arith.cmpi sgt, %add3A_608, %sign3A : i32
      %sign3A_620 = arith.extui %sign3A_619 : i1 to i32
      %sign3A_621 = arith.constant 0 : i32
      %sign3A_622 = arith.cmpi slt, %add3A_608, %sign3A_621 : i32
      %sign3A_623 = arith.extui %sign3A_622 : i1 to i32
      %sign3A_624 = arith.subi %sign3A_620, %sign3A_623 : i32
      %sign3A_625 = arith.constant 0 : i32
      %sign3A_626 = arith.cmpi sgt, %jit3A, %sign3A_625 : i32
      %sign3A_627 = arith.extui %sign3A_626 : i1 to i32
      %sign3A_628 = arith.constant 0 : i32
      %sign3A_629 = arith.cmpi slt, %jit3A, %sign3A_628 : i32
      %sign3A_630 = arith.extui %sign3A_629 : i1 to i32
      %sign3A_631 = arith.subi %sign3A_627, %sign3A_630 : i32
      %ne3A = arith.cmpi ne, %sign3A_624, %sign3A_631 : i32
      %rem3A = arith.remsi %add3A_608, %jit3A : i32
      %ne3A_632 = arith.constant 0 : i32
      %ne3A_633 = arith.cmpi ne, %rem3A, %ne3A_632 : i32
      %and3A = arith.andi %ne3A, %ne3A_633 : i1
      %sub3A = arith.constant 1 : i32
      %sub3A_634 = arith.subi %div3A, %sub3A : i32
      %select_n3A = arith.select %and3A, %sub3A_634, %div3A : i32
      %jit3A_635 = arith.constant 8 : i32
      %eq3A = arith.constant 0 : i32
      %eq3A_636 = arith.cmpi eq, %jit3A_635, %eq3A : i32
      %jit3A_637 = arith.constant 1 : i32
      %select_n3A_638 = arith.select %eq3A_636, %jit3A_637, %jit3A_635 : i32
      %rem3A_639 = arith.remsi %add3A_608, %select_n3A_638 : i32
      %ne3A_640 = arith.constant 0 : i32
      %ne3A_641 = arith.cmpi ne, %rem3A_639, %ne3A_640 : i32
      %lt3A = arith.constant 0 : i32
      %lt3A_642 = arith.cmpi slt, %rem3A_639, %lt3A : i32
      %lt3A_643 = arith.constant 0 : i32
      %lt3A_644 = arith.cmpi slt, %select_n3A_638, %lt3A_643 : i32
      %ne3A_645 = arith.xori %lt3A_642, %lt3A_644 : i1
      %and3A_646 = arith.andi %ne3A_645, %ne3A_641 : i1
      %add3A_647 = arith.addi %rem3A_639, %select_n3A_638 : i32
      %select_n3A_648 = arith.select %and3A_646, %add3A_647, %rem3A_639 : i32
      %mul3A_649 = arith.constant 4 : i32
      %mul3A_650 = arith.muli %mul3A_649, %select_n3A_648 : i32
      %mul3A_651 = arith.constant 64 : i32
      %mul3A_652 = arith.muli %mul3A_651, %select_n3A : i32
      %scan3A_653 = arith.constant 0 : i32
      %scan3A_654 = arith.constant 0 : i32
      %scan3A_655 = arith.constant 4 : i32
      %scan3A_656 = arith.addi %scan3A_654, %scan3A_655 : i32
      %scan3A_657 = arith.constant 1 : i32
      scf.for %scan3A_879 = %scan3A_654 to %scan3A_656 step %scan3A_657  : i32 {
        %broadcast_in_dim3A_880 = arith.constant 0 : i32
        %broadcast_in_dim3A_881 = vector.broadcast %broadcast_in_dim3A_880 : i32 to vector<16xi32>
        %scan3A_882 = arith.constant 0 : i32
        %scan3A_883 = arith.constant 5 : i32
        %scan3A_884 = arith.addi %scan3A_882, %scan3A_883 : i32
        %scan3A_885 = arith.constant 1 : i32
        %scan3A_886:4 = scf.for %scan3A_917 = %scan3A_882 to %scan3A_884 step %scan3A_885 iter_args(%scan3A_918 = %broadcast_in_dim3A_881, %scan3A_919 = %broadcast_in_dim3A_881, %scan3A_920 = %broadcast_in_dim3A_881, %scan3A_921 = %broadcast_in_dim3A_881) -> (vector<16xi32>, vector<16xi32>, vector<16xi32>, vector<16xi32>)  : i32 {
          %mul3A_922 = arith.constant 20 : i32
          %mul3A_923 = arith.muli %scan3A_879, %mul3A_922 : i32
          %mul3A_924 = arith.constant 4 : i32
          %mul3A_925 = arith.muli %mul3A_924, %scan3A_917 : i32
          %add3A_926 = arith.addi %mul3A_923, %mul3A_925 : i32
          %add3A_927 = arith.constant 0 : i32
          %add3A_928 = arith.addi %add3A_926, %add3A_927 : i32
          %get3A_929 = arith.index_cast %add3A_928 : i32 to index
          %get3A_930 = arith.constant 0 : index
          %get3A_931 = tpu.vector_load %arg15[%get3A_929, %get3A_930] {strides = array<i32>} : memref<80x64xi16, #tpu.memory_space<vmem>>, vector<32xi16>,
          %unpack3A = tpu.unpack_subelements %get3A_931, 0 {pack_format = #tpu.pack_format<interleaved>} : vector<32xi16> -> vector<16xi32>
          %unpack3A_932 = tpu.unpack_subelements %get3A_931, 1 {pack_format = #tpu.pack_format<interleaved>} : vector<32xi16> -> vector<16xi32>
          %add3A_933 = arith.addi %scan3A_918, %unpack3A : vector<16xi32>
          %add3A_934 = arith.addi %scan3A_919, %unpack3A_932 : vector<16xi32>
          %mul3A_935 = arith.constant 20 : i32
          %mul3A_936 = arith.muli %scan3A_879, %mul3A_935 : i32
          %mul3A_937 = arith.constant 4 : i32
          %mul3A_938 = arith.muli %mul3A_937, %scan3A_917 : i32
          %add3A_939 = arith.addi %mul3A_936, %mul3A_938 : i32
          %add3A_940 = arith.constant 0 : i32
          %add3A_941 = arith.addi %add3A_939, %add3A_940 : i32
          %get3A_942 = arith.index_cast %add3A_941 : i32 to index
          %get3A_943 = arith.constant 32 : index
          %get3A_944 = tpu.vector_load %arg15[%get3A_942, %get3A_943] {strides = array<i32>} : memref<80x64xi16, #tpu.memory_space<vmem>>, vector<32xi16>,
          %unpack3A_945 = tpu.unpack_subelements %get3A_944, 0 {pack_format = #tpu.pack_format<interleaved>} : vector<32xi16> -> vector<16xi32>
          %unpack3A_946 = tpu.unpack_subelements %get3A_944, 1 {pack_format = #tpu.pack_format<interleaved>} : vector<32xi16> -> vector<16xi32>
          %add3A_947 = arith.addi %scan3A_920, %unpack3A_945 : vector<16xi32>
          %add3A_948 = arith.addi %scan3A_921, %unpack3A_946 : vector<16xi32>
          %mul3A_949 = arith.constant 20 : i32
          %mul3A_950 = arith.muli %scan3A_879, %mul3A_949 : i32
          %mul3A_951 = arith.constant 4 : i32
          %mul3A_952 = arith.muli %mul3A_951, %scan3A_917 : i32
          %add3A_953 = arith.addi %mul3A_950, %mul3A_952 : i32
          %add3A_954 = arith.constant 1 : i32
          %add3A_955 = arith.addi %add3A_953, %add3A_954 : i32
          %get3A_956 = arith.index_cast %add3A_955 : i32 to index
          %get3A_957 = arith.constant 0 : index
          %get3A_958 = tpu.vector_load %arg15[%get3A_956, %get3A_957] {strides = array<i32>} : memref<80x64xi16, #tpu.memory_space<vmem>>, vector<32xi16>,
          %unpack3A_959 = tpu.unpack_subelements %get3A_958, 0 {pack_format = #tpu.pack_format<interleaved>} : vector<32xi16> -> vector<16xi32>
          %unpack3A_960 = tpu.unpack_subelements %get3A_958, 1 {pack_format = #tpu.pack_format<interleaved>} : vector<32xi16> -> vector<16xi32>
          %add3A_961 = arith.addi %add3A_933, %unpack3A_959 : vector<16xi32>
          %add3A_962 = arith.addi %add3A_934, %unpack3A_960 : vector<16xi32>
          %mul3A_963 = arith.constant 20 : i32
          %mul3A_964 = arith.muli %scan3A_879, %mul3A_963 : i32
          %mul3A_965 = arith.constant 4 : i32
          %mul3A_966 = arith.muli %mul3A_965, %scan3A_917 : i32
          %add3A_967 = arith.addi %mul3A_964, %mul3A_966 : i32
          %add3A_968 = arith.constant 1 : i32
          %add3A_969 = arith.addi %add3A_967, %add3A_968 : i32
          %get3A_970 = arith.index_cast %add3A_969 : i32 to index
          %get3A_971 = arith.constant 32 : index
          %get3A_972 = tpu.vector_load %arg15[%get3A_970, %get3A_971] {strides = array<i32>} : memref<80x64xi16, #tpu.memory_space<vmem>>, vector<32xi16>,
          %unpack3A_973 = tpu.unpack_subelements %get3A_972, 0 {pack_format = #tpu.pack_format<interleaved>} : vector<32xi16> -> vector<16xi32>
          %unpack3A_974 = tpu.unpack_subelements %get3A_972, 1 {pack_format = #tpu.pack_format<interleaved>} : vector<32xi16> -> vector<16xi32>
          %add3A_975 = arith.addi %add3A_947, %unpack3A_973 : vector<16xi32>
          %add3A_976 = arith.addi %add3A_948, %unpack3A_974 : vector<16xi32>
          %mul3A_977 = arith.constant 20 : i32
          %mul3A_978 = arith.muli %scan3A_879, %mul3A_977 : i32
          %mul3A_979 = arith.constant 4 : i32
          %mul3A_980 = arith.muli %mul3A_979, %scan3A_917 : i32
          %add3A_981 = arith.addi %mul3A_978, %mul3A_980 : i32
          %add3A_982 = arith.constant 2 : i32
          %add3A_983 = arith.addi %add3A_981, %add3A_982 : i32
          %get3A_984 = arith.index_cast %add3A_983 : i32 to index
          %get3A_985 = arith.constant 0 : index
          %get3A_986 = tpu.vector_load %arg15[%get3A_984, %get3A_985] {strides = array<i32>} : memref<80x64xi16, #tpu.memory_space<vmem>>, vector<32xi16>,
          %unpack3A_987 = tpu.unpack_subelements %get3A_986, 0 {pack_format = #tpu.pack_format<interleaved>} : vector<32xi16> -> vector<16xi32>
          %unpack3A_988 = tpu.unpack_subelements %get3A_986, 1 {pack_format = #tpu.pack_format<interleaved>} : vector<32xi16> -> vector<16xi32>
          %add3A_989 = arith.addi %add3A_961, %unpack3A_987 : vector<16xi32>
          %add3A_990 = arith.addi %add3A_962, %unpack3A_988 : vector<16xi32>
          %mul3A_991 = arith.constant 20 : i32
          %mul3A_992 = arith.muli %scan3A_879, %mul3A_991 : i32
          %mul3A_993 = arith.constant 4 : i32
          %mul3A_994 = arith.muli %mul3A_993, %scan3A_917 : i32
          %add3A_995 = arith.addi %mul3A_992, %mul3A_994 : i32
          %add3A_996 = arith.constant 2 : i32
          %add3A_997 = arith.addi %add3A_995, %add3A_996 : i32
          %get3A_998 = arith.index_cast %add3A_997 : i32 to index
          %get3A_999 = arith.constant 32 : index
          %get3A_1000 = tpu.vector_load %arg15[%get3A_998, %get3A_999] {strides = array<i32>} : memref<80x64xi16, #tpu.memory_space<vmem>>, vector<32xi16>,
          %unpack3A_1001 = tpu.unpack_subelements %get3A_1000, 0 {pack_format = #tpu.pack_format<interleaved>} : vector<32xi16> -> vector<16xi32>
          %unpack3A_1002 = tpu.unpack_subelements %get3A_1000, 1 {pack_format = #tpu.pack_format<interleaved>} : vector<32xi16> -> vector<16xi32>
          %add3A_1003 = arith.addi %add3A_975, %unpack3A_1001 : vector<16xi32>
          %add3A_1004 = arith.addi %add3A_976, %unpack3A_1002 : vector<16xi32>
          %mul3A_1005 = arith.constant 20 : i32
          %mul3A_1006 = arith.muli %scan3A_879, %mul3A_1005 : i32
          %mul3A_1007 = arith.constant 4 : i32
          %mul3A_1008 = arith.muli %mul3A_1007, %scan3A_917 : i32
          %add3A_1009 = arith.addi %mul3A_1006, %mul3A_1008 : i32
          %add3A_1010 = arith.constant 3 : i32
          %add3A_1011 = arith.addi %add3A_1009, %add3A_1010 : i32
          %get3A_1012 = arith.index_cast %add3A_1011 : i32 to index
          %get3A_1013 = arith.constant 0 : index
          %get3A_1014 = tpu.vector_load %arg15[%get3A_1012, %get3A_1013] {strides = array<i32>} : memref<80x64xi16, #tpu.memory_space<vmem>>, vector<32xi16>,
          %unpack3A_1015 = tpu.unpack_subelements %get3A_1014, 0 {pack_format = #tpu.pack_format<interleaved>} : vector<32xi16> -> vector<16xi32>
          %unpack3A_1016 = tpu.unpack_subelements %get3A_1014, 1 {pack_format = #tpu.pack_format<interleaved>} : vector<32xi16> -> vector<16xi32>
          %add3A_1017 = arith.addi %add3A_989, %unpack3A_1015 : vector<16xi32>
          %add3A_1018 = arith.addi %add3A_990, %unpack3A_1016 : vector<16xi32>
          %mul3A_1019 = arith.constant 20 : i32
          %mul3A_1020 = arith.muli %scan3A_879, %mul3A_1019 : i32
          %mul3A_1021 = arith.constant 4 : i32
          %mul3A_1022 = arith.muli %mul3A_1021, %scan3A_917 : i32
          %add3A_1023 = arith.addi %mul3A_1020, %mul3A_1022 : i32
          %add3A_1024 = arith.constant 3 : i32
          %add3A_1025 = arith.addi %add3A_1023, %add3A_1024 : i32
          %get3A_1026 = arith.index_cast %add3A_1025 : i32 to index
          %get3A_1027 = arith.constant 32 : index
          %get3A_1028 = tpu.vector_load %arg15[%get3A_1026, %get3A_1027] {strides = array<i32>} : memref<80x64xi16, #tpu.memory_space<vmem>>, vector<32xi16>,
          %unpack3A_1029 = tpu.unpack_subelements %get3A_1028, 0 {pack_format = #tpu.pack_format<interleaved>} : vector<32xi16> -> vector<16xi32>
          %unpack3A_1030 = tpu.unpack_subelements %get3A_1028, 1 {pack_format = #tpu.pack_format<interleaved>} : vector<32xi16> -> vector<16xi32>
          %add3A_1031 = arith.addi %add3A_1003, %unpack3A_1029 : vector<16xi32>
          %add3A_1032 = arith.addi %add3A_1004, %unpack3A_1030 : vector<16xi32>
          scf.yield %add3A_1017, %add3A_1018, %add3A_1031, %add3A_1032 : vector<16xi32>, vector<16xi32>, vector<16xi32>, vector<16xi32>
        }
        %scan3A_887 = arith.constant 5 : i32
        %add3A_888 = arith.addi %mul3A_650, %scan3A_879 : i32
        %convert_element_type3A_889 = arith.sitofp %scan3A_886#0 : vector<16xi32> to vector<16xf32>
        %mul3A_890 = arith.mulf %convert_element_type3A_889, %get3A_1 : vector<16xf32>
        %add3A_891 = arith.constant 0 : i32
        %add3A_892 = arith.addi %mul3A_652, %add3A_891 : i32
        %swap3A_893 = arith.index_cast %add3A_888 : i32 to index
        %swap3A_894 = arith.index_cast %add3A_892 : i32 to index
        %swap3A_895 = tpu.vector_load %arg20[%swap3A_893, %swap3A_894] {strides = array<i32>} : memref<112x128xf32, #tpu.memory_space<vmem>>, vector<16xf32>,
        tpu.vector_store %arg20[%swap3A_893, %swap3A_894], %mul3A_890 {strides = array<i32>} : memref<112x128xf32, #tpu.memory_space<vmem>>, vector<16xf32>,
        %convert_element_type3A_896 = arith.sitofp %scan3A_886#1 : vector<16xi32> to vector<16xf32>
        %mul3A_897 = arith.mulf %convert_element_type3A_896, %get3A_1 : vector<16xf32>
        %add3A_898 = arith.constant 16 : i32
        %add3A_899 = arith.addi %mul3A_652, %add3A_898 : i32
        %swap3A_900 = arith.index_cast %add3A_888 : i32 to index
        %swap3A_901 = arith.index_cast %add3A_899 : i32 to index
        %swap3A_902 = tpu.vector_load %arg20[%swap3A_900, %swap3A_901] {strides = array<i32>} : memref<112x128xf32, #tpu.memory_space<vmem>>, vector<16xf32>,
        tpu.vector_store %arg20[%swap3A_900, %swap3A_901], %mul3A_897 {strides = array<i32>} : memref<112x128xf32, #tpu.memory_space<vmem>>, vector<16xf32>,
        %convert_element_type3A_903 = arith.sitofp %scan3A_886#2 : vector<16xi32> to vector<16xf32>
        %mul3A_904 = arith.mulf %convert_element_type3A_903, %get3A_1 : vector<16xf32>
        %add3A_905 = arith.constant 32 : i32
        %add3A_906 = arith.addi %mul3A_652, %add3A_905 : i32
        %swap3A_907 = arith.index_cast %add3A_888 : i32 to index
        %swap3A_908 = arith.index_cast %add3A_906 : i32 to index
        %swap3A_909 = tpu.vector_load %arg20[%swap3A_907, %swap3A_908] {strides = array<i32>} : memref<112x128xf32, #tpu.memory_space<vmem>>, vector<16xf32>,
        tpu.vector_store %arg20[%swap3A_907, %swap3A_908], %mul3A_904 {strides = array<i32>} : memref<112x128xf32, #tpu.memory_space<vmem>>, vector<16xf32>,
        %convert_element_type3A_910 = arith.sitofp %scan3A_886#3 : vector<16xi32> to vector<16xf32>
        %mul3A_911 = arith.mulf %convert_element_type3A_910, %get3A_1 : vector<16xf32>
        %add3A_912 = arith.constant 48 : i32
        %add3A_913 = arith.addi %mul3A_652, %add3A_912 : i32
        %swap3A_914 = arith.index_cast %add3A_888 : i32 to index
        %swap3A_915 = arith.index_cast %add3A_913 : i32 to index
        %swap3A_916 = tpu.vector_load %arg20[%swap3A_914, %swap3A_915] {strides = array<i32>} : memref<112x128xf32, #tpu.memory_space<vmem>>, vector<16xf32>,
        tpu.vector_store %arg20[%swap3A_914, %swap3A_915], %mul3A_911 {strides = array<i32>} : memref<112x128xf32, #tpu.memory_space<vmem>>, vector<16xf32>,
      }
      %scan3A_658 = arith.constant 4 : i32
      %add3A_659 = arith.constant 4 : i32
      %add3A_660 = arith.addi %add3A_608, %add3A_659 : i32
      %sub3A_661 = arith.constant 1 : i32
      %sub3A_662 = arith.subi %add3A_660, %sub3A_661 : i32
      %lt3A_663 = arith.constant 16 : i32
      %lt3A_664 = arith.cmpi slt, %sub3A_662, %lt3A_663 : i32
      %convert_element_type3A = arith.extui %lt3A_664 : i1 to i32
      %cond3A = arith.constant 0 : i32
      %cond3A_665 = arith.cmpi ne, %convert_element_type3A, %cond3A : i32
      scf.if %cond3A_665 {
        %mul3A_879 = arith.constant 80 : i32
        %mul3A_880 = arith.muli %sub3A_662, %mul3A_879 : i32
        %dma_start3A_881 = arith.constant 0 : i32
        %dma_start3A_882 = arith.constant 0 : i32
        %dma_start3A_883 = arith.constant 0 : i32
        %dma_start3A_884 = tpu.memref_slice %arg18[%dma_start3A_882, %dma_start3A_883] : memref<80x64xi16, #tpu.memory_space<vmem>> -> memref<80x64xi16, #tpu.memory_space<vmem>>
        %dma_start3A_885 = tpu.memref_slice %arg14[%dma_start3A_881, %mul3A_880] : memref<2x4000xi32, #tpu.memory_space<vmem>> -> memref<1x80xi32, #tpu.memory_space<vmem>>
        %dma_start3A_886 = tpu.memref_squeeze %dma_start3A_885 : memref<1x80xi32, #tpu.memory_space<vmem>> -> memref<80xi32, #tpu.memory_space<vmem>>
        %dma_start3A_887 = arith.constant 0 : i32
        %dma_start3A_888 = arith.constant 0 : i32
        %dma_start3A_889 = tpu.memref_slice %arg3[%dma_start3A_887, %dma_start3A_888] : memref<100000x64xi16, #tpu.memory_space<hbm>> -> memref<100000x64xi16, #tpu.memory_space<hbm>>
        tpu.enqueue_indirect_dma source(%dma_start3A_889 : memref<100000x64xi16, #tpu.memory_space<hbm>>) target(%dma_start3A_884 : memref<80x64xi16, #tpu.memory_space<vmem>>) offsets(%dma_start3A_886 : memref<80xi32, #tpu.memory_space<vmem>>) semaphore(%arg25 : memref<!tpu.dma_semaphore, #tpu.memory_space<semaphore_mem>>)
      } else {
      }
      %add3A_666 = arith.constant 1 : i32
      %add3A_667 = arith.addi %mul3A_606, %add3A_666 : i32
      %dma_wait3A_668 = arith.constant 0 : i32
      %dma_wait3A_669 = arith.constant 0 : i32
      %dma_wait3A_670 = arith.constant 0 : i32
      %dma_wait3A_671 = tpu.memref_slice %arg16[%dma_wait3A_669, %dma_wait3A_670] : memref<80x64xi16, #tpu.memory_space<vmem>> -> memref<80x64xi16, #tpu.memory_space<vmem>>
      %dma_wait3A_672 = arith.constant 0 : i32
      %dma_wait3A_673 = tpu.memref_slice %arg14[%dma_wait3A_668, %dma_wait3A_672] : memref<2x4000xi32, #tpu.memory_space<vmem>> -> memref<1x80xi32, #tpu.memory_space<vmem>>
      %dma_wait3A_674 = tpu.memref_squeeze %dma_wait3A_673 : memref<1x80xi32, #tpu.memory_space<vmem>> -> memref<80xi32, #tpu.memory_space<vmem>>
      %dma_wait3A_675 = arith.constant 0 : i32
      %dma_wait3A_676 = arith.constant 0 : i32
      %dma_wait3A_677 = tpu.memref_slice %arg3[%dma_wait3A_675, %dma_wait3A_676] : memref<100000x64xi16, #tpu.memory_space<hbm>> -> memref<100000x64xi16, #tpu.memory_space<hbm>>
      tpu.wait_indirect_dma semaphore(%arg23 : memref<!tpu.dma_semaphore, #tpu.memory_space<semaphore_mem>>) src(%dma_wait3A_677 : memref<100000x64xi16, #tpu.memory_space<hbm>>) dst(%dma_wait3A_671 : memref<80x64xi16, #tpu.memory_space<vmem>>)
      %jit3A_678 = arith.constant 8 : i32
      %div3A_679 = arith.divsi %add3A_667, %jit3A_678 : i32
      %sign3A_680 = arith.constant 0 : i32
      %sign3A_681 = arith.cmpi sgt, %add3A_667, %sign3A_680 : i32
      %sign3A_682 = arith.extui %sign3A_681 : i1 to i32
      %sign3A_683 = arith.constant 0 : i32
      %sign3A_684 = arith.cmpi slt, %add3A_667, %sign3A_683 : i32
      %sign3A_685 = arith.extui %sign3A_684 : i1 to i32
      %sign3A_686 = arith.subi %sign3A_682, %sign3A_685 : i32
      %sign3A_687 = arith.constant 0 : i32
      %sign3A_688 = arith.cmpi sgt, %jit3A_678, %sign3A_687 : i32
      %sign3A_689 = arith.extui %sign3A_688 : i1 to i32
      %sign3A_690 = arith.constant 0 : i32
      %sign3A_691 = arith.cmpi slt, %jit3A_678, %sign3A_690 : i32
      %sign3A_692 = arith.extui %sign3A_691 : i1 to i32
      %sign3A_693 = arith.subi %sign3A_689, %sign3A_692 : i32
      %ne3A_694 = arith.cmpi ne, %sign3A_686, %sign3A_693 : i32
      %rem3A_695 = arith.remsi %add3A_667, %jit3A_678 : i32
      %ne3A_696 = arith.constant 0 : i32
      %ne3A_697 = arith.cmpi ne, %rem3A_695, %ne3A_696 : i32
      %and3A_698 = arith.andi %ne3A_694, %ne3A_697 : i1
      %sub3A_699 = arith.constant 1 : i32
      %sub3A_700 = arith.subi %div3A_679, %sub3A_699 : i32
      %select_n3A_701 = arith.select %and3A_698, %sub3A_700, %div3A_679 : i32
      %jit3A_702 = arith.constant 8 : i32
      %eq3A_703 = arith.constant 0 : i32
      %eq3A_704 = arith.cmpi eq, %jit3A_702, %eq3A_703 : i32
      %jit3A_705 = arith.constant 1 : i32
      %select_n3A_706 = arith.select %eq3A_704, %jit3A_705, %jit3A_702 : i32
      %rem3A_707 = arith.remsi %add3A_667, %select_n3A_706 : i32
      %ne3A_708 = arith.constant 0 : i32
      %ne3A_709 = arith.cmpi ne, %rem3A_707, %ne3A_708 : i32
      %lt3A_710 = arith.constant 0 : i32
      %lt3A_711 = arith.cmpi slt, %rem3A_707, %lt3A_710 : i32
      %lt3A_712 = arith.constant 0 : i32
      %lt3A_713 = arith.cmpi slt, %select_n3A_706, %lt3A_712 : i32
      %ne3A_714 = arith.xori %lt3A_711, %lt3A_713 : i1
      %and3A_715 = arith.andi %ne3A_714, %ne3A_709 : i1
      %add3A_716 = arith.addi %rem3A_707, %select_n3A_706 : i32
      %select_n3A_717 = arith.select %and3A_715, %add3A_716, %rem3A_707 : i32
      %mul3A_718 = arith.constant 4 : i32
      %mul3A_719 = arith.muli %mul3A_718, %select_n3A_717 : i32
      %mul3A_720 = arith.constant 64 : i32
      %mul3A_721 = arith.muli %mul3A_720, %select_n3A_701 : i32
      %scan3A_722 = arith.constant 0 : i32
      %scan3A_723 = arith.constant 0 : i32
      %scan3A_724 = arith.constant 4 : i32
      %scan3A_725 = arith.addi %scan3A_723, %scan3A_724 : i32
      %scan3A_726 = arith.constant 1 : i32
      scf.for %scan3A_879 = %scan3A_723 to %scan3A_725 step %scan3A_726  : i32 {
        %broadcast_in_dim3A_880 = arith.constant 0 : i32
        %broadcast_in_dim3A_881 = vector.broadcast %broadcast_in_dim3A_880 : i32 to vector<16xi32>
        %scan3A_882 = arith.constant 0 : i32
        %scan3A_883 = arith.constant 5 : i32
        %scan3A_884 = arith.addi %scan3A_882, %scan3A_883 : i32
        %scan3A_885 = arith.constant 1 : i32
        %scan3A_886:4 = scf.for %scan3A_917 = %scan3A_882 to %scan3A_884 step %scan3A_885 iter_args(%scan3A_918 = %broadcast_in_dim3A_881, %scan3A_919 = %broadcast_in_dim3A_881, %scan3A_920 = %broadcast_in_dim3A_881, %scan3A_921 = %broadcast_in_dim3A_881) -> (vector<16xi32>, vector<16xi32>, vector<16xi32>, vector<16xi32>)  : i32 {
          %mul3A_922 = arith.constant 20 : i32
          %mul3A_923 = arith.muli %scan3A_879, %mul3A_922 : i32
          %mul3A_924 = arith.constant 4 : i32
          %mul3A_925 = arith.muli %mul3A_924, %scan3A_917 : i32
          %add3A_926 = arith.addi %mul3A_923, %mul3A_925 : i32
          %add3A_927 = arith.constant 0 : i32
          %add3A_928 = arith.addi %add3A_926, %add3A_927 : i32
          %get3A_929 = arith.index_cast %add3A_928 : i32 to index
          %get3A_930 = arith.constant 0 : index
          %get3A_931 = tpu.vector_load %arg16[%get3A_929, %get3A_930] {strides = array<i32>} : memref<80x64xi16, #tpu.memory_space<vmem>>, vector<32xi16>,
          %unpack3A = tpu.unpack_subelements %get3A_931, 0 {pack_format = #tpu.pack_format<interleaved>} : vector<32xi16> -> vector<16xi32>
          %unpack3A_932 = tpu.unpack_subelements %get3A_931, 1 {pack_format = #tpu.pack_format<interleaved>} : vector<32xi16> -> vector<16xi32>
          %add3A_933 = arith.addi %scan3A_918, %unpack3A : vector<16xi32>
          %add3A_934 = arith.addi %scan3A_919, %unpack3A_932 : vector<16xi32>
          %mul3A_935 = arith.constant 20 : i32
          %mul3A_936 = arith.muli %scan3A_879, %mul3A_935 : i32
          %mul3A_937 = arith.constant 4 : i32
          %mul3A_938 = arith.muli %mul3A_937, %scan3A_917 : i32
          %add3A_939 = arith.addi %mul3A_936, %mul3A_938 : i32
          %add3A_940 = arith.constant 0 : i32
          %add3A_941 = arith.addi %add3A_939, %add3A_940 : i32
          %get3A_942 = arith.index_cast %add3A_941 : i32 to index
          %get3A_943 = arith.constant 32 : index
          %get3A_944 = tpu.vector_load %arg16[%get3A_942, %get3A_943] {strides = array<i32>} : memref<80x64xi16, #tpu.memory_space<vmem>>, vector<32xi16>,
          %unpack3A_945 = tpu.unpack_subelements %get3A_944, 0 {pack_format = #tpu.pack_format<interleaved>} : vector<32xi16> -> vector<16xi32>
          %unpack3A_946 = tpu.unpack_subelements %get3A_944, 1 {pack_format = #tpu.pack_format<interleaved>} : vector<32xi16> -> vector<16xi32>
          %add3A_947 = arith.addi %scan3A_920, %unpack3A_945 : vector<16xi32>
          %add3A_948 = arith.addi %scan3A_921, %unpack3A_946 : vector<16xi32>
          %mul3A_949 = arith.constant 20 : i32
          %mul3A_950 = arith.muli %scan3A_879, %mul3A_949 : i32
          %mul3A_951 = arith.constant 4 : i32
          %mul3A_952 = arith.muli %mul3A_951, %scan3A_917 : i32
          %add3A_953 = arith.addi %mul3A_950, %mul3A_952 : i32
          %add3A_954 = arith.constant 1 : i32
          %add3A_955 = arith.addi %add3A_953, %add3A_954 : i32
          %get3A_956 = arith.index_cast %add3A_955 : i32 to index
          %get3A_957 = arith.constant 0 : index
          %get3A_958 = tpu.vector_load %arg16[%get3A_956, %get3A_957] {strides = array<i32>} : memref<80x64xi16, #tpu.memory_space<vmem>>, vector<32xi16>,
          %unpack3A_959 = tpu.unpack_subelements %get3A_958, 0 {pack_format = #tpu.pack_format<interleaved>} : vector<32xi16> -> vector<16xi32>
          %unpack3A_960 = tpu.unpack_subelements %get3A_958, 1 {pack_format = #tpu.pack_format<interleaved>} : vector<32xi16> -> vector<16xi32>
          %add3A_961 = arith.addi %add3A_933, %unpack3A_959 : vector<16xi32>
          %add3A_962 = arith.addi %add3A_934, %unpack3A_960 : vector<16xi32>
          %mul3A_963 = arith.constant 20 : i32
          %mul3A_964 = arith.muli %scan3A_879, %mul3A_963 : i32
          %mul3A_965 = arith.constant 4 : i32
          %mul3A_966 = arith.muli %mul3A_965, %scan3A_917 : i32
          %add3A_967 = arith.addi %mul3A_964, %mul3A_966 : i32
          %add3A_968 = arith.constant 1 : i32
          %add3A_969 = arith.addi %add3A_967, %add3A_968 : i32
          %get3A_970 = arith.index_cast %add3A_969 : i32 to index
          %get3A_971 = arith.constant 32 : index
          %get3A_972 = tpu.vector_load %arg16[%get3A_970, %get3A_971] {strides = array<i32>} : memref<80x64xi16, #tpu.memory_space<vmem>>, vector<32xi16>,
          %unpack3A_973 = tpu.unpack_subelements %get3A_972, 0 {pack_format = #tpu.pack_format<interleaved>} : vector<32xi16> -> vector<16xi32>
          %unpack3A_974 = tpu.unpack_subelements %get3A_972, 1 {pack_format = #tpu.pack_format<interleaved>} : vector<32xi16> -> vector<16xi32>
          %add3A_975 = arith.addi %add3A_947, %unpack3A_973 : vector<16xi32>
          %add3A_976 = arith.addi %add3A_948, %unpack3A_974 : vector<16xi32>
          %mul3A_977 = arith.constant 20 : i32
          %mul3A_978 = arith.muli %scan3A_879, %mul3A_977 : i32
          %mul3A_979 = arith.constant 4 : i32
          %mul3A_980 = arith.muli %mul3A_979, %scan3A_917 : i32
          %add3A_981 = arith.addi %mul3A_978, %mul3A_980 : i32
          %add3A_982 = arith.constant 2 : i32
          %add3A_983 = arith.addi %add3A_981, %add3A_982 : i32
          %get3A_984 = arith.index_cast %add3A_983 : i32 to index
          %get3A_985 = arith.constant 0 : index
          %get3A_986 = tpu.vector_load %arg16[%get3A_984, %get3A_985] {strides = array<i32>} : memref<80x64xi16, #tpu.memory_space<vmem>>, vector<32xi16>,
          %unpack3A_987 = tpu.unpack_subelements %get3A_986, 0 {pack_format = #tpu.pack_format<interleaved>} : vector<32xi16> -> vector<16xi32>
          %unpack3A_988 = tpu.unpack_subelements %get3A_986, 1 {pack_format = #tpu.pack_format<interleaved>} : vector<32xi16> -> vector<16xi32>
          %add3A_989 = arith.addi %add3A_961, %unpack3A_987 : vector<16xi32>
          %add3A_990 = arith.addi %add3A_962, %unpack3A_988 : vector<16xi32>
          %mul3A_991 = arith.constant 20 : i32
          %mul3A_992 = arith.muli %scan3A_879, %mul3A_991 : i32
          %mul3A_993 = arith.constant 4 : i32
          %mul3A_994 = arith.muli %mul3A_993, %scan3A_917 : i32
          %add3A_995 = arith.addi %mul3A_992, %mul3A_994 : i32
          %add3A_996 = arith.constant 2 : i32
          %add3A_997 = arith.addi %add3A_995, %add3A_996 : i32
          %get3A_998 = arith.index_cast %add3A_997 : i32 to index
          %get3A_999 = arith.constant 32 : index
          %get3A_1000 = tpu.vector_load %arg16[%get3A_998, %get3A_999] {strides = array<i32>} : memref<80x64xi16, #tpu.memory_space<vmem>>, vector<32xi16>,
          %unpack3A_1001 = tpu.unpack_subelements %get3A_1000, 0 {pack_format = #tpu.pack_format<interleaved>} : vector<32xi16> -> vector<16xi32>
          %unpack3A_1002 = tpu.unpack_subelements %get3A_1000, 1 {pack_format = #tpu.pack_format<interleaved>} : vector<32xi16> -> vector<16xi32>
          %add3A_1003 = arith.addi %add3A_975, %unpack3A_1001 : vector<16xi32>
          %add3A_1004 = arith.addi %add3A_976, %unpack3A_1002 : vector<16xi32>
          %mul3A_1005 = arith.constant 20 : i32
          %mul3A_1006 = arith.muli %scan3A_879, %mul3A_1005 : i32
          %mul3A_1007 = arith.constant 4 : i32
          %mul3A_1008 = arith.muli %mul3A_1007, %scan3A_917 : i32
          %add3A_1009 = arith.addi %mul3A_1006, %mul3A_1008 : i32
          %add3A_1010 = arith.constant 3 : i32
          %add3A_1011 = arith.addi %add3A_1009, %add3A_1010 : i32
          %get3A_1012 = arith.index_cast %add3A_1011 : i32 to index
          %get3A_1013 = arith.constant 0 : index
          %get3A_1014 = tpu.vector_load %arg16[%get3A_1012, %get3A_1013] {strides = array<i32>} : memref<80x64xi16, #tpu.memory_space<vmem>>, vector<32xi16>,
          %unpack3A_1015 = tpu.unpack_subelements %get3A_1014, 0 {pack_format = #tpu.pack_format<interleaved>} : vector<32xi16> -> vector<16xi32>
          %unpack3A_1016 = tpu.unpack_subelements %get3A_1014, 1 {pack_format = #tpu.pack_format<interleaved>} : vector<32xi16> -> vector<16xi32>
          %add3A_1017 = arith.addi %add3A_989, %unpack3A_1015 : vector<16xi32>
          %add3A_1018 = arith.addi %add3A_990, %unpack3A_1016 : vector<16xi32>
          %mul3A_1019 = arith.constant 20 : i32
          %mul3A_1020 = arith.muli %scan3A_879, %mul3A_1019 : i32
          %mul3A_1021 = arith.constant 4 : i32
          %mul3A_1022 = arith.muli %mul3A_1021, %scan3A_917 : i32
          %add3A_1023 = arith.addi %mul3A_1020, %mul3A_1022 : i32
          %add3A_1024 = arith.constant 3 : i32
          %add3A_1025 = arith.addi %add3A_1023, %add3A_1024 : i32
          %get3A_1026 = arith.index_cast %add3A_1025 : i32 to index
          %get3A_1027 = arith.constant 32 : index
          %get3A_1028 = tpu.vector_load %arg16[%get3A_1026, %get3A_1027] {strides = array<i32>} : memref<80x64xi16, #tpu.memory_space<vmem>>, vector<32xi16>,
          %unpack3A_1029 = tpu.unpack_subelements %get3A_1028, 0 {pack_format = #tpu.pack_format<interleaved>} : vector<32xi16> -> vector<16xi32>
          %unpack3A_1030 = tpu.unpack_subelements %get3A_1028, 1 {pack_format = #tpu.pack_format<interleaved>} : vector<32xi16> -> vector<16xi32>
          %add3A_1031 = arith.addi %add3A_1003, %unpack3A_1029 : vector<16xi32>
          %add3A_1032 = arith.addi %add3A_1004, %unpack3A_1030 : vector<16xi32>
          scf.yield %add3A_1017, %add3A_1018, %add3A_1031, %add3A_1032 : vector<16xi32>, vector<16xi32>, vector<16xi32>, vector<16xi32>
        }
        %scan3A_887 = arith.constant 5 : i32
        %add3A_888 = arith.addi %mul3A_719, %scan3A_879 : i32
        %convert_element_type3A_889 = arith.sitofp %scan3A_886#0 : vector<16xi32> to vector<16xf32>
        %mul3A_890 = arith.mulf %convert_element_type3A_889, %get3A_1 : vector<16xf32>
        %add3A_891 = arith.constant 0 : i32
        %add3A_892 = arith.addi %mul3A_721, %add3A_891 : i32
        %swap3A_893 = arith.index_cast %add3A_888 : i32 to index
        %swap3A_894 = arith.index_cast %add3A_892 : i32 to index
        %swap3A_895 = tpu.vector_load %arg20[%swap3A_893, %swap3A_894] {strides = array<i32>} : memref<112x128xf32, #tpu.memory_space<vmem>>, vector<16xf32>,
        tpu.vector_store %arg20[%swap3A_893, %swap3A_894], %mul3A_890 {strides = array<i32>} : memref<112x128xf32, #tpu.memory_space<vmem>>, vector<16xf32>,
        %convert_element_type3A_896 = arith.sitofp %scan3A_886#1 : vector<16xi32> to vector<16xf32>
        %mul3A_897 = arith.mulf %convert_element_type3A_896, %get3A_1 : vector<16xf32>
        %add3A_898 = arith.constant 16 : i32
        %add3A_899 = arith.addi %mul3A_721, %add3A_898 : i32
        %swap3A_900 = arith.index_cast %add3A_888 : i32 to index
        %swap3A_901 = arith.index_cast %add3A_899 : i32 to index
        %swap3A_902 = tpu.vector_load %arg20[%swap3A_900, %swap3A_901] {strides = array<i32>} : memref<112x128xf32, #tpu.memory_space<vmem>>, vector<16xf32>,
        tpu.vector_store %arg20[%swap3A_900, %swap3A_901], %mul3A_897 {strides = array<i32>} : memref<112x128xf32, #tpu.memory_space<vmem>>, vector<16xf32>,
        %convert_element_type3A_903 = arith.sitofp %scan3A_886#2 : vector<16xi32> to vector<16xf32>
        %mul3A_904 = arith.mulf %convert_element_type3A_903, %get3A_1 : vector<16xf32>
        %add3A_905 = arith.constant 32 : i32
        %add3A_906 = arith.addi %mul3A_721, %add3A_905 : i32
        %swap3A_907 = arith.index_cast %add3A_888 : i32 to index
        %swap3A_908 = arith.index_cast %add3A_906 : i32 to index
        %swap3A_909 = tpu.vector_load %arg20[%swap3A_907, %swap3A_908] {strides = array<i32>} : memref<112x128xf32, #tpu.memory_space<vmem>>, vector<16xf32>,
        tpu.vector_store %arg20[%swap3A_907, %swap3A_908], %mul3A_904 {strides = array<i32>} : memref<112x128xf32, #tpu.memory_space<vmem>>, vector<16xf32>,
        %convert_element_type3A_910 = arith.sitofp %scan3A_886#3 : vector<16xi32> to vector<16xf32>
        %mul3A_911 = arith.mulf %convert_element_type3A_910, %get3A_1 : vector<16xf32>
        %add3A_912 = arith.constant 48 : i32
        %add3A_913 = arith.addi %mul3A_721, %add3A_912 : i32
        %swap3A_914 = arith.index_cast %add3A_888 : i32 to index
        %swap3A_915 = arith.index_cast %add3A_913 : i32 to index
        %swap3A_916 = tpu.vector_load %arg20[%swap3A_914, %swap3A_915] {strides = array<i32>} : memref<112x128xf32, #tpu.memory_space<vmem>>, vector<16xf32>,
        tpu.vector_store %arg20[%swap3A_914, %swap3A_915], %mul3A_911 {strides = array<i32>} : memref<112x128xf32, #tpu.memory_space<vmem>>, vector<16xf32>,
      }
      %scan3A_727 = arith.constant 4 : i32
      %add3A_728 = arith.constant 4 : i32
      %add3A_729 = arith.addi %add3A_667, %add3A_728 : i32
      %sub3A_730 = arith.constant 1 : i32
      %sub3A_731 = arith.subi %add3A_729, %sub3A_730 : i32
      %lt3A_732 = arith.constant 16 : i32
      %lt3A_733 = arith.cmpi slt, %sub3A_731, %lt3A_732 : i32
      %convert_element_type3A_734 = arith.extui %lt3A_733 : i1 to i32
      %cond3A_735 = arith.constant 0 : i32
      %cond3A_736 = arith.cmpi ne, %convert_element_type3A_734, %cond3A_735 : i32
      scf.if %cond3A_736 {
        %mul3A_879 = arith.constant 80 : i32
        %mul3A_880 = arith.muli %sub3A_731, %mul3A_879 : i32
        %dma_start3A_881 = arith.constant 0 : i32
        %dma_start3A_882 = arith.constant 0 : i32
        %dma_start3A_883 = arith.constant 0 : i32
        %dma_start3A_884 = tpu.memref_slice %arg15[%dma_start3A_882, %dma_start3A_883] : memref<80x64xi16, #tpu.memory_space<vmem>> -> memref<80x64xi16, #tpu.memory_space<vmem>>
        %dma_start3A_885 = tpu.memref_slice %arg14[%dma_start3A_881, %mul3A_880] : memref<2x4000xi32, #tpu.memory_space<vmem>> -> memref<1x80xi32, #tpu.memory_space<vmem>>
        %dma_start3A_886 = tpu.memref_squeeze %dma_start3A_885 : memref<1x80xi32, #tpu.memory_space<vmem>> -> memref<80xi32, #tpu.memory_space<vmem>>
        %dma_start3A_887 = arith.constant 0 : i32
        %dma_start3A_888 = arith.constant 0 : i32
        %dma_start3A_889 = tpu.memref_slice %arg3[%dma_start3A_887, %dma_start3A_888] : memref<100000x64xi16, #tpu.memory_space<hbm>> -> memref<100000x64xi16, #tpu.memory_space<hbm>>
        tpu.enqueue_indirect_dma source(%dma_start3A_889 : memref<100000x64xi16, #tpu.memory_space<hbm>>) target(%dma_start3A_884 : memref<80x64xi16, #tpu.memory_space<vmem>>) offsets(%dma_start3A_886 : memref<80xi32, #tpu.memory_space<vmem>>) semaphore(%arg22 : memref<!tpu.dma_semaphore, #tpu.memory_space<semaphore_mem>>)
      } else {
      }
      %add3A_737 = arith.constant 2 : i32
      %add3A_738 = arith.addi %mul3A_606, %add3A_737 : i32
      %dma_wait3A_739 = arith.constant 0 : i32
      %dma_wait3A_740 = arith.constant 0 : i32
      %dma_wait3A_741 = arith.constant 0 : i32
      %dma_wait3A_742 = tpu.memref_slice %arg17[%dma_wait3A_740, %dma_wait3A_741] : memref<80x64xi16, #tpu.memory_space<vmem>> -> memref<80x64xi16, #tpu.memory_space<vmem>>
      %dma_wait3A_743 = arith.constant 0 : i32
      %dma_wait3A_744 = tpu.memref_slice %arg14[%dma_wait3A_739, %dma_wait3A_743] : memref<2x4000xi32, #tpu.memory_space<vmem>> -> memref<1x80xi32, #tpu.memory_space<vmem>>
      %dma_wait3A_745 = tpu.memref_squeeze %dma_wait3A_744 : memref<1x80xi32, #tpu.memory_space<vmem>> -> memref<80xi32, #tpu.memory_space<vmem>>
      %dma_wait3A_746 = arith.constant 0 : i32
      %dma_wait3A_747 = arith.constant 0 : i32
      %dma_wait3A_748 = tpu.memref_slice %arg3[%dma_wait3A_746, %dma_wait3A_747] : memref<100000x64xi16, #tpu.memory_space<hbm>> -> memref<100000x64xi16, #tpu.memory_space<hbm>>
      tpu.wait_indirect_dma semaphore(%arg24 : memref<!tpu.dma_semaphore, #tpu.memory_space<semaphore_mem>>) src(%dma_wait3A_748 : memref<100000x64xi16, #tpu.memory_space<hbm>>) dst(%dma_wait3A_742 : memref<80x64xi16, #tpu.memory_space<vmem>>)
      %jit3A_749 = arith.constant 8 : i32
      %div3A_750 = arith.divsi %add3A_738, %jit3A_749 : i32
      %sign3A_751 = arith.constant 0 : i32
      %sign3A_752 = arith.cmpi sgt, %add3A_738, %sign3A_751 : i32
      %sign3A_753 = arith.extui %sign3A_752 : i1 to i32
      %sign3A_754 = arith.constant 0 : i32
      %sign3A_755 = arith.cmpi slt, %add3A_738, %sign3A_754 : i32
      %sign3A_756 = arith.extui %sign3A_755 : i1 to i32
      %sign3A_757 = arith.subi %sign3A_753, %sign3A_756 : i32
      %sign3A_758 = arith.constant 0 : i32
      %sign3A_759 = arith.cmpi sgt, %jit3A_749, %sign3A_758 : i32
      %sign3A_760 = arith.extui %sign3A_759 : i1 to i32
      %sign3A_761 = arith.constant 0 : i32
      %sign3A_762 = arith.cmpi slt, %jit3A_749, %sign3A_761 : i32
      %sign3A_763 = arith.extui %sign3A_762 : i1 to i32
      %sign3A_764 = arith.subi %sign3A_760, %sign3A_763 : i32
      %ne3A_765 = arith.cmpi ne, %sign3A_757, %sign3A_764 : i32
      %rem3A_766 = arith.remsi %add3A_738, %jit3A_749 : i32
      %ne3A_767 = arith.constant 0 : i32
      %ne3A_768 = arith.cmpi ne, %rem3A_766, %ne3A_767 : i32
      %and3A_769 = arith.andi %ne3A_765, %ne3A_768 : i1
      %sub3A_770 = arith.constant 1 : i32
      %sub3A_771 = arith.subi %div3A_750, %sub3A_770 : i32
      %select_n3A_772 = arith.select %and3A_769, %sub3A_771, %div3A_750 : i32
      %jit3A_773 = arith.constant 8 : i32
      %eq3A_774 = arith.constant 0 : i32
      %eq3A_775 = arith.cmpi eq, %jit3A_773, %eq3A_774 : i32
      %jit3A_776 = arith.constant 1 : i32
      %select_n3A_777 = arith.select %eq3A_775, %jit3A_776, %jit3A_773 : i32
      %rem3A_778 = arith.remsi %add3A_738, %select_n3A_777 : i32
      %ne3A_779 = arith.constant 0 : i32
      %ne3A_780 = arith.cmpi ne, %rem3A_778, %ne3A_779 : i32
      %lt3A_781 = arith.constant 0 : i32
      %lt3A_782 = arith.cmpi slt, %rem3A_778, %lt3A_781 : i32
      %lt3A_783 = arith.constant 0 : i32
      %lt3A_784 = arith.cmpi slt, %select_n3A_777, %lt3A_783 : i32
      %ne3A_785 = arith.xori %lt3A_782, %lt3A_784 : i1
      %and3A_786 = arith.andi %ne3A_785, %ne3A_780 : i1
      %add3A_787 = arith.addi %rem3A_778, %select_n3A_777 : i32
      %select_n3A_788 = arith.select %and3A_786, %add3A_787, %rem3A_778 : i32
      %mul3A_789 = arith.constant 4 : i32
      %mul3A_790 = arith.muli %mul3A_789, %select_n3A_788 : i32
      %mul3A_791 = arith.constant 64 : i32
      %mul3A_792 = arith.muli %mul3A_791, %select_n3A_772 : i32
      %scan3A_793 = arith.constant 0 : i32
      %scan3A_794 = arith.constant 0 : i32
      %scan3A_795 = arith.constant 4 : i32
      %scan3A_796 = arith.addi %scan3A_794, %scan3A_795 : i32
      %scan3A_797 = arith.constant 1 : i32
      scf.for %scan3A_879 = %scan3A_794 to %scan3A_796 step %scan3A_797  : i32 {
        %broadcast_in_dim3A_880 = arith.constant 0 : i32
        %broadcast_in_dim3A_881 = vector.broadcast %broadcast_in_dim3A_880 : i32 to vector<16xi32>
        %scan3A_882 = arith.constant 0 : i32
        %scan3A_883 = arith.constant 5 : i32
        %scan3A_884 = arith.addi %scan3A_882, %scan3A_883 : i32
        %scan3A_885 = arith.constant 1 : i32
        %scan3A_886:4 = scf.for %scan3A_917 = %scan3A_882 to %scan3A_884 step %scan3A_885 iter_args(%scan3A_918 = %broadcast_in_dim3A_881, %scan3A_919 = %broadcast_in_dim3A_881, %scan3A_920 = %broadcast_in_dim3A_881, %scan3A_921 = %broadcast_in_dim3A_881) -> (vector<16xi32>, vector<16xi32>, vector<16xi32>, vector<16xi32>)  : i32 {
          %mul3A_922 = arith.constant 20 : i32
          %mul3A_923 = arith.muli %scan3A_879, %mul3A_922 : i32
          %mul3A_924 = arith.constant 4 : i32
          %mul3A_925 = arith.muli %mul3A_924, %scan3A_917 : i32
          %add3A_926 = arith.addi %mul3A_923, %mul3A_925 : i32
          %add3A_927 = arith.constant 0 : i32
          %add3A_928 = arith.addi %add3A_926, %add3A_927 : i32
          %get3A_929 = arith.index_cast %add3A_928 : i32 to index
          %get3A_930 = arith.constant 0 : index
          %get3A_931 = tpu.vector_load %arg17[%get3A_929, %get3A_930] {strides = array<i32>} : memref<80x64xi16, #tpu.memory_space<vmem>>, vector<32xi16>,
          %unpack3A = tpu.unpack_subelements %get3A_931, 0 {pack_format = #tpu.pack_format<interleaved>} : vector<32xi16> -> vector<16xi32>
          %unpack3A_932 = tpu.unpack_subelements %get3A_931, 1 {pack_format = #tpu.pack_format<interleaved>} : vector<32xi16> -> vector<16xi32>
          %add3A_933 = arith.addi %scan3A_918, %unpack3A : vector<16xi32>
          %add3A_934 = arith.addi %scan3A_919, %unpack3A_932 : vector<16xi32>
          %mul3A_935 = arith.constant 20 : i32
          %mul3A_936 = arith.muli %scan3A_879, %mul3A_935 : i32
          %mul3A_937 = arith.constant 4 : i32
          %mul3A_938 = arith.muli %mul3A_937, %scan3A_917 : i32
          %add3A_939 = arith.addi %mul3A_936, %mul3A_938 : i32
          %add3A_940 = arith.constant 0 : i32
          %add3A_941 = arith.addi %add3A_939, %add3A_940 : i32
          %get3A_942 = arith.index_cast %add3A_941 : i32 to index
          %get3A_943 = arith.constant 32 : index
          %get3A_944 = tpu.vector_load %arg17[%get3A_942, %get3A_943] {strides = array<i32>} : memref<80x64xi16, #tpu.memory_space<vmem>>, vector<32xi16>,
          %unpack3A_945 = tpu.unpack_subelements %get3A_944, 0 {pack_format = #tpu.pack_format<interleaved>} : vector<32xi16> -> vector<16xi32>
          %unpack3A_946 = tpu.unpack_subelements %get3A_944, 1 {pack_format = #tpu.pack_format<interleaved>} : vector<32xi16> -> vector<16xi32>
          %add3A_947 = arith.addi %scan3A_920, %unpack3A_945 : vector<16xi32>
          %add3A_948 = arith.addi %scan3A_921, %unpack3A_946 : vector<16xi32>
          %mul3A_949 = arith.constant 20 : i32
          %mul3A_950 = arith.muli %scan3A_879, %mul3A_949 : i32
          %mul3A_951 = arith.constant 4 : i32
          %mul3A_952 = arith.muli %mul3A_951, %scan3A_917 : i32
          %add3A_953 = arith.addi %mul3A_950, %mul3A_952 : i32
          %add3A_954 = arith.constant 1 : i32
          %add3A_955 = arith.addi %add3A_953, %add3A_954 : i32
          %get3A_956 = arith.index_cast %add3A_955 : i32 to index
          %get3A_957 = arith.constant 0 : index
          %get3A_958 = tpu.vector_load %arg17[%get3A_956, %get3A_957] {strides = array<i32>} : memref<80x64xi16, #tpu.memory_space<vmem>>, vector<32xi16>,
          %unpack3A_959 = tpu.unpack_subelements %get3A_958, 0 {pack_format = #tpu.pack_format<interleaved>} : vector<32xi16> -> vector<16xi32>
          %unpack3A_960 = tpu.unpack_subelements %get3A_958, 1 {pack_format = #tpu.pack_format<interleaved>} : vector<32xi16> -> vector<16xi32>
          %add3A_961 = arith.addi %add3A_933, %unpack3A_959 : vector<16xi32>
          %add3A_962 = arith.addi %add3A_934, %unpack3A_960 : vector<16xi32>
          %mul3A_963 = arith.constant 20 : i32
          %mul3A_964 = arith.muli %scan3A_879, %mul3A_963 : i32
          %mul3A_965 = arith.constant 4 : i32
          %mul3A_966 = arith.muli %mul3A_965, %scan3A_917 : i32
          %add3A_967 = arith.addi %mul3A_964, %mul3A_966 : i32
          %add3A_968 = arith.constant 1 : i32
          %add3A_969 = arith.addi %add3A_967, %add3A_968 : i32
          %get3A_970 = arith.index_cast %add3A_969 : i32 to index
          %get3A_971 = arith.constant 32 : index
          %get3A_972 = tpu.vector_load %arg17[%get3A_970, %get3A_971] {strides = array<i32>} : memref<80x64xi16, #tpu.memory_space<vmem>>, vector<32xi16>,
          %unpack3A_973 = tpu.unpack_subelements %get3A_972, 0 {pack_format = #tpu.pack_format<interleaved>} : vector<32xi16> -> vector<16xi32>
          %unpack3A_974 = tpu.unpack_subelements %get3A_972, 1 {pack_format = #tpu.pack_format<interleaved>} : vector<32xi16> -> vector<16xi32>
          %add3A_975 = arith.addi %add3A_947, %unpack3A_973 : vector<16xi32>
          %add3A_976 = arith.addi %add3A_948, %unpack3A_974 : vector<16xi32>
          %mul3A_977 = arith.constant 20 : i32
          %mul3A_978 = arith.muli %scan3A_879, %mul3A_977 : i32
          %mul3A_979 = arith.constant 4 : i32
          %mul3A_980 = arith.muli %mul3A_979, %scan3A_917 : i32
          %add3A_981 = arith.addi %mul3A_978, %mul3A_980 : i32
          %add3A_982 = arith.constant 2 : i32
          %add3A_983 = arith.addi %add3A_981, %add3A_982 : i32
          %get3A_984 = arith.index_cast %add3A_983 : i32 to index
          %get3A_985 = arith.constant 0 : index
          %get3A_986 = tpu.vector_load %arg17[%get3A_984, %get3A_985] {strides = array<i32>} : memref<80x64xi16, #tpu.memory_space<vmem>>, vector<32xi16>,
          %unpack3A_987 = tpu.unpack_subelements %get3A_986, 0 {pack_format = #tpu.pack_format<interleaved>} : vector<32xi16> -> vector<16xi32>
          %unpack3A_988 = tpu.unpack_subelements %get3A_986, 1 {pack_format = #tpu.pack_format<interleaved>} : vector<32xi16> -> vector<16xi32>
          %add3A_989 = arith.addi %add3A_961, %unpack3A_987 : vector<16xi32>
          %add3A_990 = arith.addi %add3A_962, %unpack3A_988 : vector<16xi32>
          %mul3A_991 = arith.constant 20 : i32
          %mul3A_992 = arith.muli %scan3A_879, %mul3A_991 : i32
          %mul3A_993 = arith.constant 4 : i32
          %mul3A_994 = arith.muli %mul3A_993, %scan3A_917 : i32
          %add3A_995 = arith.addi %mul3A_992, %mul3A_994 : i32
          %add3A_996 = arith.constant 2 : i32
          %add3A_997 = arith.addi %add3A_995, %add3A_996 : i32
          %get3A_998 = arith.index_cast %add3A_997 : i32 to index
          %get3A_999 = arith.constant 32 : index
          %get3A_1000 = tpu.vector_load %arg17[%get3A_998, %get3A_999] {strides = array<i32>} : memref<80x64xi16, #tpu.memory_space<vmem>>, vector<32xi16>,
          %unpack3A_1001 = tpu.unpack_subelements %get3A_1000, 0 {pack_format = #tpu.pack_format<interleaved>} : vector<32xi16> -> vector<16xi32>
          %unpack3A_1002 = tpu.unpack_subelements %get3A_1000, 1 {pack_format = #tpu.pack_format<interleaved>} : vector<32xi16> -> vector<16xi32>
          %add3A_1003 = arith.addi %add3A_975, %unpack3A_1001 : vector<16xi32>
          %add3A_1004 = arith.addi %add3A_976, %unpack3A_1002 : vector<16xi32>
          %mul3A_1005 = arith.constant 20 : i32
          %mul3A_1006 = arith.muli %scan3A_879, %mul3A_1005 : i32
          %mul3A_1007 = arith.constant 4 : i32
          %mul3A_1008 = arith.muli %mul3A_1007, %scan3A_917 : i32
          %add3A_1009 = arith.addi %mul3A_1006, %mul3A_1008 : i32
          %add3A_1010 = arith.constant 3 : i32
          %add3A_1011 = arith.addi %add3A_1009, %add3A_1010 : i32
          %get3A_1012 = arith.index_cast %add3A_1011 : i32 to index
          %get3A_1013 = arith.constant 0 : index
          %get3A_1014 = tpu.vector_load %arg17[%get3A_1012, %get3A_1013] {strides = array<i32>} : memref<80x64xi16, #tpu.memory_space<vmem>>, vector<32xi16>,
          %unpack3A_1015 = tpu.unpack_subelements %get3A_1014, 0 {pack_format = #tpu.pack_format<interleaved>} : vector<32xi16> -> vector<16xi32>
          %unpack3A_1016 = tpu.unpack_subelements %get3A_1014, 1 {pack_format = #tpu.pack_format<interleaved>} : vector<32xi16> -> vector<16xi32>
          %add3A_1017 = arith.addi %add3A_989, %unpack3A_1015 : vector<16xi32>
          %add3A_1018 = arith.addi %add3A_990, %unpack3A_1016 : vector<16xi32>
          %mul3A_1019 = arith.constant 20 : i32
          %mul3A_1020 = arith.muli %scan3A_879, %mul3A_1019 : i32
          %mul3A_1021 = arith.constant 4 : i32
          %mul3A_1022 = arith.muli %mul3A_1021, %scan3A_917 : i32
          %add3A_1023 = arith.addi %mul3A_1020, %mul3A_1022 : i32
          %add3A_1024 = arith.constant 3 : i32
          %add3A_1025 = arith.addi %add3A_1023, %add3A_1024 : i32
          %get3A_1026 = arith.index_cast %add3A_1025 : i32 to index
          %get3A_1027 = arith.constant 32 : index
          %get3A_1028 = tpu.vector_load %arg17[%get3A_1026, %get3A_1027] {strides = array<i32>} : memref<80x64xi16, #tpu.memory_space<vmem>>, vector<32xi16>,
          %unpack3A_1029 = tpu.unpack_subelements %get3A_1028, 0 {pack_format = #tpu.pack_format<interleaved>} : vector<32xi16> -> vector<16xi32>
          %unpack3A_1030 = tpu.unpack_subelements %get3A_1028, 1 {pack_format = #tpu.pack_format<interleaved>} : vector<32xi16> -> vector<16xi32>
          %add3A_1031 = arith.addi %add3A_1003, %unpack3A_1029 : vector<16xi32>
          %add3A_1032 = arith.addi %add3A_1004, %unpack3A_1030 : vector<16xi32>
          scf.yield %add3A_1017, %add3A_1018, %add3A_1031, %add3A_1032 : vector<16xi32>, vector<16xi32>, vector<16xi32>, vector<16xi32>
        }
        %scan3A_887 = arith.constant 5 : i32
        %add3A_888 = arith.addi %mul3A_790, %scan3A_879 : i32
        %convert_element_type3A_889 = arith.sitofp %scan3A_886#0 : vector<16xi32> to vector<16xf32>
        %mul3A_890 = arith.mulf %convert_element_type3A_889, %get3A_1 : vector<16xf32>
        %add3A_891 = arith.constant 0 : i32
        %add3A_892 = arith.addi %mul3A_792, %add3A_891 : i32
        %swap3A_893 = arith.index_cast %add3A_888 : i32 to index
        %swap3A_894 = arith.index_cast %add3A_892 : i32 to index
        %swap3A_895 = tpu.vector_load %arg20[%swap3A_893, %swap3A_894] {strides = array<i32>} : memref<112x128xf32, #tpu.memory_space<vmem>>, vector<16xf32>,
        tpu.vector_store %arg20[%swap3A_893, %swap3A_894], %mul3A_890 {strides = array<i32>} : memref<112x128xf32, #tpu.memory_space<vmem>>, vector<16xf32>,
        %convert_element_type3A_896 = arith.sitofp %scan3A_886#1 : vector<16xi32> to vector<16xf32>
        %mul3A_897 = arith.mulf %convert_element_type3A_896, %get3A_1 : vector<16xf32>
        %add3A_898 = arith.constant 16 : i32
        %add3A_899 = arith.addi %mul3A_792, %add3A_898 : i32
        %swap3A_900 = arith.index_cast %add3A_888 : i32 to index
        %swap3A_901 = arith.index_cast %add3A_899 : i32 to index
        %swap3A_902 = tpu.vector_load %arg20[%swap3A_900, %swap3A_901] {strides = array<i32>} : memref<112x128xf32, #tpu.memory_space<vmem>>, vector<16xf32>,
        tpu.vector_store %arg20[%swap3A_900, %swap3A_901], %mul3A_897 {strides = array<i32>} : memref<112x128xf32, #tpu.memory_space<vmem>>, vector<16xf32>,
        %convert_element_type3A_903 = arith.sitofp %scan3A_886#2 : vector<16xi32> to vector<16xf32>
        %mul3A_904 = arith.mulf %convert_element_type3A_903, %get3A_1 : vector<16xf32>
        %add3A_905 = arith.constant 32 : i32
        %add3A_906 = arith.addi %mul3A_792, %add3A_905 : i32
        %swap3A_907 = arith.index_cast %add3A_888 : i32 to index
        %swap3A_908 = arith.index_cast %add3A_906 : i32 to index
        %swap3A_909 = tpu.vector_load %arg20[%swap3A_907, %swap3A_908] {strides = array<i32>} : memref<112x128xf32, #tpu.memory_space<vmem>>, vector<16xf32>,
        tpu.vector_store %arg20[%swap3A_907, %swap3A_908], %mul3A_904 {strides = array<i32>} : memref<112x128xf32, #tpu.memory_space<vmem>>, vector<16xf32>,
        %convert_element_type3A_910 = arith.sitofp %scan3A_886#3 : vector<16xi32> to vector<16xf32>
        %mul3A_911 = arith.mulf %convert_element_type3A_910, %get3A_1 : vector<16xf32>
        %add3A_912 = arith.constant 48 : i32
        %add3A_913 = arith.addi %mul3A_792, %add3A_912 : i32
        %swap3A_914 = arith.index_cast %add3A_888 : i32 to index
        %swap3A_915 = arith.index_cast %add3A_913 : i32 to index
        %swap3A_916 = tpu.vector_load %arg20[%swap3A_914, %swap3A_915] {strides = array<i32>} : memref<112x128xf32, #tpu.memory_space<vmem>>, vector<16xf32>,
        tpu.vector_store %arg20[%swap3A_914, %swap3A_915], %mul3A_911 {strides = array<i32>} : memref<112x128xf32, #tpu.memory_space<vmem>>, vector<16xf32>,
      }
      %scan3A_798 = arith.constant 4 : i32
      %add3A_799 = arith.constant 4 : i32
      %add3A_800 = arith.addi %add3A_738, %add3A_799 : i32
      %sub3A_801 = arith.constant 1 : i32
      %sub3A_802 = arith.subi %add3A_800, %sub3A_801 : i32
      %lt3A_803 = arith.constant 16 : i32
      %lt3A_804 = arith.cmpi slt, %sub3A_802, %lt3A_803 : i32
      %convert_element_type3A_805 = arith.extui %lt3A_804 : i1 to i32
      %cond3A_806 = arith.constant 0 : i32
      %cond3A_807 = arith.cmpi ne, %convert_element_type3A_805, %cond3A_806 : i32
      scf.if %cond3A_807 {
        %mul3A_879 = arith.constant 80 : i32
        %mul3A_880 = arith.muli %sub3A_802, %mul3A_879 : i32
        %dma_start3A_881 = arith.constant 0 : i32
        %dma_start3A_882 = arith.constant 0 : i32
        %dma_start3A_883 = arith.constant 0 : i32
        %dma_start3A_884 = tpu.memref_slice %arg16[%dma_start3A_882, %dma_start3A_883] : memref<80x64xi16, #tpu.memory_space<vmem>> -> memref<80x64xi16, #tpu.memory_space<vmem>>
        %dma_start3A_885 = tpu.memref_slice %arg14[%dma_start3A_881, %mul3A_880] : memref<2x4000xi32, #tpu.memory_space<vmem>> -> memref<1x80xi32, #tpu.memory_space<vmem>>
        %dma_start3A_886 = tpu.memref_squeeze %dma_start3A_885 : memref<1x80xi32, #tpu.memory_space<vmem>> -> memref<80xi32, #tpu.memory_space<vmem>>
        %dma_start3A_887 = arith.constant 0 : i32
        %dma_start3A_888 = arith.constant 0 : i32
        %dma_start3A_889 = tpu.memref_slice %arg3[%dma_start3A_887, %dma_start3A_888] : memref<100000x64xi16, #tpu.memory_space<hbm>> -> memref<100000x64xi16, #tpu.memory_space<hbm>>
        tpu.enqueue_indirect_dma source(%dma_start3A_889 : memref<100000x64xi16, #tpu.memory_space<hbm>>) target(%dma_start3A_884 : memref<80x64xi16, #tpu.memory_space<vmem>>) offsets(%dma_start3A_886 : memref<80xi32, #tpu.memory_space<vmem>>) semaphore(%arg23 : memref<!tpu.dma_semaphore, #tpu.memory_space<semaphore_mem>>)
      } else {
      }
      %add3A_808 = arith.constant 3 : i32
      %add3A_809 = arith.addi %mul3A_606, %add3A_808 : i32
      %dma_wait3A_810 = arith.constant 0 : i32
      %dma_wait3A_811 = arith.constant 0 : i32
      %dma_wait3A_812 = arith.constant 0 : i32
      %dma_wait3A_813 = tpu.memref_slice %arg18[%dma_wait3A_811, %dma_wait3A_812] : memref<80x64xi16, #tpu.memory_space<vmem>> -> memref<80x64xi16, #tpu.memory_space<vmem>>
      %dma_wait3A_814 = arith.constant 0 : i32
      %dma_wait3A_815 = tpu.memref_slice %arg14[%dma_wait3A_810, %dma_wait3A_814] : memref<2x4000xi32, #tpu.memory_space<vmem>> -> memref<1x80xi32, #tpu.memory_space<vmem>>
      %dma_wait3A_816 = tpu.memref_squeeze %dma_wait3A_815 : memref<1x80xi32, #tpu.memory_space<vmem>> -> memref<80xi32, #tpu.memory_space<vmem>>
      %dma_wait3A_817 = arith.constant 0 : i32
      %dma_wait3A_818 = arith.constant 0 : i32
      %dma_wait3A_819 = tpu.memref_slice %arg3[%dma_wait3A_817, %dma_wait3A_818] : memref<100000x64xi16, #tpu.memory_space<hbm>> -> memref<100000x64xi16, #tpu.memory_space<hbm>>
      tpu.wait_indirect_dma semaphore(%arg25 : memref<!tpu.dma_semaphore, #tpu.memory_space<semaphore_mem>>) src(%dma_wait3A_819 : memref<100000x64xi16, #tpu.memory_space<hbm>>) dst(%dma_wait3A_813 : memref<80x64xi16, #tpu.memory_space<vmem>>)
      %jit3A_820 = arith.constant 8 : i32
      %div3A_821 = arith.divsi %add3A_809, %jit3A_820 : i32
      %sign3A_822 = arith.constant 0 : i32
      %sign3A_823 = arith.cmpi sgt, %add3A_809, %sign3A_822 : i32
      %sign3A_824 = arith.extui %sign3A_823 : i1 to i32
      %sign3A_825 = arith.constant 0 : i32
      %sign3A_826 = arith.cmpi slt, %add3A_809, %sign3A_825 : i32
      %sign3A_827 = arith.extui %sign3A_826 : i1 to i32
      %sign3A_828 = arith.subi %sign3A_824, %sign3A_827 : i32
      %sign3A_829 = arith.constant 0 : i32
      %sign3A_830 = arith.cmpi sgt, %jit3A_820, %sign3A_829 : i32
      %sign3A_831 = arith.extui %sign3A_830 : i1 to i32
      %sign3A_832 = arith.constant 0 : i32
      %sign3A_833 = arith.cmpi slt, %jit3A_820, %sign3A_832 : i32
      %sign3A_834 = arith.extui %sign3A_833 : i1 to i32
      %sign3A_835 = arith.subi %sign3A_831, %sign3A_834 : i32
      %ne3A_836 = arith.cmpi ne, %sign3A_828, %sign3A_835 : i32
      %rem3A_837 = arith.remsi %add3A_809, %jit3A_820 : i32
      %ne3A_838 = arith.constant 0 : i32
      %ne3A_839 = arith.cmpi ne, %rem3A_837, %ne3A_838 : i32
      %and3A_840 = arith.andi %ne3A_836, %ne3A_839 : i1
      %sub3A_841 = arith.constant 1 : i32
      %sub3A_842 = arith.subi %div3A_821, %sub3A_841 : i32
      %select_n3A_843 = arith.select %and3A_840, %sub3A_842, %div3A_821 : i32
      %jit3A_844 = arith.constant 8 : i32
      %eq3A_845 = arith.constant 0 : i32
      %eq3A_846 = arith.cmpi eq, %jit3A_844, %eq3A_845 : i32
      %jit3A_847 = arith.constant 1 : i32
      %select_n3A_848 = arith.select %eq3A_846, %jit3A_847, %jit3A_844 : i32
      %rem3A_849 = arith.remsi %add3A_809, %select_n3A_848 : i32
      %ne3A_850 = arith.constant 0 : i32
      %ne3A_851 = arith.cmpi ne, %rem3A_849, %ne3A_850 : i32
      %lt3A_852 = arith.constant 0 : i32
      %lt3A_853 = arith.cmpi slt, %rem3A_849, %lt3A_852 : i32
      %lt3A_854 = arith.constant 0 : i32
      %lt3A_855 = arith.cmpi slt, %select_n3A_848, %lt3A_854 : i32
      %ne3A_856 = arith.xori %lt3A_853, %lt3A_855 : i1
      %and3A_857 = arith.andi %ne3A_856, %ne3A_851 : i1
      %add3A_858 = arith.addi %rem3A_849, %select_n3A_848 : i32
      %select_n3A_859 = arith.select %and3A_857, %add3A_858, %rem3A_849 : i32
      %mul3A_860 = arith.constant 4 : i32
      %mul3A_861 = arith.muli %mul3A_860, %select_n3A_859 : i32
      %mul3A_862 = arith.constant 64 : i32
      %mul3A_863 = arith.muli %mul3A_862, %select_n3A_843 : i32
      %scan3A_864 = arith.constant 0 : i32
      %scan3A_865 = arith.constant 0 : i32
      %scan3A_866 = arith.constant 4 : i32
      %scan3A_867 = arith.addi %scan3A_865, %scan3A_866 : i32
      %scan3A_868 = arith.constant 1 : i32
      scf.for %scan3A_879 = %scan3A_865 to %scan3A_867 step %scan3A_868  : i32 {
        %broadcast_in_dim3A_880 = arith.constant 0 : i32
        %broadcast_in_dim3A_881 = vector.broadcast %broadcast_in_dim3A_880 : i32 to vector<16xi32>
        %scan3A_882 = arith.constant 0 : i32
        %scan3A_883 = arith.constant 5 : i32
        %scan3A_884 = arith.addi %scan3A_882, %scan3A_883 : i32
        %scan3A_885 = arith.constant 1 : i32
        %scan3A_886:4 = scf.for %scan3A_917 = %scan3A_882 to %scan3A_884 step %scan3A_885 iter_args(%scan3A_918 = %broadcast_in_dim3A_881, %scan3A_919 = %broadcast_in_dim3A_881, %scan3A_920 = %broadcast_in_dim3A_881, %scan3A_921 = %broadcast_in_dim3A_881) -> (vector<16xi32>, vector<16xi32>, vector<16xi32>, vector<16xi32>)  : i32 {
          %mul3A_922 = arith.constant 20 : i32
          %mul3A_923 = arith.muli %scan3A_879, %mul3A_922 : i32
          %mul3A_924 = arith.constant 4 : i32
          %mul3A_925 = arith.muli %mul3A_924, %scan3A_917 : i32
          %add3A_926 = arith.addi %mul3A_923, %mul3A_925 : i32
          %add3A_927 = arith.constant 0 : i32
          %add3A_928 = arith.addi %add3A_926, %add3A_927 : i32
          %get3A_929 = arith.index_cast %add3A_928 : i32 to index
          %get3A_930 = arith.constant 0 : index
          %get3A_931 = tpu.vector_load %arg18[%get3A_929, %get3A_930] {strides = array<i32>} : memref<80x64xi16, #tpu.memory_space<vmem>>, vector<32xi16>,
          %unpack3A = tpu.unpack_subelements %get3A_931, 0 {pack_format = #tpu.pack_format<interleaved>} : vector<32xi16> -> vector<16xi32>
          %unpack3A_932 = tpu.unpack_subelements %get3A_931, 1 {pack_format = #tpu.pack_format<interleaved>} : vector<32xi16> -> vector<16xi32>
          %add3A_933 = arith.addi %scan3A_918, %unpack3A : vector<16xi32>
          %add3A_934 = arith.addi %scan3A_919, %unpack3A_932 : vector<16xi32>
          %mul3A_935 = arith.constant 20 : i32
          %mul3A_936 = arith.muli %scan3A_879, %mul3A_935 : i32
          %mul3A_937 = arith.constant 4 : i32
          %mul3A_938 = arith.muli %mul3A_937, %scan3A_917 : i32
          %add3A_939 = arith.addi %mul3A_936, %mul3A_938 : i32
          %add3A_940 = arith.constant 0 : i32
          %add3A_941 = arith.addi %add3A_939, %add3A_940 : i32
          %get3A_942 = arith.index_cast %add3A_941 : i32 to index
          %get3A_943 = arith.constant 32 : index
          %get3A_944 = tpu.vector_load %arg18[%get3A_942, %get3A_943] {strides = array<i32>} : memref<80x64xi16, #tpu.memory_space<vmem>>, vector<32xi16>,
          %unpack3A_945 = tpu.unpack_subelements %get3A_944, 0 {pack_format = #tpu.pack_format<interleaved>} : vector<32xi16> -> vector<16xi32>
          %unpack3A_946 = tpu.unpack_subelements %get3A_944, 1 {pack_format = #tpu.pack_format<interleaved>} : vector<32xi16> -> vector<16xi32>
          %add3A_947 = arith.addi %scan3A_920, %unpack3A_945 : vector<16xi32>
          %add3A_948 = arith.addi %scan3A_921, %unpack3A_946 : vector<16xi32>
          %mul3A_949 = arith.constant 20 : i32
          %mul3A_950 = arith.muli %scan3A_879, %mul3A_949 : i32
          %mul3A_951 = arith.constant 4 : i32
          %mul3A_952 = arith.muli %mul3A_951, %scan3A_917 : i32
          %add3A_953 = arith.addi %mul3A_950, %mul3A_952 : i32
          %add3A_954 = arith.constant 1 : i32
          %add3A_955 = arith.addi %add3A_953, %add3A_954 : i32
          %get3A_956 = arith.index_cast %add3A_955 : i32 to index
          %get3A_957 = arith.constant 0 : index
          %get3A_958 = tpu.vector_load %arg18[%get3A_956, %get3A_957] {strides = array<i32>} : memref<80x64xi16, #tpu.memory_space<vmem>>, vector<32xi16>,
          %unpack3A_959 = tpu.unpack_subelements %get3A_958, 0 {pack_format = #tpu.pack_format<interleaved>} : vector<32xi16> -> vector<16xi32>
          %unpack3A_960 = tpu.unpack_subelements %get3A_958, 1 {pack_format = #tpu.pack_format<interleaved>} : vector<32xi16> -> vector<16xi32>
          %add3A_961 = arith.addi %add3A_933, %unpack3A_959 : vector<16xi32>
          %add3A_962 = arith.addi %add3A_934, %unpack3A_960 : vector<16xi32>
          %mul3A_963 = arith.constant 20 : i32
          %mul3A_964 = arith.muli %scan3A_879, %mul3A_963 : i32
          %mul3A_965 = arith.constant 4 : i32
          %mul3A_966 = arith.muli %mul3A_965, %scan3A_917 : i32
          %add3A_967 = arith.addi %mul3A_964, %mul3A_966 : i32
          %add3A_968 = arith.constant 1 : i32
          %add3A_969 = arith.addi %add3A_967, %add3A_968 : i32
          %get3A_970 = arith.index_cast %add3A_969 : i32 to index
          %get3A_971 = arith.constant 32 : index
          %get3A_972 = tpu.vector_load %arg18[%get3A_970, %get3A_971] {strides = array<i32>} : memref<80x64xi16, #tpu.memory_space<vmem>>, vector<32xi16>,
          %unpack3A_973 = tpu.unpack_subelements %get3A_972, 0 {pack_format = #tpu.pack_format<interleaved>} : vector<32xi16> -> vector<16xi32>
          %unpack3A_974 = tpu.unpack_subelements %get3A_972, 1 {pack_format = #tpu.pack_format<interleaved>} : vector<32xi16> -> vector<16xi32>
          %add3A_975 = arith.addi %add3A_947, %unpack3A_973 : vector<16xi32>
          %add3A_976 = arith.addi %add3A_948, %unpack3A_974 : vector<16xi32>
          %mul3A_977 = arith.constant 20 : i32
          %mul3A_978 = arith.muli %scan3A_879, %mul3A_977 : i32
          %mul3A_979 = arith.constant 4 : i32
          %mul3A_980 = arith.muli %mul3A_979, %scan3A_917 : i32
          %add3A_981 = arith.addi %mul3A_978, %mul3A_980 : i32
          %add3A_982 = arith.constant 2 : i32
          %add3A_983 = arith.addi %add3A_981, %add3A_982 : i32
          %get3A_984 = arith.index_cast %add3A_983 : i32 to index
          %get3A_985 = arith.constant 0 : index
          %get3A_986 = tpu.vector_load %arg18[%get3A_984, %get3A_985] {strides = array<i32>} : memref<80x64xi16, #tpu.memory_space<vmem>>, vector<32xi16>,
          %unpack3A_987 = tpu.unpack_subelements %get3A_986, 0 {pack_format = #tpu.pack_format<interleaved>} : vector<32xi16> -> vector<16xi32>
          %unpack3A_988 = tpu.unpack_subelements %get3A_986, 1 {pack_format = #tpu.pack_format<interleaved>} : vector<32xi16> -> vector<16xi32>
          %add3A_989 = arith.addi %add3A_961, %unpack3A_987 : vector<16xi32>
          %add3A_990 = arith.addi %add3A_962, %unpack3A_988 : vector<16xi32>
          %mul3A_991 = arith.constant 20 : i32
          %mul3A_992 = arith.muli %scan3A_879, %mul3A_991 : i32
          %mul3A_993 = arith.constant 4 : i32
          %mul3A_994 = arith.muli %mul3A_993, %scan3A_917 : i32
          %add3A_995 = arith.addi %mul3A_992, %mul3A_994 : i32
          %add3A_996 = arith.constant 2 : i32
          %add3A_997 = arith.addi %add3A_995, %add3A_996 : i32
          %get3A_998 = arith.index_cast %add3A_997 : i32 to index
          %get3A_999 = arith.constant 32 : index
          %get3A_1000 = tpu.vector_load %arg18[%get3A_998, %get3A_999] {strides = array<i32>} : memref<80x64xi16, #tpu.memory_space<vmem>>, vector<32xi16>,
          %unpack3A_1001 = tpu.unpack_subelements %get3A_1000, 0 {pack_format = #tpu.pack_format<interleaved>} : vector<32xi16> -> vector<16xi32>
          %unpack3A_1002 = tpu.unpack_subelements %get3A_1000, 1 {pack_format = #tpu.pack_format<interleaved>} : vector<32xi16> -> vector<16xi32>
          %add3A_1003 = arith.addi %add3A_975, %unpack3A_1001 : vector<16xi32>
          %add3A_1004 = arith.addi %add3A_976, %unpack3A_1002 : vector<16xi32>
          %mul3A_1005 = arith.constant 20 : i32
          %mul3A_1006 = arith.muli %scan3A_879, %mul3A_1005 : i32
          %mul3A_1007 = arith.constant 4 : i32
          %mul3A_1008 = arith.muli %mul3A_1007, %scan3A_917 : i32
          %add3A_1009 = arith.addi %mul3A_1006, %mul3A_1008 : i32
          %add3A_1010 = arith.constant 3 : i32
          %add3A_1011 = arith.addi %add3A_1009, %add3A_1010 : i32
          %get3A_1012 = arith.index_cast %add3A_1011 : i32 to index
          %get3A_1013 = arith.constant 0 : index
          %get3A_1014 = tpu.vector_load %arg18[%get3A_1012, %get3A_1013] {strides = array<i32>} : memref<80x64xi16, #tpu.memory_space<vmem>>, vector<32xi16>,
          %unpack3A_1015 = tpu.unpack_subelements %get3A_1014, 0 {pack_format = #tpu.pack_format<interleaved>} : vector<32xi16> -> vector<16xi32>
          %unpack3A_1016 = tpu.unpack_subelements %get3A_1014, 1 {pack_format = #tpu.pack_format<interleaved>} : vector<32xi16> -> vector<16xi32>
          %add3A_1017 = arith.addi %add3A_989, %unpack3A_1015 : vector<16xi32>
          %add3A_1018 = arith.addi %add3A_990, %unpack3A_1016 : vector<16xi32>
          %mul3A_1019 = arith.constant 20 : i32
          %mul3A_1020 = arith.muli %scan3A_879, %mul3A_1019 : i32
          %mul3A_1021 = arith.constant 4 : i32
          %mul3A_1022 = arith.muli %mul3A_1021, %scan3A_917 : i32
          %add3A_1023 = arith.addi %mul3A_1020, %mul3A_1022 : i32
          %add3A_1024 = arith.constant 3 : i32
          %add3A_1025 = arith.addi %add3A_1023, %add3A_1024 : i32
          %get3A_1026 = arith.index_cast %add3A_1025 : i32 to index
          %get3A_1027 = arith.constant 32 : index
          %get3A_1028 = tpu.vector_load %arg18[%get3A_1026, %get3A_1027] {strides = array<i32>} : memref<80x64xi16, #tpu.memory_space<vmem>>, vector<32xi16>,
          %unpack3A_1029 = tpu.unpack_subelements %get3A_1028, 0 {pack_format = #tpu.pack_format<interleaved>} : vector<32xi16> -> vector<16xi32>
          %unpack3A_1030 = tpu.unpack_subelements %get3A_1028, 1 {pack_format = #tpu.pack_format<interleaved>} : vector<32xi16> -> vector<16xi32>
          %add3A_1031 = arith.addi %add3A_1003, %unpack3A_1029 : vector<16xi32>
          %add3A_1032 = arith.addi %add3A_1004, %unpack3A_1030 : vector<16xi32>
          scf.yield %add3A_1017, %add3A_1018, %add3A_1031, %add3A_1032 : vector<16xi32>, vector<16xi32>, vector<16xi32>, vector<16xi32>
        }
        %scan3A_887 = arith.constant 5 : i32
        %add3A_888 = arith.addi %mul3A_861, %scan3A_879 : i32
        %convert_element_type3A_889 = arith.sitofp %scan3A_886#0 : vector<16xi32> to vector<16xf32>
        %mul3A_890 = arith.mulf %convert_element_type3A_889, %get3A_1 : vector<16xf32>
        %add3A_891 = arith.constant 0 : i32
        %add3A_892 = arith.addi %mul3A_863, %add3A_891 : i32
        %swap3A_893 = arith.index_cast %add3A_888 : i32 to index
        %swap3A_894 = arith.index_cast %add3A_892 : i32 to index
        %swap3A_895 = tpu.vector_load %arg20[%swap3A_893, %swap3A_894] {strides = array<i32>} : memref<112x128xf32, #tpu.memory_space<vmem>>, vector<16xf32>,
        tpu.vector_store %arg20[%swap3A_893, %swap3A_894], %mul3A_890 {strides = array<i32>} : memref<112x128xf32, #tpu.memory_space<vmem>>, vector<16xf32>,
        %convert_element_type3A_896 = arith.sitofp %scan3A_886#1 : vector<16xi32> to vector<16xf32>
        %mul3A_897 = arith.mulf %convert_element_type3A_896, %get3A_1 : vector<16xf32>
        %add3A_898 = arith.constant 16 : i32
        %add3A_899 = arith.addi %mul3A_863, %add3A_898 : i32
        %swap3A_900 = arith.index_cast %add3A_888 : i32 to index
        %swap3A_901 = arith.index_cast %add3A_899 : i32 to index
        %swap3A_902 = tpu.vector_load %arg20[%swap3A_900, %swap3A_901] {strides = array<i32>} : memref<112x128xf32, #tpu.memory_space<vmem>>, vector<16xf32>,
        tpu.vector_store %arg20[%swap3A_900, %swap3A_901], %mul3A_897 {strides = array<i32>} : memref<112x128xf32, #tpu.memory_space<vmem>>, vector<16xf32>,
        %convert_element_type3A_903 = arith.sitofp %scan3A_886#2 : vector<16xi32> to vector<16xf32>
        %mul3A_904 = arith.mulf %convert_element_type3A_903, %get3A_1 : vector<16xf32>
        %add3A_905 = arith.constant 32 : i32
        %add3A_906 = arith.addi %mul3A_863, %add3A_905 : i32
        %swap3A_907 = arith.index_cast %add3A_888 : i32 to index
        %swap3A_908 = arith.index_cast %add3A_906 : i32 to index
        %swap3A_909 = tpu.vector_load %arg20[%swap3A_907, %swap3A_908] {strides = array<i32>} : memref<112x128xf32, #tpu.memory_space<vmem>>, vector<16xf32>,
        tpu.vector_store %arg20[%swap3A_907, %swap3A_908], %mul3A_904 {strides = array<i32>} : memref<112x128xf32, #tpu.memory_space<vmem>>, vector<16xf32>,
        %convert_element_type3A_910 = arith.sitofp %scan3A_886#3 : vector<16xi32> to vector<16xf32>
        %mul3A_911 = arith.mulf %convert_element_type3A_910, %get3A_1 : vector<16xf32>
        %add3A_912 = arith.constant 48 : i32
        %add3A_913 = arith.addi %mul3A_863, %add3A_912 : i32
        %swap3A_914 = arith.index_cast %add3A_888 : i32 to index
        %swap3A_915 = arith.index_cast %add3A_913 : i32 to index
        %swap3A_916 = tpu.vector_load %arg20[%swap3A_914, %swap3A_915] {strides = array<i32>} : memref<112x128xf32, #tpu.memory_space<vmem>>, vector<16xf32>,
        tpu.vector_store %arg20[%swap3A_914, %swap3A_915], %mul3A_911 {strides = array<i32>} : memref<112x128xf32, #tpu.memory_space<vmem>>, vector<16xf32>,
      }
      %scan3A_869 = arith.constant 4 : i32
      %add3A_870 = arith.constant 4 : i32
      %add3A_871 = arith.addi %add3A_809, %add3A_870 : i32
      %sub3A_872 = arith.constant 1 : i32
      %sub3A_873 = arith.subi %add3A_871, %sub3A_872 : i32
      %lt3A_874 = arith.constant 16 : i32
      %lt3A_875 = arith.cmpi slt, %sub3A_873, %lt3A_874 : i32
      %convert_element_type3A_876 = arith.extui %lt3A_875 : i1 to i32
      %cond3A_877 = arith.constant 0 : i32
      %cond3A_878 = arith.cmpi ne, %convert_element_type3A_876, %cond3A_877 : i32
      scf.if %cond3A_878 {
        %mul3A_879 = arith.constant 80 : i32
        %mul3A_880 = arith.muli %sub3A_873, %mul3A_879 : i32
        %dma_start3A_881 = arith.constant 0 : i32
        %dma_start3A_882 = arith.constant 0 : i32
        %dma_start3A_883 = arith.constant 0 : i32
        %dma_start3A_884 = tpu.memref_slice %arg17[%dma_start3A_882, %dma_start3A_883] : memref<80x64xi16, #tpu.memory_space<vmem>> -> memref<80x64xi16, #tpu.memory_space<vmem>>
        %dma_start3A_885 = tpu.memref_slice %arg14[%dma_start3A_881, %mul3A_880] : memref<2x4000xi32, #tpu.memory_space<vmem>> -> memref<1x80xi32, #tpu.memory_space<vmem>>
        %dma_start3A_886 = tpu.memref_squeeze %dma_start3A_885 : memref<1x80xi32, #tpu.memory_space<vmem>> -> memref<80xi32, #tpu.memory_space<vmem>>
        %dma_start3A_887 = arith.constant 0 : i32
        %dma_start3A_888 = arith.constant 0 : i32
        %dma_start3A_889 = tpu.memref_slice %arg3[%dma_start3A_887, %dma_start3A_888] : memref<100000x64xi16, #tpu.memory_space<hbm>> -> memref<100000x64xi16, #tpu.memory_space<hbm>>
        tpu.enqueue_indirect_dma source(%dma_start3A_889 : memref<100000x64xi16, #tpu.memory_space<hbm>>) target(%dma_start3A_884 : memref<80x64xi16, #tpu.memory_space<vmem>>) offsets(%dma_start3A_886 : memref<80xi32, #tpu.memory_space<vmem>>) semaphore(%arg24 : memref<!tpu.dma_semaphore, #tpu.memory_space<semaphore_mem>>)
      } else {
      }
    }
    %scan3A_603 = arith.constant 4 : i32
    "tpu.region"() ({
      %run_scoped3A = tpu.sem_alloc : memref<!tpu.dma_semaphore, #tpu.memory_space<semaphore_mem>>
      %dma_start3A_604 = arith.constant 0 : i32
      %dma_start3A_605 = arith.constant 0 : i32
      %dma_start3A_606 = tpu.memref_slice %arg20[%dma_start3A_604, %dma_start3A_605] : memref<112x128xf32, #tpu.memory_space<vmem>> -> memref<32x128xf32, #tpu.memory_space<vmem>>
      %dma_start3A_607 = arith.constant 0 : i32
      %dma_start3A_608 = tpu.memref_slice %arg13[%min3A_523, %dma_start3A_607] : memref<1000x128xf32, #tpu.memory_space<hbm>> -> memref<32x128xf32, #tpu.memory_space<hbm>>
      %dma_start3A_609 = arith.constant 0 : i32
      %dma_start3A_610 = tpu.memref_slice %arg13[%min3A_523, %dma_start3A_609] : memref<1000x128xf32, #tpu.memory_space<hbm>> -> memref<32x128xf32, #tpu.memory_space<hbm>>
      %dma_start3A_611 = arith.constant 0 : i32
      %dma_start3A_612 = arith.constant 0 : i32
      %dma_start3A_613 = tpu.memref_slice %arg20[%dma_start3A_611, %dma_start3A_612] : memref<112x128xf32, #tpu.memory_space<vmem>> -> memref<32x128xf32, #tpu.memory_space<vmem>>
      tpu.enqueue_dma source(%dma_start3A_613 : memref<32x128xf32, #tpu.memory_space<vmem>>) target(%dma_start3A_610 : memref<32x128xf32, #tpu.memory_space<hbm>>) target_semaphore(%run_scoped3A : memref<!tpu.dma_semaphore, #tpu.memory_space<semaphore_mem>>)
      %dma_wait3A_614 = arith.constant 0 : i32
      %dma_wait3A_615 = arith.constant 0 : i32
      %dma_wait3A_616 = tpu.memref_slice %arg20[%dma_wait3A_614, %dma_wait3A_615] : memref<112x128xf32, #tpu.memory_space<vmem>> -> memref<32x128xf32, #tpu.memory_space<vmem>>
      %dma_wait3A_617 = arith.constant 0 : i32
      %dma_wait3A_618 = tpu.memref_slice %arg13[%min3A_523, %dma_wait3A_617] : memref<1000x128xf32, #tpu.memory_space<hbm>> -> memref<32x128xf32, #tpu.memory_space<hbm>>
      %dma_wait3A_619 = arith.constant 0 : i32
      %dma_wait3A_620 = tpu.memref_slice %arg13[%min3A_523, %dma_wait3A_619] : memref<1000x128xf32, #tpu.memory_space<hbm>> -> memref<32x128xf32, #tpu.memory_space<hbm>>
      %dma_wait3A_621 = arith.constant 0 : i32
      %dma_wait3A_622 = arith.constant 0 : i32
      %dma_wait3A_623 = tpu.memref_slice %arg20[%dma_wait3A_621, %dma_wait3A_622] : memref<112x128xf32, #tpu.memory_space<vmem>> -> memref<32x128xf32, #tpu.memory_space<vmem>>
      tpu.wait_dma2 semaphore(%run_scoped3A : memref<!tpu.dma_semaphore, #tpu.memory_space<semaphore_mem>>) src(%dma_wait3A_623 : memref<32x128xf32, #tpu.memory_space<vmem>>) dst(%dma_wait3A_620 : memref<32x128xf32, #tpu.memory_space<hbm>>)
      tpu.yield
    }) : () -> ()
    return
  }
}

module attributes {stable_mosaic.version = 14 : i64} {
  func.func @body(%arg0: i32, %arg1: memref<256x56x128xf32, #tpu.memory_space<vmem>>, %arg2: memref<256x128xf32, #tpu.memory_space<vmem>>, %arg3: memref<1000x128xf32, #tpu.memory_space<vmem>>, %arg4: memref<128x128xf32, #tpu.memory_space<vmem>>, %arg5: memref<1x128xf32, #tpu.memory_space<vmem>>, %arg6: memref<256x1000xf32, #tpu.memory_space<vmem>>) attributes {dimension_semantics = [#tpu.dimension_semantics<arbitrary>], iteration_bounds = array<i64: 4>, scalar_prefetch = 0 : i64, scratch_operands = 0 : i64, tpu.core_type = #tpu.core_type<tc>, window_params = [{transform_indices = @transform_0, window_bounds = array<i64: 256, 56, 128>}, {transform_indices = @transform_1, window_bounds = array<i64: 256, 128>}, {pipeline_mode = #tpu.pipeline_mode<synchronous>, transform_indices = @transform_2, window_bounds = array<i64: 1000, 128>}, {pipeline_mode = #tpu.pipeline_mode<synchronous>, transform_indices = @transform_3, window_bounds = array<i64: 128, 128>}, {pipeline_mode = #tpu.pipeline_mode<synchronous>, transform_indices = @transform_4, window_bounds = array<i64: 1, 128>}, {transform_indices = @transform_5, window_bounds = array<i64: 256, 1000>}]} {
    %get3A = arith.constant 0 : index
    %get3A_0 = arith.constant 0 : index
    %get3A_1 = vector.load %arg2[%get3A, %get3A_0] : memref<256x128xf32, #tpu.memory_space<vmem>>, vector<256x128xf32>
    %get3A_2 = arith.constant 0 : index
    %get3A_3 = arith.constant 0 : index
    %get3A_4 = arith.constant 0 : index
    %get3A_5 = vector.load %arg1[%get3A_2, %get3A_3, %get3A_4] : memref<256x56x128xf32, #tpu.memory_space<vmem>>, vector<256x56x128xf32>
    %get3A_6 = arith.constant 0 : index
    %get3A_7 = arith.constant 0 : index
    %get3A_8 = vector.load %arg4[%get3A_6, %get3A_7] : memref<128x128xf32, #tpu.memory_space<vmem>>, vector<128x128xf32>
    %get3A_9 = arith.constant 0 : index
    %get3A_10 = arith.constant 0 : index
    %get3A_11 = vector.load %arg5[%get3A_9, %get3A_10] : memref<1x128xf32, #tpu.memory_space<vmem>>, vector<1x128xf32>
    %iota3A = tpu.iota {dimensions = array<i32: 1>} : vector<256x56xi32>
    %ge3A = arith.constant 50 : i32
    %ge3A_12 = vector.broadcast %ge3A : i32 to vector<256x56xi32>
    %ge3A_13 = arith.cmpi sge, %iota3A, %ge3A_12 : vector<256x56xi32>
    %broadcast_in_dim3A = vector.shape_cast %get3A_1 : vector<256x128xf32> to vector<256x1x128xf32>
    %mul3A = vector.broadcast %broadcast_in_dim3A : vector<256x1x128xf32> to vector<256x56x128xf32>
    %mul3A_14 = arith.mulf %get3A_5, %mul3A : vector<256x56x128xf32>
    %reduce_sum3A = arith.constant dense<0.000000e+00> : vector<256x56xf32>
    %reduce_sum3A_15 = vector.multi_reduction <add>, %mul3A_14, %reduce_sum3A [2] : vector<256x56x128xf32> to vector<256x56xf32>
    %jit3A = arith.constant -1.000000e+30 : f32
    %broadcast_in_dim3A_16 = vector.broadcast %jit3A : f32 to vector<256x56xf32>
    %select_n3A = arith.select %ge3A_13, %broadcast_in_dim3A_16, %reduce_sum3A_15 : vector<256x56xi1>, vector<256x56xf32>
    %reduce_max3A = arith.constant dense<0xFF800000> : vector<256xf32>
    %reduce_max3A_17 = vector.multi_reduction <maximumf>, %select_n3A, %reduce_max3A [1] : vector<256x56xf32> to vector<256xf32>
    %broadcast_in_dim3A_18 = vector.shape_cast %reduce_max3A_17 : vector<256xf32> to vector<256x1xf32>
    %sub3A = vector.broadcast %broadcast_in_dim3A_18 : vector<256x1xf32> to vector<256x56xf32>
    %sub3A_19 = arith.subf %select_n3A, %sub3A : vector<256x56xf32>
    %exp3A = math.exp %sub3A_19 : vector<256x56xf32>
    %reduce_sum3A_20 = arith.constant dense<0.000000e+00> : vector<256xf32>
    %reduce_sum3A_21 = vector.multi_reduction <add>, %exp3A, %reduce_sum3A_20 [1] : vector<256x56xf32> to vector<256xf32>
    %broadcast_in_dim3A_22 = vector.shape_cast %reduce_sum3A_21 : vector<256xf32> to vector<256x1xf32>
    %div3A = vector.broadcast %broadcast_in_dim3A_22 : vector<256x1xf32> to vector<256x56xf32>
    %div3A_23 = arith.divf %exp3A, %div3A : vector<256x56xf32>
    %broadcast_in_dim3A_24 = vector.shape_cast %div3A_23 : vector<256x56xf32> to vector<256x56x1xf32>
    %mul3A_25 = vector.broadcast %broadcast_in_dim3A_24 : vector<256x56x1xf32> to vector<256x56x128xf32>
    %mul3A_26 = arith.mulf %mul3A_25, %get3A_5 : vector<256x56x128xf32>
    %reduce_sum3A_27 = arith.constant dense<0.000000e+00> : vector<256x128xf32>
    %reduce_sum3A_28 = vector.multi_reduction <add>, %mul3A_26, %reduce_sum3A_27 [1] : vector<256x56x128xf32> to vector<256x128xf32>
    %dot_general3A = arith.constant dense<0.000000e+00> : vector<256x128xf32>
    %dot_general3A_29 = tpu.matmul %get3A_1, %get3A_8, %dot_general3A {dimension_numbers = #tpu.dot_dimension_numbers<[1], [1], [0], [0], [0, 0, 1, 0], [], []>, transpose_lhs_hint = false} : vector<256x128xf32>, vector<128x128xf32>, vector<256x128xf32> -> vector<256x128xf32>
    %add3A = vector.broadcast %get3A_11 : vector<1x128xf32> to vector<256x128xf32>
    %add3A_30 = arith.addf %dot_general3A_29, %add3A : vector<256x128xf32>
    %add3A_31 = arith.addf %add3A_30, %reduce_sum3A_28 : vector<256x128xf32>
    %broadcast_in_dim3A_32 = vector.shape_cast %add3A_31 : vector<256x128xf32> to vector<256x1x128xf32>
    %mul3A_33 = vector.broadcast %broadcast_in_dim3A_32 : vector<256x1x128xf32> to vector<256x56x128xf32>
    %mul3A_34 = arith.mulf %get3A_5, %mul3A_33 : vector<256x56x128xf32>
    %reduce_sum3A_35 = arith.constant dense<0.000000e+00> : vector<256x56xf32>
    %reduce_sum3A_36 = vector.multi_reduction <add>, %mul3A_34, %reduce_sum3A_35 [2] : vector<256x56x128xf32> to vector<256x56xf32>
    %jit3A_37 = arith.constant -1.000000e+30 : f32
    %broadcast_in_dim3A_38 = vector.broadcast %jit3A_37 : f32 to vector<256x56xf32>
    %select_n3A_39 = arith.select %ge3A_13, %broadcast_in_dim3A_38, %reduce_sum3A_36 : vector<256x56xi1>, vector<256x56xf32>
    %reduce_max3A_40 = arith.constant dense<0xFF800000> : vector<256xf32>
    %reduce_max3A_41 = vector.multi_reduction <maximumf>, %select_n3A_39, %reduce_max3A_40 [1] : vector<256x56xf32> to vector<256xf32>
    %broadcast_in_dim3A_42 = vector.shape_cast %reduce_max3A_41 : vector<256xf32> to vector<256x1xf32>
    %sub3A_43 = vector.broadcast %broadcast_in_dim3A_42 : vector<256x1xf32> to vector<256x56xf32>
    %sub3A_44 = arith.subf %select_n3A_39, %sub3A_43 : vector<256x56xf32>
    %exp3A_45 = math.exp %sub3A_44 : vector<256x56xf32>
    %reduce_sum3A_46 = arith.constant dense<0.000000e+00> : vector<256xf32>
    %reduce_sum3A_47 = vector.multi_reduction <add>, %exp3A_45, %reduce_sum3A_46 [1] : vector<256x56xf32> to vector<256xf32>
    %broadcast_in_dim3A_48 = vector.shape_cast %reduce_sum3A_47 : vector<256xf32> to vector<256x1xf32>
    %div3A_49 = vector.broadcast %broadcast_in_dim3A_48 : vector<256x1xf32> to vector<256x56xf32>
    %div3A_50 = arith.divf %exp3A_45, %div3A_49 : vector<256x56xf32>
    %broadcast_in_dim3A_51 = vector.shape_cast %div3A_50 : vector<256x56xf32> to vector<256x56x1xf32>
    %mul3A_52 = vector.broadcast %broadcast_in_dim3A_51 : vector<256x56x1xf32> to vector<256x56x128xf32>
    %mul3A_53 = arith.mulf %mul3A_52, %get3A_5 : vector<256x56x128xf32>
    %reduce_sum3A_54 = arith.constant dense<0.000000e+00> : vector<256x128xf32>
    %reduce_sum3A_55 = vector.multi_reduction <add>, %mul3A_53, %reduce_sum3A_54 [1] : vector<256x56x128xf32> to vector<256x128xf32>
    %dot_general3A_56 = arith.constant dense<0.000000e+00> : vector<256x128xf32>
    %dot_general3A_57 = tpu.matmul %add3A_31, %get3A_8, %dot_general3A_56 {dimension_numbers = #tpu.dot_dimension_numbers<[1], [1], [0], [0], [0, 0, 1, 0], [], []>, transpose_lhs_hint = false} : vector<256x128xf32>, vector<128x128xf32>, vector<256x128xf32> -> vector<256x128xf32>
    %add3A_58 = vector.broadcast %get3A_11 : vector<1x128xf32> to vector<256x128xf32>
    %add3A_59 = arith.addf %dot_general3A_57, %add3A_58 : vector<256x128xf32>
    %add3A_60 = arith.addf %add3A_59, %reduce_sum3A_55 : vector<256x128xf32>
    %broadcast_in_dim3A_61 = vector.shape_cast %add3A_60 : vector<256x128xf32> to vector<256x1x128xf32>
    %mul3A_62 = vector.broadcast %broadcast_in_dim3A_61 : vector<256x1x128xf32> to vector<256x56x128xf32>
    %mul3A_63 = arith.mulf %get3A_5, %mul3A_62 : vector<256x56x128xf32>
    %reduce_sum3A_64 = arith.constant dense<0.000000e+00> : vector<256x56xf32>
    %reduce_sum3A_65 = vector.multi_reduction <add>, %mul3A_63, %reduce_sum3A_64 [2] : vector<256x56x128xf32> to vector<256x56xf32>
    %jit3A_66 = arith.constant -1.000000e+30 : f32
    %broadcast_in_dim3A_67 = vector.broadcast %jit3A_66 : f32 to vector<256x56xf32>
    %select_n3A_68 = arith.select %ge3A_13, %broadcast_in_dim3A_67, %reduce_sum3A_65 : vector<256x56xi1>, vector<256x56xf32>
    %reduce_max3A_69 = arith.constant dense<0xFF800000> : vector<256xf32>
    %reduce_max3A_70 = vector.multi_reduction <maximumf>, %select_n3A_68, %reduce_max3A_69 [1] : vector<256x56xf32> to vector<256xf32>
    %broadcast_in_dim3A_71 = vector.shape_cast %reduce_max3A_70 : vector<256xf32> to vector<256x1xf32>
    %sub3A_72 = vector.broadcast %broadcast_in_dim3A_71 : vector<256x1xf32> to vector<256x56xf32>
    %sub3A_73 = arith.subf %select_n3A_68, %sub3A_72 : vector<256x56xf32>
    %exp3A_74 = math.exp %sub3A_73 : vector<256x56xf32>
    %reduce_sum3A_75 = arith.constant dense<0.000000e+00> : vector<256xf32>
    %reduce_sum3A_76 = vector.multi_reduction <add>, %exp3A_74, %reduce_sum3A_75 [1] : vector<256x56xf32> to vector<256xf32>
    %broadcast_in_dim3A_77 = vector.shape_cast %reduce_sum3A_76 : vector<256xf32> to vector<256x1xf32>
    %div3A_78 = vector.broadcast %broadcast_in_dim3A_77 : vector<256x1xf32> to vector<256x56xf32>
    %div3A_79 = arith.divf %exp3A_74, %div3A_78 : vector<256x56xf32>
    %broadcast_in_dim3A_80 = vector.shape_cast %div3A_79 : vector<256x56xf32> to vector<256x56x1xf32>
    %mul3A_81 = vector.broadcast %broadcast_in_dim3A_80 : vector<256x56x1xf32> to vector<256x56x128xf32>
    %mul3A_82 = arith.mulf %mul3A_81, %get3A_5 : vector<256x56x128xf32>
    %reduce_sum3A_83 = arith.constant dense<0.000000e+00> : vector<256x128xf32>
    %reduce_sum3A_84 = vector.multi_reduction <add>, %mul3A_82, %reduce_sum3A_83 [1] : vector<256x56x128xf32> to vector<256x128xf32>
    %dot_general3A_85 = arith.constant dense<0.000000e+00> : vector<256x128xf32>
    %dot_general3A_86 = tpu.matmul %add3A_60, %get3A_8, %dot_general3A_85 {dimension_numbers = #tpu.dot_dimension_numbers<[1], [1], [0], [0], [0, 0, 1, 0], [], []>, transpose_lhs_hint = false} : vector<256x128xf32>, vector<128x128xf32>, vector<256x128xf32> -> vector<256x128xf32>
    %add3A_87 = vector.broadcast %get3A_11 : vector<1x128xf32> to vector<256x128xf32>
    %add3A_88 = arith.addf %dot_general3A_86, %add3A_87 : vector<256x128xf32>
    %add3A_89 = arith.addf %add3A_88, %reduce_sum3A_84 : vector<256x128xf32>
    %get3A_90 = arith.constant 0 : index
    %get3A_91 = arith.constant 0 : index
    %get3A_92 = vector.load %arg3[%get3A_90, %get3A_91] : memref<1000x128xf32, #tpu.memory_space<vmem>>, vector<1000x128xf32>
    %dot_general3A_93 = arith.constant dense<0.000000e+00> : vector<256x1000xf32>
    %dot_general3A_94 = tpu.matmul %add3A_89, %get3A_92, %dot_general3A_93 {dimension_numbers = #tpu.dot_dimension_numbers<[1], [1], [0], [0], [0, 0, 1, 0], [], []>, transpose_lhs_hint = false} : vector<256x128xf32>, vector<1000x128xf32>, vector<256x1000xf32> -> vector<256x1000xf32>
    %swap3A = arith.constant 0 : index
    %swap3A_95 = arith.constant 0 : index
    %swap3A_96 = vector.load %arg6[%swap3A, %swap3A_95] : memref<256x1000xf32, #tpu.memory_space<vmem>>, vector<256x1000xf32>
    tpu.vector_store %arg6[%swap3A, %swap3A_95], %dot_general3A_94 {strides = array<i32>} : memref<256x1000xf32, #tpu.memory_space<vmem>>, vector<256x1000xf32>,
    return
  }
  func.func @transform_0(%arg0: i32) -> (i32, i32, i32) {
    %c0_i32 = arith.constant 0 : i32
    %c0_i32_0 = arith.constant 0 : i32
    %c0_i32_1 = arith.constant 0 : i32
    return %arg0, %c0_i32, %c0_i32_0 : i32, i32, i32
  }
  func.func @transform_1(%arg0: i32) -> (i32, i32) {
    %c0_i32 = arith.constant 0 : i32
    %c0_i32_0 = arith.constant 0 : i32
    return %arg0, %c0_i32 : i32, i32
  }
  func.func @transform_2(%arg0: i32) -> (i32, i32) {
    %c0_i32 = arith.constant 0 : i32
    %c0_i32_0 = arith.constant 0 : i32
    %c0_i32_1 = arith.constant 0 : i32
    return %c0_i32, %c0_i32_0 : i32, i32
  }
  func.func @transform_3(%arg0: i32) -> (i32, i32) {
    %c0_i32 = arith.constant 0 : i32
    %c0_i32_0 = arith.constant 0 : i32
    %c0_i32_1 = arith.constant 0 : i32
    return %c0_i32, %c0_i32_0 : i32, i32
  }
  func.func @transform_4(%arg0: i32) -> (i32, i32) {
    %c0_i32 = arith.constant 0 : i32
    %c0_i32_0 = arith.constant 0 : i32
    %c0_i32_1 = arith.constant 0 : i32
    return %c0_i32, %c0_i32_0 : i32, i32
  }
  func.func @transform_5(%arg0: i32) -> (i32, i32) {
    %c0_i32 = arith.constant 0 : i32
    %c0_i32_0 = arith.constant 0 : i32
    return %arg0, %c0_i32 : i32, i32
  }
}

</mosaic_0001>

<sc_bundles>
// kernel: kernel.4.cloned.1.call-start
scs
__scs_entry_jumppad:
0x0: {  	(pc) =	sbr.rel $0x88, $3  }
0x1: {  	(tag) =	ssettag $0x0;
	lr =	simm.s32 $0x1  }
0x2: {  	[smem:$0x3F97] =	sst lr;
	_ =	strace $0xD0000000  }
0x3: {  	_ = 	snop  }
0x4: {  	_ = 	snop  }
0x5: {  	_ = 	snop  }
0x6: {  	_ = 	snop  }
0x7: {  	_ = 	snop  }
__scs_overlays_trampoline_lowered:
0x8: {  	[smem:$0x3FA6] =	sst s0  }
0x9: {  	[smem:$0x3FA7] =	sst s1  }
0xa: {  	[smem:$0x3FA8] =	sst s2  }
0xb: {  	[smem:$0x3FA9] =	sst s3  }
0xc: {  	[smem:$0x3FAA] =	sst s4  }
0xd: {  	[smem:$0x3FAB] =	sst s5  }
0xe: {  	[smem:$0x3FAC] =	sst s6  }
0xf: {  	[smem:$0x3FAD] =	sst s7  }
0x10: {  	[smem:$0x3FAE] =	sst s8  }
0x11: {  	[smem:$0x3FAF] =	sst s9;
	s0 =	simm.s32 @!p0 $0x0  }
0x12: {  	s1 =	sld [smem:$0x3F95];
	s0 =	simm.s32 @p0 $0x1  }
0x13: {  	[smem:$0x3FB0] =	sst s0;
	s0 =	simm.s32 @!p1 $0x0  }
0x14: {  	s2 =	sld [smem:$0x3F94];
	s0 =	simm.s32 @p1 $0x1  }
0x15: {  	[smem:$0x3FB1] =	sst s0;
	s0 =	simm.s32 @!p2 $0x0  }
0x16: {  	s3 =	sld [smem:$0x3FDB];
	s0 =	simm.s32 @p2 $0x1  }
0x17: {  	s4 =	simm.s32 $0x1BF5;
	[smem:$0x3FB3] =	sst s0  }
0x18: {  	s0 =	sld [smem:$0x3F96];
	_ =	swait.ge [sflag:s4], $0x0  }
0x19: {  	s7 =	sld [smem:$0x3F97]  }
0x1a: {  	s8 =	sadd.s32 $0xFFFFE003, lr  }
0x1b: {  	s9 =	sadd.s32 $0xFFFFFEF7, lr;
	s5 =	simm.s32 $0xFFFFFFFF;
	p2 =	slt.u32 s8, $0xFFFFF086  }
0x1c: {  	p1 =	slt.u32 s9, $0xF7A;
	s5 =	simm.s32 @!p2 $0x0  }
0x1d: {  	s5 =	simm.s32 @p1 $0x1;
	p0 =	seq.s32 s7, s2  }
0x1e: {  	s7 =	smul.u32 @!p0 $0xF7A, s2;
	p2 =	seq.s32 @!p0 s5, $0x0  }
0x1f: {  	s9 =	smul.u32 $0xF7A, s1;
	s8 =	simm.s32 @!p0 $0x1BF5;
	p2 =	por !p2, p0  }
0x20: {  	[sflag:s8] =	ssyncset.s32 @!p0 $0xFFFFF086;
	s6 =	sadd.s32 @!p0 s3, s7;
	s7 =	simm.s32 @!p0 $0x108  }
0x21: {  	s3 =	sadd.s32 s3, s9;
	s6 =	sadd.s32 @!p0 $0x88, s6;
	s7 =	simm.s32 @p2 $0x1082  }
0x22: {  	[simem:s7], [sflag:s8] =	dma.local @!p0 [hbm:s6], $0xF7A  }
0x23: {  	s9 =	sor.u32 $0xD0000000, s2;
	s6 =	simm.s32 $0x108;
	_ =	swait.ge @!p0 [sflag:s8], $0x0  }
0x24: {  	s3 =	sadd.s32 $0x88, s3;
	s6 =	simm.s32 @!p1 $0x1082;
	[sflag:s4] =	ssyncset.s32 $0xFFFFF086  }
0x25: {  	[simem:s6], [sflag:s4] =	dma.local [hbm:s3], $0xF7A  }
0x26: {  	[smem:$0x3F97] =	sst s1;
	(tag) =	ssettag s2;
	_ =	strace s9  }
0x27: {  	s1 =	sld [smem:$0x3FA7]  }
0x28: {  	s2 =	sld [smem:$0x3FA8]  }
0x29: {  	s4 =	sld [smem:$0x3FAA]  }
0x2a: {  	p0 =	seq.s32 s5, $0x0;
	s5 =	sld [smem:$0x3FAB]  }
0x2b: {  	s6 =	sld [smem:$0x3FAC]  }
0x2c: {  	s7 =	sld [smem:$0x3FAD]  }
0x2d: {  	s3 =	simm.s32 $0x108;
	s8 =	sld [smem:$0x3FAE]  }
0x2e: {  	s3 =	simm.s32 @!p0 $0x1082;
	s9 =	sld [smem:$0x3FAF]  }
0x2f: {  	lr =	sadd.s32 s0, s3;
	s0 =	sld [smem:$0x3FA6]  }
0x30: {  	s3 =	sld [smem:$0x3FA9]  }
0x31: {  	[smem:$0x3FB2] =	sst s10  }
0x32: {  	s10 =	sld [smem:$0x3FB0];
	_ =	sdelay $0x3  }
0x33: {  	p0 =	seq.s32 s10, $0x1;
	s10 =	sld [smem:$0x3FB2];
	_ =	sdelay $0x3  }
0x34: {  	[smem:$0x3FB2] =	sst s10  }
0x35: {  	s10 =	sld [smem:$0x3FB1];
	_ =	sdelay $0x3  }
0x36: {  	p1 =	seq.s32 s10, $0x1;
	s10 =	sld [smem:$0x3FB2];
	_ =	sdelay $0x3  }
0x37: {  	[smem:$0x3FB2] =	sst s10  }
0x38: {  	s10 =	sld [smem:$0x3FB3]  }
0x39: {  	_ = 	snop;
	(pc) =	sbr.ind lr, $3  }
0x3a: {  	_ = 	snop  }
0x3b: {  	_ = 	snop  }
0x3c: {  	p2 =	seq.s32 s10, $0x1;
	s10 =	sld [smem:$0x3FB2]  }
0x3d: {  	_ =	shalt  }
0x3e: {  	_ =	shalt  }
0x3f: {  	_ =	shalt  }
0x40: {  	_ =	shalt  }
0x41: {  	_ =	shalt  }
0x42: {  	_ =	shalt  }
0x43: {  	_ =	shalt  }
0x44: {  	_ =	shalt  }
0x45: {  	_ =	shalt  }
0x46: {  	_ =	shalt  }
0x47: {  	_ =	shalt  }
0x48: {  	_ =	shalt  }
0x49: {  	_ =	shalt  }
0x4a: {  	_ =	shalt  }
0x4b: {  	_ =	shalt  }
0x4c: {  	_ =	shalt  }
0x4d: {  	_ =	shalt  }
0x4e: {  	_ =	shalt  }
0x4f: {  	_ =	shalt  }
0x50: {  	_ =	shalt  }
0x51: {  	_ =	shalt  }
0x52: {  	_ =	shalt  }
0x53: {  	_ =	shalt  }
0x54: {  	_ =	shalt  }
0x55: {  	_ =	shalt  }
0x56: {  	_ =	shalt  }
0x57: {  	_ =	shalt  }
0x58: {  	_ =	shalt  }
0x59: {  	_ =	shalt  }
0x5a: {  	_ =	shalt  }
0x5b: {  	_ =	shalt  }
0x5c: {  	_ =	shalt  }
0x5d: {  	_ =	shalt  }
0x5e: {  	_ =	shalt  }
0x5f: {  	_ =	shalt  }
0x60: {  	_ =	shalt  }
0x61: {  	_ =	shalt  }
0x62: {  	_ =	shalt  }
0x63: {  	_ =	shalt  }
0x64: {  	_ =	shalt  }
0x65: {  	_ =	shalt  }
0x66: {  	_ =	shalt  }
0x67: {  	_ =	shalt  }
0x68: {  	_ =	shalt  }
0x69: {  	_ =	shalt  }
0x6a: {  	_ =	shalt  }
0x6b: {  	_ =	shalt  }
0x6c: {  	_ =	shalt  }
0x6d: {  	_ =	shalt  }
0x6e: {  	_ =	shalt  }
0x6f: {  	_ =	shalt  }
0x70: {  	_ =	shalt  }
0x71: {  	_ =	shalt  }
0x72: {  	_ =	shalt  }
0x73: {  	_ =	shalt  }
0x74: {  	_ =	shalt  }
0x75: {  	_ =	shalt  }
0x76: {  	_ =	shalt  }
0x77: {  	_ =	shalt  }
0x78: {  	_ =	shalt  }
0x79: {  	_ =	shalt  }
0x7a: {  	_ =	shalt  }
0x7b: {  	_ =	shalt  }
0x7c: {  	_ =	shalt  }
0x7d: {  	_ =	shalt  }
0x7e: {  	_ =	shalt  }
0x7f: {  	_ =	shalt  }
0x80: {  	_ =	shalt  }
0x81: {  	_ =	shalt  }
0x82: {  	_ =	shalt  }
0x83: {  	_ =	shalt  }
0x84: {  	_ =	shalt  }
0x85: {  	_ =	shalt  }
0x86: {  	_ =	shalt  }
0x87: {  	_ =	shalt  }
.Lfunc_end0:
.L_simem_size_0:
called_computation_lowered:
.L_overlay_start_0:
0x88: {  	s2 =	sld [smem:$0x3FD9]  }
0x89: {  	s3 =	sld [smem:$0x3FFE];
	_ =	sdelay $0x1  }
0x8a: {  	s1 =	srdreg.scid  }
0x8b: {  	s0 =	sand.u32 $0x1, s1  }
0x8c: {  	s17 =	sshll.u32 s0, $0xA;
	s2 =	sadd.s32 s3, s2  }
0x8d: {  	s2 =	sadd.s32 s2, s17  }
0x8e: {  	[smem:$0x3FBE] =	sst s2  }
0x8f: {  	_ = 	snop  }
0x90: {  	s2 =	sld [smem:$0x3FD0];
	(tm) =	ssettm $0x1  }
0x91: {  	s18 =	sld [smem:$0x3FFB];
	_ =	sdelay $0x3  }
0x92: {  	_ =	strace s18  }
0x93: {  	s3 =	sld [smem:$0x3FFC];
	_ =	sdelay $0x3  }
0x94: {  	_ =	strace s3  }
0x95: {  	s3 =	sld [smem:$0x3FFD];
	_ =	sdelay $0x3  }
0x96: {  	_ =	strace s3  }
0x97: {  	_ =	strace $0x8FFFFFFF  }
0x98: {  	s19 =	sld [smem:$0x3FDB];
	_ =	sdelay $0x1  }
0x99: {  	s4 =	simm.s32 $_scs_section_size  }
0x9a: {  	s5 =	simm.s32 $_size__tile_overlayer_lowered;
	s6 =	simm.s32 $_tile_overlayer_lowered  }
0x9b: {  	s22 =	simm.s32 $0x1BFF;
	s21 =	sshll.u32 s6, $0x1;
	s3 =	sadd.s32 s4, s19  }
0x9c: {  	s7 =	simm.s32 $0x0;
	s20 =	sshll.u32 s5, $0x1;
	s5 =	sadd.s32 s21, s3  }
0x9d: {  	[timem:s7], [sflag:s22] =	dma.local [hbm:s5], s20  }
0x9e: {  	_ =	swait.ge [sflag:s22], s20  }
0x9f: {  	s4 =	ssub.s32 $0x0, s20;
	[sflag:s22] =	ssyncset.done $0x0  }
0xa0: {  	[sflag:s22] =	ssyncadd.s32 s4;
	_ =	sdelay $0x1  }
0xa1: {  	s23 =	simm.s32 $0x1B8B  }
0xa2: {  	_ =	swait.ge [sflag:s23], $0x1  }
0xa3: {  	[sflag:s23] =	ssyncset.done $0x0  }
0xa4: {  	s25 =	simm.s32 $0x1B8E;
	s24 =	sld [smem:$0x3FFE];
	[sflag:s23] =	ssyncadd.s32 $0xFFFFFFFF  }
0xa5: {  	s26 =	simm.s32 $execute0_lowered;
	[smem:$0x3FD2] =	sst s25  }
0xa6: {  	s5 =	sshll.u32 s26, $0x1;
	_ =	strace $0x80000046;
	[dreg:$0x1] =	wrdreg $0xFFFFFFFF  }
0xa7: {  	s28 =	simm.s32 $_size_execute0_lowered;
	s3 =	sadd.s32 s3, s5;
	[dreg:$0x0] =	wrdreg $0x0  }
0xa8: {  	s5 =	sshll.u32 s28, $0x1;
	[dreg:$0x2] =	wrdreg s3  }
0xa9: {  	[dreg:$0x3] =	wrdreg s5  }
0xaa: {  	[dreg:$0x4] =	wrdreg $0xC0  }
0xab: {  	_ =	task [dreg:s7], $0x5FFFF  }
0xac: {  	[dreg:$0x1] =	wrdreg $0xFFFFFFFF  }
0xad: {  	[dreg:$0x0] =	wrdreg $0x60  }
0xae: {  	[dreg:$0x2] =	wrdreg s24  }
0xaf: {  	[dreg:$0x3] =	wrdreg s2  }
0xb0: {  	[dreg:$0x4] =	wrdreg $0x9  }
0xb1: {  	_ =	task.clear_ibuf [dreg:s7], $0x5FFFF;
	_ =	strace $0x90000046  }
0xb2: {  	s29 =	simm.s32 $0x9;
	_ =	strace $0x80000048  }
0xb3: {  	_ =	swait.ge [sflag:s29], $0x1  }
0xb4: {  	[sflag:s29] =	ssyncadd.s32 $0xFFFFFFFF  }
0xb5: {  	_ =	strace $0x90000048  }
0xb6: {  	_ =	sfence  }
0xb7: {  	s30 =	sld [smem:$0x0];
	_ =	sdelay $0x2  }
0xb8: {  	s31 =	sshll.u32 s1, $0xD;
	s1 =	sshrl.u32 s1, $0x2  }
0xb9: {  	s3 =	sand.u32 $0x4000, s31;
	s1 =	sadd.s32 s1, s30  }
0xba: {  	s0 =	sor.u32 s3, s0;
	s1 =	sshll.u32 s1, $0x11  }
0xbb: {  	s0 =	sor.u32 s1, s0  }
0xbc: {  	s0 =	sadd.s32 $0x8F2B, s0  }
0xbd: {  	[sflag:s0] =	ssyncadd.remote.s32 $0x1  }
0xbe: {  	_ =	sfence.sel $0xFFFF  }
0xbf: {  	[dreg:$0x0] =	wrdreg $0xFFFFFFFF;
	(pc) =	sbr.abs _section_cstart, $3  }
0xc0: {  	[dreg:$0x1] =	wrdreg $0xFFFFFFFF  }
0xc1: {  	_ =	task.clear_ibuf [dreg:s7], $0x2FFFF;
	_ =	strace $0x9FFFFFFF  }
0xc2: {  	(tm) =	ssettm $0x7FFFFFFF  }
0xc3: {  	_ =	shalt  }
tec
execute0_lowered:
.L_overlay_start_1:
0x0: {  	(tag) =	ssettag $0x1  }
0x1: {  	s0 =	srdreg.scid;
	s2 =	rddreg [dreg:$0x0]  }
0x2: {  	s1 =	stileid.u32;
	s14 =	rddreg [dreg:$0x1]  }
0x3: {  	s3 =	simm.s32 $0x0;
	s28 =	simm.s32 $0x3D40;
	s29 =	simm.s32 $0x1  }
0x4: {  	s30 =	simm.s32 $0x4740;
	s31 =	simm.s32 $0x2;
	s0 =	sand.u32 $0x1, s0  }
0x5: {  	s1 =	sshll.u32 s1, $0x1;
	[smem:$0x7FF] =	sst s3;
	s5 =	sadd.s32 $0x1400, s2  }
0x6: {  	s16 =	sadd.s32 $0xE6800, s2;
	s1 =	sor.u32 s0, s1;
	_ =	strace $0x80000047  }
0x7: {  	[dreg:$0x3] =	wrdreg s16;
	s0 =	ssub.s32 $0x2, s0;
	s8 =	smul.u32 $0x50, s1  }
0x8: {  	s4 =	sshll.u32 s1, $0x5;
	s17 =	sshll.u32 s1, $0x9;
	s12 =	smul.u32 $0xFA0, s1  }
0x9: {  	s18 =	sshrl.u32 s0, $0x1;
	s7 =	smin.u32 s4, $0x3C8;
	s4 =	sadd.s32 $0x63000, s2  }
0xa: {  	s13 =	sadd.s32 s17, s2;
	s0 =	ssub.s32 s0, s18;
	s6 =	smul.u32 $0x14, s7  }
0xb: {  	s10 =	sadd.s32 s8, s2;
	s8 =	sadd.s32 $0xEEA00, s2;
	s19 =	sadd.s32 s14, s12  }
0xc: {  	s7 =	sshll.u32 s7, $0x4;
	s23 =	sadd.s32 $0xE6A00, s13;
	[dreg:$0x4] =	wrdreg s19  }
0xd: {  	s0 =	smax.u32 s0, $0x1;
	s21 =	sadd.s32 $0xE4A00, s10;
	[dreg:$0x8] =	wrdreg s23  }
0xe: {  	s22 =	sadd.s32 $0xE4000, s10;
	[dreg:$0xc] =	wrdreg s0;
	s23 =	simm.s32 $0x50  }
0xf: {  	s0 =	simm.s32 $0x4;
	s19 =	simm.s32 $0x5;
	[dreg:$0x6] =	wrdreg s21  }
0x10: {  	s9 =	sshrl.u32 s6, $0x3;
	s6 =	sadd.s32 $0xC4C00, s2;
	[dreg:$0x7] =	wrdreg s22  }
0x11: {  	s22 =	simm.s32 $0x6;
	s21 =	simm.s32 $0x5140;
	s11 =	sadd.s32 s9, s2  }
.Ltmp0:
0x12: {  	s2 =	sadd.s32 s7, s2;
	s20 =	sadd.s32 s6, s12;
	(pc) =	sbr.rel .LBB2_1-.Ltmp0, $4  }
0x13: {  	s9 =	smul.u32 $0x640, s1;
	[dreg:$0x5] =	wrdreg s20;
	s24 =	sadd.s32 $0xE5E00, s11  }
0x14: {  	s1 =	simm.s32 $0x3;
	s25 =	sadd.s32 $0xE5400, s11;
	[dreg:$0x9] =	wrdreg s24  }
0x15: {  	s7 =	simm.s32 $0x0;
	s26 =	sadd.s32 $0xEAA00, s2;
	[dreg:$0xa] =	wrdreg s25  }
0x16: {  	v0 =	vimm.f32 $0.0e+00;
	s20 =	simm.s32 $0x7;
	[dreg:$0xb] =	wrdreg s26;
	s26 =	simm.s32 $0x3340  }
.LBB2_64:
0x17: {  	s2 =	rddreg [dreg:$0xb]  }
0x18: {  	[hbm4b:s2+s3] =	stream.linear.scatter [tilespmem:s21], [sflag:$0x7], $0x1000, $0x38;
	[tilespmem:$0x8950] =	vst v63  }
0x19: {  	_ =	swait.ge [sflag:s20], $0x1000  }
0x1a: {  	s7 =	rddreg [dreg:$0xd]  }
0x1b: {  	s25 =	rddreg [dreg:$0xc];
	s7 =	sadd.s32 $0x1, s7  }
0x1c: {  	p0 =	sne.s32 s7, s25  }
.Ltmp1:
0x1d: {  	_ = 	snop;
	(pc) =	sbr.rel @!p0 .LBB2_65-.Ltmp1, $3  }
0x1e: {  	_ =	sdelay $0x1  }
0x1f: {  	[sflag:s20] =	ssyncset.done $0x0  }
0x20: {  	[sflag:s20] =	ssyncadd.s32 $0xFFFFF000  }
.LBB2_1:
0x21: {  	[dreg:$0xd] =	wrdreg s7  }
0x22: {  	s2 =	rddreg [dreg:$0x3];
	s17 =	simm.s32 $0x8940  }
0x23: {  	[tilespmem:s17], [sflag:$0x7] =	stream.linear.gather [hbm4b:s2+s3], $0x10, $0x38;
	[tilespmem:$0x8950] =	vst v63  }
0x24: {  	_ =	swait.ge [sflag:s20], $0x10  }
0x25: {  	[sflag:s20] =	ssyncset.done $0x0  }
0x26: {  	[sflag:s20] =	ssyncadd.s32 $0xFFFFFFF0  }
0x27: {  	[tilespmem:$0x6A40] =	vst v0  }
0x28: {  	[tilespmem:$0x6A50] =	vst v0  }
0x29: {  	[tilespmem:$0x6A60] =	vst v0  }
0x2a: {  	[tilespmem:$0x6A70] =	vst v0  }
0x2b: {  	[tilespmem:$0x6A80] =	vst v0  }
0x2c: {  	[tilespmem:$0x6A90] =	vst v0  }
0x2d: {  	[tilespmem:$0x6AA0] =	vst v0  }
0x2e: {  	[tilespmem:$0x6AB0] =	vst v0  }
0x2f: {  	[tilespmem:$0x6AC0] =	vst v0  }
0x30: {  	[tilespmem:$0x6AD0] =	vst v0  }
0x31: {  	[tilespmem:$0x6AE0] =	vst v0  }
0x32: {  	[tilespmem:$0x6AF0] =	vst v0  }
0x33: {  	[tilespmem:$0x6B00] =	vst v0  }
0x34: {  	[tilespmem:$0x6B10] =	vst v0  }
0x35: {  	[tilespmem:$0x6B20] =	vst v0  }
0x36: {  	[tilespmem:$0x6B30] =	vst v0  }
0x37: {  	[tilespmem:$0x6B40] =	vst v0  }
0x38: {  	[tilespmem:$0x6B50] =	vst v0  }
0x39: {  	[tilespmem:$0x6B60] =	vst v0  }
0x3a: {  	[tilespmem:$0x6B70] =	vst v0  }
0x3b: {  	[tilespmem:$0x6B80] =	vst v0  }
0x3c: {  	[tilespmem:$0x6B90] =	vst v0  }
0x3d: {  	[tilespmem:$0x6BA0] =	vst v0  }
0x3e: {  	[tilespmem:$0x6BB0] =	vst v0  }
0x3f: {  	[tilespmem:$0x6BC0] =	vst v0  }
0x40: {  	[tilespmem:$0x6BD0] =	vst v0  }
0x41: {  	[tilespmem:$0x6BE0] =	vst v0  }
0x42: {  	[tilespmem:$0x6BF0] =	vst v0  }
0x43: {  	[tilespmem:$0x6C00] =	vst v0  }
0x44: {  	[tilespmem:$0x6C10] =	vst v0  }
0x45: {  	[tilespmem:$0x6C20] =	vst v0  }
0x46: {  	[tilespmem:$0x6C30] =	vst v0  }
0x47: {  	[tilespmem:$0x6C40] =	vst v0  }
0x48: {  	[tilespmem:$0x6C50] =	vst v0  }
0x49: {  	[tilespmem:$0x6C60] =	vst v0  }
0x4a: {  	[tilespmem:$0x6C70] =	vst v0  }
0x4b: {  	[tilespmem:$0x6C80] =	vst v0  }
0x4c: {  	[tilespmem:$0x6C90] =	vst v0  }
0x4d: {  	[tilespmem:$0x6CA0] =	vst v0  }
0x4e: {  	[tilespmem:$0x6CB0] =	vst v0  }
0x4f: {  	[tilespmem:$0x6CC0] =	vst v0  }
0x50: {  	[tilespmem:$0x6CD0] =	vst v0  }
0x51: {  	[tilespmem:$0x6CE0] =	vst v0  }
0x52: {  	[tilespmem:$0x6CF0] =	vst v0  }
0x53: {  	[tilespmem:$0x6D00] =	vst v0  }
0x54: {  	[tilespmem:$0x6D10] =	vst v0  }
0x55: {  	[tilespmem:$0x6D20] =	vst v0  }
0x56: {  	[tilespmem:$0x6D30] =	vst v0  }
0x57: {  	[tilespmem:$0x8640] =	vst v0  }
0x58: {  	[tilespmem:$0x8650] =	vst v0  }
0x59: {  	[tilespmem:$0x8660] =	vst v0  }
0x5a: {  	[tilespmem:$0x8670] =	vst v0  }
0x5b: {  	[tilespmem:$0x8680] =	vst v0  }
0x5c: {  	[tilespmem:$0x8690] =	vst v0  }
0x5d: {  	[tilespmem:$0x86A0] =	vst v0  }
0x5e: {  	[tilespmem:$0x86B0] =	vst v0  }
0x5f: {  	[tilespmem:$0x86C0] =	vst v0  }
0x60: {  	[tilespmem:$0x86D0] =	vst v0  }
0x61: {  	[tilespmem:$0x86E0] =	vst v0  }
0x62: {  	[tilespmem:$0x86F0] =	vst v0  }
0x63: {  	[tilespmem:$0x8700] =	vst v0  }
0x64: {  	[tilespmem:$0x8710] =	vst v0  }
0x65: {  	[tilespmem:$0x8720] =	vst v0  }
0x66: {  	[tilespmem:$0x8730] =	vst v0  }
0x67: {  	[tilespmem:$0x8740] =	vst v0  }
0x68: {  	[tilespmem:$0x8750] =	vst v0  }
0x69: {  	[tilespmem:$0x8760] =	vst v0  }
0x6a: {  	[tilespmem:$0x8770] =	vst v0  }
0x6b: {  	[tilespmem:$0x8780] =	vst v0  }
0x6c: {  	[tilespmem:$0x8790] =	vst v0  }
0x6d: {  	[tilespmem:$0x87A0] =	vst v0  }
0x6e: {  	[tilespmem:$0x87B0] =	vst v0  }
0x6f: {  	[tilespmem:$0x87C0] =	vst v0  }
0x70: {  	[tilespmem:$0x87D0] =	vst v0  }
0x71: {  	[tilespmem:$0x87E0] =	vst v0  }
0x72: {  	[tilespmem:$0x87F0] =	vst v0  }
0x73: {  	[tilespmem:$0x8800] =	vst v0  }
0x74: {  	[tilespmem:$0x8810] =	vst v0  }
0x75: {  	[tilespmem:$0x8820] =	vst v0  }
0x76: {  	[tilespmem:$0x8830] =	vst v0  }
0x77: {  	[tilespmem:$0x8840] =	vst v0  }
0x78: {  	[tilespmem:$0x8850] =	vst v0  }
0x79: {  	[tilespmem:$0x8860] =	vst v0  }
0x7a: {  	[tilespmem:$0x8870] =	vst v0  }
0x7b: {  	[tilespmem:$0x8880] =	vst v0  }
0x7c: {  	[tilespmem:$0x8890] =	vst v0  }
0x7d: {  	[tilespmem:$0x88A0] =	vst v0  }
0x7e: {  	[tilespmem:$0x88B0] =	vst v0  }
0x7f: {  	[tilespmem:$0x88C0] =	vst v0  }
0x80: {  	[tilespmem:$0x88D0] =	vst v0  }
0x81: {  	[tilespmem:$0x88E0] =	vst v0  }
0x82: {  	[tilespmem:$0x88F0] =	vst v0  }
0x83: {  	[tilespmem:$0x8900] =	vst v0  }
0x84: {  	[tilespmem:$0x8910] =	vst v0  }
.Ltmp2:
0x85: {  	[tilespmem:$0x8920] =	vst v0;
	(pc) =	sbr.rel .LBB2_2-.Ltmp2, $4  }
0x86: {  	s18 =	rddreg [dreg:$0x4];
	[tilespmem:$0x8930] =	vst v0  }
0x87: {  	v1 =	vld [tilespmem:$0x8940];
	[tilespmem:s3], [sflag:$0x6] =	stream.linear.gather [hbm4b:s18+s3], $0x7D0, $0x38  }
0x88: {  	s25 =	simm.s32 $0x7D0;
	s10 =	simm.s32 $0x0;
	s24 =	rddreg [dreg:$0x5]  }
0x89: {  	[tilespmem:s25], [sflag:$0x6] =	stream.linear.gather [hbm4b:s24+s3], $0x7D0, $0x38;
	[tilespmem:$0x8950] =	vst v63  }
.LBB2_25:
0x8a: {  	s2 =	smul.u32 $0x64, s10;
	_ =	sdelay $0x1  }
0x8b: {  	s2 =	sadd.s32 s9, s2  }
0x8c: {  	s2 =	smulhi.u32 $0x51EB851F, s2;
	_ =	sdelay $0x1  }
0x8d: {  	s2 =	sshrl.u32 s2, $0x4  }
0x8e: {  	s2 =	smul.u32 $0x380, s2  }
0x8f: {  	p0 =	sne.s32 s10, $0xF  }
.Ltmp3:
0x90: {  	s2 =	sadd.s32 s8, s2;
	(pc) =	sbr.rel @!p0 .LBB2_26-.Ltmp3, $4  }
0x91: {  	[hbm4b:s2+s3] =	stream.linear.scatter [tilespmem:s21], [sflag:$0x7], $0x3800, $0x38;
	[tilespmem:$0x8950] =	vst v63  }
0x92: {  	_ =	swait.ge [sflag:s20], $0x3800  }
0x93: {  	[sflag:s20] =	ssyncset.done $0x0  }
0x94: {  	s10 =	smov.u32 s11;
	[sflag:s20] =	ssyncadd.s32 $0xFFFFC800  }
.LBB2_2:
0x95: {  	s11 =	sadd.s32 $0x1, s10;
	p0 =	seq.s32 s10, $0xF;
	_ =	swait.ge [sflag:s22], $0x7D0  }
0x96: {  	s2 =	smul.u32 @!p0 $0x64, s11;
	[sflag:s22] =	ssyncset.done $0x0  }
0x97: {  	[sflag:s22] =	ssyncadd.s32 $0xFFFFF830  }
0x98: {  	s7 =	sand.u32 $0x1, s10;
	s2 =	sadd.s32 @!p0 s9, s2;
	_ =	swait.ge [sflag:s22], $0x7D0  }
0x99: {  	s12 =	sxor.u32 @!p0 $0x1, s7;
	s2 =	smul.u32 @!p0 $0x14, s2;
	[sflag:s22] =	ssyncset.done $0x0  }
0x9a: {  	s12 =	smul.u32 @!p0 $0x3E80, s12;
	[sflag:s22] =	ssyncadd.s32 $0xFFFFF830  }
0x9b: {  	s2 =	sshrl.u32 @!p0 s2, $0x3;
	s13 =	rddreg [dreg:$0x1]  }
0x9c: {  	s14 =	simm.s32 @!p0 $0x0;
	s12 =	sshrl.u32 @!p0 s12, $0x2;
	s13 =	sadd.s32 @!p0 s13, s2  }
0x9d: {  	[tilespmem:s12], [sflag:$0x6] =	stream.linear.gather @!p0 [hbm4b:s13+s14], $0x7D0, $0x38;
	[tilespmem:$0x8950] =	vst v63  }
0x9e: {  	s7 =	smul.u32 $0x3E80, s7;
	s2 =	sadd.s32 @!p0 s6, s2;
	s12 =	sadd.s32 @!p0 $0x7D0, s12  }
0x9f: {  	[tilespmem:s12], [sflag:$0x6] =	stream.linear.gather @!p0 [hbm4b:s2+s14], $0x7D0, $0x38;
	[tilespmem:$0x8950] =	vst v63  }
0xa0: {  	s16 =	simm.s32 $0x1F40;
	s12 =	sshrl.u32 s7, $0x2  }
0xa1: {  	[tilespmem:s16], [sflag:$0x1] =	stream.indirect.gather [hbm4b:s4+s23], $0x20, s12, s23, $0xb8;
	[tilespmem:$0x8950] =	vst v63  }
0xa2: {  	s18 =	simm.s32 $0x2940;
	s17 =	sadd.s32 $0x50, s12  }
0xa3: {  	[tilespmem:s18], [sflag:$0x2] =	stream.indirect.gather [hbm4b:s4+s23], $0x20, s17, s23, $0xb8;
	[tilespmem:$0x8950] =	vst v63  }
0xa4: {  	s24 =	sadd.s32 $0xA0, s12  }
0xa5: {  	[tilespmem:s26], [sflag:$0x3] =	stream.indirect.gather [hbm4b:s4+s23], $0x20, s24, s23, $0xb8;
	[tilespmem:$0x8950] =	vst v63  }
0xa6: {  	s13 =	simm.s32 $0x0;
	s25 =	sadd.s32 $0xF0, s12  }
0xa7: {  	[tilespmem:s28], [sflag:$0x4] =	stream.indirect.gather [hbm4b:s4+s23], $0x20, s25, s23, $0xb8;
	[tilespmem:$0x8950] =	vst v63  }
.LBB2_3:
0xa8: {  	_ =	swait.ge [sflag:s29], $0xA00;
	s2 =	smul.u32 $0x14, s13;
	p0 =	sgt.u32 s13, $0x4  }
0xa9: {  	s7 =	simm.s32 $0x5180;
	p1 =	slt.u32 s13, $0x5;
	s15 =	simm.s32 $0x1F80  }
0xaa: {  	[sflag:s29] =	ssyncset.done $0x0;
	s7 =	simm.s32 @!p0 $0x5140;
	s14 =	sadd.s32 $0xFFFFFF9C, s2  }
0xab: {  	s16 =	simm.s32 $0x0;
	[sflag:s29] =	ssyncadd.s32 $0xFFFFF600;
	v2 =	vmov s7;
	s14 =	smov.u32 @p1 s2  }
.LBB2_4:
0xac: {  	v4 =	vmov s15;
	_ =	sdelay $0x3  }
0xad: {  	s7 =	simm.s32 $0x0  }
0xae: {  	v12 =	vld.idx.msk [tilespmem:v4+s7+$0x20 ss:$0x1], $0xffff  }
0xaf: {  	v11 =	vld.idx.msk [tilespmem:v4+s7+$0x30 ss:$0x1], $0xffff  }
0xb0: {  	v10 =	vld.idx.msk [tilespmem:v4+s7+$0x0 ss:$0x1], $0xffff  }
0xb1: {  	v8 =	vld.idx.msk [tilespmem:v4+s7+$0x10 ss:$0x1], $0xffff  }
0xb2: {  	v3 =	vld.idx.msk [tilespmem:v4+s7+$0xFFFFFFC0 ss:$0x1], $0xffff  }
0xb3: {  	v13 =	vimm.s32 $0x0;
	v14 =	vld.idx.msk [tilespmem:v4+s7+$0xFFFFFFE0 ss:$0x1], $0xffff  }
0xb4: {  	s2 =	simm.s32 $0x200;
	v7 =	vimm.s32 $0x0;
	v5 =	vimm.s32 $0x0;
	v6 =	vimm.s32 $0x0;
	v9 =	vld.idx.msk [tilespmem:v4+s7+$0xFFFFFFF0 ss:$0x1], $0xffff  }
.LBB2_5:
0xb5: {  	p0 =	sne.s32 s2, $0x800;
	v15 =	vld.idx.msk [tilespmem:v4+s7+$0xFFFFFFD0 ss:$0x1], $0xffff;
	v16 =	vunpack.i.u.s16.s32 v12;
	v17 =	vunpack.i.l.s16.s32 v12  }
0xb6: {  	v18 =	vunpack.i.u.s16.s32 v10;
	v19 =	vunpack.i.u.s16.s32 v11;
	v20 =	vunpack.i.l.s16.s32 v11  }
0xb7: {  	s7 =	sshra.s32 s2, $0x2;
	v21 =	vunpack.i.l.s16.s32 v10;
	v22 =	vunpack.i.u.s16.s32 v8;
	v11 =	vunpack.i.l.s16.s32 v3  }
0xb8: {  	v23 =	vunpack.i.l.s16.s32 v8;
	v10 =	vadd.s32 v13, v11;
	v13 =	vunpack.i.l.s16.s32 v14;
	v12 =	vld.idx.msk [tilespmem:v4+s7+$0x20 ss:$0x1], $0xffff  }
0xb9: {  	v24 =	vunpack.i.u.s16.s32 v14;
	v8 =	vadd.s32 v13, v10;
	v25 =	vunpack.i.u.s16.s32 v9;
	v11 =	vld.idx.msk [tilespmem:v4+s7+$0x30 ss:$0x1], $0xffff  }
0xba: {  	v14 =	vunpack.i.u.s16.s32 v3;
	v9 =	vunpack.i.l.s16.s32 v9;
	v3 =	vadd.s32 v21, v8;
	v10 =	vld.idx.msk [tilespmem:v4+s7+$0x0 ss:$0x1], $0xffff  }
.Ltmp4:
0xbb: {  	v21 =	vunpack.i.u.s16.s32 v15;
	v15 =	vunpack.i.l.s16.s32 v15;
	v13 =	vadd.s32 v17, v3;
	v8 =	vld.idx.msk [tilespmem:v4+s7+$0x10 ss:$0x1], $0xffff;
	(pc) =	sbr.rel @p0 .LBB2_5-.Ltmp4, $4  }
0xbc: {  	v7 =	vadd.s32 v7, v14;
	v5 =	vadd.s32 v5, v15;
	v6 =	vadd.s32 v6, v21;
	v3 =	vld.idx.msk [tilespmem:v4+s7+$0xFFFFFFC0 ss:$0x1], $0xffff  }
0xbd: {  	v7 =	vadd.s32 v24, v7;
	v5 =	vadd.s32 v9, v5;
	v6 =	vadd.s32 v25, v6;
	v14 =	vld.idx.msk [tilespmem:v4+s7+$0xFFFFFFE0 ss:$0x1], $0xffff  }
0xbe: {  	v7 =	vadd.s32 v18, v7;
	v5 =	vadd.s32 v23, v5;
	v6 =	vadd.s32 v22, v6;
	v9 =	vld.idx.msk [tilespmem:v4+s7+$0xFFFFFFF0 ss:$0x1], $0xffff  }
0xbf: {  	s2 =	sadd.s32 $0x200, s2;
	v7 =	vadd.s32 v16, v7;
	v5 =	vadd.s32 v20, v5;
	v6 =	vadd.s32 v19, v6  }
0xc0: {  	_ =	sdelay $0x2  }
0xc1: {  	v15 =	vunpack.i.u.s16.s32 v12;
	v53 =	vunpack.i.l.s16.s32 v12;
	v16 =	vunpack.i.u.s16.s32 v10  }
0xc2: {  	v4 =	vld.idx.msk [tilespmem:v4+s7+$0xFFFFFFD0 ss:$0x1], $0xffff;
	v17 =	vunpack.i.u.s16.s32 v11;
	v54 =	vunpack.i.l.s16.s32 v11;
	v55 =	vunpack.i.l.s16.s32 v10  }
0xc3: {  	v19 =	vunpack.i.u.s16.s32 v8;
	v57 =	vunpack.i.l.s16.s32 v8;
	v18 =	vunpack.i.l.s16.s32 v3  }
0xc4: {  	s2 =	sor.u32 s14, s16;
	v3 =	vunpack.i.u.s16.s32 v3;
	v13 =	vadd.s32 v13, v18;
	v56 =	vunpack.i.l.s16.s32 v14  }
0xc5: {  	s25 =	smulhi.u32 $0x51EB851F, s2;
	v58 =	vunpack.i.u.s16.s32 v14;
	v3 =	vadd.s32 v7, v3;
	v13 =	vadd.s32 v56, v13  }
0xc6: {  	v59 =	vunpack.i.u.s16.s32 v9;
	v60 =	vunpack.i.l.s16.s32 v9;
	v3 =	vadd.s32 v58, v3  }
0xc7: {  	s7 =	sshrl.u32 s25, $0x4;
	v10 =	vadd.s32 v55, v13;
	v61 =	vunpack.i.u.s16.s32 v4;
	v4 =	vunpack.i.l.s16.s32 v4  }
0xc8: {  	s17 =	smul.u32 $0x32, s7;
	v3 =	vadd.s32 v16, v3;
	v10 =	vadd.s32 v53, v10;
	v4 =	vadd.s32 v5, v4  }
0xc9: {  	s7 =	smul.u32 $0x38, s7;
	v3 =	vadd.s32 v15, v3;
	v62 =	vadd.s32 v6, v61;
	v4 =	vadd.s32 v60, v4  }
0xca: {  	s2 =	ssub.s32 s2, s17;
	v63 =	vcvt.s32.f32 v10;
	v5 =	vadd.s32 v59, v62;
	v4 =	vadd.s32 v57, v4  }
0xcb: {  	s16 =	sadd.s32 $0x1, s16;
	v3 =	vcvt.s32.f32 v3;
	s2 =	sadd.s32 s2, s7;
	v5 =	vadd.s32 v19, v5;
	v4 =	vadd.s32 v54, v4  }
0xcc: {  	p0 =	sne.s32 s16, $0x4;
	v6 =	vmul.f32 v63, v1;
	s2 =	sshll.u32 s2, $0x9;
	v5 =	vadd.s32 v17, v5;
	v4 =	vcvt.s32.f32 v4  }
.Ltmp5:
0xcd: {  	v3 =	vmul.f32 v3, v1;
	s2 =	sshra.s32 s2, $0x2;
	v5 =	vcvt.s32.f32 v5;
	(pc) =	sbr.rel @p0 .LBB2_4-.Ltmp5, $4  }
0xce: {  	[tilespmem:v2+s2+$0x0 ss:$0x1] =	vst.idx.msk $0xffff, v6;
	v4 =	vmul.f32 v4, v1  }
0xcf: {  	[tilespmem:v2+s2+$0x10 ss:$0x1] =	vst.idx.msk $0xffff, v3;
	v3 =	vmul.f32 v5, v1  }
0xd0: {  	[tilespmem:v2+s2+$0x20 ss:$0x1] =	vst.idx.msk $0xffff, v4  }
0xd1: {  	s15 =	sadd.s32 $0x280, s15;
	[tilespmem:v2+s2+$0x30 ss:$0x1] =	vst.idx.msk $0xffff, v3  }
0xd2: {  	s15 =	smul.u32 $0x5, s13;
	_ =	sdelay $0x1  }
0xd3: {  	s14 =	sadd.s32 $0x4, s15  }
0xd4: {  	s24 =	sadd.s32 $0x1, s15;
	s2 =	smul.u32 $0x140, s14  }
0xd5: {  	s7 =	smulhi.u32 $0x51EB851F, s24  }
0xd6: {  	s16 =	smulhi.u32 $0xCCCCCCCD, s13  }
0xd7: {  	s2 =	sshra.s32 s2, $0x2;
	s7 =	sshrl.u32 s7, $0x3  }
0xd8: {  	s16 =	sshll.u32 s16, $0x4;
	s2 =	sadd.s32 s2, s12;
	s7 =	smul.u32 $0x19, s7  }
0xd9: {  	[tilespmem:s30], [sflag:$0x5] =	stream.indirect.gather [hbm4b:s4+s23], $0x20, s2, s23, $0xb8;
	[tilespmem:$0x8950] =	vst v63  }
0xda: {  	s17 =	simm.s32 $0x0;
	s16 =	sand.u32 $0x3FFFFFC0, s16;
	_ =	swait.ge [sflag:s31], $0xA00  }
0xdb: {  	s25 =	sadd.s32 $0x5140, s16;
	s2 =	ssub.s32 s24, s7;
	[sflag:s31] =	ssyncset.done $0x0  }
0xdc: {  	s18 =	simm.s32 $0x2980;
	v2 =	vmov s25;
	s16 =	sshll.u32 s2, $0x2;
	[sflag:s31] =	ssyncadd.s32 $0xFFFFF600  }
.LBB2_8:
0xdd: {  	v4 =	vmov s18;
	_ =	sdelay $0x3  }
0xde: {  	s7 =	simm.s32 $0x0  }
0xdf: {  	v12 =	vld.idx.msk [tilespmem:v4+s7+$0x20 ss:$0x1], $0xffff  }
0xe0: {  	v11 =	vld.idx.msk [tilespmem:v4+s7+$0x30 ss:$0x1], $0xffff  }
0xe1: {  	v10 =	vld.idx.msk [tilespmem:v4+s7+$0x0 ss:$0x1], $0xffff  }
0xe2: {  	v8 =	vld.idx.msk [tilespmem:v4+s7+$0x10 ss:$0x1], $0xffff  }
0xe3: {  	v3 =	vld.idx.msk [tilespmem:v4+s7+$0xFFFFFFC0 ss:$0x1], $0xffff  }
0xe4: {  	v13 =	vimm.s32 $0x0;
	v14 =	vld.idx.msk [tilespmem:v4+s7+$0xFFFFFFE0 ss:$0x1], $0xffff  }
0xe5: {  	s2 =	simm.s32 $0x200;
	v7 =	vimm.s32 $0x0;
	v5 =	vimm.s32 $0x0;
	v6 =	vimm.s32 $0x0;
	v9 =	vld.idx.msk [tilespmem:v4+s7+$0xFFFFFFF0 ss:$0x1], $0xffff  }
.LBB2_9:
0xe6: {  	p0 =	sne.s32 s2, $0x800;
	v15 =	vld.idx.msk [tilespmem:v4+s7+$0xFFFFFFD0 ss:$0x1], $0xffff;
	v16 =	vunpack.i.u.s16.s32 v12;
	v17 =	vunpack.i.l.s16.s32 v12  }
0xe7: {  	v18 =	vunpack.i.u.s16.s32 v10;
	v19 =	vunpack.i.u.s16.s32 v11;
	v20 =	vunpack.i.l.s16.s32 v11  }
0xe8: {  	s7 =	sshra.s32 s2, $0x2;
	v21 =	vunpack.i.l.s16.s32 v10;
	v22 =	vunpack.i.u.s16.s32 v8;
	v11 =	vunpack.i.l.s16.s32 v3  }
0xe9: {  	v23 =	vunpack.i.l.s16.s32 v8;
	v10 =	vadd.s32 v13, v11;
	v13 =	vunpack.i.l.s16.s32 v14;
	v12 =	vld.idx.msk [tilespmem:v4+s7+$0x20 ss:$0x1], $0xffff  }
0xea: {  	v24 =	vunpack.i.u.s16.s32 v14;
	v8 =	vadd.s32 v13, v10;
	v25 =	vunpack.i.u.s16.s32 v9;
	v11 =	vld.idx.msk [tilespmem:v4+s7+$0x30 ss:$0x1], $0xffff  }
0xeb: {  	v14 =	vunpack.i.u.s16.s32 v3;
	v9 =	vunpack.i.l.s16.s32 v9;
	v3 =	vadd.s32 v21, v8;
	v10 =	vld.idx.msk [tilespmem:v4+s7+$0x0 ss:$0x1], $0xffff  }
.Ltmp6:
0xec: {  	v21 =	vunpack.i.u.s16.s32 v15;
	v15 =	vunpack.i.l.s16.s32 v15;
	v13 =	vadd.s32 v17, v3;
	v8 =	vld.idx.msk [tilespmem:v4+s7+$0x10 ss:$0x1], $0xffff;
	(pc) =	sbr.rel @p0 .LBB2_9-.Ltmp6, $4  }
0xed: {  	v7 =	vadd.s32 v7, v14;
	v5 =	vadd.s32 v5, v15;
	v6 =	vadd.s32 v6, v21;
	v3 =	vld.idx.msk [tilespmem:v4+s7+$0xFFFFFFC0 ss:$0x1], $0xffff  }
0xee: {  	v7 =	vadd.s32 v24, v7;
	v5 =	vadd.s32 v9, v5;
	v6 =	vadd.s32 v25, v6;
	v14 =	vld.idx.msk [tilespmem:v4+s7+$0xFFFFFFE0 ss:$0x1], $0xffff  }
0xef: {  	v7 =	vadd.s32 v18, v7;
	v5 =	vadd.s32 v23, v5;
	v6 =	vadd.s32 v22, v6;
	v9 =	vld.idx.msk [tilespmem:v4+s7+$0xFFFFFFF0 ss:$0x1], $0xffff  }
0xf0: {  	s2 =	sadd.s32 $0x200, s2;
	v7 =	vadd.s32 v16, v7;
	v5 =	vadd.s32 v20, v5;
	v6 =	vadd.s32 v19, v6  }
0xf1: {  	_ =	sdelay $0x2  }
0xf2: {  	v15 =	vunpack.i.u.s16.s32 v12;
	v53 =	vunpack.i.l.s16.s32 v12;
	v16 =	vunpack.i.u.s16.s32 v10  }
0xf3: {  	v4 =	vld.idx.msk [tilespmem:v4+s7+$0xFFFFFFD0 ss:$0x1], $0xffff;
	v17 =	vunpack.i.u.s16.s32 v11;
	v54 =	vunpack.i.l.s16.s32 v11;
	v55 =	vunpack.i.l.s16.s32 v10  }
0xf4: {  	v19 =	vunpack.i.u.s16.s32 v8;
	v57 =	vunpack.i.l.s16.s32 v8;
	v18 =	vunpack.i.l.s16.s32 v3  }
0xf5: {  	s2 =	sadd.s32 s16, s17;
	v3 =	vunpack.i.u.s16.s32 v3;
	v13 =	vadd.s32 v13, v18;
	v56 =	vunpack.i.l.s16.s32 v14  }
0xf6: {  	s25 =	smulhi.u32 $0x51EB851F, s2;
	v58 =	vunpack.i.u.s16.s32 v14;
	v3 =	vadd.s32 v7, v3;
	v13 =	vadd.s32 v56, v13  }
0xf7: {  	v59 =	vunpack.i.u.s16.s32 v9;
	v60 =	vunpack.i.l.s16.s32 v9;
	v3 =	vadd.s32 v58, v3  }
0xf8: {  	s7 =	sshrl.u32 s25, $0x4;
	v10 =	vadd.s32 v55, v13;
	v61 =	vunpack.i.u.s16.s32 v4;
	v4 =	vunpack.i.l.s16.s32 v4  }
0xf9: {  	s24 =	smul.u32 $0x32, s7;
	v3 =	vadd.s32 v16, v3;
	v10 =	vadd.s32 v53, v10;
	v4 =	vadd.s32 v5, v4  }
0xfa: {  	s7 =	smul.u32 $0x38, s7;
	v3 =	vadd.s32 v15, v3;
	v62 =	vadd.s32 v6, v61;
	v4 =	vadd.s32 v60, v4  }
0xfb: {  	s2 =	ssub.s32 s2, s24;
	v63 =	vcvt.s32.f32 v10;
	v5 =	vadd.s32 v59, v62;
	v4 =	vadd.s32 v57, v4  }
0xfc: {  	s17 =	sadd.s32 $0x1, s17;
	v3 =	vcvt.s32.f32 v3;
	s2 =	sadd.s32 s2, s7;
	v5 =	vadd.s32 v19, v5;
	v4 =	vadd.s32 v54, v4  }
0xfd: {  	p0 =	sne.s32 s17, $0x4;
	v6 =	vmul.f32 v63, v1;
	s2 =	sshll.u32 s2, $0x7;
	v5 =	vadd.s32 v17, v5;
	v4 =	vcvt.s32.f32 v4  }
.Ltmp7:
0xfe: {  	v3 =	vmul.f32 v3, v1;
	s2 =	sand.u32 $0x3FFFFF80, s2;
	v5 =	vcvt.s32.f32 v5;
	(pc) =	sbr.rel @p0 .LBB2_8-.Ltmp7, $4  }
0xff: {  	[tilespmem:v2+s2+$0x0 ss:$0x1] =	vst.idx.msk $0xffff, v6;
	v4 =	vmul.f32 v4, v1  }
0x100: {  	[tilespmem:v2+s2+$0x10 ss:$0x1] =	vst.idx.msk $0xffff, v3;
	v3 =	vmul.f32 v5, v1  }
0x101: {  	[tilespmem:v2+s2+$0x20 ss:$0x1] =	vst.idx.msk $0xffff, v4  }
0x102: {  	s18 =	sadd.s32 $0x280, s18;
	[tilespmem:v2+s2+$0x30 ss:$0x1] =	vst.idx.msk $0xffff, v3  }
0x103: {  	p0 =	seq.s32 s13, $0x9  }
0x104: {  	s2 =	smul.u32 @!p0 $0x640, s13  }
0x105: {  	s7 =	sadd.s32 $0x2, s15  }
0x106: {  	s24 =	smulhi.u32 $0x51EB851F, s7;
	s2 =	sshra.s32 @!p0 s2, $0x2  }
0x107: {  	s17 =	simm.s32 @!p0 $0x50;
	s16 =	sadd.s32 @!p0 s2, s12  }
0x108: {  	s18 =	simm.s32 @!p0 $0x1F40;
	s25 =	sshrl.u32 s24, $0x3;
	s2 =	sadd.s32 @!p0 $0x190, s16  }
0x109: {  	[tilespmem:s18], [sflag:$0x1] =	stream.indirect.gather @!p0 [hbm4b:s4+s17], $0x20, s2, s17, $0xb8;
	[tilespmem:$0x8950] =	vst v63  }
0x10a: {  	s2 =	smul.u32 $0x19, s25  }
0x10b: {  	_ =	swait.ge [sflag:s1], $0xA00  }
0x10c: {  	s18 =	simm.s32 $0x0;
	[sflag:s1] =	ssyncset.done $0x0;
	s2 =	ssub.s32 s7, s2  }
0x10d: {  	s7 =	simm.s32 $0x3380;
	[sflag:s1] =	ssyncadd.s32 $0xFFFFF600;
	s17 =	sshll.u32 s2, $0x2  }
.LBB2_12:
0x10e: {  	v4 =	vmov s7;
	_ =	sdelay $0x3  }
0x10f: {  	s2 =	simm.s32 $0x0  }
0x110: {  	v12 =	vld.idx.msk [tilespmem:v4+s2+$0x20 ss:$0x1], $0xffff  }
0x111: {  	v11 =	vld.idx.msk [tilespmem:v4+s2+$0x30 ss:$0x1], $0xffff  }
0x112: {  	v10 =	vld.idx.msk [tilespmem:v4+s2+$0x0 ss:$0x1], $0xffff  }
0x113: {  	v8 =	vld.idx.msk [tilespmem:v4+s2+$0x10 ss:$0x1], $0xffff  }
0x114: {  	v3 =	vld.idx.msk [tilespmem:v4+s2+$0xFFFFFFC0 ss:$0x1], $0xffff  }
0x115: {  	v13 =	vimm.s32 $0x0;
	v14 =	vld.idx.msk [tilespmem:v4+s2+$0xFFFFFFE0 ss:$0x1], $0xffff  }
0x116: {  	s24 =	simm.s32 $0x200;
	v7 =	vimm.s32 $0x0;
	v5 =	vimm.s32 $0x0;
	v6 =	vimm.s32 $0x0;
	v9 =	vld.idx.msk [tilespmem:v4+s2+$0xFFFFFFF0 ss:$0x1], $0xffff  }
.LBB2_13:
0x117: {  	p1 =	sne.s32 s24, $0x800;
	v15 =	vld.idx.msk [tilespmem:v4+s2+$0xFFFFFFD0 ss:$0x1], $0xffff;
	v16 =	vunpack.i.u.s16.s32 v12;
	v17 =	vunpack.i.l.s16.s32 v12  }
0x118: {  	v18 =	vunpack.i.u.s16.s32 v10;
	v19 =	vunpack.i.u.s16.s32 v11;
	v20 =	vunpack.i.l.s16.s32 v11  }
0x119: {  	s2 =	sshra.s32 s24, $0x2;
	v21 =	vunpack.i.l.s16.s32 v10;
	v22 =	vunpack.i.u.s16.s32 v8;
	v11 =	vunpack.i.l.s16.s32 v3  }
0x11a: {  	v23 =	vunpack.i.l.s16.s32 v8;
	v10 =	vadd.s32 v13, v11;
	v13 =	vunpack.i.l.s16.s32 v14;
	v12 =	vld.idx.msk [tilespmem:v4+s2+$0x20 ss:$0x1], $0xffff  }
0x11b: {  	v24 =	vunpack.i.u.s16.s32 v14;
	v8 =	vadd.s32 v13, v10;
	v25 =	vunpack.i.u.s16.s32 v9;
	v11 =	vld.idx.msk [tilespmem:v4+s2+$0x30 ss:$0x1], $0xffff  }
0x11c: {  	v14 =	vunpack.i.u.s16.s32 v3;
	v9 =	vunpack.i.l.s16.s32 v9;
	v3 =	vadd.s32 v21, v8;
	v10 =	vld.idx.msk [tilespmem:v4+s2+$0x0 ss:$0x1], $0xffff  }
.Ltmp8:
0x11d: {  	v21 =	vunpack.i.u.s16.s32 v15;
	v15 =	vunpack.i.l.s16.s32 v15;
	v13 =	vadd.s32 v17, v3;
	v8 =	vld.idx.msk [tilespmem:v4+s2+$0x10 ss:$0x1], $0xffff;
	(pc) =	sbr.rel @p1 .LBB2_13-.Ltmp8, $4  }
0x11e: {  	v7 =	vadd.s32 v7, v14;
	v5 =	vadd.s32 v5, v15;
	v6 =	vadd.s32 v6, v21;
	v3 =	vld.idx.msk [tilespmem:v4+s2+$0xFFFFFFC0 ss:$0x1], $0xffff  }
0x11f: {  	v7 =	vadd.s32 v24, v7;
	v5 =	vadd.s32 v9, v5;
	v6 =	vadd.s32 v25, v6;
	v14 =	vld.idx.msk [tilespmem:v4+s2+$0xFFFFFFE0 ss:$0x1], $0xffff  }
0x120: {  	v7 =	vadd.s32 v18, v7;
	v5 =	vadd.s32 v23, v5;
	v6 =	vadd.s32 v22, v6;
	v9 =	vld.idx.msk [tilespmem:v4+s2+$0xFFFFFFF0 ss:$0x1], $0xffff  }
0x121: {  	s24 =	sadd.s32 $0x200, s24;
	v7 =	vadd.s32 v16, v7;
	v5 =	vadd.s32 v20, v5;
	v6 =	vadd.s32 v19, v6  }
0x122: {  	_ =	sdelay $0x2  }
0x123: {  	v15 =	vunpack.i.u.s16.s32 v12;
	v53 =	vunpack.i.l.s16.s32 v12;
	v16 =	vunpack.i.u.s16.s32 v10  }
0x124: {  	v4 =	vld.idx.msk [tilespmem:v4+s2+$0xFFFFFFD0 ss:$0x1], $0xffff;
	v17 =	vunpack.i.u.s16.s32 v11;
	v54 =	vunpack.i.l.s16.s32 v11;
	v55 =	vunpack.i.l.s16.s32 v10  }
0x125: {  	v19 =	vunpack.i.u.s16.s32 v8;
	v57 =	vunpack.i.l.s16.s32 v8;
	v18 =	vunpack.i.l.s16.s32 v3  }
0x126: {  	s2 =	sadd.s32 s17, s18;
	v3 =	vunpack.i.u.s16.s32 v3;
	v13 =	vadd.s32 v13, v18;
	v56 =	vunpack.i.l.s16.s32 v14  }
0x127: {  	s24 =	smulhi.u32 $0x51EB851F, s2;
	v58 =	vunpack.i.u.s16.s32 v14;
	v3 =	vadd.s32 v7, v3;
	v13 =	vadd.s32 v56, v13  }
0x128: {  	v59 =	vunpack.i.u.s16.s32 v9;
	v60 =	vunpack.i.l.s16.s32 v9;
	v3 =	vadd.s32 v58, v3  }
0x129: {  	s24 =	sshrl.u32 s24, $0x4;
	v10 =	vadd.s32 v55, v13;
	v61 =	vunpack.i.u.s16.s32 v4;
	v4 =	vunpack.i.l.s16.s32 v4  }
0x12a: {  	s25 =	smul.u32 $0x32, s24;
	v3 =	vadd.s32 v16, v3;
	v10 =	vadd.s32 v53, v10;
	v4 =	vadd.s32 v5, v4  }
0x12b: {  	s24 =	smul.u32 $0x38, s24;
	v3 =	vadd.s32 v15, v3;
	v62 =	vadd.s32 v6, v61;
	v4 =	vadd.s32 v60, v4  }
0x12c: {  	s2 =	ssub.s32 s2, s25;
	v63 =	vcvt.s32.f32 v10;
	v5 =	vadd.s32 v59, v62;
	v4 =	vadd.s32 v57, v4  }
0x12d: {  	s18 =	sadd.s32 $0x1, s18;
	v3 =	vcvt.s32.f32 v3;
	s2 =	sadd.s32 s2, s24;
	v5 =	vadd.s32 v19, v5;
	v4 =	vadd.s32 v54, v4  }
0x12e: {  	p1 =	sne.s32 s18, $0x4;
	v6 =	vmul.f32 v63, v1;
	s2 =	sshll.u32 s2, $0x7;
	v5 =	vadd.s32 v17, v5;
	v4 =	vcvt.s32.f32 v4  }
.Ltmp9:
0x12f: {  	v3 =	vmul.f32 v3, v1;
	s2 =	sand.u32 $0x3FFFFF80, s2;
	v5 =	vcvt.s32.f32 v5;
	(pc) =	sbr.rel @p1 .LBB2_12-.Ltmp9, $4  }
0x130: {  	[tilespmem:v2+s2+$0x0 ss:$0x1] =	vst.idx.msk $0xffff, v6;
	v4 =	vmul.f32 v4, v1  }
0x131: {  	[tilespmem:v2+s2+$0x10 ss:$0x1] =	vst.idx.msk $0xffff, v3;
	v3 =	vmul.f32 v5, v1  }
0x132: {  	[tilespmem:v2+s2+$0x20 ss:$0x1] =	vst.idx.msk $0xffff, v4  }
0x133: {  	s7 =	sadd.s32 $0x280, s7;
	[tilespmem:v2+s2+$0x30 ss:$0x1] =	vst.idx.msk $0xffff, v3  }
0x134: {  	s2 =	sadd.s32 @!p0 $0x1E0, s16;
	s7 =	sadd.s32 $0x3, s15  }
0x135: {  	s15 =	simm.s32 @!p0 $0x50;
	s17 =	simm.s32 @!p0 $0x2940;
	s18 =	smulhi.u32 $0x51EB851F, s7  }
0x136: {  	[tilespmem:s17], [sflag:$0x2] =	stream.indirect.gather @!p0 [hbm4b:s4+s15], $0x20, s2, s15, $0xb8;
	[tilespmem:$0x8950] =	vst v63  }
0x137: {  	s25 =	sshrl.u32 s18, $0x3  }
0x138: {  	s2 =	smul.u32 $0x19, s25  }
0x139: {  	_ =	swait.ge [sflag:s0], $0xA00  }
0x13a: {  	s17 =	simm.s32 $0x0;
	[sflag:s0] =	ssyncset.done $0x0;
	s2 =	ssub.s32 s7, s2  }
0x13b: {  	[sflag:s0] =	ssyncadd.s32 $0xFFFFF600;
	s7 =	simm.s32 $0x3D80;
	s15 =	sshll.u32 s2, $0x2  }
.LBB2_16:
0x13c: {  	v4 =	vmov s7;
	_ =	sdelay $0x3  }
0x13d: {  	s2 =	simm.s32 $0x0  }
0x13e: {  	v12 =	vld.idx.msk [tilespmem:v4+s2+$0x20 ss:$0x1], $0xffff  }
0x13f: {  	v11 =	vld.idx.msk [tilespmem:v4+s2+$0x30 ss:$0x1], $0xffff  }
0x140: {  	v10 =	vld.idx.msk [tilespmem:v4+s2+$0x0 ss:$0x1], $0xffff  }
0x141: {  	v8 =	vld.idx.msk [tilespmem:v4+s2+$0x10 ss:$0x1], $0xffff  }
0x142: {  	v3 =	vld.idx.msk [tilespmem:v4+s2+$0xFFFFFFC0 ss:$0x1], $0xffff  }
0x143: {  	v13 =	vimm.s32 $0x0;
	v14 =	vld.idx.msk [tilespmem:v4+s2+$0xFFFFFFE0 ss:$0x1], $0xffff  }
0x144: {  	s18 =	simm.s32 $0x200;
	v7 =	vimm.s32 $0x0;
	v5 =	vimm.s32 $0x0;
	v6 =	vimm.s32 $0x0;
	v9 =	vld.idx.msk [tilespmem:v4+s2+$0xFFFFFFF0 ss:$0x1], $0xffff  }
.LBB2_17:
0x145: {  	p1 =	sne.s32 s18, $0x800;
	v15 =	vld.idx.msk [tilespmem:v4+s2+$0xFFFFFFD0 ss:$0x1], $0xffff;
	v16 =	vunpack.i.u.s16.s32 v12;
	v17 =	vunpack.i.l.s16.s32 v12  }
0x146: {  	v18 =	vunpack.i.u.s16.s32 v10;
	v19 =	vunpack.i.u.s16.s32 v11;
	v20 =	vunpack.i.l.s16.s32 v11  }
0x147: {  	s2 =	sshra.s32 s18, $0x2;
	v21 =	vunpack.i.l.s16.s32 v10;
	v22 =	vunpack.i.u.s16.s32 v8;
	v11 =	vunpack.i.l.s16.s32 v3  }
0x148: {  	v23 =	vunpack.i.l.s16.s32 v8;
	v10 =	vadd.s32 v13, v11;
	v13 =	vunpack.i.l.s16.s32 v14;
	v12 =	vld.idx.msk [tilespmem:v4+s2+$0x20 ss:$0x1], $0xffff  }
0x149: {  	v24 =	vunpack.i.u.s16.s32 v14;
	v8 =	vadd.s32 v13, v10;
	v25 =	vunpack.i.u.s16.s32 v9;
	v11 =	vld.idx.msk [tilespmem:v4+s2+$0x30 ss:$0x1], $0xffff  }
0x14a: {  	v14 =	vunpack.i.u.s16.s32 v3;
	v9 =	vunpack.i.l.s16.s32 v9;
	v3 =	vadd.s32 v21, v8;
	v10 =	vld.idx.msk [tilespmem:v4+s2+$0x0 ss:$0x1], $0xffff  }
.Ltmp10:
0x14b: {  	v21 =	vunpack.i.u.s16.s32 v15;
	v15 =	vunpack.i.l.s16.s32 v15;
	v13 =	vadd.s32 v17, v3;
	v8 =	vld.idx.msk [tilespmem:v4+s2+$0x10 ss:$0x1], $0xffff;
	(pc) =	sbr.rel @p1 .LBB2_17-.Ltmp10, $4  }
0x14c: {  	v7 =	vadd.s32 v7, v14;
	v5 =	vadd.s32 v5, v15;
	v6 =	vadd.s32 v6, v21;
	v3 =	vld.idx.msk [tilespmem:v4+s2+$0xFFFFFFC0 ss:$0x1], $0xffff  }
0x14d: {  	v7 =	vadd.s32 v24, v7;
	v5 =	vadd.s32 v9, v5;
	v6 =	vadd.s32 v25, v6;
	v14 =	vld.idx.msk [tilespmem:v4+s2+$0xFFFFFFE0 ss:$0x1], $0xffff  }
0x14e: {  	v7 =	vadd.s32 v18, v7;
	v5 =	vadd.s32 v23, v5;
	v6 =	vadd.s32 v22, v6;
	v9 =	vld.idx.msk [tilespmem:v4+s2+$0xFFFFFFF0 ss:$0x1], $0xffff  }
0x14f: {  	s18 =	sadd.s32 $0x200, s18;
	v7 =	vadd.s32 v16, v7;
	v5 =	vadd.s32 v20, v5;
	v6 =	vadd.s32 v19, v6  }
0x150: {  	_ =	sdelay $0x2  }
0x151: {  	v15 =	vunpack.i.u.s16.s32 v12;
	v53 =	vunpack.i.l.s16.s32 v12;
	v16 =	vunpack.i.u.s16.s32 v10  }
0x152: {  	v4 =	vld.idx.msk [tilespmem:v4+s2+$0xFFFFFFD0 ss:$0x1], $0xffff;
	v17 =	vunpack.i.u.s16.s32 v11;
	v54 =	vunpack.i.l.s16.s32 v11;
	v55 =	vunpack.i.l.s16.s32 v10  }
0x153: {  	v19 =	vunpack.i.u.s16.s32 v8;
	v57 =	vunpack.i.l.s16.s32 v8;
	v18 =	vunpack.i.l.s16.s32 v3  }
0x154: {  	s25 =	sadd.s32 s15, s17;
	v3 =	vunpack.i.u.s16.s32 v3;
	v13 =	vadd.s32 v13, v18;
	v56 =	vunpack.i.l.s16.s32 v14  }
0x155: {  	s18 =	smulhi.u32 $0x51EB851F, s25;
	v58 =	vunpack.i.u.s16.s32 v14;
	v3 =	vadd.s32 v7, v3;
	v13 =	vadd.s32 v56, v13  }
0x156: {  	v59 =	vunpack.i.u.s16.s32 v9;
	v60 =	vunpack.i.l.s16.s32 v9;
	v3 =	vadd.s32 v58, v3  }
0x157: {  	s18 =	sshrl.u32 s18, $0x4;
	v10 =	vadd.s32 v55, v13;
	v61 =	vunpack.i.u.s16.s32 v4;
	v4 =	vunpack.i.l.s16.s32 v4  }
0x158: {  	s24 =	smul.u32 $0x32, s18;
	v3 =	vadd.s32 v16, v3;
	v10 =	vadd.s32 v53, v10;
	v4 =	vadd.s32 v5, v4  }
0x159: {  	s18 =	smul.u32 $0x38, s18;
	v3 =	vadd.s32 v15, v3;
	v62 =	vadd.s32 v6, v61;
	v4 =	vadd.s32 v60, v4  }
0x15a: {  	s2 =	ssub.s32 s25, s24;
	v63 =	vcvt.s32.f32 v10;
	v5 =	vadd.s32 v59, v62;
	v4 =	vadd.s32 v57, v4  }
0x15b: {  	s17 =	sadd.s32 $0x1, s17;
	v3 =	vcvt.s32.f32 v3;
	s2 =	sadd.s32 s2, s18;
	v5 =	vadd.s32 v19, v5;
	v4 =	vadd.s32 v54, v4  }
0x15c: {  	p1 =	sne.s32 s17, $0x4;
	v6 =	vmul.f32 v63, v1;
	s2 =	sshll.u32 s2, $0x7;
	v5 =	vadd.s32 v17, v5;
	v4 =	vcvt.s32.f32 v4  }
.Ltmp11:
0x15d: {  	v3 =	vmul.f32 v3, v1;
	s2 =	sand.u32 $0x3FFFFF80, s2;
	v5 =	vcvt.s32.f32 v5;
	(pc) =	sbr.rel @p1 .LBB2_16-.Ltmp11, $4  }
0x15e: {  	[tilespmem:v2+s2+$0x0 ss:$0x1] =	vst.idx.msk $0xffff, v6;
	v4 =	vmul.f32 v4, v1  }
0x15f: {  	[tilespmem:v2+s2+$0x10 ss:$0x1] =	vst.idx.msk $0xffff, v3;
	v3 =	vmul.f32 v5, v1  }
0x160: {  	[tilespmem:v2+s2+$0x20 ss:$0x1] =	vst.idx.msk $0xffff, v4  }
0x161: {  	s7 =	sadd.s32 $0x280, s7;
	[tilespmem:v2+s2+$0x30 ss:$0x1] =	vst.idx.msk $0xffff, v3  }
0x162: {  	s2 =	sadd.s32 @!p0 $0x230, s16  }
0x163: {  	s7 =	simm.s32 @!p0 $0x50;
	s15 =	simm.s32 @!p0 $0x3340;
	s24 =	smulhi.u32 $0x51EB851F, s14  }
0x164: {  	[tilespmem:s15], [sflag:$0x3] =	stream.indirect.gather @!p0 [hbm4b:s4+s7], $0x20, s2, s7, $0xb8;
	[tilespmem:$0x8950] =	vst v63  }
0x165: {  	s25 =	sshrl.u32 s24, $0x3  }
0x166: {  	s2 =	smul.u32 $0x19, s25  }
0x167: {  	_ =	swait.ge [sflag:s19], $0xA00  }
0x168: {  	s15 =	simm.s32 $0x0;
	[sflag:s19] =	ssyncset.done $0x0;
	s2 =	ssub.s32 s14, s2  }
0x169: {  	s7 =	simm.s32 $0x4780;
	[sflag:s19] =	ssyncadd.s32 $0xFFFFF600;
	s14 =	sshll.u32 s2, $0x2  }
.LBB2_20:
0x16a: {  	v4 =	vmov s7;
	_ =	sdelay $0x3  }
0x16b: {  	s2 =	simm.s32 $0x0  }
0x16c: {  	v12 =	vld.idx.msk [tilespmem:v4+s2+$0x20 ss:$0x1], $0xffff  }
0x16d: {  	v11 =	vld.idx.msk [tilespmem:v4+s2+$0x30 ss:$0x1], $0xffff  }
0x16e: {  	v10 =	vld.idx.msk [tilespmem:v4+s2+$0x0 ss:$0x1], $0xffff  }
0x16f: {  	v8 =	vld.idx.msk [tilespmem:v4+s2+$0x10 ss:$0x1], $0xffff  }
0x170: {  	v3 =	vld.idx.msk [tilespmem:v4+s2+$0xFFFFFFC0 ss:$0x1], $0xffff  }
0x171: {  	v13 =	vimm.s32 $0x0;
	v14 =	vld.idx.msk [tilespmem:v4+s2+$0xFFFFFFE0 ss:$0x1], $0xffff  }
0x172: {  	s16 =	simm.s32 $0x200;
	v7 =	vimm.s32 $0x0;
	v5 =	vimm.s32 $0x0;
	v6 =	vimm.s32 $0x0;
	v9 =	vld.idx.msk [tilespmem:v4+s2+$0xFFFFFFF0 ss:$0x1], $0xffff  }
.LBB2_21:
0x173: {  	p1 =	sne.s32 s16, $0x800;
	v15 =	vld.idx.msk [tilespmem:v4+s2+$0xFFFFFFD0 ss:$0x1], $0xffff;
	v16 =	vunpack.i.u.s16.s32 v12;
	v17 =	vunpack.i.l.s16.s32 v12  }
0x174: {  	v18 =	vunpack.i.u.s16.s32 v10;
	v19 =	vunpack.i.u.s16.s32 v11;
	v20 =	vunpack.i.l.s16.s32 v11  }
0x175: {  	s2 =	sshra.s32 s16, $0x2;
	v21 =	vunpack.i.l.s16.s32 v10;
	v22 =	vunpack.i.u.s16.s32 v8;
	v11 =	vunpack.i.l.s16.s32 v3  }
0x176: {  	v23 =	vunpack.i.l.s16.s32 v8;
	v10 =	vadd.s32 v13, v11;
	v13 =	vunpack.i.l.s16.s32 v14;
	v12 =	vld.idx.msk [tilespmem:v4+s2+$0x20 ss:$0x1], $0xffff  }
0x177: {  	v24 =	vunpack.i.u.s16.s32 v14;
	v8 =	vadd.s32 v13, v10;
	v25 =	vunpack.i.u.s16.s32 v9;
	v11 =	vld.idx.msk [tilespmem:v4+s2+$0x30 ss:$0x1], $0xffff  }
0x178: {  	v14 =	vunpack.i.u.s16.s32 v3;
	v9 =	vunpack.i.l.s16.s32 v9;
	v3 =	vadd.s32 v21, v8;
	v10 =	vld.idx.msk [tilespmem:v4+s2+$0x0 ss:$0x1], $0xffff  }
.Ltmp12:
0x179: {  	v21 =	vunpack.i.u.s16.s32 v15;
	v15 =	vunpack.i.l.s16.s32 v15;
	v13 =	vadd.s32 v17, v3;
	v8 =	vld.idx.msk [tilespmem:v4+s2+$0x10 ss:$0x1], $0xffff;
	(pc) =	sbr.rel @p1 .LBB2_21-.Ltmp12, $4  }
0x17a: {  	v7 =	vadd.s32 v7, v14;
	v5 =	vadd.s32 v5, v15;
	v6 =	vadd.s32 v6, v21;
	v3 =	vld.idx.msk [tilespmem:v4+s2+$0xFFFFFFC0 ss:$0x1], $0xffff  }
0x17b: {  	v7 =	vadd.s32 v24, v7;
	v5 =	vadd.s32 v9, v5;
	v6 =	vadd.s32 v25, v6;
	v14 =	vld.idx.msk [tilespmem:v4+s2+$0xFFFFFFE0 ss:$0x1], $0xffff  }
0x17c: {  	v7 =	vadd.s32 v18, v7;
	v5 =	vadd.s32 v23, v5;
	v6 =	vadd.s32 v22, v6;
	v9 =	vld.idx.msk [tilespmem:v4+s2+$0xFFFFFFF0 ss:$0x1], $0xffff  }
0x17d: {  	s16 =	sadd.s32 $0x200, s16;
	v7 =	vadd.s32 v16, v7;
	v5 =	vadd.s32 v20, v5;
	v6 =	vadd.s32 v19, v6  }
0x17e: {  	_ =	sdelay $0x2  }
0x17f: {  	v15 =	vunpack.i.u.s16.s32 v12;
	v53 =	vunpack.i.l.s16.s32 v12;
	v16 =	vunpack.i.u.s16.s32 v10  }
0x180: {  	v4 =	vld.idx.msk [tilespmem:v4+s2+$0xFFFFFFD0 ss:$0x1], $0xffff;
	v17 =	vunpack.i.u.s16.s32 v11;
	v54 =	vunpack.i.l.s16.s32 v11;
	v55 =	vunpack.i.l.s16.s32 v10  }
0x181: {  	v19 =	vunpack.i.u.s16.s32 v8;
	v57 =	vunpack.i.l.s16.s32 v8;
	v18 =	vunpack.i.l.s16.s32 v3  }
0x182: {  	s25 =	sadd.s32 s14, s15;
	v3 =	vunpack.i.u.s16.s32 v3;
	v13 =	vadd.s32 v13, v18;
	v56 =	vunpack.i.l.s16.s32 v14  }
0x183: {  	s16 =	smulhi.u32 $0x51EB851F, s25;
	v58 =	vunpack.i.u.s16.s32 v14;
	v3 =	vadd.s32 v7, v3;
	v13 =	vadd.s32 v56, v13  }
0x184: {  	v59 =	vunpack.i.u.s16.s32 v9;
	v60 =	vunpack.i.l.s16.s32 v9;
	v3 =	vadd.s32 v58, v3  }
0x185: {  	s16 =	sshrl.u32 s16, $0x4;
	v10 =	vadd.s32 v55, v13;
	v61 =	vunpack.i.u.s16.s32 v4;
	v4 =	vunpack.i.l.s16.s32 v4  }
0x186: {  	s17 =	smul.u32 $0x32, s16;
	v3 =	vadd.s32 v16, v3;
	v10 =	vadd.s32 v53, v10;
	v4 =	vadd.s32 v5, v4  }
0x187: {  	s16 =	smul.u32 $0x38, s16;
	v3 =	vadd.s32 v15, v3;
	v62 =	vadd.s32 v6, v61;
	v4 =	vadd.s32 v60, v4  }
0x188: {  	s2 =	ssub.s32 s25, s17;
	v63 =	vcvt.s32.f32 v10;
	v5 =	vadd.s32 v59, v62;
	v4 =	vadd.s32 v57, v4  }
0x189: {  	s15 =	sadd.s32 $0x1, s15;
	v3 =	vcvt.s32.f32 v3;
	s2 =	sadd.s32 s2, s16;
	v5 =	vadd.s32 v19, v5;
	v4 =	vadd.s32 v54, v4  }
0x18a: {  	p1 =	sne.s32 s15, $0x4;
	v6 =	vmul.f32 v63, v1;
	s2 =	sshll.u32 s2, $0x7;
	v5 =	vadd.s32 v17, v5;
	v4 =	vcvt.s32.f32 v4  }
.Ltmp13:
0x18b: {  	v3 =	vmul.f32 v3, v1;
	s2 =	sand.u32 $0x3FFFFF80, s2;
	v5 =	vcvt.s32.f32 v5;
	(pc) =	sbr.rel @p1 .LBB2_20-.Ltmp13, $4  }
0x18c: {  	[tilespmem:v2+s2+$0x0 ss:$0x1] =	vst.idx.msk $0xffff, v6;
	v4 =	vmul.f32 v4, v1  }
0x18d: {  	[tilespmem:v2+s2+$0x10 ss:$0x1] =	vst.idx.msk $0xffff, v3;
	v3 =	vmul.f32 v5, v1  }
0x18e: {  	[tilespmem:v2+s2+$0x20 ss:$0x1] =	vst.idx.msk $0xffff, v4  }
0x18f: {  	s7 =	sadd.s32 $0x280, s7;
	[tilespmem:v2+s2+$0x30 ss:$0x1] =	vst.idx.msk $0xffff, v3  }
.Ltmp14:
0x190: {  	(pc) =	sbr.rel @p0 .LBB2_25-.Ltmp14, $1  }
0x191: {  	_ =	sdelay $0x3  }
0x192: {  	s2 =	smul.u32 $0x640, s13  }
.Ltmp15:
0x193: {  	_ = 	snop;
	(pc) =	sbr.rel .LBB2_3-.Ltmp15, $4  }
0x194: {  	s2 =	sshra.s32 s2, $0x2  }
0x195: {  	s2 =	sadd.s32 s2, s12  }
0x196: {  	s13 =	sadd.s32 $0x1, s13;
	s2 =	sadd.s32 $0x280, s2  }
0x197: {  	[tilespmem:s28], [sflag:$0x4] =	stream.indirect.gather [hbm4b:s4+s23], $0x20, s2, s23, $0xb8;
	[tilespmem:$0x8950] =	vst v63  }
.LBB2_26:
0x198: {  	s10 =	simm.s32 $0x0;
	s2 =	rddreg [dreg:$0x6]  }
0x199: {  	[tilespmem:s10], [sflag:$0x6] =	stream.linear.gather [hbm4b:s2+s10], $0x280, $0x38;
	[tilespmem:$0x8950] =	vst v63  }
0x19a: {  	s16 =	rddreg [dreg:$0x7];
	s17 =	simm.s32 $0x280  }
0x19b: {  	[tilespmem:s17], [sflag:$0x6] =	stream.linear.gather [hbm4b:s16+s10], $0x280, $0x38;
	[tilespmem:$0x8950] =	vst v63  }
0x19c: {  	_ =	swait.ge [sflag:s22], $0x280  }
0x19d: {  	[sflag:s22] =	ssyncset.done $0x0  }
0x19e: {  	[sflag:s22] =	ssyncadd.s32 $0xFFFFFD80  }
0x19f: {  	_ =	swait.ge [sflag:s22], $0x280  }
0x1a0: {  	[sflag:s22] =	ssyncset.done $0x0  }
0x1a1: {  	s18 =	simm.s32 $0x1F40;
	[sflag:s22] =	ssyncadd.s32 $0xFFFFFD80  }
0x1a2: {  	[tilespmem:s18], [sflag:$0x1] =	stream.indirect.gather [hbm4b:s4+s23], $0x20, s10, s23, $0xb8;
	[tilespmem:$0x8950] =	vst v63  }
0x1a3: {  	s24 =	simm.s32 $0x2940  }
0x1a4: {  	[tilespmem:s24], [sflag:$0x2] =	stream.indirect.gather [hbm4b:s4+s23], $0x20, s23, s23, $0xb8;
	[tilespmem:$0x8950] =	vst v63  }
0x1a5: {  	s25 =	simm.s32 $0xA0  }
0x1a6: {  	[tilespmem:s26], [sflag:$0x3] =	stream.indirect.gather [hbm4b:s4+s23], $0x20, s25, s23, $0xb8;
	[tilespmem:$0x8950] =	vst v63  }
.LBB2_27:
0x1a7: {  	s2 =	sshll.u32 s10, $0x5  }
0x1a8: {  	_ =	swait.ge [sflag:s29], $0xA00;
	s25 =	sshll.u32 s10, $0x4;
	s11 =	sand.u32 $0x40, s2  }
0x1a9: {  	s7 =	simm.s32 $0x1F80;
	[sflag:s29] =	ssyncset.done $0x0;
	s13 =	sadd.s32 $0x5140, s11  }
0x1aa: {  	s12 =	sand.u32 $0x10, s25;
	[sflag:s29] =	ssyncadd.s32 $0xFFFFF600;
	v2 =	vmov s13;
	s13 =	simm.s32 $0x0  }
.LBB2_28:
0x1ab: {  	v3 =	vmov s7;
	_ =	sdelay $0x3  }
0x1ac: {  	s2 =	simm.s32 $0x0  }
0x1ad: {  	v11 =	vld.idx.msk [tilespmem:v3+s2+$0x20 ss:$0x1], $0xffff  }
0x1ae: {  	v10 =	vld.idx.msk [tilespmem:v3+s2+$0x30 ss:$0x1], $0xffff  }
0x1af: {  	v9 =	vld.idx.msk [tilespmem:v3+s2+$0x0 ss:$0x1], $0xffff  }
0x1b0: {  	v8 =	vld.idx.msk [tilespmem:v3+s2+$0x10 ss:$0x1], $0xffff  }
0x1b1: {  	v4 =	vld.idx.msk [tilespmem:v3+s2+$0xFFFFFFC0 ss:$0x1], $0xffff  }
0x1b2: {  	v13 =	vimm.s32 $0x0;
	v14 =	vld.idx.msk [tilespmem:v3+s2+$0xFFFFFFE0 ss:$0x1], $0xffff  }
0x1b3: {  	s14 =	simm.s32 $0x200;
	v5 =	vimm.s32 $0x0;
	v6 =	vimm.s32 $0x0;
	v7 =	vimm.s32 $0x0;
	v12 =	vld.idx.msk [tilespmem:v3+s2+$0xFFFFFFF0 ss:$0x1], $0xffff  }
.LBB2_29:
0x1b4: {  	p0 =	sne.s32 s14, $0x800;
	v15 =	vld.idx.msk [tilespmem:v3+s2+$0xFFFFFFD0 ss:$0x1], $0xffff;
	v16 =	vunpack.i.u.s16.s32 v11;
	v17 =	vunpack.i.l.s16.s32 v11  }
0x1b5: {  	v18 =	vunpack.i.u.s16.s32 v9;
	v19 =	vunpack.i.u.s16.s32 v10;
	v20 =	vunpack.i.l.s16.s32 v10  }
0x1b6: {  	s2 =	sshra.s32 s14, $0x2;
	v21 =	vunpack.i.l.s16.s32 v9;
	v22 =	vunpack.i.u.s16.s32 v8;
	v10 =	vunpack.i.l.s16.s32 v4  }
0x1b7: {  	v23 =	vunpack.i.l.s16.s32 v8;
	v9 =	vadd.s32 v13, v10;
	v13 =	vunpack.i.l.s16.s32 v14;
	v11 =	vld.idx.msk [tilespmem:v3+s2+$0x20 ss:$0x1], $0xffff  }
0x1b8: {  	v24 =	vunpack.i.u.s16.s32 v14;
	v8 =	vadd.s32 v13, v9;
	v25 =	vunpack.i.u.s16.s32 v12;
	v10 =	vld.idx.msk [tilespmem:v3+s2+$0x30 ss:$0x1], $0xffff  }
0x1b9: {  	v14 =	vunpack.i.u.s16.s32 v4;
	v12 =	vunpack.i.l.s16.s32 v12;
	v4 =	vadd.s32 v21, v8;
	v9 =	vld.idx.msk [tilespmem:v3+s2+$0x0 ss:$0x1], $0xffff  }
.Ltmp16:
0x1ba: {  	v21 =	vunpack.i.u.s16.s32 v15;
	v15 =	vunpack.i.l.s16.s32 v15;
	v13 =	vadd.s32 v17, v4;
	v8 =	vld.idx.msk [tilespmem:v3+s2+$0x10 ss:$0x1], $0xffff;
	(pc) =	sbr.rel @p0 .LBB2_29-.Ltmp16, $4  }
0x1bb: {  	v5 =	vadd.s32 v5, v14;
	v6 =	vadd.s32 v6, v15;
	v7 =	vadd.s32 v7, v21;
	v4 =	vld.idx.msk [tilespmem:v3+s2+$0xFFFFFFC0 ss:$0x1], $0xffff  }
0x1bc: {  	v5 =	vadd.s32 v24, v5;
	v6 =	vadd.s32 v12, v6;
	v7 =	vadd.s32 v25, v7;
	v14 =	vld.idx.msk [tilespmem:v3+s2+$0xFFFFFFE0 ss:$0x1], $0xffff  }
0x1bd: {  	v5 =	vadd.s32 v18, v5;
	v6 =	vadd.s32 v23, v6;
	v7 =	vadd.s32 v22, v7;
	v12 =	vld.idx.msk [tilespmem:v3+s2+$0xFFFFFFF0 ss:$0x1], $0xffff  }
0x1be: {  	s14 =	sadd.s32 $0x200, s14;
	v5 =	vadd.s32 v16, v5;
	v6 =	vadd.s32 v20, v6;
	v7 =	vadd.s32 v19, v7  }
0x1bf: {  	_ =	sdelay $0x2  }
0x1c0: {  	v15 =	vunpack.i.u.s16.s32 v11;
	v51 =	vunpack.i.l.s16.s32 v11;
	v16 =	vunpack.i.u.s16.s32 v9  }
0x1c1: {  	v3 =	vld.idx.msk [tilespmem:v3+s2+$0xFFFFFFD0 ss:$0x1], $0xffff;
	v17 =	vunpack.i.u.s16.s32 v10;
	v52 =	vunpack.i.l.s16.s32 v10;
	v53 =	vunpack.i.l.s16.s32 v9  }
0x1c2: {  	v19 =	vunpack.i.u.s16.s32 v8;
	v55 =	vunpack.i.l.s16.s32 v8;
	v18 =	vunpack.i.l.s16.s32 v4  }
0x1c3: {  	v58 =	vunpack.i.u.s16.s32 v4;
	v13 =	vadd.s32 v13, v18;
	v54 =	vunpack.i.l.s16.s32 v14  }
0x1c4: {  	v56 =	vunpack.i.u.s16.s32 v14;
	v4 =	vadd.s32 v5, v58;
	v13 =	vadd.s32 v54, v13  }
0x1c5: {  	v57 =	vunpack.i.u.s16.s32 v12;
	v59 =	vunpack.i.l.s16.s32 v12;
	v4 =	vadd.s32 v56, v4  }
0x1c6: {  	v9 =	vadd.s32 v53, v13;
	v60 =	vunpack.i.u.s16.s32 v3;
	v3 =	vunpack.i.l.s16.s32 v3  }
0x1c7: {  	v4 =	vadd.s32 v16, v4;
	v9 =	vadd.s32 v51, v9;
	v3 =	vadd.s32 v6, v3  }
0x1c8: {  	v4 =	vadd.s32 v15, v4;
	v61 =	vadd.s32 v7, v60;
	v3 =	vadd.s32 v59, v3  }
0x1c9: {  	v62 =	vcvt.s32.f32 v9;
	v5 =	vadd.s32 v57, v61;
	v3 =	vadd.s32 v55, v3  }
0x1ca: {  	s25 =	sadd.s32 s12, s13;
	s13 =	sadd.s32 $0x1, s13;
	v4 =	vcvt.s32.f32 v4;
	v5 =	vadd.s32 v19, v5;
	v3 =	vadd.s32 v52, v3  }
0x1cb: {  	s2 =	sshll.u32 s25, $0x7;
	p0 =	sne.s32 s13, $0x4;
	v6 =	vmul.f32 v62, v1;
	v5 =	vadd.s32 v17, v5;
	v3 =	vcvt.s32.f32 v3  }
.Ltmp17:
0x1cc: {  	s2 =	sand.u32 $0x3FFFFF80, s2;
	v4 =	vmul.f32 v4, v1;
	v5 =	vcvt.s32.f32 v5;
	(pc) =	sbr.rel @p0 .LBB2_28-.Ltmp17, $4  }
0x1cd: {  	[tilespmem:v2+s2+$0x0 ss:$0x1] =	vst.idx.msk $0xffff, v6;
	v3 =	vmul.f32 v3, v1  }
0x1ce: {  	[tilespmem:v2+s2+$0x10 ss:$0x1] =	vst.idx.msk $0xffff, v4;
	v63 =	vmul.f32 v5, v1  }
0x1cf: {  	[tilespmem:v2+s2+$0x20 ss:$0x1] =	vst.idx.msk $0xffff, v3  }
0x1d0: {  	s7 =	sadd.s32 $0x280, s7;
	[tilespmem:v2+s2+$0x30 ss:$0x1] =	vst.idx.msk $0xffff, v63  }
0x1d1: {  	s13 =	sshllo.u32 s10, $0x2  }
0x1d2: {  	s2 =	smul.u32 $0x140, s13;
	_ =	sdelay $0x1  }
0x1d3: {  	s2 =	sshra.s32 s2, $0x2  }
0x1d4: {  	[tilespmem:s28], [sflag:$0x4] =	stream.indirect.gather [hbm4b:s4+s23], $0x20, s2, s23, $0xb8;
	[tilespmem:$0x8950] =	vst v63  }
0x1d5: {  	_ =	swait.ge [sflag:s31], $0xA00  }
0x1d6: {  	[sflag:s31] =	ssyncset.done $0x0  }
0x1d7: {  	s7 =	simm.s32 $0x0;
	s14 =	simm.s32 $0x2980;
	[sflag:s31] =	ssyncadd.s32 $0xFFFFF600  }
.LBB2_32:
0x1d8: {  	v3 =	vmov s14;
	_ =	sdelay $0x3  }
0x1d9: {  	s2 =	simm.s32 $0x0  }
0x1da: {  	v11 =	vld.idx.msk [tilespmem:v3+s2+$0x20 ss:$0x1], $0xffff  }
0x1db: {  	v10 =	vld.idx.msk [tilespmem:v3+s2+$0x30 ss:$0x1], $0xffff  }
0x1dc: {  	v9 =	vld.idx.msk [tilespmem:v3+s2+$0x0 ss:$0x1], $0xffff  }
0x1dd: {  	v8 =	vld.idx.msk [tilespmem:v3+s2+$0x10 ss:$0x1], $0xffff  }
0x1de: {  	v4 =	vld.idx.msk [tilespmem:v3+s2+$0xFFFFFFC0 ss:$0x1], $0xffff  }
0x1df: {  	v13 =	vimm.s32 $0x0;
	v14 =	vld.idx.msk [tilespmem:v3+s2+$0xFFFFFFE0 ss:$0x1], $0xffff  }
0x1e0: {  	s15 =	simm.s32 $0x200;
	v5 =	vimm.s32 $0x0;
	v6 =	vimm.s32 $0x0;
	v7 =	vimm.s32 $0x0;
	v12 =	vld.idx.msk [tilespmem:v3+s2+$0xFFFFFFF0 ss:$0x1], $0xffff  }
.LBB2_33:
0x1e1: {  	p0 =	sne.s32 s15, $0x800;
	v15 =	vld.idx.msk [tilespmem:v3+s2+$0xFFFFFFD0 ss:$0x1], $0xffff;
	v16 =	vunpack.i.u.s16.s32 v11;
	v17 =	vunpack.i.l.s16.s32 v11  }
0x1e2: {  	v18 =	vunpack.i.u.s16.s32 v9;
	v19 =	vunpack.i.u.s16.s32 v10;
	v20 =	vunpack.i.l.s16.s32 v10  }
0x1e3: {  	s2 =	sshra.s32 s15, $0x2;
	v21 =	vunpack.i.l.s16.s32 v9;
	v22 =	vunpack.i.u.s16.s32 v8;
	v10 =	vunpack.i.l.s16.s32 v4  }
0x1e4: {  	v23 =	vunpack.i.l.s16.s32 v8;
	v9 =	vadd.s32 v13, v10;
	v13 =	vunpack.i.l.s16.s32 v14;
	v11 =	vld.idx.msk [tilespmem:v3+s2+$0x20 ss:$0x1], $0xffff  }
0x1e5: {  	v24 =	vunpack.i.u.s16.s32 v14;
	v8 =	vadd.s32 v13, v9;
	v25 =	vunpack.i.u.s16.s32 v12;
	v10 =	vld.idx.msk [tilespmem:v3+s2+$0x30 ss:$0x1], $0xffff  }
0x1e6: {  	v14 =	vunpack.i.u.s16.s32 v4;
	v12 =	vunpack.i.l.s16.s32 v12;
	v4 =	vadd.s32 v21, v8;
	v9 =	vld.idx.msk [tilespmem:v3+s2+$0x0 ss:$0x1], $0xffff  }
.Ltmp18:
0x1e7: {  	v21 =	vunpack.i.u.s16.s32 v15;
	v15 =	vunpack.i.l.s16.s32 v15;
	v13 =	vadd.s32 v17, v4;
	v8 =	vld.idx.msk [tilespmem:v3+s2+$0x10 ss:$0x1], $0xffff;
	(pc) =	sbr.rel @p0 .LBB2_33-.Ltmp18, $4  }
0x1e8: {  	v5 =	vadd.s32 v5, v14;
	v6 =	vadd.s32 v6, v15;
	v7 =	vadd.s32 v7, v21;
	v4 =	vld.idx.msk [tilespmem:v3+s2+$0xFFFFFFC0 ss:$0x1], $0xffff  }
0x1e9: {  	v5 =	vadd.s32 v24, v5;
	v6 =	vadd.s32 v12, v6;
	v7 =	vadd.s32 v25, v7;
	v14 =	vld.idx.msk [tilespmem:v3+s2+$0xFFFFFFE0 ss:$0x1], $0xffff  }
0x1ea: {  	v5 =	vadd.s32 v18, v5;
	v6 =	vadd.s32 v23, v6;
	v7 =	vadd.s32 v22, v7;
	v12 =	vld.idx.msk [tilespmem:v3+s2+$0xFFFFFFF0 ss:$0x1], $0xffff  }
0x1eb: {  	s15 =	sadd.s32 $0x200, s15;
	v5 =	vadd.s32 v16, v5;
	v6 =	vadd.s32 v20, v6;
	v7 =	vadd.s32 v19, v7  }
0x1ec: {  	_ =	sdelay $0x2  }
0x1ed: {  	v15 =	vunpack.i.u.s16.s32 v11;
	v51 =	vunpack.i.l.s16.s32 v11;
	v16 =	vunpack.i.u.s16.s32 v9  }
0x1ee: {  	v3 =	vld.idx.msk [tilespmem:v3+s2+$0xFFFFFFD0 ss:$0x1], $0xffff;
	v17 =	vunpack.i.u.s16.s32 v10;
	v52 =	vunpack.i.l.s16.s32 v10;
	v53 =	vunpack.i.l.s16.s32 v9  }
0x1ef: {  	v19 =	vunpack.i.u.s16.s32 v8;
	v55 =	vunpack.i.l.s16.s32 v8;
	v18 =	vunpack.i.l.s16.s32 v4  }
0x1f0: {  	v58 =	vunpack.i.u.s16.s32 v4;
	v13 =	vadd.s32 v13, v18;
	v54 =	vunpack.i.l.s16.s32 v14  }
0x1f1: {  	v56 =	vunpack.i.u.s16.s32 v14;
	v4 =	vadd.s32 v5, v58;
	v13 =	vadd.s32 v54, v13  }
0x1f2: {  	v57 =	vunpack.i.u.s16.s32 v12;
	v59 =	vunpack.i.l.s16.s32 v12;
	v4 =	vadd.s32 v56, v4  }
0x1f3: {  	v9 =	vadd.s32 v53, v13;
	v60 =	vunpack.i.u.s16.s32 v3;
	v3 =	vunpack.i.l.s16.s32 v3  }
0x1f4: {  	v4 =	vadd.s32 v16, v4;
	v9 =	vadd.s32 v51, v9;
	v3 =	vadd.s32 v6, v3  }
0x1f5: {  	v4 =	vadd.s32 v15, v4;
	v61 =	vadd.s32 v7, v60;
	v3 =	vadd.s32 v59, v3  }
0x1f6: {  	s25 =	sadd.s32 s12, s7;
	v62 =	vcvt.s32.f32 v9;
	v5 =	vadd.s32 v57, v61;
	v3 =	vadd.s32 v55, v3  }
0x1f7: {  	s7 =	sadd.s32 $0x1, s7;
	s2 =	sshll.u32 s25, $0x7;
	v4 =	vcvt.s32.f32 v4;
	v5 =	vadd.s32 v19, v5;
	v3 =	vadd.s32 v52, v3  }
0x1f8: {  	p0 =	sne.s32 s7, $0x4;
	s2 =	sand.u32 $0x3FFFFF80, s2;
	v6 =	vmul.f32 v62, v1;
	v5 =	vadd.s32 v17, v5;
	v3 =	vcvt.s32.f32 v3  }
.Ltmp19:
0x1f9: {  	s2 =	sor.u32 s11, s2;
	v4 =	vmul.f32 v4, v1;
	v5 =	vcvt.s32.f32 v5;
	(pc) =	sbr.rel @p0 .LBB2_32-.Ltmp19, $4  }
0x1fa: {  	[tilespmem:s2+$0x5340] =	vst v6;
	v3 =	vmul.f32 v3, v1  }
0x1fb: {  	[tilespmem:s2+$0x5350] =	vst v4;
	v63 =	vmul.f32 v5, v1  }
0x1fc: {  	[tilespmem:s2+$0x5360] =	vst v3  }
0x1fd: {  	s14 =	sadd.s32 $0x280, s14;
	[tilespmem:s2+$0x5370] =	vst v63  }
0x1fe: {  	p0 =	seq.s32 s10, $0x3  }
0x1ff: {  	s2 =	smul.u32 @!p0 $0x500, s10;
	_ =	sdelay $0x1  }
0x200: {  	s14 =	sshra.s32 @!p0 s2, $0x2  }
0x201: {  	s7 =	simm.s32 @!p0 $0x50;
	s15 =	simm.s32 @!p0 $0x1F40;
	s2 =	sadd.s32 @!p0 $0x140, s14  }
0x202: {  	[tilespmem:s15], [sflag:$0x1] =	stream.indirect.gather @!p0 [hbm4b:s4+s7], $0x20, s2, s7, $0xb8;
	[tilespmem:$0x8950] =	vst v63  }
0x203: {  	_ =	swait.ge [sflag:s1], $0xA00  }
0x204: {  	[sflag:s1] =	ssyncset.done $0x0  }
0x205: {  	s7 =	simm.s32 $0x0;
	s15 =	simm.s32 $0x3380;
	[sflag:s1] =	ssyncadd.s32 $0xFFFFF600  }
.LBB2_36:
0x206: {  	v3 =	vmov s15;
	_ =	sdelay $0x3  }
0x207: {  	s2 =	simm.s32 $0x0  }
0x208: {  	v11 =	vld.idx.msk [tilespmem:v3+s2+$0x20 ss:$0x1], $0xffff  }
0x209: {  	v10 =	vld.idx.msk [tilespmem:v3+s2+$0x30 ss:$0x1], $0xffff  }
0x20a: {  	v9 =	vld.idx.msk [tilespmem:v3+s2+$0x0 ss:$0x1], $0xffff  }
0x20b: {  	v8 =	vld.idx.msk [tilespmem:v3+s2+$0x10 ss:$0x1], $0xffff  }
0x20c: {  	v4 =	vld.idx.msk [tilespmem:v3+s2+$0xFFFFFFC0 ss:$0x1], $0xffff  }
0x20d: {  	v13 =	vimm.s32 $0x0;
	v14 =	vld.idx.msk [tilespmem:v3+s2+$0xFFFFFFE0 ss:$0x1], $0xffff  }
0x20e: {  	s16 =	simm.s32 $0x200;
	v5 =	vimm.s32 $0x0;
	v6 =	vimm.s32 $0x0;
	v7 =	vimm.s32 $0x0;
	v12 =	vld.idx.msk [tilespmem:v3+s2+$0xFFFFFFF0 ss:$0x1], $0xffff  }
.LBB2_37:
0x20f: {  	p1 =	sne.s32 s16, $0x800;
	v15 =	vld.idx.msk [tilespmem:v3+s2+$0xFFFFFFD0 ss:$0x1], $0xffff;
	v16 =	vunpack.i.u.s16.s32 v11;
	v17 =	vunpack.i.l.s16.s32 v11  }
0x210: {  	v18 =	vunpack.i.u.s16.s32 v9;
	v19 =	vunpack.i.u.s16.s32 v10;
	v20 =	vunpack.i.l.s16.s32 v10  }
0x211: {  	s2 =	sshra.s32 s16, $0x2;
	v21 =	vunpack.i.l.s16.s32 v9;
	v22 =	vunpack.i.u.s16.s32 v8;
	v10 =	vunpack.i.l.s16.s32 v4  }
0x212: {  	v23 =	vunpack.i.l.s16.s32 v8;
	v9 =	vadd.s32 v13, v10;
	v13 =	vunpack.i.l.s16.s32 v14;
	v11 =	vld.idx.msk [tilespmem:v3+s2+$0x20 ss:$0x1], $0xffff  }
0x213: {  	v24 =	vunpack.i.u.s16.s32 v14;
	v8 =	vadd.s32 v13, v9;
	v25 =	vunpack.i.u.s16.s32 v12;
	v10 =	vld.idx.msk [tilespmem:v3+s2+$0x30 ss:$0x1], $0xffff  }
0x214: {  	v14 =	vunpack.i.u.s16.s32 v4;
	v12 =	vunpack.i.l.s16.s32 v12;
	v4 =	vadd.s32 v21, v8;
	v9 =	vld.idx.msk [tilespmem:v3+s2+$0x0 ss:$0x1], $0xffff  }
.Ltmp20:
0x215: {  	v21 =	vunpack.i.u.s16.s32 v15;
	v15 =	vunpack.i.l.s16.s32 v15;
	v13 =	vadd.s32 v17, v4;
	v8 =	vld.idx.msk [tilespmem:v3+s2+$0x10 ss:$0x1], $0xffff;
	(pc) =	sbr.rel @p1 .LBB2_37-.Ltmp20, $4  }
0x216: {  	v5 =	vadd.s32 v5, v14;
	v6 =	vadd.s32 v6, v15;
	v7 =	vadd.s32 v7, v21;
	v4 =	vld.idx.msk [tilespmem:v3+s2+$0xFFFFFFC0 ss:$0x1], $0xffff  }
0x217: {  	v5 =	vadd.s32 v24, v5;
	v6 =	vadd.s32 v12, v6;
	v7 =	vadd.s32 v25, v7;
	v14 =	vld.idx.msk [tilespmem:v3+s2+$0xFFFFFFE0 ss:$0x1], $0xffff  }
0x218: {  	v5 =	vadd.s32 v18, v5;
	v6 =	vadd.s32 v23, v6;
	v7 =	vadd.s32 v22, v7;
	v12 =	vld.idx.msk [tilespmem:v3+s2+$0xFFFFFFF0 ss:$0x1], $0xffff  }
0x219: {  	s16 =	sadd.s32 $0x200, s16;
	v5 =	vadd.s32 v16, v5;
	v6 =	vadd.s32 v20, v6;
	v7 =	vadd.s32 v19, v7  }
0x21a: {  	_ =	sdelay $0x2  }
0x21b: {  	v15 =	vunpack.i.u.s16.s32 v11;
	v51 =	vunpack.i.l.s16.s32 v11;
	v16 =	vunpack.i.u.s16.s32 v9  }
0x21c: {  	v3 =	vld.idx.msk [tilespmem:v3+s2+$0xFFFFFFD0 ss:$0x1], $0xffff;
	v17 =	vunpack.i.u.s16.s32 v10;
	v52 =	vunpack.i.l.s16.s32 v10;
	v53 =	vunpack.i.l.s16.s32 v9  }
0x21d: {  	v19 =	vunpack.i.u.s16.s32 v8;
	v55 =	vunpack.i.l.s16.s32 v8;
	v18 =	vunpack.i.l.s16.s32 v4  }
0x21e: {  	v58 =	vunpack.i.u.s16.s32 v4;
	v13 =	vadd.s32 v13, v18;
	v54 =	vunpack.i.l.s16.s32 v14  }
0x21f: {  	v56 =	vunpack.i.u.s16.s32 v14;
	v4 =	vadd.s32 v5, v58;
	v13 =	vadd.s32 v54, v13  }
0x220: {  	v57 =	vunpack.i.u.s16.s32 v12;
	v59 =	vunpack.i.l.s16.s32 v12;
	v4 =	vadd.s32 v56, v4  }
0x221: {  	v9 =	vadd.s32 v53, v13;
	v60 =	vunpack.i.u.s16.s32 v3;
	v3 =	vunpack.i.l.s16.s32 v3  }
0x222: {  	v4 =	vadd.s32 v16, v4;
	v9 =	vadd.s32 v51, v9;
	v3 =	vadd.s32 v6, v3  }
0x223: {  	v4 =	vadd.s32 v15, v4;
	v61 =	vadd.s32 v7, v60;
	v3 =	vadd.s32 v59, v3  }
0x224: {  	s25 =	sadd.s32 s12, s7;
	v62 =	vcvt.s32.f32 v9;
	v5 =	vadd.s32 v57, v61;
	v3 =	vadd.s32 v55, v3  }
0x225: {  	s7 =	sadd.s32 $0x1, s7;
	s2 =	sshll.u32 s25, $0x7;
	v4 =	vcvt.s32.f32 v4;
	v5 =	vadd.s32 v19, v5;
	v3 =	vadd.s32 v52, v3  }
0x226: {  	p1 =	sne.s32 s7, $0x4;
	s2 =	sand.u32 $0x3FFFFF80, s2;
	v6 =	vmul.f32 v62, v1;
	v5 =	vadd.s32 v17, v5;
	v3 =	vcvt.s32.f32 v3  }
.Ltmp21:
0x227: {  	s2 =	sor.u32 s11, s2;
	v4 =	vmul.f32 v4, v1;
	v5 =	vcvt.s32.f32 v5;
	(pc) =	sbr.rel @p1 .LBB2_36-.Ltmp21, $4  }
0x228: {  	[tilespmem:s2+$0x5540] =	vst v6;
	v3 =	vmul.f32 v3, v1  }
0x229: {  	[tilespmem:s2+$0x5550] =	vst v4;
	v63 =	vmul.f32 v5, v1  }
0x22a: {  	[tilespmem:s2+$0x5560] =	vst v3  }
0x22b: {  	s15 =	sadd.s32 $0x280, s15;
	[tilespmem:s2+$0x5570] =	vst v63  }
0x22c: {  	s2 =	sadd.s32 @!p0 $0x190, s14;
	s7 =	simm.s32 @!p0 $0x50;
	s11 =	simm.s32 @!p0 $0x2940  }
0x22d: {  	[tilespmem:s11], [sflag:$0x2] =	stream.indirect.gather @!p0 [hbm4b:s4+s7], $0x20, s2, s7, $0xb8;
	[tilespmem:$0x8950] =	vst v63  }
0x22e: {  	_ =	swait.ge [sflag:s0], $0xA00  }
0x22f: {  	s25 =	sshll.u32 s13, $0x2;
	s12 =	simm.s32 $0x3D80;
	[sflag:s0] =	ssyncset.done $0x0  }
0x230: {  	s7 =	sand.u32 $0x1C, s25;
	s11 =	simm.s32 $0x0;
	[sflag:s0] =	ssyncadd.s32 $0xFFFFF600  }
.LBB2_40:
0x231: {  	v3 =	vmov s12;
	_ =	sdelay $0x3  }
0x232: {  	s2 =	simm.s32 $0x0  }
0x233: {  	v11 =	vld.idx.msk [tilespmem:v3+s2+$0x20 ss:$0x1], $0xffff  }
0x234: {  	v10 =	vld.idx.msk [tilespmem:v3+s2+$0x30 ss:$0x1], $0xffff  }
0x235: {  	v9 =	vld.idx.msk [tilespmem:v3+s2+$0x0 ss:$0x1], $0xffff  }
0x236: {  	v8 =	vld.idx.msk [tilespmem:v3+s2+$0x10 ss:$0x1], $0xffff  }
0x237: {  	v4 =	vld.idx.msk [tilespmem:v3+s2+$0xFFFFFFC0 ss:$0x1], $0xffff  }
0x238: {  	v13 =	vimm.s32 $0x0;
	v14 =	vld.idx.msk [tilespmem:v3+s2+$0xFFFFFFE0 ss:$0x1], $0xffff  }
0x239: {  	s13 =	simm.s32 $0x200;
	v5 =	vimm.s32 $0x0;
	v6 =	vimm.s32 $0x0;
	v7 =	vimm.s32 $0x0;
	v12 =	vld.idx.msk [tilespmem:v3+s2+$0xFFFFFFF0 ss:$0x1], $0xffff  }
.LBB2_41:
0x23a: {  	p1 =	sne.s32 s13, $0x800;
	v15 =	vld.idx.msk [tilespmem:v3+s2+$0xFFFFFFD0 ss:$0x1], $0xffff;
	v16 =	vunpack.i.u.s16.s32 v11;
	v17 =	vunpack.i.l.s16.s32 v11  }
0x23b: {  	v18 =	vunpack.i.u.s16.s32 v9;
	v19 =	vunpack.i.u.s16.s32 v10;
	v20 =	vunpack.i.l.s16.s32 v10  }
0x23c: {  	s2 =	sshra.s32 s13, $0x2;
	v21 =	vunpack.i.l.s16.s32 v9;
	v22 =	vunpack.i.u.s16.s32 v8;
	v10 =	vunpack.i.l.s16.s32 v4  }
0x23d: {  	v23 =	vunpack.i.l.s16.s32 v8;
	v9 =	vadd.s32 v13, v10;
	v13 =	vunpack.i.l.s16.s32 v14;
	v11 =	vld.idx.msk [tilespmem:v3+s2+$0x20 ss:$0x1], $0xffff  }
0x23e: {  	v24 =	vunpack.i.u.s16.s32 v14;
	v8 =	vadd.s32 v13, v9;
	v25 =	vunpack.i.u.s16.s32 v12;
	v10 =	vld.idx.msk [tilespmem:v3+s2+$0x30 ss:$0x1], $0xffff  }
0x23f: {  	v14 =	vunpack.i.u.s16.s32 v4;
	v12 =	vunpack.i.l.s16.s32 v12;
	v4 =	vadd.s32 v21, v8;
	v9 =	vld.idx.msk [tilespmem:v3+s2+$0x0 ss:$0x1], $0xffff  }
.Ltmp22:
0x240: {  	v21 =	vunpack.i.u.s16.s32 v15;
	v15 =	vunpack.i.l.s16.s32 v15;
	v13 =	vadd.s32 v17, v4;
	v8 =	vld.idx.msk [tilespmem:v3+s2+$0x10 ss:$0x1], $0xffff;
	(pc) =	sbr.rel @p1 .LBB2_41-.Ltmp22, $4  }
0x241: {  	v5 =	vadd.s32 v5, v14;
	v6 =	vadd.s32 v6, v15;
	v7 =	vadd.s32 v7, v21;
	v4 =	vld.idx.msk [tilespmem:v3+s2+$0xFFFFFFC0 ss:$0x1], $0xffff  }
0x242: {  	v5 =	vadd.s32 v24, v5;
	v6 =	vadd.s32 v12, v6;
	v7 =	vadd.s32 v25, v7;
	v14 =	vld.idx.msk [tilespmem:v3+s2+$0xFFFFFFE0 ss:$0x1], $0xffff  }
0x243: {  	v5 =	vadd.s32 v18, v5;
	v6 =	vadd.s32 v23, v6;
	v7 =	vadd.s32 v22, v7;
	v12 =	vld.idx.msk [tilespmem:v3+s2+$0xFFFFFFF0 ss:$0x1], $0xffff  }
0x244: {  	s13 =	sadd.s32 $0x200, s13;
	v5 =	vadd.s32 v16, v5;
	v6 =	vadd.s32 v20, v6;
	v7 =	vadd.s32 v19, v7  }
0x245: {  	_ =	sdelay $0x2  }
0x246: {  	v15 =	vunpack.i.u.s16.s32 v11;
	v51 =	vunpack.i.l.s16.s32 v11;
	v16 =	vunpack.i.u.s16.s32 v9  }
0x247: {  	v3 =	vld.idx.msk [tilespmem:v3+s2+$0xFFFFFFD0 ss:$0x1], $0xffff;
	v17 =	vunpack.i.u.s16.s32 v10;
	v52 =	vunpack.i.l.s16.s32 v10;
	v53 =	vunpack.i.l.s16.s32 v9  }
0x248: {  	v19 =	vunpack.i.u.s16.s32 v8;
	v55 =	vunpack.i.l.s16.s32 v8;
	v18 =	vunpack.i.l.s16.s32 v4  }
0x249: {  	v58 =	vunpack.i.u.s16.s32 v4;
	v13 =	vadd.s32 v13, v18;
	v54 =	vunpack.i.l.s16.s32 v14  }
0x24a: {  	v56 =	vunpack.i.u.s16.s32 v14;
	v4 =	vadd.s32 v5, v58;
	v13 =	vadd.s32 v54, v13  }
0x24b: {  	v57 =	vunpack.i.u.s16.s32 v12;
	v59 =	vunpack.i.l.s16.s32 v12;
	v4 =	vadd.s32 v56, v4  }
0x24c: {  	v9 =	vadd.s32 v53, v13;
	v60 =	vunpack.i.u.s16.s32 v3;
	v3 =	vunpack.i.l.s16.s32 v3  }
0x24d: {  	v4 =	vadd.s32 v16, v4;
	v9 =	vadd.s32 v51, v9;
	v3 =	vadd.s32 v6, v3  }
0x24e: {  	v4 =	vadd.s32 v15, v4;
	v61 =	vadd.s32 v7, v60;
	v3 =	vadd.s32 v59, v3  }
0x24f: {  	v62 =	vcvt.s32.f32 v9;
	v5 =	vadd.s32 v57, v61;
	v3 =	vadd.s32 v55, v3  }
0x250: {  	s25 =	sadd.s32 s7, s11;
	s11 =	sadd.s32 $0x1, s11;
	v4 =	vcvt.s32.f32 v4;
	v5 =	vadd.s32 v19, v5;
	v3 =	vadd.s32 v52, v3  }
0x251: {  	s2 =	sshll.u32 s25, $0x7;
	p1 =	sne.s32 s11, $0x4;
	v6 =	vmul.f32 v62, v1;
	v5 =	vadd.s32 v17, v5;
	v3 =	vcvt.s32.f32 v3  }
.Ltmp23:
0x252: {  	s2 =	sand.u32 $0x3FFFFF80, s2;
	v4 =	vmul.f32 v4, v1;
	v5 =	vcvt.s32.f32 v5;
	(pc) =	sbr.rel @p1 .LBB2_40-.Ltmp23, $4  }
0x253: {  	[tilespmem:v2+s2+$0x0 ss:$0x1] =	vst.idx.msk $0xffff, v6;
	v3 =	vmul.f32 v3, v1  }
0x254: {  	[tilespmem:v2+s2+$0x10 ss:$0x1] =	vst.idx.msk $0xffff, v4;
	v63 =	vmul.f32 v5, v1  }
0x255: {  	[tilespmem:v2+s2+$0x20 ss:$0x1] =	vst.idx.msk $0xffff, v3  }
0x256: {  	s12 =	sadd.s32 $0x280, s12;
	[tilespmem:v2+s2+$0x30 ss:$0x1] =	vst.idx.msk $0xffff, v63  }
.Ltmp24:
0x257: {  	(pc) =	sbr.rel @p0 .LBB2_45-.Ltmp24, $1  }
0x258: {  	_ =	sdelay $0x3  }
0x259: {  	s2 =	smul.u32 $0x500, s10  }
.Ltmp25:
0x25a: {  	_ = 	snop;
	(pc) =	sbr.rel .LBB2_27-.Ltmp25, $4  }
0x25b: {  	_ = 	snop  }
0x25c: {  	s2 =	sshra.s32 s2, $0x2  }
0x25d: {  	s10 =	sadd.s32 $0x1, s10;
	s2 =	sadd.s32 $0x1E0, s2  }
0x25e: {  	[tilespmem:s26], [sflag:$0x3] =	stream.indirect.gather [hbm4b:s4+s23], $0x20, s2, s23, $0xb8;
	[tilespmem:$0x8950] =	vst v63  }
.LBB2_45:
0x25f: {  	s10 =	simm.s32 $0x0;
	s2 =	rddreg [dreg:$0x8]  }
0x260: {  	[hbm4b:s2+s10] =	stream.linear.scatter [tilespmem:s21], [sflag:$0x7], $0x1000, $0x38;
	[tilespmem:$0x8950] =	vst v63  }
0x261: {  	_ =	swait.ge [sflag:s20], $0x1000  }
0x262: {  	[sflag:s20] =	ssyncset.done $0x0  }
0x263: {  	s15 =	rddreg [dreg:$0x9];
	[sflag:s20] =	ssyncadd.s32 $0xFFFFF000  }
0x264: {  	[tilespmem:s10], [sflag:$0x6] =	stream.linear.gather [hbm4b:s15+s10], $0x280, $0x38;
	[tilespmem:$0x8950] =	vst v63  }
0x265: {  	s16 =	rddreg [dreg:$0xa]  }
0x266: {  	[tilespmem:s17], [sflag:$0x6] =	stream.linear.gather [hbm4b:s16+s10], $0x280, $0x38;
	[tilespmem:$0x8950] =	vst v63  }
0x267: {  	_ =	swait.ge [sflag:s22], $0x280  }
0x268: {  	[sflag:s22] =	ssyncset.done $0x0  }
0x269: {  	[sflag:s22] =	ssyncadd.s32 $0xFFFFFD80  }
0x26a: {  	_ =	swait.ge [sflag:s22], $0x280  }
0x26b: {  	[sflag:s22] =	ssyncset.done $0x0  }
0x26c: {  	s18 =	simm.s32 $0x1F40;
	[sflag:s22] =	ssyncadd.s32 $0xFFFFFD80  }
0x26d: {  	[tilespmem:s18], [sflag:$0x1] =	stream.indirect.gather [hbm4b:s5+s23], $0x20, s10, s23, $0xb8;
	[tilespmem:$0x8950] =	vst v63  }
0x26e: {  	s24 =	simm.s32 $0x2940  }
0x26f: {  	[tilespmem:s24], [sflag:$0x2] =	stream.indirect.gather [hbm4b:s5+s23], $0x20, s23, s23, $0xb8;
	[tilespmem:$0x8950] =	vst v63  }
0x270: {  	s25 =	simm.s32 $0xA0  }
0x271: {  	[tilespmem:s26], [sflag:$0x3] =	stream.indirect.gather [hbm4b:s5+s23], $0x20, s25, s23, $0xb8;
	[tilespmem:$0x8950] =	vst v63  }
.LBB2_46:
0x272: {  	s2 =	sshll.u32 s10, $0x5  }
0x273: {  	_ =	swait.ge [sflag:s29], $0xA00;
	s25 =	sshll.u32 s10, $0x4;
	s11 =	sand.u32 $0x40, s2  }
0x274: {  	s7 =	simm.s32 $0x1F80;
	[sflag:s29] =	ssyncset.done $0x0;
	s13 =	sadd.s32 $0x5140, s11  }
0x275: {  	s12 =	sand.u32 $0x10, s25;
	[sflag:s29] =	ssyncadd.s32 $0xFFFFF600;
	v2 =	vmov s13;
	s13 =	simm.s32 $0x0  }
.LBB2_47:
0x276: {  	v3 =	vmov s7;
	_ =	sdelay $0x3  }
0x277: {  	s2 =	simm.s32 $0x0  }
0x278: {  	v11 =	vld.idx.msk [tilespmem:v3+s2+$0x20 ss:$0x1], $0xffff  }
0x279: {  	v10 =	vld.idx.msk [tilespmem:v3+s2+$0x30 ss:$0x1], $0xffff  }
0x27a: {  	v9 =	vld.idx.msk [tilespmem:v3+s2+$0x0 ss:$0x1], $0xffff  }
0x27b: {  	v8 =	vld.idx.msk [tilespmem:v3+s2+$0x10 ss:$0x1], $0xffff  }
0x27c: {  	v4 =	vld.idx.msk [tilespmem:v3+s2+$0xFFFFFFC0 ss:$0x1], $0xffff  }
0x27d: {  	v13 =	vimm.s32 $0x0;
	v14 =	vld.idx.msk [tilespmem:v3+s2+$0xFFFFFFE0 ss:$0x1], $0xffff  }
0x27e: {  	s14 =	simm.s32 $0x200;
	v5 =	vimm.s32 $0x0;
	v6 =	vimm.s32 $0x0;
	v7 =	vimm.s32 $0x0;
	v12 =	vld.idx.msk [tilespmem:v3+s2+$0xFFFFFFF0 ss:$0x1], $0xffff  }
.LBB2_48:
0x27f: {  	p0 =	sne.s32 s14, $0x800;
	v15 =	vld.idx.msk [tilespmem:v3+s2+$0xFFFFFFD0 ss:$0x1], $0xffff;
	v16 =	vunpack.i.u.s16.s32 v11;
	v17 =	vunpack.i.l.s16.s32 v11  }
0x280: {  	v18 =	vunpack.i.u.s16.s32 v9;
	v19 =	vunpack.i.u.s16.s32 v10;
	v20 =	vunpack.i.l.s16.s32 v10  }
0x281: {  	s2 =	sshra.s32 s14, $0x2;
	v21 =	vunpack.i.l.s16.s32 v9;
	v22 =	vunpack.i.u.s16.s32 v8;
	v10 =	vunpack.i.l.s16.s32 v4  }
0x282: {  	v23 =	vunpack.i.l.s16.s32 v8;
	v9 =	vadd.s32 v13, v10;
	v13 =	vunpack.i.l.s16.s32 v14;
	v11 =	vld.idx.msk [tilespmem:v3+s2+$0x20 ss:$0x1], $0xffff  }
0x283: {  	v24 =	vunpack.i.u.s16.s32 v14;
	v8 =	vadd.s32 v13, v9;
	v25 =	vunpack.i.u.s16.s32 v12;
	v10 =	vld.idx.msk [tilespmem:v3+s2+$0x30 ss:$0x1], $0xffff  }
0x284: {  	v14 =	vunpack.i.u.s16.s32 v4;
	v12 =	vunpack.i.l.s16.s32 v12;
	v4 =	vadd.s32 v21, v8;
	v9 =	vld.idx.msk [tilespmem:v3+s2+$0x0 ss:$0x1], $0xffff  }
.Ltmp26:
0x285: {  	v21 =	vunpack.i.u.s16.s32 v15;
	v15 =	vunpack.i.l.s16.s32 v15;
	v13 =	vadd.s32 v17, v4;
	v8 =	vld.idx.msk [tilespmem:v3+s2+$0x10 ss:$0x1], $0xffff;
	(pc) =	sbr.rel @p0 .LBB2_48-.Ltmp26, $4  }
0x286: {  	v5 =	vadd.s32 v5, v14;
	v6 =	vadd.s32 v6, v15;
	v7 =	vadd.s32 v7, v21;
	v4 =	vld.idx.msk [tilespmem:v3+s2+$0xFFFFFFC0 ss:$0x1], $0xffff  }
0x287: {  	v5 =	vadd.s32 v24, v5;
	v6 =	vadd.s32 v12, v6;
	v7 =	vadd.s32 v25, v7;
	v14 =	vld.idx.msk [tilespmem:v3+s2+$0xFFFFFFE0 ss:$0x1], $0xffff  }
0x288: {  	v5 =	vadd.s32 v18, v5;
	v6 =	vadd.s32 v23, v6;
	v7 =	vadd.s32 v22, v7;
	v12 =	vld.idx.msk [tilespmem:v3+s2+$0xFFFFFFF0 ss:$0x1], $0xffff  }
0x289: {  	s14 =	sadd.s32 $0x200, s14;
	v5 =	vadd.s32 v16, v5;
	v6 =	vadd.s32 v20, v6;
	v7 =	vadd.s32 v19, v7  }
0x28a: {  	_ =	sdelay $0x2  }
0x28b: {  	v15 =	vunpack.i.u.s16.s32 v11;
	v51 =	vunpack.i.l.s16.s32 v11;
	v16 =	vunpack.i.u.s16.s32 v9  }
0x28c: {  	v3 =	vld.idx.msk [tilespmem:v3+s2+$0xFFFFFFD0 ss:$0x1], $0xffff;
	v17 =	vunpack.i.u.s16.s32 v10;
	v52 =	vunpack.i.l.s16.s32 v10;
	v53 =	vunpack.i.l.s16.s32 v9  }
0x28d: {  	v19 =	vunpack.i.u.s16.s32 v8;
	v55 =	vunpack.i.l.s16.s32 v8;
	v18 =	vunpack.i.l.s16.s32 v4  }
0x28e: {  	v58 =	vunpack.i.u.s16.s32 v4;
	v13 =	vadd.s32 v13, v18;
	v54 =	vunpack.i.l.s16.s32 v14  }
0x28f: {  	v56 =	vunpack.i.u.s16.s32 v14;
	v4 =	vadd.s32 v5, v58;
	v13 =	vadd.s32 v54, v13  }
0x290: {  	v57 =	vunpack.i.u.s16.s32 v12;
	v59 =	vunpack.i.l.s16.s32 v12;
	v4 =	vadd.s32 v56, v4  }
0x291: {  	v9 =	vadd.s32 v53, v13;
	v60 =	vunpack.i.u.s16.s32 v3;
	v3 =	vunpack.i.l.s16.s32 v3  }
0x292: {  	v4 =	vadd.s32 v16, v4;
	v9 =	vadd.s32 v51, v9;
	v3 =	vadd.s32 v6, v3  }
0x293: {  	v4 =	vadd.s32 v15, v4;
	v61 =	vadd.s32 v7, v60;
	v3 =	vadd.s32 v59, v3  }
0x294: {  	v62 =	vcvt.s32.f32 v9;
	v5 =	vadd.s32 v57, v61;
	v3 =	vadd.s32 v55, v3  }
0x295: {  	s25 =	sadd.s32 s12, s13;
	s13 =	sadd.s32 $0x1, s13;
	v4 =	vcvt.s32.f32 v4;
	v5 =	vadd.s32 v19, v5;
	v3 =	vadd.s32 v52, v3  }
0x296: {  	s2 =	sshll.u32 s25, $0x7;
	p0 =	sne.s32 s13, $0x4;
	v6 =	vmul.f32 v62, v1;
	v5 =	vadd.s32 v17, v5;
	v3 =	vcvt.s32.f32 v3  }
.Ltmp27:
0x297: {  	s2 =	sand.u32 $0x3FFFFF80, s2;
	v4 =	vmul.f32 v4, v1;
	v5 =	vcvt.s32.f32 v5;
	(pc) =	sbr.rel @p0 .LBB2_47-.Ltmp27, $4  }
0x298: {  	[tilespmem:v2+s2+$0x0 ss:$0x1] =	vst.idx.msk $0xffff, v6;
	v3 =	vmul.f32 v3, v1  }
0x299: {  	[tilespmem:v2+s2+$0x10 ss:$0x1] =	vst.idx.msk $0xffff, v4;
	v63 =	vmul.f32 v5, v1  }
0x29a: {  	[tilespmem:v2+s2+$0x20 ss:$0x1] =	vst.idx.msk $0xffff, v3  }
0x29b: {  	s7 =	sadd.s32 $0x280, s7;
	[tilespmem:v2+s2+$0x30 ss:$0x1] =	vst.idx.msk $0xffff, v63  }
0x29c: {  	s13 =	sshllo.u32 s10, $0x2  }
0x29d: {  	s2 =	smul.u32 $0x140, s13;
	_ =	sdelay $0x1  }
0x29e: {  	s2 =	sshra.s32 s2, $0x2  }
0x29f: {  	[tilespmem:s28], [sflag:$0x4] =	stream.indirect.gather [hbm4b:s5+s23], $0x20, s2, s23, $0xb8;
	[tilespmem:$0x8950] =	vst v63  }
0x2a0: {  	_ =	swait.ge [sflag:s31], $0xA00  }
0x2a1: {  	[sflag:s31] =	ssyncset.done $0x0  }
0x2a2: {  	s7 =	simm.s32 $0x0;
	s14 =	simm.s32 $0x2980;
	[sflag:s31] =	ssyncadd.s32 $0xFFFFF600  }
.LBB2_51:
0x2a3: {  	v3 =	vmov s14;
	_ =	sdelay $0x3  }
0x2a4: {  	s2 =	simm.s32 $0x0  }
0x2a5: {  	v11 =	vld.idx.msk [tilespmem:v3+s2+$0x20 ss:$0x1], $0xffff  }
0x2a6: {  	v10 =	vld.idx.msk [tilespmem:v3+s2+$0x30 ss:$0x1], $0xffff  }
0x2a7: {  	v9 =	vld.idx.msk [tilespmem:v3+s2+$0x0 ss:$0x1], $0xffff  }
0x2a8: {  	v8 =	vld.idx.msk [tilespmem:v3+s2+$0x10 ss:$0x1], $0xffff  }
0x2a9: {  	v4 =	vld.idx.msk [tilespmem:v3+s2+$0xFFFFFFC0 ss:$0x1], $0xffff  }
0x2aa: {  	v13 =	vimm.s32 $0x0;
	v14 =	vld.idx.msk [tilespmem:v3+s2+$0xFFFFFFE0 ss:$0x1], $0xffff  }
0x2ab: {  	s15 =	simm.s32 $0x200;
	v5 =	vimm.s32 $0x0;
	v6 =	vimm.s32 $0x0;
	v7 =	vimm.s32 $0x0;
	v12 =	vld.idx.msk [tilespmem:v3+s2+$0xFFFFFFF0 ss:$0x1], $0xffff  }
.LBB2_52:
0x2ac: {  	p0 =	sne.s32 s15, $0x800;
	v15 =	vld.idx.msk [tilespmem:v3+s2+$0xFFFFFFD0 ss:$0x1], $0xffff;
	v16 =	vunpack.i.u.s16.s32 v11;
	v17 =	vunpack.i.l.s16.s32 v11  }
0x2ad: {  	v18 =	vunpack.i.u.s16.s32 v9;
	v19 =	vunpack.i.u.s16.s32 v10;
	v20 =	vunpack.i.l.s16.s32 v10  }
0x2ae: {  	s2 =	sshra.s32 s15, $0x2;
	v21 =	vunpack.i.l.s16.s32 v9;
	v22 =	vunpack.i.u.s16.s32 v8;
	v10 =	vunpack.i.l.s16.s32 v4  }
0x2af: {  	v23 =	vunpack.i.l.s16.s32 v8;
	v9 =	vadd.s32 v13, v10;
	v13 =	vunpack.i.l.s16.s32 v14;
	v11 =	vld.idx.msk [tilespmem:v3+s2+$0x20 ss:$0x1], $0xffff  }
0x2b0: {  	v24 =	vunpack.i.u.s16.s32 v14;
	v8 =	vadd.s32 v13, v9;
	v25 =	vunpack.i.u.s16.s32 v12;
	v10 =	vld.idx.msk [tilespmem:v3+s2+$0x30 ss:$0x1], $0xffff  }
0x2b1: {  	v14 =	vunpack.i.u.s16.s32 v4;
	v12 =	vunpack.i.l.s16.s32 v12;
	v4 =	vadd.s32 v21, v8;
	v9 =	vld.idx.msk [tilespmem:v3+s2+$0x0 ss:$0x1], $0xffff  }
.Ltmp28:
0x2b2: {  	v21 =	vunpack.i.u.s16.s32 v15;
	v15 =	vunpack.i.l.s16.s32 v15;
	v13 =	vadd.s32 v17, v4;
	v8 =	vld.idx.msk [tilespmem:v3+s2+$0x10 ss:$0x1], $0xffff;
	(pc) =	sbr.rel @p0 .LBB2_52-.Ltmp28, $4  }
0x2b3: {  	v5 =	vadd.s32 v5, v14;
	v6 =	vadd.s32 v6, v15;
	v7 =	vadd.s32 v7, v21;
	v4 =	vld.idx.msk [tilespmem:v3+s2+$0xFFFFFFC0 ss:$0x1], $0xffff  }
0x2b4: {  	v5 =	vadd.s32 v24, v5;
	v6 =	vadd.s32 v12, v6;
	v7 =	vadd.s32 v25, v7;
	v14 =	vld.idx.msk [tilespmem:v3+s2+$0xFFFFFFE0 ss:$0x1], $0xffff  }
0x2b5: {  	v5 =	vadd.s32 v18, v5;
	v6 =	vadd.s32 v23, v6;
	v7 =	vadd.s32 v22, v7;
	v12 =	vld.idx.msk [tilespmem:v3+s2+$0xFFFFFFF0 ss:$0x1], $0xffff  }
0x2b6: {  	s15 =	sadd.s32 $0x200, s15;
	v5 =	vadd.s32 v16, v5;
	v6 =	vadd.s32 v20, v6;
	v7 =	vadd.s32 v19, v7  }
0x2b7: {  	_ =	sdelay $0x2  }
0x2b8: {  	v15 =	vunpack.i.u.s16.s32 v11;
	v51 =	vunpack.i.l.s16.s32 v11;
	v16 =	vunpack.i.u.s16.s32 v9  }
0x2b9: {  	v3 =	vld.idx.msk [tilespmem:v3+s2+$0xFFFFFFD0 ss:$0x1], $0xffff;
	v17 =	vunpack.i.u.s16.s32 v10;
	v52 =	vunpack.i.l.s16.s32 v10;
	v53 =	vunpack.i.l.s16.s32 v9  }
0x2ba: {  	v19 =	vunpack.i.u.s16.s32 v8;
	v55 =	vunpack.i.l.s16.s32 v8;
	v18 =	vunpack.i.l.s16.s32 v4  }
0x2bb: {  	v58 =	vunpack.i.u.s16.s32 v4;
	v13 =	vadd.s32 v13, v18;
	v54 =	vunpack.i.l.s16.s32 v14  }
0x2bc: {  	v56 =	vunpack.i.u.s16.s32 v14;
	v4 =	vadd.s32 v5, v58;
	v13 =	vadd.s32 v54, v13  }
0x2bd: {  	v57 =	vunpack.i.u.s16.s32 v12;
	v59 =	vunpack.i.l.s16.s32 v12;
	v4 =	vadd.s32 v56, v4  }
0x2be: {  	v9 =	vadd.s32 v53, v13;
	v60 =	vunpack.i.u.s16.s32 v3;
	v3 =	vunpack.i.l.s16.s32 v3  }
0x2bf: {  	v4 =	vadd.s32 v16, v4;
	v9 =	vadd.s32 v51, v9;
	v3 =	vadd.s32 v6, v3  }
0x2c0: {  	v4 =	vadd.s32 v15, v4;
	v61 =	vadd.s32 v7, v60;
	v3 =	vadd.s32 v59, v3  }
0x2c1: {  	s25 =	sadd.s32 s12, s7;
	v62 =	vcvt.s32.f32 v9;
	v5 =	vadd.s32 v57, v61;
	v3 =	vadd.s32 v55, v3  }
0x2c2: {  	s7 =	sadd.s32 $0x1, s7;
	s2 =	sshll.u32 s25, $0x7;
	v4 =	vcvt.s32.f32 v4;
	v5 =	vadd.s32 v19, v5;
	v3 =	vadd.s32 v52, v3  }
0x2c3: {  	p0 =	sne.s32 s7, $0x4;
	s2 =	sand.u32 $0x3FFFFF80, s2;
	v6 =	vmul.f32 v62, v1;
	v5 =	vadd.s32 v17, v5;
	v3 =	vcvt.s32.f32 v3  }
.Ltmp29:
0x2c4: {  	s2 =	sor.u32 s11, s2;
	v4 =	vmul.f32 v4, v1;
	v5 =	vcvt.s32.f32 v5;
	(pc) =	sbr.rel @p0 .LBB2_51-.Ltmp29, $4  }
0x2c5: {  	[tilespmem:s2+$0x5340] =	vst v6;
	v3 =	vmul.f32 v3, v1  }
0x2c6: {  	[tilespmem:s2+$0x5350] =	vst v4;
	v63 =	vmul.f32 v5, v1  }
0x2c7: {  	[tilespmem:s2+$0x5360] =	vst v3  }
0x2c8: {  	s14 =	sadd.s32 $0x280, s14;
	[tilespmem:s2+$0x5370] =	vst v63  }
0x2c9: {  	p0 =	seq.s32 s10, $0x3  }
0x2ca: {  	s2 =	smul.u32 @!p0 $0x500, s10;
	_ =	sdelay $0x1  }
0x2cb: {  	s14 =	sshra.s32 @!p0 s2, $0x2  }
0x2cc: {  	s7 =	simm.s32 @!p0 $0x50;
	s15 =	simm.s32 @!p0 $0x1F40;
	s2 =	sadd.s32 @!p0 $0x140, s14  }
0x2cd: {  	[tilespmem:s15], [sflag:$0x1] =	stream.indirect.gather @!p0 [hbm4b:s5+s7], $0x20, s2, s7, $0xb8;
	[tilespmem:$0x8950] =	vst v63  }
0x2ce: {  	_ =	swait.ge [sflag:s1], $0xA00  }
0x2cf: {  	[sflag:s1] =	ssyncset.done $0x0  }
0x2d0: {  	s7 =	simm.s32 $0x0;
	s15 =	simm.s32 $0x3380;
	[sflag:s1] =	ssyncadd.s32 $0xFFFFF600  }
.LBB2_55:
0x2d1: {  	v3 =	vmov s15;
	_ =	sdelay $0x3  }
0x2d2: {  	s2 =	simm.s32 $0x0  }
0x2d3: {  	v11 =	vld.idx.msk [tilespmem:v3+s2+$0x20 ss:$0x1], $0xffff  }
0x2d4: {  	v10 =	vld.idx.msk [tilespmem:v3+s2+$0x30 ss:$0x1], $0xffff  }
0x2d5: {  	v9 =	vld.idx.msk [tilespmem:v3+s2+$0x0 ss:$0x1], $0xffff  }
0x2d6: {  	v8 =	vld.idx.msk [tilespmem:v3+s2+$0x10 ss:$0x1], $0xffff  }
0x2d7: {  	v4 =	vld.idx.msk [tilespmem:v3+s2+$0xFFFFFFC0 ss:$0x1], $0xffff  }
0x2d8: {  	v13 =	vimm.s32 $0x0;
	v14 =	vld.idx.msk [tilespmem:v3+s2+$0xFFFFFFE0 ss:$0x1], $0xffff  }
0x2d9: {  	s16 =	simm.s32 $0x200;
	v5 =	vimm.s32 $0x0;
	v6 =	vimm.s32 $0x0;
	v7 =	vimm.s32 $0x0;
	v12 =	vld.idx.msk [tilespmem:v3+s2+$0xFFFFFFF0 ss:$0x1], $0xffff  }
.LBB2_56:
0x2da: {  	p1 =	sne.s32 s16, $0x800;
	v15 =	vld.idx.msk [tilespmem:v3+s2+$0xFFFFFFD0 ss:$0x1], $0xffff;
	v16 =	vunpack.i.u.s16.s32 v11;
	v17 =	vunpack.i.l.s16.s32 v11  }
0x2db: {  	v18 =	vunpack.i.u.s16.s32 v9;
	v19 =	vunpack.i.u.s16.s32 v10;
	v20 =	vunpack.i.l.s16.s32 v10  }
0x2dc: {  	s2 =	sshra.s32 s16, $0x2;
	v21 =	vunpack.i.l.s16.s32 v9;
	v22 =	vunpack.i.u.s16.s32 v8;
	v10 =	vunpack.i.l.s16.s32 v4  }
0x2dd: {  	v23 =	vunpack.i.l.s16.s32 v8;
	v9 =	vadd.s32 v13, v10;
	v13 =	vunpack.i.l.s16.s32 v14;
	v11 =	vld.idx.msk [tilespmem:v3+s2+$0x20 ss:$0x1], $0xffff  }
0x2de: {  	v24 =	vunpack.i.u.s16.s32 v14;
	v8 =	vadd.s32 v13, v9;
	v25 =	vunpack.i.u.s16.s32 v12;
	v10 =	vld.idx.msk [tilespmem:v3+s2+$0x30 ss:$0x1], $0xffff  }
0x2df: {  	v14 =	vunpack.i.u.s16.s32 v4;
	v12 =	vunpack.i.l.s16.s32 v12;
	v4 =	vadd.s32 v21, v8;
	v9 =	vld.idx.msk [tilespmem:v3+s2+$0x0 ss:$0x1], $0xffff  }
.Ltmp30:
0x2e0: {  	v21 =	vunpack.i.u.s16.s32 v15;
	v15 =	vunpack.i.l.s16.s32 v15;
	v13 =	vadd.s32 v17, v4;
	v8 =	vld.idx.msk [tilespmem:v3+s2+$0x10 ss:$0x1], $0xffff;
	(pc) =	sbr.rel @p1 .LBB2_56-.Ltmp30, $4  }
0x2e1: {  	v5 =	vadd.s32 v5, v14;
	v6 =	vadd.s32 v6, v15;
	v7 =	vadd.s32 v7, v21;
	v4 =	vld.idx.msk [tilespmem:v3+s2+$0xFFFFFFC0 ss:$0x1], $0xffff  }
0x2e2: {  	v5 =	vadd.s32 v24, v5;
	v6 =	vadd.s32 v12, v6;
	v7 =	vadd.s32 v25, v7;
	v14 =	vld.idx.msk [tilespmem:v3+s2+$0xFFFFFFE0 ss:$0x1], $0xffff  }
0x2e3: {  	v5 =	vadd.s32 v18, v5;
	v6 =	vadd.s32 v23, v6;
	v7 =	vadd.s32 v22, v7;
	v12 =	vld.idx.msk [tilespmem:v3+s2+$0xFFFFFFF0 ss:$0x1], $0xffff  }
0x2e4: {  	s16 =	sadd.s32 $0x200, s16;
	v5 =	vadd.s32 v16, v5;
	v6 =	vadd.s32 v20, v6;
	v7 =	vadd.s32 v19, v7  }
0x2e5: {  	_ =	sdelay $0x2  }
0x2e6: {  	v15 =	vunpack.i.u.s16.s32 v11;
	v51 =	vunpack.i.l.s16.s32 v11;
	v16 =	vunpack.i.u.s16.s32 v9  }
0x2e7: {  	v3 =	vld.idx.msk [tilespmem:v3+s2+$0xFFFFFFD0 ss:$0x1], $0xffff;
	v17 =	vunpack.i.u.s16.s32 v10;
	v52 =	vunpack.i.l.s16.s32 v10;
	v53 =	vunpack.i.l.s16.s32 v9  }
0x2e8: {  	v19 =	vunpack.i.u.s16.s32 v8;
	v55 =	vunpack.i.l.s16.s32 v8;
	v18 =	vunpack.i.l.s16.s32 v4  }
0x2e9: {  	v58 =	vunpack.i.u.s16.s32 v4;
	v13 =	vadd.s32 v13, v18;
	v54 =	vunpack.i.l.s16.s32 v14  }
0x2ea: {  	v56 =	vunpack.i.u.s16.s32 v14;
	v4 =	vadd.s32 v5, v58;
	v13 =	vadd.s32 v54, v13  }
0x2eb: {  	v57 =	vunpack.i.u.s16.s32 v12;
	v59 =	vunpack.i.l.s16.s32 v12;
	v4 =	vadd.s32 v56, v4  }
0x2ec: {  	v9 =	vadd.s32 v53, v13;
	v60 =	vunpack.i.u.s16.s32 v3;
	v3 =	vunpack.i.l.s16.s32 v3  }
0x2ed: {  	v4 =	vadd.s32 v16, v4;
	v9 =	vadd.s32 v51, v9;
	v3 =	vadd.s32 v6, v3  }
0x2ee: {  	v4 =	vadd.s32 v15, v4;
	v61 =	vadd.s32 v7, v60;
	v3 =	vadd.s32 v59, v3  }
0x2ef: {  	s25 =	sadd.s32 s12, s7;
	v62 =	vcvt.s32.f32 v9;
	v5 =	vadd.s32 v57, v61;
	v3 =	vadd.s32 v55, v3  }
0x2f0: {  	s7 =	sadd.s32 $0x1, s7;
	s2 =	sshll.u32 s25, $0x7;
	v4 =	vcvt.s32.f32 v4;
	v5 =	vadd.s32 v19, v5;
	v3 =	vadd.s32 v52, v3  }
0x2f1: {  	p1 =	sne.s32 s7, $0x4;
	s2 =	sand.u32 $0x3FFFFF80, s2;
	v6 =	vmul.f32 v62, v1;
	v5 =	vadd.s32 v17, v5;
	v3 =	vcvt.s32.f32 v3  }
.Ltmp31:
0x2f2: {  	s2 =	sor.u32 s11, s2;
	v4 =	vmul.f32 v4, v1;
	v5 =	vcvt.s32.f32 v5;
	(pc) =	sbr.rel @p1 .LBB2_55-.Ltmp31, $4  }
0x2f3: {  	[tilespmem:s2+$0x5540] =	vst v6;
	v3 =	vmul.f32 v3, v1  }
0x2f4: {  	[tilespmem:s2+$0x5550] =	vst v4;
	v63 =	vmul.f32 v5, v1  }
0x2f5: {  	[tilespmem:s2+$0x5560] =	vst v3  }
0x2f6: {  	s15 =	sadd.s32 $0x280, s15;
	[tilespmem:s2+$0x5570] =	vst v63  }
0x2f7: {  	s2 =	sadd.s32 @!p0 $0x190, s14;
	s7 =	simm.s32 @!p0 $0x50;
	s11 =	simm.s32 @!p0 $0x2940  }
0x2f8: {  	[tilespmem:s11], [sflag:$0x2] =	stream.indirect.gather @!p0 [hbm4b:s5+s7], $0x20, s2, s7, $0xb8;
	[tilespmem:$0x8950] =	vst v63  }
0x2f9: {  	_ =	swait.ge [sflag:s0], $0xA00  }
0x2fa: {  	s25 =	sshll.u32 s13, $0x2;
	s12 =	simm.s32 $0x3D80;
	[sflag:s0] =	ssyncset.done $0x0  }
0x2fb: {  	s7 =	sand.u32 $0x1C, s25;
	s11 =	simm.s32 $0x0;
	[sflag:s0] =	ssyncadd.s32 $0xFFFFF600  }
.LBB2_59:
0x2fc: {  	v3 =	vmov s12;
	_ =	sdelay $0x3  }
0x2fd: {  	s2 =	simm.s32 $0x0  }
0x2fe: {  	v11 =	vld.idx.msk [tilespmem:v3+s2+$0x20 ss:$0x1], $0xffff  }
0x2ff: {  	v10 =	vld.idx.msk [tilespmem:v3+s2+$0x30 ss:$0x1], $0xffff  }
0x300: {  	v9 =	vld.idx.msk [tilespmem:v3+s2+$0x0 ss:$0x1], $0xffff  }
0x301: {  	v8 =	vld.idx.msk [tilespmem:v3+s2+$0x10 ss:$0x1], $0xffff  }
0x302: {  	v4 =	vld.idx.msk [tilespmem:v3+s2+$0xFFFFFFC0 ss:$0x1], $0xffff  }
0x303: {  	v13 =	vimm.s32 $0x0;
	v14 =	vld.idx.msk [tilespmem:v3+s2+$0xFFFFFFE0 ss:$0x1], $0xffff  }
0x304: {  	s13 =	simm.s32 $0x200;
	v5 =	vimm.s32 $0x0;
	v6 =	vimm.s32 $0x0;
	v7 =	vimm.s32 $0x0;
	v12 =	vld.idx.msk [tilespmem:v3+s2+$0xFFFFFFF0 ss:$0x1], $0xffff  }
.LBB2_60:
0x305: {  	p1 =	sne.s32 s13, $0x800;
	v15 =	vld.idx.msk [tilespmem:v3+s2+$0xFFFFFFD0 ss:$0x1], $0xffff;
	v16 =	vunpack.i.u.s16.s32 v11;
	v17 =	vunpack.i.l.s16.s32 v11  }
0x306: {  	v18 =	vunpack.i.u.s16.s32 v9;
	v19 =	vunpack.i.u.s16.s32 v10;
	v20 =	vunpack.i.l.s16.s32 v10  }
0x307: {  	s2 =	sshra.s32 s13, $0x2;
	v21 =	vunpack.i.l.s16.s32 v9;
	v22 =	vunpack.i.u.s16.s32 v8;
	v10 =	vunpack.i.l.s16.s32 v4  }
0x308: {  	v23 =	vunpack.i.l.s16.s32 v8;
	v9 =	vadd.s32 v13, v10;
	v13 =	vunpack.i.l.s16.s32 v14;
	v11 =	vld.idx.msk [tilespmem:v3+s2+$0x20 ss:$0x1], $0xffff  }
0x309: {  	v24 =	vunpack.i.u.s16.s32 v14;
	v8 =	vadd.s32 v13, v9;
	v25 =	vunpack.i.u.s16.s32 v12;
	v10 =	vld.idx.msk [tilespmem:v3+s2+$0x30 ss:$0x1], $0xffff  }
0x30a: {  	v14 =	vunpack.i.u.s16.s32 v4;
	v12 =	vunpack.i.l.s16.s32 v12;
	v4 =	vadd.s32 v21, v8;
	v9 =	vld.idx.msk [tilespmem:v3+s2+$0x0 ss:$0x1], $0xffff  }
.Ltmp32:
0x30b: {  	v21 =	vunpack.i.u.s16.s32 v15;
	v15 =	vunpack.i.l.s16.s32 v15;
	v13 =	vadd.s32 v17, v4;
	v8 =	vld.idx.msk [tilespmem:v3+s2+$0x10 ss:$0x1], $0xffff;
	(pc) =	sbr.rel @p1 .LBB2_60-.Ltmp32, $4  }
0x30c: {  	v5 =	vadd.s32 v5, v14;
	v6 =	vadd.s32 v6, v15;
	v7 =	vadd.s32 v7, v21;
	v4 =	vld.idx.msk [tilespmem:v3+s2+$0xFFFFFFC0 ss:$0x1], $0xffff  }
0x30d: {  	v5 =	vadd.s32 v24, v5;
	v6 =	vadd.s32 v12, v6;
	v7 =	vadd.s32 v25, v7;
	v14 =	vld.idx.msk [tilespmem:v3+s2+$0xFFFFFFE0 ss:$0x1], $0xffff  }
0x30e: {  	v5 =	vadd.s32 v18, v5;
	v6 =	vadd.s32 v23, v6;
	v7 =	vadd.s32 v22, v7;
	v12 =	vld.idx.msk [tilespmem:v3+s2+$0xFFFFFFF0 ss:$0x1], $0xffff  }
0x30f: {  	s13 =	sadd.s32 $0x200, s13;
	v5 =	vadd.s32 v16, v5;
	v6 =	vadd.s32 v20, v6;
	v7 =	vadd.s32 v19, v7  }
0x310: {  	_ =	sdelay $0x2  }
0x311: {  	v15 =	vunpack.i.u.s16.s32 v11;
	v51 =	vunpack.i.l.s16.s32 v11;
	v16 =	vunpack.i.u.s16.s32 v9  }
0x312: {  	v3 =	vld.idx.msk [tilespmem:v3+s2+$0xFFFFFFD0 ss:$0x1], $0xffff;
	v17 =	vunpack.i.u.s16.s32 v10;
	v52 =	vunpack.i.l.s16.s32 v10;
	v53 =	vunpack.i.l.s16.s32 v9  }
0x313: {  	v19 =	vunpack.i.u.s16.s32 v8;
	v55 =	vunpack.i.l.s16.s32 v8;
	v18 =	vunpack.i.l.s16.s32 v4  }
0x314: {  	v58 =	vunpack.i.u.s16.s32 v4;
	v13 =	vadd.s32 v13, v18;
	v54 =	vunpack.i.l.s16.s32 v14  }
0x315: {  	v56 =	vunpack.i.u.s16.s32 v14;
	v4 =	vadd.s32 v5, v58;
	v13 =	vadd.s32 v54, v13  }
0x316: {  	v57 =	vunpack.i.u.s16.s32 v12;
	v59 =	vunpack.i.l.s16.s32 v12;
	v4 =	vadd.s32 v56, v4  }
0x317: {  	v9 =	vadd.s32 v53, v13;
	v60 =	vunpack.i.u.s16.s32 v3;
	v3 =	vunpack.i.l.s16.s32 v3  }
0x318: {  	v4 =	vadd.s32 v16, v4;
	v9 =	vadd.s32 v51, v9;
	v3 =	vadd.s32 v6, v3  }
0x319: {  	v4 =	vadd.s32 v15, v4;
	v61 =	vadd.s32 v7, v60;
	v3 =	vadd.s32 v59, v3  }
0x31a: {  	v62 =	vcvt.s32.f32 v9;
	v5 =	vadd.s32 v57, v61;
	v3 =	vadd.s32 v55, v3  }
0x31b: {  	s25 =	sadd.s32 s7, s11;
	s11 =	sadd.s32 $0x1, s11;
	v4 =	vcvt.s32.f32 v4;
	v5 =	vadd.s32 v19, v5;
	v3 =	vadd.s32 v52, v3  }
0x31c: {  	s2 =	sshll.u32 s25, $0x7;
	p1 =	sne.s32 s11, $0x4;
	v6 =	vmul.f32 v62, v1;
	v5 =	vadd.s32 v17, v5;
	v3 =	vcvt.s32.f32 v3  }
.Ltmp33:
0x31d: {  	s2 =	sand.u32 $0x3FFFFF80, s2;
	v4 =	vmul.f32 v4, v1;
	v5 =	vcvt.s32.f32 v5;
	(pc) =	sbr.rel @p1 .LBB2_59-.Ltmp33, $4  }
0x31e: {  	[tilespmem:v2+s2+$0x0 ss:$0x1] =	vst.idx.msk $0xffff, v6;
	v3 =	vmul.f32 v3, v1  }
0x31f: {  	[tilespmem:v2+s2+$0x10 ss:$0x1] =	vst.idx.msk $0xffff, v4;
	v63 =	vmul.f32 v5, v1  }
0x320: {  	[tilespmem:v2+s2+$0x20 ss:$0x1] =	vst.idx.msk $0xffff, v3  }
0x321: {  	s12 =	sadd.s32 $0x280, s12;
	[tilespmem:v2+s2+$0x30 ss:$0x1] =	vst.idx.msk $0xffff, v63  }
.Ltmp34:
0x322: {  	(pc) =	sbr.rel @p0 .LBB2_64-.Ltmp34, $1  }
0x323: {  	_ =	sdelay $0x3  }
0x324: {  	s2 =	smul.u32 $0x500, s10  }
.Ltmp35:
0x325: {  	_ = 	snop;
	(pc) =	sbr.rel .LBB2_46-.Ltmp35, $4  }
0x326: {  	_ = 	snop  }
0x327: {  	s2 =	sshra.s32 s2, $0x2  }
0x328: {  	s10 =	sadd.s32 $0x1, s10;
	s2 =	sadd.s32 $0x1E0, s2  }
0x329: {  	[tilespmem:s26], [sflag:$0x3] =	stream.indirect.gather [hbm4b:s5+s23], $0x20, s2, s23, $0xb8;
	[tilespmem:$0x8950] =	vst v63  }
.LBB2_65:
0x32a: {  	_ =	sfence.sel $0x180000  }
0x32b: {  	[bflag:$0x0] =	sbarrier.arrive $0xFFFF  }
0x32c: {  	_ =	strace $0x90000047  }
0x32d: {  	s0 =	stileid.u32;
	[bflag:$0x2] =	sbarrier.arrive $0xFFFF  }
0x32e: {  	p0 =	sne.s32 s0, $0x0;
	s0 =	rddreg [dreg:$0x2]  }
0x32f: {  	s0 =	sadd.s32 @!p0 $0x100000, s0  }
0x330: {  	[sflag:s0] =	ssyncadd.tile.s32 @!p0 $0x1;
	_ =	shalt  }
.Lfunc_end2:
_tile_overlayer_lowered:
.L_overlay_start_2:
0x331: {  	(tag) =	ssettag $0x2  }
0x332: {  	s0 =	rddreg [dreg:$0x0];
	s2 =	stileid.u32  }
0x333: {  	s1 =	rddreg [dreg:$0x1];
	p0 =	sne.s32 s2, $0x0  }
0x334: {  	s3 =	rddreg [dreg:$0x2];
	[bflag:$0x3] =	sbarrier.arrive $0xFFFF;
	s2 =	simm.s32 @!p0 $0x1C07  }
0x335: {  	[timem:s3], [sflag:s2] =	dma.local @!p0 [hbm:s0], s1  }
0x336: {  	s0 =	simm.s32 @!p0 $0x7  }
0x337: {  	_ =	swait.ge @!p0 [sflag:s0], s1  }
0x338: {  	s1 =	ssub.s32 @!p0 $0x0, s1;
	[sflag:s0] =	ssyncset.done @!p0 $0x0  }
0x339: {  	[sflag:s0] =	ssyncadd.s32 @!p0 s1  }
0x33a: {  	[bflag:$0x3] =	sbarrier.arrive $0xFFFF  }
0x33b: {  	_ =	shalt  }

</sc_bundles>
